<compile_context>
chip_gen: v7x
topology: tpu7x:2x2x1
jax: 0.10.2.dev20260603
libtpu: 0.0.44.dev20260713+nightly
codegen_flags: <defaults>
</compile_context>

<pallas_src>
import functools

import jax
import jax.numpy as jnp
from jax import lax
from jax.experimental import pallas as pl
from jax.experimental.pallas import tpu as pltpu
from jax.experimental.pallas import tpu_sc as plsc

_VOCAB = 1000000
_EMBED = 64
_EPAD = 128
_BATCH = 16384
_HIST = 50
_B = _BATCH * _HIST

_NC = 2
_NS = 16
_NW = _NC * _NS
_BROWS_PER_W = _BATCH // _NW
_CB = 4
_CHUNK = _CB * _HIST
_NCHUNK = _BROWS_PER_W // _CB

_mesh = plsc.VectorSubcoreMesh(core_axis_name="c", subcore_axis_name="s")


@functools.partial(
    pl.kernel,
    mesh=_mesh,
    out_type=jax.ShapeDtypeStruct((_BATCH, _HIST, _EMBED), jnp.float32),
    scratch_types=[
        pltpu.VMEM((3 * _CHUNK,), jnp.int32),
        pltpu.VMEM((3, _CHUNK, _EPAD), jnp.float32),
        pltpu.VMEM((_HIST, _EMBED), jnp.float32),
        pltpu.VMEM((_HIST, _EMBED), jnp.float32),
        pltpu.VMEM((_HIST, _EMBED), jnp.float32),
        pltpu.VMEM((_HIST, _EMBED), jnp.float32),
        pltpu.SemaphoreType.DMA,
        pltpu.SemaphoreType.DMA,
        pltpu.SemaphoreType.DMA,
        pltpu.SemaphoreType.DMA,
        pltpu.SemaphoreType.DMA,
        pltpu.SemaphoreType.DMA,
        pltpu.SemaphoreType.DMA,
    ],
    compiler_params=pltpu.CompilerParams(use_tc_tiling_on_sc=True,
                                         needs_layout_passes=False),
)
def _gather_sc(idx_hbm, table_hbm, out_hbm, idx_v, rows_v,
               t0, t1, t2, t3,
               i0, i1, i2, g0, g1, g2, ssem):
    isem = (i0, i1, i2)
    gsem = (g0, g1, g2)
    t50 = (t0, t1, t2, t3)
    wid = lax.axis_index("s") * _NC + lax.axis_index("c")
    base = wid * _BROWS_PER_W * _HIST
    b_base = wid * _BROWS_PER_W

    def islice(rb):
        return idx_v.at[pl.ds(rb * _CHUNK, _CHUNK)]

    def issue_idx(g, rb):
        pltpu.async_copy(idx_hbm.at[pl.ds(base + g * _CHUNK, _CHUNK)],
                         islice(rb), isem[rb])

    def wait_idx(g, rb):
        pltpu.make_async_copy(idx_hbm.at[pl.ds(base + g * _CHUNK, _CHUNK)],
                              islice(rb), isem[rb]).wait()

    def issue_gather(g, rb):
        pltpu.async_copy(table_hbm.at[islice(rb)], rows_v.at[rb], gsem[rb])

    def wait_gather(g, rb):
        pltpu.make_async_copy(table_hbm.at[islice(rb)], rows_v.at[rb],
                              gsem[rb]).wait()

    def issue_store(g):
        for bb in range(_CB):
            pltpu.async_copy(t50[bb], out_hbm.at[b_base + g * _CB + bb],
                             ssem)

    def wait_store(g):
        for bb in range(_CB):
            pltpu.make_async_copy(t50[bb],
                                  out_hbm.at[b_base + g * _CB + bb],
                                  ssem).wait()

    def repack(rb):
        def body_j(j, carry):
            for bb in range(_CB):
                for k in range(_EMBED // 16):
                    t50[bb][j, pl.ds(k * 16, 16)] = (
                        rows_v[rb, bb * _HIST + j, pl.ds(k * 16, 16)])
            return carry
        lax.fori_loop(0, _HIST, body_j, 0)

    issue_idx(0, 0)
    issue_idx(1, 1)
    issue_idx(2, 2)
    wait_idx(0, 0)
    issue_gather(0, 0)
    wait_idx(1, 1)
    issue_gather(1, 1)

    wait_gather(0, 0)
    issue_idx(3, 0)
    wait_idx(2, 2)
    issue_gather(2, 2)
    repack(0)
    issue_store(0)

    def body(g, rb, nxt):
        wait_gather(g, rb)
        issue_idx(g + 3, rb)
        wait_idx(g + 2, nxt)
        issue_gather(g + 2, nxt)
        wait_store(g - 1)
        repack(rb)
        issue_store(g)

    for g in (1, 2):
        body(g, g % 3, (g + 2) % 3)

    def three(g3, carry):
        for k in range(3):
            g = 3 + g3 * 3 + k
            body(g, k, (k + 2) % 3)
        return carry

    lax.fori_loop(0, (_NCHUNK - 8) // 3, three, 0)

    for g in range(_NCHUNK - 5, _NCHUNK):
        rb = g % 3
        wait_gather(g, rb)
        if g + 3 < _NCHUNK:
            issue_idx(g + 3, rb)
        if g + 2 < _NCHUNK:
            wait_idx(g + 2, (g + 2) % 3)
            issue_gather(g + 2, (g + 2) % 3)
        wait_store(g - 1)
        repack(rb)
        issue_store(g)
    wait_store(_NCHUNK - 1)


def kernel(x, table):
    flat = x.reshape(-1).astype(jnp.int32)
    tpad = jnp.pad(table, ((0, 0), (0, _EPAD - _EMBED)))
    return _gather_sc(flat, tpad)

# --- scband reference (transcript-rebuilt; emitter-appended) ---
"""Pipeline reference for scband-semantic-embedding-50405736186357 (READ-ONLY COPY).

The authoritative reference and input builder live on the scoring server;
editing this copy changes nothing except your own understanding.
"""

import jax, jax.numpy as jnp
import numpy as np

VOCAB = 1000000
EMBED = 64
BATCH = 16384
HIST = 50

def setup_inputs(seed: int = 0) -> dict:
    key = jax.random.key(seed)
    k_idx, k_tab = jax.random.split(key)
    x = jax.random.randint(k_idx, (BATCH, HIST), 0, VOCAB, dtype=jnp.int64 if jax.config.jax_enable_x64 else jnp.int32)
    table = jax.random.normal(k_tab, (VOCAB, EMBED), dtype=jnp.float32) * 0.02
    return {"x": x, "table": table}

def reference(x, table):
    # nn.Embedding forward: row gather from the embedding table
    return jnp.take(table, x, axis=0)

if __name__ == "__main__":
    import jax
    _d = setup_inputs()
    print(jax.jit(kernel)(*tuple(_d.values())))

</pallas_src>

<mosaic_0001>
#map = affine_map<(d0, d1) -> (0)>
#map1 = affine_map<(d0, d1) -> (0, 0)>
#map2 = affine_map<(d0, d1) -> (0, 0, 0)>
module attributes {stable_mosaic.version = 14 : i64} {
  func.func @_gather_sc(%arg0: i32, %arg1: i32, %arg2: memref<819200xi32, #tpu.memory_space<hbm>>, %arg3: memref<1000000x128xf32, #tpu.memory_space<hbm>>, %arg4: memref<16384x50x64xf32, #tpu.memory_space<hbm>>, %arg5: memref<600xi32, #tpu.memory_space<vmem>>, %arg6: memref<3x200x128xf32, #tpu.memory_space<vmem>>, %arg7: memref<50x64xf32, #tpu.memory_space<vmem>>, %arg8: memref<50x64xf32, #tpu.memory_space<vmem>>, %arg9: memref<50x64xf32, #tpu.memory_space<vmem>>, %arg10: memref<50x64xf32, #tpu.memory_space<vmem>>, %arg11: memref<!tpu.dma_semaphore, #tpu.memory_space<semaphore_mem>>, %arg12: memref<!tpu.dma_semaphore, #tpu.memory_space<semaphore_mem>>, %arg13: memref<!tpu.dma_semaphore, #tpu.memory_space<semaphore_mem>>, %arg14: memref<!tpu.dma_semaphore, #tpu.memory_space<semaphore_mem>>, %arg15: memref<!tpu.dma_semaphore, #tpu.memory_space<semaphore_mem>>, %arg16: memref<!tpu.dma_semaphore, #tpu.memory_space<semaphore_mem>>, %arg17: memref<!tpu.dma_semaphore, #tpu.memory_space<semaphore_mem>>) attributes {dimension_semantics = [#tpu.dimension_semantics<core_parallel>, #tpu.dimension_semantics<subcore_parallel>], iteration_bounds = array<i64: 2, 16>, scalar_prefetch = 0 : i64, scratch_operands = 13 : i64, tpu.core_type = #tpu.core_type<sc_vector_subcore>, window_params = [{transform_indices = #map}, {transform_indices = #map1}, {transform_indices = #map2}]} {
    %mul3A = arith.constant 2 : i32
    %mul3A_0 = arith.muli %arg1, %mul3A : i32
    %add3A = arith.addi %mul3A_0, %arg0 : i32
    %mul3A_1 = arith.constant 512 : i32
    %mul3A_2 = arith.muli %add3A, %mul3A_1 : i32
    %mul3A_3 = arith.constant 50 : i32
    %mul3A_4 = arith.muli %mul3A_2, %mul3A_3 : i32
    %mul3A_5 = arith.constant 512 : i32
    %mul3A_6 = arith.muli %add3A, %mul3A_5 : i32
    %add3A_7 = arith.constant 0 : i32
    %add3A_8 = arith.addi %mul3A_4, %add3A_7 : i32
    %dma_start3A = arith.constant 0 : i32
    %dma_start3A_9 = tpu.memref_slice %arg5[%dma_start3A] : memref<600xi32, #tpu.memory_space<vmem>> -> memref<200xi32, #tpu.memory_space<vmem>>
    %dma_start3A_10 = tpu.memref_slice %arg2[%add3A_8] : memref<819200xi32, #tpu.memory_space<hbm>> -> memref<200xi32, #tpu.memory_space<hbm>>
    %dma_start3A_11 = arith.constant 0 : i32
    %dma_start3A_12 = tpu.memref_slice %arg5[%dma_start3A_11] : memref<600xi32, #tpu.memory_space<vmem>> -> memref<200xi32, #tpu.memory_space<vmem>>
    %dma_start3A_13 = tpu.memref_slice %arg2[%add3A_8] : memref<819200xi32, #tpu.memory_space<hbm>> -> memref<200xi32, #tpu.memory_space<hbm>>
    tpu.enqueue_dma source(%dma_start3A_13 : memref<200xi32, #tpu.memory_space<hbm>>) target(%dma_start3A_12 : memref<200xi32, #tpu.memory_space<vmem>>) target_semaphore(%arg11 : memref<!tpu.dma_semaphore, #tpu.memory_space<semaphore_mem>>)
    %add3A_14 = arith.constant 200 : i32
    %add3A_15 = arith.addi %mul3A_4, %add3A_14 : i32
    %dma_start3A_16 = arith.constant 200 : i32
    %dma_start3A_17 = tpu.memref_slice %arg5[%dma_start3A_16] : memref<600xi32, #tpu.memory_space<vmem>> -> memref<200xi32, #tpu.memory_space<vmem>>
    %dma_start3A_18 = tpu.memref_slice %arg2[%add3A_15] : memref<819200xi32, #tpu.memory_space<hbm>> -> memref<200xi32, #tpu.memory_space<hbm>>
    %dma_start3A_19 = arith.constant 200 : i32
    %dma_start3A_20 = tpu.memref_slice %arg5[%dma_start3A_19] : memref<600xi32, #tpu.memory_space<vmem>> -> memref<200xi32, #tpu.memory_space<vmem>>
    %dma_start3A_21 = tpu.memref_slice %arg2[%add3A_15] : memref<819200xi32, #tpu.memory_space<hbm>> -> memref<200xi32, #tpu.memory_space<hbm>>
    tpu.enqueue_dma source(%dma_start3A_21 : memref<200xi32, #tpu.memory_space<hbm>>) target(%dma_start3A_20 : memref<200xi32, #tpu.memory_space<vmem>>) target_semaphore(%arg12 : memref<!tpu.dma_semaphore, #tpu.memory_space<semaphore_mem>>)
    %add3A_22 = arith.constant 400 : i32
    %add3A_23 = arith.addi %mul3A_4, %add3A_22 : i32
    %dma_start3A_24 = arith.constant 400 : i32
    %dma_start3A_25 = tpu.memref_slice %arg5[%dma_start3A_24] : memref<600xi32, #tpu.memory_space<vmem>> -> memref<200xi32, #tpu.memory_space<vmem>>
    %dma_start3A_26 = tpu.memref_slice %arg2[%add3A_23] : memref<819200xi32, #tpu.memory_space<hbm>> -> memref<200xi32, #tpu.memory_space<hbm>>
    %dma_start3A_27 = arith.constant 400 : i32
    %dma_start3A_28 = tpu.memref_slice %arg5[%dma_start3A_27] : memref<600xi32, #tpu.memory_space<vmem>> -> memref<200xi32, #tpu.memory_space<vmem>>
    %dma_start3A_29 = tpu.memref_slice %arg2[%add3A_23] : memref<819200xi32, #tpu.memory_space<hbm>> -> memref<200xi32, #tpu.memory_space<hbm>>
    tpu.enqueue_dma source(%dma_start3A_29 : memref<200xi32, #tpu.memory_space<hbm>>) target(%dma_start3A_28 : memref<200xi32, #tpu.memory_space<vmem>>) target_semaphore(%arg13 : memref<!tpu.dma_semaphore, #tpu.memory_space<semaphore_mem>>)
    %add3A_30 = arith.constant 0 : i32
    %add3A_31 = arith.addi %mul3A_4, %add3A_30 : i32
    %dma_wait3A = arith.constant 0 : i32
    %dma_wait3A_32 = tpu.memref_slice %arg5[%dma_wait3A] : memref<600xi32, #tpu.memory_space<vmem>> -> memref<200xi32, #tpu.memory_space<vmem>>
    %dma_wait3A_33 = tpu.memref_slice %arg2[%add3A_31] : memref<819200xi32, #tpu.memory_space<hbm>> -> memref<200xi32, #tpu.memory_space<hbm>>
    %dma_wait3A_34 = arith.constant 0 : i32
    %dma_wait3A_35 = tpu.memref_slice %arg5[%dma_wait3A_34] : memref<600xi32, #tpu.memory_space<vmem>> -> memref<200xi32, #tpu.memory_space<vmem>>
    %dma_wait3A_36 = tpu.memref_slice %arg2[%add3A_31] : memref<819200xi32, #tpu.memory_space<hbm>> -> memref<200xi32, #tpu.memory_space<hbm>>
    tpu.wait_dma2 semaphore(%arg11 : memref<!tpu.dma_semaphore, #tpu.memory_space<semaphore_mem>>) src(%dma_wait3A_36 : memref<200xi32, #tpu.memory_space<hbm>>) dst(%dma_wait3A_35 : memref<200xi32, #tpu.memory_space<vmem>>)
    %dma_start3A_37 = arith.constant 0 : i32
    %dma_start3A_38 = arith.constant 0 : i32
    %dma_start3A_39 = arith.constant 0 : i32
    %dma_start3A_40 = tpu.memref_slice %arg6[%dma_start3A_37, %dma_start3A_38, %dma_start3A_39] : memref<3x200x128xf32, #tpu.memory_space<vmem>> -> memref<1x200x128xf32, #tpu.memory_space<vmem>>
    %dma_start3A_41 = tpu.memref_squeeze %dma_start3A_40 : memref<1x200x128xf32, #tpu.memory_space<vmem>> -> memref<200x128xf32, #tpu.memory_space<vmem>>
    %dma_start3A_42 = arith.constant 0 : i32
    %dma_start3A_43 = tpu.memref_slice %arg5[%dma_start3A_42] : memref<600xi32, #tpu.memory_space<vmem>> -> memref<200xi32, #tpu.memory_space<vmem>>
    %dma_start3A_44 = arith.constant 0 : i32
    %dma_start3A_45 = arith.constant 0 : i32
    %dma_start3A_46 = tpu.memref_slice %arg3[%dma_start3A_44, %dma_start3A_45] : memref<1000000x128xf32, #tpu.memory_space<hbm>> -> memref<1000000x128xf32, #tpu.memory_space<hbm>>
    tpu.enqueue_indirect_dma source(%dma_start3A_46 : memref<1000000x128xf32, #tpu.memory_space<hbm>>) target(%dma_start3A_41 : memref<200x128xf32, #tpu.memory_space<vmem>>) offsets(%dma_start3A_43 : memref<200xi32, #tpu.memory_space<vmem>>) semaphore(%arg14 : memref<!tpu.dma_semaphore, #tpu.memory_space<semaphore_mem>>)
    %add3A_47 = arith.constant 200 : i32
    %add3A_48 = arith.addi %mul3A_4, %add3A_47 : i32
    %dma_wait3A_49 = arith.constant 200 : i32
    %dma_wait3A_50 = tpu.memref_slice %arg5[%dma_wait3A_49] : memref<600xi32, #tpu.memory_space<vmem>> -> memref<200xi32, #tpu.memory_space<vmem>>
    %dma_wait3A_51 = tpu.memref_slice %arg2[%add3A_48] : memref<819200xi32, #tpu.memory_space<hbm>> -> memref<200xi32, #tpu.memory_space<hbm>>
    %dma_wait3A_52 = arith.constant 200 : i32
    %dma_wait3A_53 = tpu.memref_slice %arg5[%dma_wait3A_52] : memref<600xi32, #tpu.memory_space<vmem>> -> memref<200xi32, #tpu.memory_space<vmem>>
    %dma_wait3A_54 = tpu.memref_slice %arg2[%add3A_48] : memref<819200xi32, #tpu.memory_space<hbm>> -> memref<200xi32, #tpu.memory_space<hbm>>
    tpu.wait_dma2 semaphore(%arg12 : memref<!tpu.dma_semaphore, #tpu.memory_space<semaphore_mem>>) src(%dma_wait3A_54 : memref<200xi32, #tpu.memory_space<hbm>>) dst(%dma_wait3A_53 : memref<200xi32, #tpu.memory_space<vmem>>)
    %dma_start3A_55 = arith.constant 1 : i32
    %dma_start3A_56 = arith.constant 0 : i32
    %dma_start3A_57 = arith.constant 0 : i32
    %dma_start3A_58 = tpu.memref_slice %arg6[%dma_start3A_55, %dma_start3A_56, %dma_start3A_57] : memref<3x200x128xf32, #tpu.memory_space<vmem>> -> memref<1x200x128xf32, #tpu.memory_space<vmem>>
    %dma_start3A_59 = tpu.memref_squeeze %dma_start3A_58 : memref<1x200x128xf32, #tpu.memory_space<vmem>> -> memref<200x128xf32, #tpu.memory_space<vmem>>
    %dma_start3A_60 = arith.constant 200 : i32
    %dma_start3A_61 = tpu.memref_slice %arg5[%dma_start3A_60] : memref<600xi32, #tpu.memory_space<vmem>> -> memref<200xi32, #tpu.memory_space<vmem>>
    %dma_start3A_62 = arith.constant 0 : i32
    %dma_start3A_63 = arith.constant 0 : i32
    %dma_start3A_64 = tpu.memref_slice %arg3[%dma_start3A_62, %dma_start3A_63] : memref<1000000x128xf32, #tpu.memory_space<hbm>> -> memref<1000000x128xf32, #tpu.memory_space<hbm>>
    tpu.enqueue_indirect_dma source(%dma_start3A_64 : memref<1000000x128xf32, #tpu.memory_space<hbm>>) target(%dma_start3A_59 : memref<200x128xf32, #tpu.memory_space<vmem>>) offsets(%dma_start3A_61 : memref<200xi32, #tpu.memory_space<vmem>>) semaphore(%arg15 : memref<!tpu.dma_semaphore, #tpu.memory_space<semaphore_mem>>)
    %dma_wait3A_65 = arith.constant 0 : i32
    %dma_wait3A_66 = arith.constant 0 : i32
    %dma_wait3A_67 = arith.constant 0 : i32
    %dma_wait3A_68 = tpu.memref_slice %arg6[%dma_wait3A_65, %dma_wait3A_66, %dma_wait3A_67] : memref<3x200x128xf32, #tpu.memory_space<vmem>> -> memref<1x200x128xf32, #tpu.memory_space<vmem>>
    %dma_wait3A_69 = tpu.memref_squeeze %dma_wait3A_68 : memref<1x200x128xf32, #tpu.memory_space<vmem>> -> memref<200x128xf32, #tpu.memory_space<vmem>>
    %dma_wait3A_70 = arith.constant 0 : i32
    %dma_wait3A_71 = tpu.memref_slice %arg5[%dma_wait3A_70] : memref<600xi32, #tpu.memory_space<vmem>> -> memref<200xi32, #tpu.memory_space<vmem>>
    %dma_wait3A_72 = arith.constant 0 : i32
    %dma_wait3A_73 = arith.constant 0 : i32
    %dma_wait3A_74 = tpu.memref_slice %arg3[%dma_wait3A_72, %dma_wait3A_73] : memref<1000000x128xf32, #tpu.memory_space<hbm>> -> memref<1000000x128xf32, #tpu.memory_space<hbm>>
    tpu.wait_indirect_dma semaphore(%arg14 : memref<!tpu.dma_semaphore, #tpu.memory_space<semaphore_mem>>) src(%dma_wait3A_74 : memref<1000000x128xf32, #tpu.memory_space<hbm>>) dst(%dma_wait3A_69 : memref<200x128xf32, #tpu.memory_space<vmem>>)
    %add3A_75 = arith.constant 600 : i32
    %add3A_76 = arith.addi %mul3A_4, %add3A_75 : i32
    %dma_start3A_77 = arith.constant 0 : i32
    %dma_start3A_78 = tpu.memref_slice %arg5[%dma_start3A_77] : memref<600xi32, #tpu.memory_space<vmem>> -> memref<200xi32, #tpu.memory_space<vmem>>
    %dma_start3A_79 = tpu.memref_slice %arg2[%add3A_76] : memref<819200xi32, #tpu.memory_space<hbm>> -> memref<200xi32, #tpu.memory_space<hbm>>
    %dma_start3A_80 = arith.constant 0 : i32
    %dma_start3A_81 = tpu.memref_slice %arg5[%dma_start3A_80] : memref<600xi32, #tpu.memory_space<vmem>> -> memref<200xi32, #tpu.memory_space<vmem>>
    %dma_start3A_82 = tpu.memref_slice %arg2[%add3A_76] : memref<819200xi32, #tpu.memory_space<hbm>> -> memref<200xi32, #tpu.memory_space<hbm>>
    tpu.enqueue_dma source(%dma_start3A_82 : memref<200xi32, #tpu.memory_space<hbm>>) target(%dma_start3A_81 : memref<200xi32, #tpu.memory_space<vmem>>) target_semaphore(%arg11 : memref<!tpu.dma_semaphore, #tpu.memory_space<semaphore_mem>>)
    %add3A_83 = arith.constant 400 : i32
    %add3A_84 = arith.addi %mul3A_4, %add3A_83 : i32
    %dma_wait3A_85 = arith.constant 400 : i32
    %dma_wait3A_86 = tpu.memref_slice %arg5[%dma_wait3A_85] : memref<600xi32, #tpu.memory_space<vmem>> -> memref<200xi32, #tpu.memory_space<vmem>>
    %dma_wait3A_87 = tpu.memref_slice %arg2[%add3A_84] : memref<819200xi32, #tpu.memory_space<hbm>> -> memref<200xi32, #tpu.memory_space<hbm>>
    %dma_wait3A_88 = arith.constant 400 : i32
    %dma_wait3A_89 = tpu.memref_slice %arg5[%dma_wait3A_88] : memref<600xi32, #tpu.memory_space<vmem>> -> memref<200xi32, #tpu.memory_space<vmem>>
    %dma_wait3A_90 = tpu.memref_slice %arg2[%add3A_84] : memref<819200xi32, #tpu.memory_space<hbm>> -> memref<200xi32, #tpu.memory_space<hbm>>
    tpu.wait_dma2 semaphore(%arg13 : memref<!tpu.dma_semaphore, #tpu.memory_space<semaphore_mem>>) src(%dma_wait3A_90 : memref<200xi32, #tpu.memory_space<hbm>>) dst(%dma_wait3A_89 : memref<200xi32, #tpu.memory_space<vmem>>)
    %dma_start3A_91 = arith.constant 2 : i32
    %dma_start3A_92 = arith.constant 0 : i32
    %dma_start3A_93 = arith.constant 0 : i32
    %dma_start3A_94 = tpu.memref_slice %arg6[%dma_start3A_91, %dma_start3A_92, %dma_start3A_93] : memref<3x200x128xf32, #tpu.memory_space<vmem>> -> memref<1x200x128xf32, #tpu.memory_space<vmem>>
    %dma_start3A_95 = tpu.memref_squeeze %dma_start3A_94 : memref<1x200x128xf32, #tpu.memory_space<vmem>> -> memref<200x128xf32, #tpu.memory_space<vmem>>
    %dma_start3A_96 = arith.constant 400 : i32
    %dma_start3A_97 = tpu.memref_slice %arg5[%dma_start3A_96] : memref<600xi32, #tpu.memory_space<vmem>> -> memref<200xi32, #tpu.memory_space<vmem>>
    %dma_start3A_98 = arith.constant 0 : i32
    %dma_start3A_99 = arith.constant 0 : i32
    %dma_start3A_100 = tpu.memref_slice %arg3[%dma_start3A_98, %dma_start3A_99] : memref<1000000x128xf32, #tpu.memory_space<hbm>> -> memref<1000000x128xf32, #tpu.memory_space<hbm>>
    tpu.enqueue_indirect_dma source(%dma_start3A_100 : memref<1000000x128xf32, #tpu.memory_space<hbm>>) target(%dma_start3A_95 : memref<200x128xf32, #tpu.memory_space<vmem>>) offsets(%dma_start3A_97 : memref<200xi32, #tpu.memory_space<vmem>>) semaphore(%arg16 : memref<!tpu.dma_semaphore, #tpu.memory_space<semaphore_mem>>)
    %scan3A = arith.constant 0 : i32
    %scan3A_101 = arith.constant 0 : i32
    %scan3A_102 = arith.constant 50 : i32
    %scan3A_103 = arith.addi %scan3A_101, %scan3A_102 : i32
    %scan3A_104 = arith.constant 1 : i32
    scf.for %scan3A_1114 = %scan3A_101 to %scan3A_103 step %scan3A_104  : i32 {
      %add3A_1115 = arith.constant 0 : i32
      %add3A_1116 = arith.addi %add3A_1115, %scan3A_1114 : i32
      %get3A = arith.constant 0 : i32
      %get3A_1117 = arith.index_cast %get3A : i32 to index
      %get3A_1118 = arith.index_cast %add3A_1116 : i32 to index
      %get3A_1119 = arith.constant 0 : index
      %get3A_1120 = tpu.vector_load %arg6[%get3A_1117, %get3A_1118, %get3A_1119] {strides = array<i32>} : memref<3x200x128xf32, #tpu.memory_space<vmem>>, vector<16xf32>,
      %swap3A = arith.index_cast %scan3A_1114 : i32 to index
      %swap3A_1121 = arith.constant 0 : index
      %swap3A_1122 = tpu.vector_load %arg7[%swap3A, %swap3A_1121] {strides = array<i32>} : memref<50x64xf32, #tpu.memory_space<vmem>>, vector<16xf32>,
      tpu.vector_store %arg7[%swap3A, %swap3A_1121], %get3A_1120 {strides = array<i32>} : memref<50x64xf32, #tpu.memory_space<vmem>>, vector<16xf32>,
      %add3A_1123 = arith.constant 0 : i32
      %add3A_1124 = arith.addi %add3A_1123, %scan3A_1114 : i32
      %get3A_1125 = arith.constant 0 : i32
      %get3A_1126 = arith.index_cast %get3A_1125 : i32 to index
      %get3A_1127 = arith.index_cast %add3A_1124 : i32 to index
      %get3A_1128 = arith.constant 16 : index
      %get3A_1129 = tpu.vector_load %arg6[%get3A_1126, %get3A_1127, %get3A_1128] {strides = array<i32>} : memref<3x200x128xf32, #tpu.memory_space<vmem>>, vector<16xf32>,
      %swap3A_1130 = arith.index_cast %scan3A_1114 : i32 to index
      %swap3A_1131 = arith.constant 16 : index
      %swap3A_1132 = tpu.vector_load %arg7[%swap3A_1130, %swap3A_1131] {strides = array<i32>} : memref<50x64xf32, #tpu.memory_space<vmem>>, vector<16xf32>,
      tpu.vector_store %arg7[%swap3A_1130, %swap3A_1131], %get3A_1129 {strides = array<i32>} : memref<50x64xf32, #tpu.memory_space<vmem>>, vector<16xf32>,
      %add3A_1133 = arith.constant 0 : i32
      %add3A_1134 = arith.addi %add3A_1133, %scan3A_1114 : i32
      %get3A_1135 = arith.constant 0 : i32
      %get3A_1136 = arith.index_cast %get3A_1135 : i32 to index
      %get3A_1137 = arith.index_cast %add3A_1134 : i32 to index
      %get3A_1138 = arith.constant 32 : index
      %get3A_1139 = tpu.vector_load %arg6[%get3A_1136, %get3A_1137, %get3A_1138] {strides = array<i32>} : memref<3x200x128xf32, #tpu.memory_space<vmem>>, vector<16xf32>,
      %swap3A_1140 = arith.index_cast %scan3A_1114 : i32 to index
      %swap3A_1141 = arith.constant 32 : index
      %swap3A_1142 = tpu.vector_load %arg7[%swap3A_1140, %swap3A_1141] {strides = array<i32>} : memref<50x64xf32, #tpu.memory_space<vmem>>, vector<16xf32>,
      tpu.vector_store %arg7[%swap3A_1140, %swap3A_1141], %get3A_1139 {strides = array<i32>} : memref<50x64xf32, #tpu.memory_space<vmem>>, vector<16xf32>,
      %add3A_1143 = arith.constant 0 : i32
      %add3A_1144 = arith.addi %add3A_1143, %scan3A_1114 : i32
      %get3A_1145 = arith.constant 0 : i32
      %get3A_1146 = arith.index_cast %get3A_1145 : i32 to index
      %get3A_1147 = arith.index_cast %add3A_1144 : i32 to index
      %get3A_1148 = arith.constant 48 : index
      %get3A_1149 = tpu.vector_load %arg6[%get3A_1146, %get3A_1147, %get3A_1148] {strides = array<i32>} : memref<3x200x128xf32, #tpu.memory_space<vmem>>, vector<16xf32>,
      %swap3A_1150 = arith.index_cast %scan3A_1114 : i32 to index
      %swap3A_1151 = arith.constant 48 : index
      %swap3A_1152 = tpu.vector_load %arg7[%swap3A_1150, %swap3A_1151] {strides = array<i32>} : memref<50x64xf32, #tpu.memory_space<vmem>>, vector<16xf32>,
      tpu.vector_store %arg7[%swap3A_1150, %swap3A_1151], %get3A_1149 {strides = array<i32>} : memref<50x64xf32, #tpu.memory_space<vmem>>, vector<16xf32>,
      %add3A_1153 = arith.constant 50 : i32
      %add3A_1154 = arith.addi %add3A_1153, %scan3A_1114 : i32
      %get3A_1155 = arith.constant 0 : i32
      %get3A_1156 = arith.index_cast %get3A_1155 : i32 to index
      %get3A_1157 = arith.index_cast %add3A_1154 : i32 to index
      %get3A_1158 = arith.constant 0 : index
      %get3A_1159 = tpu.vector_load %arg6[%get3A_1156, %get3A_1157, %get3A_1158] {strides = array<i32>} : memref<3x200x128xf32, #tpu.memory_space<vmem>>, vector<16xf32>,
      %swap3A_1160 = arith.index_cast %scan3A_1114 : i32 to index
      %swap3A_1161 = arith.constant 0 : index
      %swap3A_1162 = tpu.vector_load %arg8[%swap3A_1160, %swap3A_1161] {strides = array<i32>} : memref<50x64xf32, #tpu.memory_space<vmem>>, vector<16xf32>,
      tpu.vector_store %arg8[%swap3A_1160, %swap3A_1161], %get3A_1159 {strides = array<i32>} : memref<50x64xf32, #tpu.memory_space<vmem>>, vector<16xf32>,
      %add3A_1163 = arith.constant 50 : i32
      %add3A_1164 = arith.addi %add3A_1163, %scan3A_1114 : i32
      %get3A_1165 = arith.constant 0 : i32
      %get3A_1166 = arith.index_cast %get3A_1165 : i32 to index
      %get3A_1167 = arith.index_cast %add3A_1164 : i32 to index
      %get3A_1168 = arith.constant 16 : index
      %get3A_1169 = tpu.vector_load %arg6[%get3A_1166, %get3A_1167, %get3A_1168] {strides = array<i32>} : memref<3x200x128xf32, #tpu.memory_space<vmem>>, vector<16xf32>,
      %swap3A_1170 = arith.index_cast %scan3A_1114 : i32 to index
      %swap3A_1171 = arith.constant 16 : index
      %swap3A_1172 = tpu.vector_load %arg8[%swap3A_1170, %swap3A_1171] {strides = array<i32>} : memref<50x64xf32, #tpu.memory_space<vmem>>, vector<16xf32>,
      tpu.vector_store %arg8[%swap3A_1170, %swap3A_1171], %get3A_1169 {strides = array<i32>} : memref<50x64xf32, #tpu.memory_space<vmem>>, vector<16xf32>,
      %add3A_1173 = arith.constant 50 : i32
      %add3A_1174 = arith.addi %add3A_1173, %scan3A_1114 : i32
      %get3A_1175 = arith.constant 0 : i32
      %get3A_1176 = arith.index_cast %get3A_1175 : i32 to index
      %get3A_1177 = arith.index_cast %add3A_1174 : i32 to index
      %get3A_1178 = arith.constant 32 : index
      %get3A_1179 = tpu.vector_load %arg6[%get3A_1176, %get3A_1177, %get3A_1178] {strides = array<i32>} : memref<3x200x128xf32, #tpu.memory_space<vmem>>, vector<16xf32>,
      %swap3A_1180 = arith.index_cast %scan3A_1114 : i32 to index
      %swap3A_1181 = arith.constant 32 : index
      %swap3A_1182 = tpu.vector_load %arg8[%swap3A_1180, %swap3A_1181] {strides = array<i32>} : memref<50x64xf32, #tpu.memory_space<vmem>>, vector<16xf32>,
      tpu.vector_store %arg8[%swap3A_1180, %swap3A_1181], %get3A_1179 {strides = array<i32>} : memref<50x64xf32, #tpu.memory_space<vmem>>, vector<16xf32>,
      %add3A_1183 = arith.constant 50 : i32
      %add3A_1184 = arith.addi %add3A_1183, %scan3A_1114 : i32
      %get3A_1185 = arith.constant 0 : i32
      %get3A_1186 = arith.index_cast %get3A_1185 : i32 to index
      %get3A_1187 = arith.index_cast %add3A_1184 : i32 to index
      %get3A_1188 = arith.constant 48 : index
      %get3A_1189 = tpu.vector_load %arg6[%get3A_1186, %get3A_1187, %get3A_1188] {strides = array<i32>} : memref<3x200x128xf32, #tpu.memory_space<vmem>>, vector<16xf32>,
      %swap3A_1190 = arith.index_cast %scan3A_1114 : i32 to index
      %swap3A_1191 = arith.constant 48 : index
      %swap3A_1192 = tpu.vector_load %arg8[%swap3A_1190, %swap3A_1191] {strides = array<i32>} : memref<50x64xf32, #tpu.memory_space<vmem>>, vector<16xf32>,
      tpu.vector_store %arg8[%swap3A_1190, %swap3A_1191], %get3A_1189 {strides = array<i32>} : memref<50x64xf32, #tpu.memory_space<vmem>>, vector<16xf32>,
      %add3A_1193 = arith.constant 100 : i32
      %add3A_1194 = arith.addi %add3A_1193, %scan3A_1114 : i32
      %get3A_1195 = arith.constant 0 : i32
      %get3A_1196 = arith.index_cast %get3A_1195 : i32 to index
      %get3A_1197 = arith.index_cast %add3A_1194 : i32 to index
      %get3A_1198 = arith.constant 0 : index
      %get3A_1199 = tpu.vector_load %arg6[%get3A_1196, %get3A_1197, %get3A_1198] {strides = array<i32>} : memref<3x200x128xf32, #tpu.memory_space<vmem>>, vector<16xf32>,
      %swap3A_1200 = arith.index_cast %scan3A_1114 : i32 to index
      %swap3A_1201 = arith.constant 0 : index
      %swap3A_1202 = tpu.vector_load %arg9[%swap3A_1200, %swap3A_1201] {strides = array<i32>} : memref<50x64xf32, #tpu.memory_space<vmem>>, vector<16xf32>,
      tpu.vector_store %arg9[%swap3A_1200, %swap3A_1201], %get3A_1199 {strides = array<i32>} : memref<50x64xf32, #tpu.memory_space<vmem>>, vector<16xf32>,
      %add3A_1203 = arith.constant 100 : i32
      %add3A_1204 = arith.addi %add3A_1203, %scan3A_1114 : i32
      %get3A_1205 = arith.constant 0 : i32
      %get3A_1206 = arith.index_cast %get3A_1205 : i32 to index
      %get3A_1207 = arith.index_cast %add3A_1204 : i32 to index
      %get3A_1208 = arith.constant 16 : index
      %get3A_1209 = tpu.vector_load %arg6[%get3A_1206, %get3A_1207, %get3A_1208] {strides = array<i32>} : memref<3x200x128xf32, #tpu.memory_space<vmem>>, vector<16xf32>,
      %swap3A_1210 = arith.index_cast %scan3A_1114 : i32 to index
      %swap3A_1211 = arith.constant 16 : index
      %swap3A_1212 = tpu.vector_load %arg9[%swap3A_1210, %swap3A_1211] {strides = array<i32>} : memref<50x64xf32, #tpu.memory_space<vmem>>, vector<16xf32>,
      tpu.vector_store %arg9[%swap3A_1210, %swap3A_1211], %get3A_1209 {strides = array<i32>} : memref<50x64xf32, #tpu.memory_space<vmem>>, vector<16xf32>,
      %add3A_1213 = arith.constant 100 : i32
      %add3A_1214 = arith.addi %add3A_1213, %scan3A_1114 : i32
      %get3A_1215 = arith.constant 0 : i32
      %get3A_1216 = arith.index_cast %get3A_1215 : i32 to index
      %get3A_1217 = arith.index_cast %add3A_1214 : i32 to index
      %get3A_1218 = arith.constant 32 : index
      %get3A_1219 = tpu.vector_load %arg6[%get3A_1216, %get3A_1217, %get3A_1218] {strides = array<i32>} : memref<3x200x128xf32, #tpu.memory_space<vmem>>, vector<16xf32>,
      %swap3A_1220 = arith.index_cast %scan3A_1114 : i32 to index
      %swap3A_1221 = arith.constant 32 : index
      %swap3A_1222 = tpu.vector_load %arg9[%swap3A_1220, %swap3A_1221] {strides = array<i32>} : memref<50x64xf32, #tpu.memory_space<vmem>>, vector<16xf32>,
      tpu.vector_store %arg9[%swap3A_1220, %swap3A_1221], %get3A_1219 {strides = array<i32>} : memref<50x64xf32, #tpu.memory_space<vmem>>, vector<16xf32>,
      %add3A_1223 = arith.constant 100 : i32
      %add3A_1224 = arith.addi %add3A_1223, %scan3A_1114 : i32
      %get3A_1225 = arith.constant 0 : i32
      %get3A_1226 = arith.index_cast %get3A_1225 : i32 to index
      %get3A_1227 = arith.index_cast %add3A_1224 : i32 to index
      %get3A_1228 = arith.constant 48 : index
      %get3A_1229 = tpu.vector_load %arg6[%get3A_1226, %get3A_1227, %get3A_1228] {strides = array<i32>} : memref<3x200x128xf32, #tpu.memory_space<vmem>>, vector<16xf32>,
      %swap3A_1230 = arith.index_cast %scan3A_1114 : i32 to index
      %swap3A_1231 = arith.constant 48 : index
      %swap3A_1232 = tpu.vector_load %arg9[%swap3A_1230, %swap3A_1231] {strides = array<i32>} : memref<50x64xf32, #tpu.memory_space<vmem>>, vector<16xf32>,
      tpu.vector_store %arg9[%swap3A_1230, %swap3A_1231], %get3A_1229 {strides = array<i32>} : memref<50x64xf32, #tpu.memory_space<vmem>>, vector<16xf32>,
      %add3A_1233 = arith.constant 150 : i32
      %add3A_1234 = arith.addi %add3A_1233, %scan3A_1114 : i32
      %get3A_1235 = arith.constant 0 : i32
      %get3A_1236 = arith.index_cast %get3A_1235 : i32 to index
      %get3A_1237 = arith.index_cast %add3A_1234 : i32 to index
      %get3A_1238 = arith.constant 0 : index
      %get3A_1239 = tpu.vector_load %arg6[%get3A_1236, %get3A_1237, %get3A_1238] {strides = array<i32>} : memref<3x200x128xf32, #tpu.memory_space<vmem>>, vector<16xf32>,
      %swap3A_1240 = arith.index_cast %scan3A_1114 : i32 to index
      %swap3A_1241 = arith.constant 0 : index
      %swap3A_1242 = tpu.vector_load %arg10[%swap3A_1240, %swap3A_1241] {strides = array<i32>} : memref<50x64xf32, #tpu.memory_space<vmem>>, vector<16xf32>,
      tpu.vector_store %arg10[%swap3A_1240, %swap3A_1241], %get3A_1239 {strides = array<i32>} : memref<50x64xf32, #tpu.memory_space<vmem>>, vector<16xf32>,
      %add3A_1243 = arith.constant 150 : i32
      %add3A_1244 = arith.addi %add3A_1243, %scan3A_1114 : i32
      %get3A_1245 = arith.constant 0 : i32
      %get3A_1246 = arith.index_cast %get3A_1245 : i32 to index
      %get3A_1247 = arith.index_cast %add3A_1244 : i32 to index
      %get3A_1248 = arith.constant 16 : index
      %get3A_1249 = tpu.vector_load %arg6[%get3A_1246, %get3A_1247, %get3A_1248] {strides = array<i32>} : memref<3x200x128xf32, #tpu.memory_space<vmem>>, vector<16xf32>,
      %swap3A_1250 = arith.index_cast %scan3A_1114 : i32 to index
      %swap3A_1251 = arith.constant 16 : index
      %swap3A_1252 = tpu.vector_load %arg10[%swap3A_1250, %swap3A_1251] {strides = array<i32>} : memref<50x64xf32, #tpu.memory_space<vmem>>, vector<16xf32>,
      tpu.vector_store %arg10[%swap3A_1250, %swap3A_1251], %get3A_1249 {strides = array<i32>} : memref<50x64xf32, #tpu.memory_space<vmem>>, vector<16xf32>,
      %add3A_1253 = arith.constant 150 : i32
      %add3A_1254 = arith.addi %add3A_1253, %scan3A_1114 : i32
      %get3A_1255 = arith.constant 0 : i32
      %get3A_1256 = arith.index_cast %get3A_1255 : i32 to index
      %get3A_1257 = arith.index_cast %add3A_1254 : i32 to index
      %get3A_1258 = arith.constant 32 : index
      %get3A_1259 = tpu.vector_load %arg6[%get3A_1256, %get3A_1257, %get3A_1258] {strides = array<i32>} : memref<3x200x128xf32, #tpu.memory_space<vmem>>, vector<16xf32>,
      %swap3A_1260 = arith.index_cast %scan3A_1114 : i32 to index
      %swap3A_1261 = arith.constant 32 : index
      %swap3A_1262 = tpu.vector_load %arg10[%swap3A_1260, %swap3A_1261] {strides = array<i32>} : memref<50x64xf32, #tpu.memory_space<vmem>>, vector<16xf32>,
      tpu.vector_store %arg10[%swap3A_1260, %swap3A_1261], %get3A_1259 {strides = array<i32>} : memref<50x64xf32, #tpu.memory_space<vmem>>, vector<16xf32>,
      %add3A_1263 = arith.constant 150 : i32
      %add3A_1264 = arith.addi %add3A_1263, %scan3A_1114 : i32
      %get3A_1265 = arith.constant 0 : i32
      %get3A_1266 = arith.index_cast %get3A_1265 : i32 to index
      %get3A_1267 = arith.index_cast %add3A_1264 : i32 to index
      %get3A_1268 = arith.constant 48 : index
      %get3A_1269 = tpu.vector_load %arg6[%get3A_1266, %get3A_1267, %get3A_1268] {strides = array<i32>} : memref<3x200x128xf32, #tpu.memory_space<vmem>>, vector<16xf32>,
      %swap3A_1270 = arith.index_cast %scan3A_1114 : i32 to index
      %swap3A_1271 = arith.constant 48 : index
      %swap3A_1272 = tpu.vector_load %arg10[%swap3A_1270, %swap3A_1271] {strides = array<i32>} : memref<50x64xf32, #tpu.memory_space<vmem>>, vector<16xf32>,
      tpu.vector_store %arg10[%swap3A_1270, %swap3A_1271], %get3A_1269 {strides = array<i32>} : memref<50x64xf32, #tpu.memory_space<vmem>>, vector<16xf32>,
    }
    %scan3A_105 = arith.constant 50 : i32
    %add3A_106 = arith.constant 0 : i32
    %add3A_107 = arith.addi %mul3A_6, %add3A_106 : i32
    %add3A_108 = arith.constant 0 : i32
    %add3A_109 = arith.addi %add3A_107, %add3A_108 : i32
    %dma_start3A_110 = arith.constant 0 : i32
    %dma_start3A_111 = arith.constant 0 : i32
    %dma_start3A_112 = tpu.memref_slice %arg4[%add3A_109, %dma_start3A_110, %dma_start3A_111] : memref<16384x50x64xf32, #tpu.memory_space<hbm>> -> memref<1x50x64xf32, #tpu.memory_space<hbm>>
    %dma_start3A_113 = tpu.memref_squeeze %dma_start3A_112 : memref<1x50x64xf32, #tpu.memory_space<hbm>> -> memref<50x64xf32, #tpu.memory_space<hbm>>
    %dma_start3A_114 = arith.constant 0 : i32
    %dma_start3A_115 = arith.constant 0 : i32
    %dma_start3A_116 = tpu.memref_slice %arg4[%add3A_109, %dma_start3A_114, %dma_start3A_115] : memref<16384x50x64xf32, #tpu.memory_space<hbm>> -> memref<1x50x64xf32, #tpu.memory_space<hbm>>
    %dma_start3A_117 = tpu.memref_squeeze %dma_start3A_116 : memref<1x50x64xf32, #tpu.memory_space<hbm>> -> memref<50x64xf32, #tpu.memory_space<hbm>>
    tpu.enqueue_dma source(%arg7 : memref<50x64xf32, #tpu.memory_space<vmem>>) target(%dma_start3A_117 : memref<50x64xf32, #tpu.memory_space<hbm>>) target_semaphore(%arg17 : memref<!tpu.dma_semaphore, #tpu.memory_space<semaphore_mem>>)
    %add3A_118 = arith.constant 0 : i32
    %add3A_119 = arith.addi %mul3A_6, %add3A_118 : i32
    %add3A_120 = arith.constant 1 : i32
    %add3A_121 = arith.addi %add3A_119, %add3A_120 : i32
    %dma_start3A_122 = arith.constant 0 : i32
    %dma_start3A_123 = arith.constant 0 : i32
    %dma_start3A_124 = tpu.memref_slice %arg4[%add3A_121, %dma_start3A_122, %dma_start3A_123] : memref<16384x50x64xf32, #tpu.memory_space<hbm>> -> memref<1x50x64xf32, #tpu.memory_space<hbm>>
    %dma_start3A_125 = tpu.memref_squeeze %dma_start3A_124 : memref<1x50x64xf32, #tpu.memory_space<hbm>> -> memref<50x64xf32, #tpu.memory_space<hbm>>
    %dma_start3A_126 = arith.constant 0 : i32
    %dma_start3A_127 = arith.constant 0 : i32
    %dma_start3A_128 = tpu.memref_slice %arg4[%add3A_121, %dma_start3A_126, %dma_start3A_127] : memref<16384x50x64xf32, #tpu.memory_space<hbm>> -> memref<1x50x64xf32, #tpu.memory_space<hbm>>
    %dma_start3A_129 = tpu.memref_squeeze %dma_start3A_128 : memref<1x50x64xf32, #tpu.memory_space<hbm>> -> memref<50x64xf32, #tpu.memory_space<hbm>>
    tpu.enqueue_dma source(%arg8 : memref<50x64xf32, #tpu.memory_space<vmem>>) target(%dma_start3A_129 : memref<50x64xf32, #tpu.memory_space<hbm>>) target_semaphore(%arg17 : memref<!tpu.dma_semaphore, #tpu.memory_space<semaphore_mem>>)
    %add3A_130 = arith.constant 0 : i32
    %add3A_131 = arith.addi %mul3A_6, %add3A_130 : i32
    %add3A_132 = arith.constant 2 : i32
    %add3A_133 = arith.addi %add3A_131, %add3A_132 : i32
    %dma_start3A_134 = arith.constant 0 : i32
    %dma_start3A_135 = arith.constant 0 : i32
    %dma_start3A_136 = tpu.memref_slice %arg4[%add3A_133, %dma_start3A_134, %dma_start3A_135] : memref<16384x50x64xf32, #tpu.memory_space<hbm>> -> memref<1x50x64xf32, #tpu.memory_space<hbm>>
    %dma_start3A_137 = tpu.memref_squeeze %dma_start3A_136 : memref<1x50x64xf32, #tpu.memory_space<hbm>> -> memref<50x64xf32, #tpu.memory_space<hbm>>
    %dma_start3A_138 = arith.constant 0 : i32
    %dma_start3A_139 = arith.constant 0 : i32
    %dma_start3A_140 = tpu.memref_slice %arg4[%add3A_133, %dma_start3A_138, %dma_start3A_139] : memref<16384x50x64xf32, #tpu.memory_space<hbm>> -> memref<1x50x64xf32, #tpu.memory_space<hbm>>
    %dma_start3A_141 = tpu.memref_squeeze %dma_start3A_140 : memref<1x50x64xf32, #tpu.memory_space<hbm>> -> memref<50x64xf32, #tpu.memory_space<hbm>>
    tpu.enqueue_dma source(%arg9 : memref<50x64xf32, #tpu.memory_space<vmem>>) target(%dma_start3A_141 : memref<50x64xf32, #tpu.memory_space<hbm>>) target_semaphore(%arg17 : memref<!tpu.dma_semaphore, #tpu.memory_space<semaphore_mem>>)
    %add3A_142 = arith.constant 0 : i32
    %add3A_143 = arith.addi %mul3A_6, %add3A_142 : i32
    %add3A_144 = arith.constant 3 : i32
    %add3A_145 = arith.addi %add3A_143, %add3A_144 : i32
    %dma_start3A_146 = arith.constant 0 : i32
    %dma_start3A_147 = arith.constant 0 : i32
    %dma_start3A_148 = tpu.memref_slice %arg4[%add3A_145, %dma_start3A_146, %dma_start3A_147] : memref<16384x50x64xf32, #tpu.memory_space<hbm>> -> memref<1x50x64xf32, #tpu.memory_space<hbm>>
    %dma_start3A_149 = tpu.memref_squeeze %dma_start3A_148 : memref<1x50x64xf32, #tpu.memory_space<hbm>> -> memref<50x64xf32, #tpu.memory_space<hbm>>
    %dma_start3A_150 = arith.constant 0 : i32
    %dma_start3A_151 = arith.constant 0 : i32
    %dma_start3A_152 = tpu.memref_slice %arg4[%add3A_145, %dma_start3A_150, %dma_start3A_151] : memref<16384x50x64xf32, #tpu.memory_space<hbm>> -> memref<1x50x64xf32, #tpu.memory_space<hbm>>
    %dma_start3A_153 = tpu.memref_squeeze %dma_start3A_152 : memref<1x50x64xf32, #tpu.memory_space<hbm>> -> memref<50x64xf32, #tpu.memory_space<hbm>>
    tpu.enqueue_dma source(%arg10 : memref<50x64xf32, #tpu.memory_space<vmem>>) target(%dma_start3A_153 : memref<50x64xf32, #tpu.memory_space<hbm>>) target_semaphore(%arg17 : memref<!tpu.dma_semaphore, #tpu.memory_space<semaphore_mem>>)
    %dma_wait3A_154 = arith.constant 1 : i32
    %dma_wait3A_155 = arith.constant 0 : i32
    %dma_wait3A_156 = arith.constant 0 : i32
    %dma_wait3A_157 = tpu.memref_slice %arg6[%dma_wait3A_154, %dma_wait3A_155, %dma_wait3A_156] : memref<3x200x128xf32, #tpu.memory_space<vmem>> -> memref<1x200x128xf32, #tpu.memory_space<vmem>>
    %dma_wait3A_158 = tpu.memref_squeeze %dma_wait3A_157 : memref<1x200x128xf32, #tpu.memory_space<vmem>> -> memref<200x128xf32, #tpu.memory_space<vmem>>
    %dma_wait3A_159 = arith.constant 200 : i32
    %dma_wait3A_160 = tpu.memref_slice %arg5[%dma_wait3A_159] : memref<600xi32, #tpu.memory_space<vmem>> -> memref<200xi32, #tpu.memory_space<vmem>>
    %dma_wait3A_161 = arith.constant 0 : i32
    %dma_wait3A_162 = arith.constant 0 : i32
    %dma_wait3A_163 = tpu.memref_slice %arg3[%dma_wait3A_161, %dma_wait3A_162] : memref<1000000x128xf32, #tpu.memory_space<hbm>> -> memref<1000000x128xf32, #tpu.memory_space<hbm>>
    tpu.wait_indirect_dma semaphore(%arg15 : memref<!tpu.dma_semaphore, #tpu.memory_space<semaphore_mem>>) src(%dma_wait3A_163 : memref<1000000x128xf32, #tpu.memory_space<hbm>>) dst(%dma_wait3A_158 : memref<200x128xf32, #tpu.memory_space<vmem>>)
    %add3A_164 = arith.constant 800 : i32
    %add3A_165 = arith.addi %mul3A_4, %add3A_164 : i32
    %dma_start3A_166 = arith.constant 200 : i32
    %dma_start3A_167 = tpu.memref_slice %arg5[%dma_start3A_166] : memref<600xi32, #tpu.memory_space<vmem>> -> memref<200xi32, #tpu.memory_space<vmem>>
    %dma_start3A_168 = tpu.memref_slice %arg2[%add3A_165] : memref<819200xi32, #tpu.memory_space<hbm>> -> memref<200xi32, #tpu.memory_space<hbm>>
    %dma_start3A_169 = arith.constant 200 : i32
    %dma_start3A_170 = tpu.memref_slice %arg5[%dma_start3A_169] : memref<600xi32, #tpu.memory_space<vmem>> -> memref<200xi32, #tpu.memory_space<vmem>>
    %dma_start3A_171 = tpu.memref_slice %arg2[%add3A_165] : memref<819200xi32, #tpu.memory_space<hbm>> -> memref<200xi32, #tpu.memory_space<hbm>>
    tpu.enqueue_dma source(%dma_start3A_171 : memref<200xi32, #tpu.memory_space<hbm>>) target(%dma_start3A_170 : memref<200xi32, #tpu.memory_space<vmem>>) target_semaphore(%arg12 : memref<!tpu.dma_semaphore, #tpu.memory_space<semaphore_mem>>)
    %add3A_172 = arith.constant 600 : i32
    %add3A_173 = arith.addi %mul3A_4, %add3A_172 : i32
    %dma_wait3A_174 = arith.constant 0 : i32
    %dma_wait3A_175 = tpu.memref_slice %arg5[%dma_wait3A_174] : memref<600xi32, #tpu.memory_space<vmem>> -> memref<200xi32, #tpu.memory_space<vmem>>
    %dma_wait3A_176 = tpu.memref_slice %arg2[%add3A_173] : memref<819200xi32, #tpu.memory_space<hbm>> -> memref<200xi32, #tpu.memory_space<hbm>>
    %dma_wait3A_177 = arith.constant 0 : i32
    %dma_wait3A_178 = tpu.memref_slice %arg5[%dma_wait3A_177] : memref<600xi32, #tpu.memory_space<vmem>> -> memref<200xi32, #tpu.memory_space<vmem>>
    %dma_wait3A_179 = tpu.memref_slice %arg2[%add3A_173] : memref<819200xi32, #tpu.memory_space<hbm>> -> memref<200xi32, #tpu.memory_space<hbm>>
    tpu.wait_dma2 semaphore(%arg11 : memref<!tpu.dma_semaphore, #tpu.memory_space<semaphore_mem>>) src(%dma_wait3A_179 : memref<200xi32, #tpu.memory_space<hbm>>) dst(%dma_wait3A_178 : memref<200xi32, #tpu.memory_space<vmem>>)
    %dma_start3A_180 = arith.constant 0 : i32
    %dma_start3A_181 = arith.constant 0 : i32
    %dma_start3A_182 = arith.constant 0 : i32
    %dma_start3A_183 = tpu.memref_slice %arg6[%dma_start3A_180, %dma_start3A_181, %dma_start3A_182] : memref<3x200x128xf32, #tpu.memory_space<vmem>> -> memref<1x200x128xf32, #tpu.memory_space<vmem>>
    %dma_start3A_184 = tpu.memref_squeeze %dma_start3A_183 : memref<1x200x128xf32, #tpu.memory_space<vmem>> -> memref<200x128xf32, #tpu.memory_space<vmem>>
    %dma_start3A_185 = arith.constant 0 : i32
    %dma_start3A_186 = tpu.memref_slice %arg5[%dma_start3A_185] : memref<600xi32, #tpu.memory_space<vmem>> -> memref<200xi32, #tpu.memory_space<vmem>>
    %dma_start3A_187 = arith.constant 0 : i32
    %dma_start3A_188 = arith.constant 0 : i32
    %dma_start3A_189 = tpu.memref_slice %arg3[%dma_start3A_187, %dma_start3A_188] : memref<1000000x128xf32, #tpu.memory_space<hbm>> -> memref<1000000x128xf32, #tpu.memory_space<hbm>>
    tpu.enqueue_indirect_dma source(%dma_start3A_189 : memref<1000000x128xf32, #tpu.memory_space<hbm>>) target(%dma_start3A_184 : memref<200x128xf32, #tpu.memory_space<vmem>>) offsets(%dma_start3A_186 : memref<200xi32, #tpu.memory_space<vmem>>) semaphore(%arg14 : memref<!tpu.dma_semaphore, #tpu.memory_space<semaphore_mem>>)
    %add3A_190 = arith.constant 0 : i32
    %add3A_191 = arith.addi %mul3A_6, %add3A_190 : i32
    %add3A_192 = arith.constant 0 : i32
    %add3A_193 = arith.addi %add3A_191, %add3A_192 : i32
    %dma_wait3A_194 = arith.constant 0 : i32
    %dma_wait3A_195 = arith.constant 0 : i32
    %dma_wait3A_196 = tpu.memref_slice %arg4[%add3A_193, %dma_wait3A_194, %dma_wait3A_195] : memref<16384x50x64xf32, #tpu.memory_space<hbm>> -> memref<1x50x64xf32, #tpu.memory_space<hbm>>
    %dma_wait3A_197 = tpu.memref_squeeze %dma_wait3A_196 : memref<1x50x64xf32, #tpu.memory_space<hbm>> -> memref<50x64xf32, #tpu.memory_space<hbm>>
    %dma_wait3A_198 = arith.constant 0 : i32
    %dma_wait3A_199 = arith.constant 0 : i32
    %dma_wait3A_200 = tpu.memref_slice %arg4[%add3A_193, %dma_wait3A_198, %dma_wait3A_199] : memref<16384x50x64xf32, #tpu.memory_space<hbm>> -> memref<1x50x64xf32, #tpu.memory_space<hbm>>
    %dma_wait3A_201 = tpu.memref_squeeze %dma_wait3A_200 : memref<1x50x64xf32, #tpu.memory_space<hbm>> -> memref<50x64xf32, #tpu.memory_space<hbm>>
    tpu.wait_dma2 semaphore(%arg17 : memref<!tpu.dma_semaphore, #tpu.memory_space<semaphore_mem>>) src(%arg7 : memref<50x64xf32, #tpu.memory_space<vmem>>) dst(%dma_wait3A_201 : memref<50x64xf32, #tpu.memory_space<hbm>>)
    %add3A_202 = arith.constant 0 : i32
    %add3A_203 = arith.addi %mul3A_6, %add3A_202 : i32
    %add3A_204 = arith.constant 1 : i32
    %add3A_205 = arith.addi %add3A_203, %add3A_204 : i32
    %dma_wait3A_206 = arith.constant 0 : i32
    %dma_wait3A_207 = arith.constant 0 : i32
    %dma_wait3A_208 = tpu.memref_slice %arg4[%add3A_205, %dma_wait3A_206, %dma_wait3A_207] : memref<16384x50x64xf32, #tpu.memory_space<hbm>> -> memref<1x50x64xf32, #tpu.memory_space<hbm>>
    %dma_wait3A_209 = tpu.memref_squeeze %dma_wait3A_208 : memref<1x50x64xf32, #tpu.memory_space<hbm>> -> memref<50x64xf32, #tpu.memory_space<hbm>>
    %dma_wait3A_210 = arith.constant 0 : i32
    %dma_wait3A_211 = arith.constant 0 : i32
    %dma_wait3A_212 = tpu.memref_slice %arg4[%add3A_205, %dma_wait3A_210, %dma_wait3A_211] : memref<16384x50x64xf32, #tpu.memory_space<hbm>> -> memref<1x50x64xf32, #tpu.memory_space<hbm>>
    %dma_wait3A_213 = tpu.memref_squeeze %dma_wait3A_212 : memref<1x50x64xf32, #tpu.memory_space<hbm>> -> memref<50x64xf32, #tpu.memory_space<hbm>>
    tpu.wait_dma2 semaphore(%arg17 : memref<!tpu.dma_semaphore, #tpu.memory_space<semaphore_mem>>) src(%arg8 : memref<50x64xf32, #tpu.memory_space<vmem>>) dst(%dma_wait3A_213 : memref<50x64xf32, #tpu.memory_space<hbm>>)
    %add3A_214 = arith.constant 0 : i32
    %add3A_215 = arith.addi %mul3A_6, %add3A_214 : i32
    %add3A_216 = arith.constant 2 : i32
    %add3A_217 = arith.addi %add3A_215, %add3A_216 : i32
    %dma_wait3A_218 = arith.constant 0 : i32
    %dma_wait3A_219 = arith.constant 0 : i32
    %dma_wait3A_220 = tpu.memref_slice %arg4[%add3A_217, %dma_wait3A_218, %dma_wait3A_219] : memref<16384x50x64xf32, #tpu.memory_space<hbm>> -> memref<1x50x64xf32, #tpu.memory_space<hbm>>
    %dma_wait3A_221 = tpu.memref_squeeze %dma_wait3A_220 : memref<1x50x64xf32, #tpu.memory_space<hbm>> -> memref<50x64xf32, #tpu.memory_space<hbm>>
    %dma_wait3A_222 = arith.constant 0 : i32
    %dma_wait3A_223 = arith.constant 0 : i32
    %dma_wait3A_224 = tpu.memref_slice %arg4[%add3A_217, %dma_wait3A_222, %dma_wait3A_223] : memref<16384x50x64xf32, #tpu.memory_space<hbm>> -> memref<1x50x64xf32, #tpu.memory_space<hbm>>
    %dma_wait3A_225 = tpu.memref_squeeze %dma_wait3A_224 : memref<1x50x64xf32, #tpu.memory_space<hbm>> -> memref<50x64xf32, #tpu.memory_space<hbm>>
    tpu.wait_dma2 semaphore(%arg17 : memref<!tpu.dma_semaphore, #tpu.memory_space<semaphore_mem>>) src(%arg9 : memref<50x64xf32, #tpu.memory_space<vmem>>) dst(%dma_wait3A_225 : memref<50x64xf32, #tpu.memory_space<hbm>>)
    %add3A_226 = arith.constant 0 : i32
    %add3A_227 = arith.addi %mul3A_6, %add3A_226 : i32
    %add3A_228 = arith.constant 3 : i32
    %add3A_229 = arith.addi %add3A_227, %add3A_228 : i32
    %dma_wait3A_230 = arith.constant 0 : i32
    %dma_wait3A_231 = arith.constant 0 : i32
    %dma_wait3A_232 = tpu.memref_slice %arg4[%add3A_229, %dma_wait3A_230, %dma_wait3A_231] : memref<16384x50x64xf32, #tpu.memory_space<hbm>> -> memref<1x50x64xf32, #tpu.memory_space<hbm>>
    %dma_wait3A_233 = tpu.memref_squeeze %dma_wait3A_232 : memref<1x50x64xf32, #tpu.memory_space<hbm>> -> memref<50x64xf32, #tpu.memory_space<hbm>>
    %dma_wait3A_234 = arith.constant 0 : i32
    %dma_wait3A_235 = arith.constant 0 : i32
    %dma_wait3A_236 = tpu.memref_slice %arg4[%add3A_229, %dma_wait3A_234, %dma_wait3A_235] : memref<16384x50x64xf32, #tpu.memory_space<hbm>> -> memref<1x50x64xf32, #tpu.memory_space<hbm>>
    %dma_wait3A_237 = tpu.memref_squeeze %dma_wait3A_236 : memref<1x50x64xf32, #tpu.memory_space<hbm>> -> memref<50x64xf32, #tpu.memory_space<hbm>>
    tpu.wait_dma2 semaphore(%arg17 : memref<!tpu.dma_semaphore, #tpu.memory_space<semaphore_mem>>) src(%arg10 : memref<50x64xf32, #tpu.memory_space<vmem>>) dst(%dma_wait3A_237 : memref<50x64xf32, #tpu.memory_space<hbm>>)
    %scan3A_238 = arith.constant 0 : i32
    %scan3A_239 = arith.constant 0 : i32
    %scan3A_240 = arith.constant 50 : i32
    %scan3A_241 = arith.addi %scan3A_239, %scan3A_240 : i32
    %scan3A_242 = arith.constant 1 : i32
    scf.for %scan3A_1114 = %scan3A_239 to %scan3A_241 step %scan3A_242  : i32 {
      %add3A_1115 = arith.constant 0 : i32
      %add3A_1116 = arith.addi %add3A_1115, %scan3A_1114 : i32
      %get3A = arith.constant 1 : i32
      %get3A_1117 = arith.index_cast %get3A : i32 to index
      %get3A_1118 = arith.index_cast %add3A_1116 : i32 to index
      %get3A_1119 = arith.constant 0 : index
      %get3A_1120 = tpu.vector_load %arg6[%get3A_1117, %get3A_1118, %get3A_1119] {strides = array<i32>} : memref<3x200x128xf32, #tpu.memory_space<vmem>>, vector<16xf32>,
      %swap3A = arith.index_cast %scan3A_1114 : i32 to index
      %swap3A_1121 = arith.constant 0 : index
      %swap3A_1122 = tpu.vector_load %arg7[%swap3A, %swap3A_1121] {strides = array<i32>} : memref<50x64xf32, #tpu.memory_space<vmem>>, vector<16xf32>,
      tpu.vector_store %arg7[%swap3A, %swap3A_1121], %get3A_1120 {strides = array<i32>} : memref<50x64xf32, #tpu.memory_space<vmem>>, vector<16xf32>,
      %add3A_1123 = arith.constant 0 : i32
      %add3A_1124 = arith.addi %add3A_1123, %scan3A_1114 : i32
      %get3A_1125 = arith.constant 1 : i32
      %get3A_1126 = arith.index_cast %get3A_1125 : i32 to index
      %get3A_1127 = arith.index_cast %add3A_1124 : i32 to index
      %get3A_1128 = arith.constant 16 : index
      %get3A_1129 = tpu.vector_load %arg6[%get3A_1126, %get3A_1127, %get3A_1128] {strides = array<i32>} : memref<3x200x128xf32, #tpu.memory_space<vmem>>, vector<16xf32>,
      %swap3A_1130 = arith.index_cast %scan3A_1114 : i32 to index
      %swap3A_1131 = arith.constant 16 : index
      %swap3A_1132 = tpu.vector_load %arg7[%swap3A_1130, %swap3A_1131] {strides = array<i32>} : memref<50x64xf32, #tpu.memory_space<vmem>>, vector<16xf32>,
      tpu.vector_store %arg7[%swap3A_1130, %swap3A_1131], %get3A_1129 {strides = array<i32>} : memref<50x64xf32, #tpu.memory_space<vmem>>, vector<16xf32>,
      %add3A_1133 = arith.constant 0 : i32
      %add3A_1134 = arith.addi %add3A_1133, %scan3A_1114 : i32
      %get3A_1135 = arith.constant 1 : i32
      %get3A_1136 = arith.index_cast %get3A_1135 : i32 to index
      %get3A_1137 = arith.index_cast %add3A_1134 : i32 to index
      %get3A_1138 = arith.constant 32 : index
      %get3A_1139 = tpu.vector_load %arg6[%get3A_1136, %get3A_1137, %get3A_1138] {strides = array<i32>} : memref<3x200x128xf32, #tpu.memory_space<vmem>>, vector<16xf32>,
      %swap3A_1140 = arith.index_cast %scan3A_1114 : i32 to index
      %swap3A_1141 = arith.constant 32 : index
      %swap3A_1142 = tpu.vector_load %arg7[%swap3A_1140, %swap3A_1141] {strides = array<i32>} : memref<50x64xf32, #tpu.memory_space<vmem>>, vector<16xf32>,
      tpu.vector_store %arg7[%swap3A_1140, %swap3A_1141], %get3A_1139 {strides = array<i32>} : memref<50x64xf32, #tpu.memory_space<vmem>>, vector<16xf32>,
      %add3A_1143 = arith.constant 0 : i32
      %add3A_1144 = arith.addi %add3A_1143, %scan3A_1114 : i32
      %get3A_1145 = arith.constant 1 : i32
      %get3A_1146 = arith.index_cast %get3A_1145 : i32 to index
      %get3A_1147 = arith.index_cast %add3A_1144 : i32 to index
      %get3A_1148 = arith.constant 48 : index
      %get3A_1149 = tpu.vector_load %arg6[%get3A_1146, %get3A_1147, %get3A_1148] {strides = array<i32>} : memref<3x200x128xf32, #tpu.memory_space<vmem>>, vector<16xf32>,
      %swap3A_1150 = arith.index_cast %scan3A_1114 : i32 to index
      %swap3A_1151 = arith.constant 48 : index
      %swap3A_1152 = tpu.vector_load %arg7[%swap3A_1150, %swap3A_1151] {strides = array<i32>} : memref<50x64xf32, #tpu.memory_space<vmem>>, vector<16xf32>,
      tpu.vector_store %arg7[%swap3A_1150, %swap3A_1151], %get3A_1149 {strides = array<i32>} : memref<50x64xf32, #tpu.memory_space<vmem>>, vector<16xf32>,
      %add3A_1153 = arith.constant 50 : i32
      %add3A_1154 = arith.addi %add3A_1153, %scan3A_1114 : i32
      %get3A_1155 = arith.constant 1 : i32
      %get3A_1156 = arith.index_cast %get3A_1155 : i32 to index
      %get3A_1157 = arith.index_cast %add3A_1154 : i32 to index
      %get3A_1158 = arith.constant 0 : index
      %get3A_1159 = tpu.vector_load %arg6[%get3A_1156, %get3A_1157, %get3A_1158] {strides = array<i32>} : memref<3x200x128xf32, #tpu.memory_space<vmem>>, vector<16xf32>,
      %swap3A_1160 = arith.index_cast %scan3A_1114 : i32 to index
      %swap3A_1161 = arith.constant 0 : index
      %swap3A_1162 = tpu.vector_load %arg8[%swap3A_1160, %swap3A_1161] {strides = array<i32>} : memref<50x64xf32, #tpu.memory_space<vmem>>, vector<16xf32>,
      tpu.vector_store %arg8[%swap3A_1160, %swap3A_1161], %get3A_1159 {strides = array<i32>} : memref<50x64xf32, #tpu.memory_space<vmem>>, vector<16xf32>,
      %add3A_1163 = arith.constant 50 : i32
      %add3A_1164 = arith.addi %add3A_1163, %scan3A_1114 : i32
      %get3A_1165 = arith.constant 1 : i32
      %get3A_1166 = arith.index_cast %get3A_1165 : i32 to index
      %get3A_1167 = arith.index_cast %add3A_1164 : i32 to index
      %get3A_1168 = arith.constant 16 : index
      %get3A_1169 = tpu.vector_load %arg6[%get3A_1166, %get3A_1167, %get3A_1168] {strides = array<i32>} : memref<3x200x128xf32, #tpu.memory_space<vmem>>, vector<16xf32>,
      %swap3A_1170 = arith.index_cast %scan3A_1114 : i32 to index
      %swap3A_1171 = arith.constant 16 : index
      %swap3A_1172 = tpu.vector_load %arg8[%swap3A_1170, %swap3A_1171] {strides = array<i32>} : memref<50x64xf32, #tpu.memory_space<vmem>>, vector<16xf32>,
      tpu.vector_store %arg8[%swap3A_1170, %swap3A_1171], %get3A_1169 {strides = array<i32>} : memref<50x64xf32, #tpu.memory_space<vmem>>, vector<16xf32>,
      %add3A_1173 = arith.constant 50 : i32
      %add3A_1174 = arith.addi %add3A_1173, %scan3A_1114 : i32
      %get3A_1175 = arith.constant 1 : i32
      %get3A_1176 = arith.index_cast %get3A_1175 : i32 to index
      %get3A_1177 = arith.index_cast %add3A_1174 : i32 to index
      %get3A_1178 = arith.constant 32 : index
      %get3A_1179 = tpu.vector_load %arg6[%get3A_1176, %get3A_1177, %get3A_1178] {strides = array<i32>} : memref<3x200x128xf32, #tpu.memory_space<vmem>>, vector<16xf32>,
      %swap3A_1180 = arith.index_cast %scan3A_1114 : i32 to index
      %swap3A_1181 = arith.constant 32 : index
      %swap3A_1182 = tpu.vector_load %arg8[%swap3A_1180, %swap3A_1181] {strides = array<i32>} : memref<50x64xf32, #tpu.memory_space<vmem>>, vector<16xf32>,
      tpu.vector_store %arg8[%swap3A_1180, %swap3A_1181], %get3A_1179 {strides = array<i32>} : memref<50x64xf32, #tpu.memory_space<vmem>>, vector<16xf32>,
      %add3A_1183 = arith.constant 50 : i32
      %add3A_1184 = arith.addi %add3A_1183, %scan3A_1114 : i32
      %get3A_1185 = arith.constant 1 : i32
      %get3A_1186 = arith.index_cast %get3A_1185 : i32 to index
      %get3A_1187 = arith.index_cast %add3A_1184 : i32 to index
      %get3A_1188 = arith.constant 48 : index
      %get3A_1189 = tpu.vector_load %arg6[%get3A_1186, %get3A_1187, %get3A_1188] {strides = array<i32>} : memref<3x200x128xf32, #tpu.memory_space<vmem>>, vector<16xf32>,
      %swap3A_1190 = arith.index_cast %scan3A_1114 : i32 to index
      %swap3A_1191 = arith.constant 48 : index
      %swap3A_1192 = tpu.vector_load %arg8[%swap3A_1190, %swap3A_1191] {strides = array<i32>} : memref<50x64xf32, #tpu.memory_space<vmem>>, vector<16xf32>,
      tpu.vector_store %arg8[%swap3A_1190, %swap3A_1191], %get3A_1189 {strides = array<i32>} : memref<50x64xf32, #tpu.memory_space<vmem>>, vector<16xf32>,
      %add3A_1193 = arith.constant 100 : i32
      %add3A_1194 = arith.addi %add3A_1193, %scan3A_1114 : i32
      %get3A_1195 = arith.constant 1 : i32
      %get3A_1196 = arith.index_cast %get3A_1195 : i32 to index
      %get3A_1197 = arith.index_cast %add3A_1194 : i32 to index
      %get3A_1198 = arith.constant 0 : index
      %get3A_1199 = tpu.vector_load %arg6[%get3A_1196, %get3A_1197, %get3A_1198] {strides = array<i32>} : memref<3x200x128xf32, #tpu.memory_space<vmem>>, vector<16xf32>,
      %swap3A_1200 = arith.index_cast %scan3A_1114 : i32 to index
      %swap3A_1201 = arith.constant 0 : index
      %swap3A_1202 = tpu.vector_load %arg9[%swap3A_1200, %swap3A_1201] {strides = array<i32>} : memref<50x64xf32, #tpu.memory_space<vmem>>, vector<16xf32>,
      tpu.vector_store %arg9[%swap3A_1200, %swap3A_1201], %get3A_1199 {strides = array<i32>} : memref<50x64xf32, #tpu.memory_space<vmem>>, vector<16xf32>,
      %add3A_1203 = arith.constant 100 : i32
      %add3A_1204 = arith.addi %add3A_1203, %scan3A_1114 : i32
      %get3A_1205 = arith.constant 1 : i32
      %get3A_1206 = arith.index_cast %get3A_1205 : i32 to index
      %get3A_1207 = arith.index_cast %add3A_1204 : i32 to index
      %get3A_1208 = arith.constant 16 : index
      %get3A_1209 = tpu.vector_load %arg6[%get3A_1206, %get3A_1207, %get3A_1208] {strides = array<i32>} : memref<3x200x128xf32, #tpu.memory_space<vmem>>, vector<16xf32>,
      %swap3A_1210 = arith.index_cast %scan3A_1114 : i32 to index
      %swap3A_1211 = arith.constant 16 : index
      %swap3A_1212 = tpu.vector_load %arg9[%swap3A_1210, %swap3A_1211] {strides = array<i32>} : memref<50x64xf32, #tpu.memory_space<vmem>>, vector<16xf32>,
      tpu.vector_store %arg9[%swap3A_1210, %swap3A_1211], %get3A_1209 {strides = array<i32>} : memref<50x64xf32, #tpu.memory_space<vmem>>, vector<16xf32>,
      %add3A_1213 = arith.constant 100 : i32
      %add3A_1214 = arith.addi %add3A_1213, %scan3A_1114 : i32
      %get3A_1215 = arith.constant 1 : i32
      %get3A_1216 = arith.index_cast %get3A_1215 : i32 to index
      %get3A_1217 = arith.index_cast %add3A_1214 : i32 to index
      %get3A_1218 = arith.constant 32 : index
      %get3A_1219 = tpu.vector_load %arg6[%get3A_1216, %get3A_1217, %get3A_1218] {strides = array<i32>} : memref<3x200x128xf32, #tpu.memory_space<vmem>>, vector<16xf32>,
      %swap3A_1220 = arith.index_cast %scan3A_1114 : i32 to index
      %swap3A_1221 = arith.constant 32 : index
      %swap3A_1222 = tpu.vector_load %arg9[%swap3A_1220, %swap3A_1221] {strides = array<i32>} : memref<50x64xf32, #tpu.memory_space<vmem>>, vector<16xf32>,
      tpu.vector_store %arg9[%swap3A_1220, %swap3A_1221], %get3A_1219 {strides = array<i32>} : memref<50x64xf32, #tpu.memory_space<vmem>>, vector<16xf32>,
      %add3A_1223 = arith.constant 100 : i32
      %add3A_1224 = arith.addi %add3A_1223, %scan3A_1114 : i32
      %get3A_1225 = arith.constant 1 : i32
      %get3A_1226 = arith.index_cast %get3A_1225 : i32 to index
      %get3A_1227 = arith.index_cast %add3A_1224 : i32 to index
      %get3A_1228 = arith.constant 48 : index
      %get3A_1229 = tpu.vector_load %arg6[%get3A_1226, %get3A_1227, %get3A_1228] {strides = array<i32>} : memref<3x200x128xf32, #tpu.memory_space<vmem>>, vector<16xf32>,
      %swap3A_1230 = arith.index_cast %scan3A_1114 : i32 to index
      %swap3A_1231 = arith.constant 48 : index
      %swap3A_1232 = tpu.vector_load %arg9[%swap3A_1230, %swap3A_1231] {strides = array<i32>} : memref<50x64xf32, #tpu.memory_space<vmem>>, vector<16xf32>,
      tpu.vector_store %arg9[%swap3A_1230, %swap3A_1231], %get3A_1229 {strides = array<i32>} : memref<50x64xf32, #tpu.memory_space<vmem>>, vector<16xf32>,
      %add3A_1233 = arith.constant 150 : i32
      %add3A_1234 = arith.addi %add3A_1233, %scan3A_1114 : i32
      %get3A_1235 = arith.constant 1 : i32
      %get3A_1236 = arith.index_cast %get3A_1235 : i32 to index
      %get3A_1237 = arith.index_cast %add3A_1234 : i32 to index
      %get3A_1238 = arith.constant 0 : index
      %get3A_1239 = tpu.vector_load %arg6[%get3A_1236, %get3A_1237, %get3A_1238] {strides = array<i32>} : memref<3x200x128xf32, #tpu.memory_space<vmem>>, vector<16xf32>,
      %swap3A_1240 = arith.index_cast %scan3A_1114 : i32 to index
      %swap3A_1241 = arith.constant 0 : index
      %swap3A_1242 = tpu.vector_load %arg10[%swap3A_1240, %swap3A_1241] {strides = array<i32>} : memref<50x64xf32, #tpu.memory_space<vmem>>, vector<16xf32>,
      tpu.vector_store %arg10[%swap3A_1240, %swap3A_1241], %get3A_1239 {strides = array<i32>} : memref<50x64xf32, #tpu.memory_space<vmem>>, vector<16xf32>,
      %add3A_1243 = arith.constant 150 : i32
      %add3A_1244 = arith.addi %add3A_1243, %scan3A_1114 : i32
      %get3A_1245 = arith.constant 1 : i32
      %get3A_1246 = arith.index_cast %get3A_1245 : i32 to index
      %get3A_1247 = arith.index_cast %add3A_1244 : i32 to index
      %get3A_1248 = arith.constant 16 : index
      %get3A_1249 = tpu.vector_load %arg6[%get3A_1246, %get3A_1247, %get3A_1248] {strides = array<i32>} : memref<3x200x128xf32, #tpu.memory_space<vmem>>, vector<16xf32>,
      %swap3A_1250 = arith.index_cast %scan3A_1114 : i32 to index
      %swap3A_1251 = arith.constant 16 : index
      %swap3A_1252 = tpu.vector_load %arg10[%swap3A_1250, %swap3A_1251] {strides = array<i32>} : memref<50x64xf32, #tpu.memory_space<vmem>>, vector<16xf32>,
      tpu.vector_store %arg10[%swap3A_1250, %swap3A_1251], %get3A_1249 {strides = array<i32>} : memref<50x64xf32, #tpu.memory_space<vmem>>, vector<16xf32>,
      %add3A_1253 = arith.constant 150 : i32
      %add3A_1254 = arith.addi %add3A_1253, %scan3A_1114 : i32
      %get3A_1255 = arith.constant 1 : i32
      %get3A_1256 = arith.index_cast %get3A_1255 : i32 to index
      %get3A_1257 = arith.index_cast %add3A_1254 : i32 to index
      %get3A_1258 = arith.constant 32 : index
      %get3A_1259 = tpu.vector_load %arg6[%get3A_1256, %get3A_1257, %get3A_1258] {strides = array<i32>} : memref<3x200x128xf32, #tpu.memory_space<vmem>>, vector<16xf32>,
      %swap3A_1260 = arith.index_cast %scan3A_1114 : i32 to index
      %swap3A_1261 = arith.constant 32 : index
      %swap3A_1262 = tpu.vector_load %arg10[%swap3A_1260, %swap3A_1261] {strides = array<i32>} : memref<50x64xf32, #tpu.memory_space<vmem>>, vector<16xf32>,
      tpu.vector_store %arg10[%swap3A_1260, %swap3A_1261], %get3A_1259 {strides = array<i32>} : memref<50x64xf32, #tpu.memory_space<vmem>>, vector<16xf32>,
      %add3A_1263 = arith.constant 150 : i32
      %add3A_1264 = arith.addi %add3A_1263, %scan3A_1114 : i32
      %get3A_1265 = arith.constant 1 : i32
      %get3A_1266 = arith.index_cast %get3A_1265 : i32 to index
      %get3A_1267 = arith.index_cast %add3A_1264 : i32 to index
      %get3A_1268 = arith.constant 48 : index
      %get3A_1269 = tpu.vector_load %arg6[%get3A_1266, %get3A_1267, %get3A_1268] {strides = array<i32>} : memref<3x200x128xf32, #tpu.memory_space<vmem>>, vector<16xf32>,
      %swap3A_1270 = arith.index_cast %scan3A_1114 : i32 to index
      %swap3A_1271 = arith.constant 48 : index
      %swap3A_1272 = tpu.vector_load %arg10[%swap3A_1270, %swap3A_1271] {strides = array<i32>} : memref<50x64xf32, #tpu.memory_space<vmem>>, vector<16xf32>,
      tpu.vector_store %arg10[%swap3A_1270, %swap3A_1271], %get3A_1269 {strides = array<i32>} : memref<50x64xf32, #tpu.memory_space<vmem>>, vector<16xf32>,
    }
    %scan3A_243 = arith.constant 50 : i32
    %add3A_244 = arith.constant 4 : i32
    %add3A_245 = arith.addi %mul3A_6, %add3A_244 : i32
    %add3A_246 = arith.constant 0 : i32
    %add3A_247 = arith.addi %add3A_245, %add3A_246 : i32
    %dma_start3A_248 = arith.constant 0 : i32
    %dma_start3A_249 = arith.constant 0 : i32
    %dma_start3A_250 = tpu.memref_slice %arg4[%add3A_247, %dma_start3A_248, %dma_start3A_249] : memref<16384x50x64xf32, #tpu.memory_space<hbm>> -> memref<1x50x64xf32, #tpu.memory_space<hbm>>
    %dma_start3A_251 = tpu.memref_squeeze %dma_start3A_250 : memref<1x50x64xf32, #tpu.memory_space<hbm>> -> memref<50x64xf32, #tpu.memory_space<hbm>>
    %dma_start3A_252 = arith.constant 0 : i32
    %dma_start3A_253 = arith.constant 0 : i32
    %dma_start3A_254 = tpu.memref_slice %arg4[%add3A_247, %dma_start3A_252, %dma_start3A_253] : memref<16384x50x64xf32, #tpu.memory_space<hbm>> -> memref<1x50x64xf32, #tpu.memory_space<hbm>>
    %dma_start3A_255 = tpu.memref_squeeze %dma_start3A_254 : memref<1x50x64xf32, #tpu.memory_space<hbm>> -> memref<50x64xf32, #tpu.memory_space<hbm>>
    tpu.enqueue_dma source(%arg7 : memref<50x64xf32, #tpu.memory_space<vmem>>) target(%dma_start3A_255 : memref<50x64xf32, #tpu.memory_space<hbm>>) target_semaphore(%arg17 : memref<!tpu.dma_semaphore, #tpu.memory_space<semaphore_mem>>)
    %add3A_256 = arith.constant 4 : i32
    %add3A_257 = arith.addi %mul3A_6, %add3A_256 : i32
    %add3A_258 = arith.constant 1 : i32
    %add3A_259 = arith.addi %add3A_257, %add3A_258 : i32
    %dma_start3A_260 = arith.constant 0 : i32
    %dma_start3A_261 = arith.constant 0 : i32
    %dma_start3A_262 = tpu.memref_slice %arg4[%add3A_259, %dma_start3A_260, %dma_start3A_261] : memref<16384x50x64xf32, #tpu.memory_space<hbm>> -> memref<1x50x64xf32, #tpu.memory_space<hbm>>
    %dma_start3A_263 = tpu.memref_squeeze %dma_start3A_262 : memref<1x50x64xf32, #tpu.memory_space<hbm>> -> memref<50x64xf32, #tpu.memory_space<hbm>>
    %dma_start3A_264 = arith.constant 0 : i32
    %dma_start3A_265 = arith.constant 0 : i32
    %dma_start3A_266 = tpu.memref_slice %arg4[%add3A_259, %dma_start3A_264, %dma_start3A_265] : memref<16384x50x64xf32, #tpu.memory_space<hbm>> -> memref<1x50x64xf32, #tpu.memory_space<hbm>>
    %dma_start3A_267 = tpu.memref_squeeze %dma_start3A_266 : memref<1x50x64xf32, #tpu.memory_space<hbm>> -> memref<50x64xf32, #tpu.memory_space<hbm>>
    tpu.enqueue_dma source(%arg8 : memref<50x64xf32, #tpu.memory_space<vmem>>) target(%dma_start3A_267 : memref<50x64xf32, #tpu.memory_space<hbm>>) target_semaphore(%arg17 : memref<!tpu.dma_semaphore, #tpu.memory_space<semaphore_mem>>)
    %add3A_268 = arith.constant 4 : i32
    %add3A_269 = arith.addi %mul3A_6, %add3A_268 : i32
    %add3A_270 = arith.constant 2 : i32
    %add3A_271 = arith.addi %add3A_269, %add3A_270 : i32
    %dma_start3A_272 = arith.constant 0 : i32
    %dma_start3A_273 = arith.constant 0 : i32
    %dma_start3A_274 = tpu.memref_slice %arg4[%add3A_271, %dma_start3A_272, %dma_start3A_273] : memref<16384x50x64xf32, #tpu.memory_space<hbm>> -> memref<1x50x64xf32, #tpu.memory_space<hbm>>
    %dma_start3A_275 = tpu.memref_squeeze %dma_start3A_274 : memref<1x50x64xf32, #tpu.memory_space<hbm>> -> memref<50x64xf32, #tpu.memory_space<hbm>>
    %dma_start3A_276 = arith.constant 0 : i32
    %dma_start3A_277 = arith.constant 0 : i32
    %dma_start3A_278 = tpu.memref_slice %arg4[%add3A_271, %dma_start3A_276, %dma_start3A_277] : memref<16384x50x64xf32, #tpu.memory_space<hbm>> -> memref<1x50x64xf32, #tpu.memory_space<hbm>>
    %dma_start3A_279 = tpu.memref_squeeze %dma_start3A_278 : memref<1x50x64xf32, #tpu.memory_space<hbm>> -> memref<50x64xf32, #tpu.memory_space<hbm>>
    tpu.enqueue_dma source(%arg9 : memref<50x64xf32, #tpu.memory_space<vmem>>) target(%dma_start3A_279 : memref<50x64xf32, #tpu.memory_space<hbm>>) target_semaphore(%arg17 : memref<!tpu.dma_semaphore, #tpu.memory_space<semaphore_mem>>)
    %add3A_280 = arith.constant 4 : i32
    %add3A_281 = arith.addi %mul3A_6, %add3A_280 : i32
    %add3A_282 = arith.constant 3 : i32
    %add3A_283 = arith.addi %add3A_281, %add3A_282 : i32
    %dma_start3A_284 = arith.constant 0 : i32
    %dma_start3A_285 = arith.constant 0 : i32
    %dma_start3A_286 = tpu.memref_slice %arg4[%add3A_283, %dma_start3A_284, %dma_start3A_285] : memref<16384x50x64xf32, #tpu.memory_space<hbm>> -> memref<1x50x64xf32, #tpu.memory_space<hbm>>
    %dma_start3A_287 = tpu.memref_squeeze %dma_start3A_286 : memref<1x50x64xf32, #tpu.memory_space<hbm>> -> memref<50x64xf32, #tpu.memory_space<hbm>>
    %dma_start3A_288 = arith.constant 0 : i32
    %dma_start3A_289 = arith.constant 0 : i32
    %dma_start3A_290 = tpu.memref_slice %arg4[%add3A_283, %dma_start3A_288, %dma_start3A_289] : memref<16384x50x64xf32, #tpu.memory_space<hbm>> -> memref<1x50x64xf32, #tpu.memory_space<hbm>>
    %dma_start3A_291 = tpu.memref_squeeze %dma_start3A_290 : memref<1x50x64xf32, #tpu.memory_space<hbm>> -> memref<50x64xf32, #tpu.memory_space<hbm>>
    tpu.enqueue_dma source(%arg10 : memref<50x64xf32, #tpu.memory_space<vmem>>) target(%dma_start3A_291 : memref<50x64xf32, #tpu.memory_space<hbm>>) target_semaphore(%arg17 : memref<!tpu.dma_semaphore, #tpu.memory_space<semaphore_mem>>)
    %dma_wait3A_292 = arith.constant 2 : i32
    %dma_wait3A_293 = arith.constant 0 : i32
    %dma_wait3A_294 = arith.constant 0 : i32
    %dma_wait3A_295 = tpu.memref_slice %arg6[%dma_wait3A_292, %dma_wait3A_293, %dma_wait3A_294] : memref<3x200x128xf32, #tpu.memory_space<vmem>> -> memref<1x200x128xf32, #tpu.memory_space<vmem>>
    %dma_wait3A_296 = tpu.memref_squeeze %dma_wait3A_295 : memref<1x200x128xf32, #tpu.memory_space<vmem>> -> memref<200x128xf32, #tpu.memory_space<vmem>>
    %dma_wait3A_297 = arith.constant 400 : i32
    %dma_wait3A_298 = tpu.memref_slice %arg5[%dma_wait3A_297] : memref<600xi32, #tpu.memory_space<vmem>> -> memref<200xi32, #tpu.memory_space<vmem>>
    %dma_wait3A_299 = arith.constant 0 : i32
    %dma_wait3A_300 = arith.constant 0 : i32
    %dma_wait3A_301 = tpu.memref_slice %arg3[%dma_wait3A_299, %dma_wait3A_300] : memref<1000000x128xf32, #tpu.memory_space<hbm>> -> memref<1000000x128xf32, #tpu.memory_space<hbm>>
    tpu.wait_indirect_dma semaphore(%arg16 : memref<!tpu.dma_semaphore, #tpu.memory_space<semaphore_mem>>) src(%dma_wait3A_301 : memref<1000000x128xf32, #tpu.memory_space<hbm>>) dst(%dma_wait3A_296 : memref<200x128xf32, #tpu.memory_space<vmem>>)
    %add3A_302 = arith.constant 1000 : i32
    %add3A_303 = arith.addi %mul3A_4, %add3A_302 : i32
    %dma_start3A_304 = arith.constant 400 : i32
    %dma_start3A_305 = tpu.memref_slice %arg5[%dma_start3A_304] : memref<600xi32, #tpu.memory_space<vmem>> -> memref<200xi32, #tpu.memory_space<vmem>>
    %dma_start3A_306 = tpu.memref_slice %arg2[%add3A_303] : memref<819200xi32, #tpu.memory_space<hbm>> -> memref<200xi32, #tpu.memory_space<hbm>>
    %dma_start3A_307 = arith.constant 400 : i32
    %dma_start3A_308 = tpu.memref_slice %arg5[%dma_start3A_307] : memref<600xi32, #tpu.memory_space<vmem>> -> memref<200xi32, #tpu.memory_space<vmem>>
    %dma_start3A_309 = tpu.memref_slice %arg2[%add3A_303] : memref<819200xi32, #tpu.memory_space<hbm>> -> memref<200xi32, #tpu.memory_space<hbm>>
    tpu.enqueue_dma source(%dma_start3A_309 : memref<200xi32, #tpu.memory_space<hbm>>) target(%dma_start3A_308 : memref<200xi32, #tpu.memory_space<vmem>>) target_semaphore(%arg13 : memref<!tpu.dma_semaphore, #tpu.memory_space<semaphore_mem>>)
    %add3A_310 = arith.constant 800 : i32
    %add3A_311 = arith.addi %mul3A_4, %add3A_310 : i32
    %dma_wait3A_312 = arith.constant 200 : i32
    %dma_wait3A_313 = tpu.memref_slice %arg5[%dma_wait3A_312] : memref<600xi32, #tpu.memory_space<vmem>> -> memref<200xi32, #tpu.memory_space<vmem>>
    %dma_wait3A_314 = tpu.memref_slice %arg2[%add3A_311] : memref<819200xi32, #tpu.memory_space<hbm>> -> memref<200xi32, #tpu.memory_space<hbm>>
    %dma_wait3A_315 = arith.constant 200 : i32
    %dma_wait3A_316 = tpu.memref_slice %arg5[%dma_wait3A_315] : memref<600xi32, #tpu.memory_space<vmem>> -> memref<200xi32, #tpu.memory_space<vmem>>
    %dma_wait3A_317 = tpu.memref_slice %arg2[%add3A_311] : memref<819200xi32, #tpu.memory_space<hbm>> -> memref<200xi32, #tpu.memory_space<hbm>>
    tpu.wait_dma2 semaphore(%arg12 : memref<!tpu.dma_semaphore, #tpu.memory_space<semaphore_mem>>) src(%dma_wait3A_317 : memref<200xi32, #tpu.memory_space<hbm>>) dst(%dma_wait3A_316 : memref<200xi32, #tpu.memory_space<vmem>>)
    %dma_start3A_318 = arith.constant 1 : i32
    %dma_start3A_319 = arith.constant 0 : i32
    %dma_start3A_320 = arith.constant 0 : i32
    %dma_start3A_321 = tpu.memref_slice %arg6[%dma_start3A_318, %dma_start3A_319, %dma_start3A_320] : memref<3x200x128xf32, #tpu.memory_space<vmem>> -> memref<1x200x128xf32, #tpu.memory_space<vmem>>
    %dma_start3A_322 = tpu.memref_squeeze %dma_start3A_321 : memref<1x200x128xf32, #tpu.memory_space<vmem>> -> memref<200x128xf32, #tpu.memory_space<vmem>>
    %dma_start3A_323 = arith.constant 200 : i32
    %dma_start3A_324 = tpu.memref_slice %arg5[%dma_start3A_323] : memref<600xi32, #tpu.memory_space<vmem>> -> memref<200xi32, #tpu.memory_space<vmem>>
    %dma_start3A_325 = arith.constant 0 : i32
    %dma_start3A_326 = arith.constant 0 : i32
    %dma_start3A_327 = tpu.memref_slice %arg3[%dma_start3A_325, %dma_start3A_326] : memref<1000000x128xf32, #tpu.memory_space<hbm>> -> memref<1000000x128xf32, #tpu.memory_space<hbm>>
    tpu.enqueue_indirect_dma source(%dma_start3A_327 : memref<1000000x128xf32, #tpu.memory_space<hbm>>) target(%dma_start3A_322 : memref<200x128xf32, #tpu.memory_space<vmem>>) offsets(%dma_start3A_324 : memref<200xi32, #tpu.memory_space<vmem>>) semaphore(%arg15 : memref<!tpu.dma_semaphore, #tpu.memory_space<semaphore_mem>>)
    %add3A_328 = arith.constant 4 : i32
    %add3A_329 = arith.addi %mul3A_6, %add3A_328 : i32
    %add3A_330 = arith.constant 0 : i32
    %add3A_331 = arith.addi %add3A_329, %add3A_330 : i32
    %dma_wait3A_332 = arith.constant 0 : i32
    %dma_wait3A_333 = arith.constant 0 : i32
    %dma_wait3A_334 = tpu.memref_slice %arg4[%add3A_331, %dma_wait3A_332, %dma_wait3A_333] : memref<16384x50x64xf32, #tpu.memory_space<hbm>> -> memref<1x50x64xf32, #tpu.memory_space<hbm>>
    %dma_wait3A_335 = tpu.memref_squeeze %dma_wait3A_334 : memref<1x50x64xf32, #tpu.memory_space<hbm>> -> memref<50x64xf32, #tpu.memory_space<hbm>>
    %dma_wait3A_336 = arith.constant 0 : i32
    %dma_wait3A_337 = arith.constant 0 : i32
    %dma_wait3A_338 = tpu.memref_slice %arg4[%add3A_331, %dma_wait3A_336, %dma_wait3A_337] : memref<16384x50x64xf32, #tpu.memory_space<hbm>> -> memref<1x50x64xf32, #tpu.memory_space<hbm>>
    %dma_wait3A_339 = tpu.memref_squeeze %dma_wait3A_338 : memref<1x50x64xf32, #tpu.memory_space<hbm>> -> memref<50x64xf32, #tpu.memory_space<hbm>>
    tpu.wait_dma2 semaphore(%arg17 : memref<!tpu.dma_semaphore, #tpu.memory_space<semaphore_mem>>) src(%arg7 : memref<50x64xf32, #tpu.memory_space<vmem>>) dst(%dma_wait3A_339 : memref<50x64xf32, #tpu.memory_space<hbm>>)
    %add3A_340 = arith.constant 4 : i32
    %add3A_341 = arith.addi %mul3A_6, %add3A_340 : i32
    %add3A_342 = arith.constant 1 : i32
    %add3A_343 = arith.addi %add3A_341, %add3A_342 : i32
    %dma_wait3A_344 = arith.constant 0 : i32
    %dma_wait3A_345 = arith.constant 0 : i32
    %dma_wait3A_346 = tpu.memref_slice %arg4[%add3A_343, %dma_wait3A_344, %dma_wait3A_345] : memref<16384x50x64xf32, #tpu.memory_space<hbm>> -> memref<1x50x64xf32, #tpu.memory_space<hbm>>
    %dma_wait3A_347 = tpu.memref_squeeze %dma_wait3A_346 : memref<1x50x64xf32, #tpu.memory_space<hbm>> -> memref<50x64xf32, #tpu.memory_space<hbm>>
    %dma_wait3A_348 = arith.constant 0 : i32
    %dma_wait3A_349 = arith.constant 0 : i32
    %dma_wait3A_350 = tpu.memref_slice %arg4[%add3A_343, %dma_wait3A_348, %dma_wait3A_349] : memref<16384x50x64xf32, #tpu.memory_space<hbm>> -> memref<1x50x64xf32, #tpu.memory_space<hbm>>
    %dma_wait3A_351 = tpu.memref_squeeze %dma_wait3A_350 : memref<1x50x64xf32, #tpu.memory_space<hbm>> -> memref<50x64xf32, #tpu.memory_space<hbm>>
    tpu.wait_dma2 semaphore(%arg17 : memref<!tpu.dma_semaphore, #tpu.memory_space<semaphore_mem>>) src(%arg8 : memref<50x64xf32, #tpu.memory_space<vmem>>) dst(%dma_wait3A_351 : memref<50x64xf32, #tpu.memory_space<hbm>>)
    %add3A_352 = arith.constant 4 : i32
    %add3A_353 = arith.addi %mul3A_6, %add3A_352 : i32
    %add3A_354 = arith.constant 2 : i32
    %add3A_355 = arith.addi %add3A_353, %add3A_354 : i32
    %dma_wait3A_356 = arith.constant 0 : i32
    %dma_wait3A_357 = arith.constant 0 : i32
    %dma_wait3A_358 = tpu.memref_slice %arg4[%add3A_355, %dma_wait3A_356, %dma_wait3A_357] : memref<16384x50x64xf32, #tpu.memory_space<hbm>> -> memref<1x50x64xf32, #tpu.memory_space<hbm>>
    %dma_wait3A_359 = tpu.memref_squeeze %dma_wait3A_358 : memref<1x50x64xf32, #tpu.memory_space<hbm>> -> memref<50x64xf32, #tpu.memory_space<hbm>>
    %dma_wait3A_360 = arith.constant 0 : i32
    %dma_wait3A_361 = arith.constant 0 : i32
    %dma_wait3A_362 = tpu.memref_slice %arg4[%add3A_355, %dma_wait3A_360, %dma_wait3A_361] : memref<16384x50x64xf32, #tpu.memory_space<hbm>> -> memref<1x50x64xf32, #tpu.memory_space<hbm>>
    %dma_wait3A_363 = tpu.memref_squeeze %dma_wait3A_362 : memref<1x50x64xf32, #tpu.memory_space<hbm>> -> memref<50x64xf32, #tpu.memory_space<hbm>>
    tpu.wait_dma2 semaphore(%arg17 : memref<!tpu.dma_semaphore, #tpu.memory_space<semaphore_mem>>) src(%arg9 : memref<50x64xf32, #tpu.memory_space<vmem>>) dst(%dma_wait3A_363 : memref<50x64xf32, #tpu.memory_space<hbm>>)
    %add3A_364 = arith.constant 4 : i32
    %add3A_365 = arith.addi %mul3A_6, %add3A_364 : i32
    %add3A_366 = arith.constant 3 : i32
    %add3A_367 = arith.addi %add3A_365, %add3A_366 : i32
    %dma_wait3A_368 = arith.constant 0 : i32
    %dma_wait3A_369 = arith.constant 0 : i32
    %dma_wait3A_370 = tpu.memref_slice %arg4[%add3A_367, %dma_wait3A_368, %dma_wait3A_369] : memref<16384x50x64xf32, #tpu.memory_space<hbm>> -> memref<1x50x64xf32, #tpu.memory_space<hbm>>
    %dma_wait3A_371 = tpu.memref_squeeze %dma_wait3A_370 : memref<1x50x64xf32, #tpu.memory_space<hbm>> -> memref<50x64xf32, #tpu.memory_space<hbm>>
    %dma_wait3A_372 = arith.constant 0 : i32
    %dma_wait3A_373 = arith.constant 0 : i32
    %dma_wait3A_374 = tpu.memref_slice %arg4[%add3A_367, %dma_wait3A_372, %dma_wait3A_373] : memref<16384x50x64xf32, #tpu.memory_space<hbm>> -> memref<1x50x64xf32, #tpu.memory_space<hbm>>
    %dma_wait3A_375 = tpu.memref_squeeze %dma_wait3A_374 : memref<1x50x64xf32, #tpu.memory_space<hbm>> -> memref<50x64xf32, #tpu.memory_space<hbm>>
    tpu.wait_dma2 semaphore(%arg17 : memref<!tpu.dma_semaphore, #tpu.memory_space<semaphore_mem>>) src(%arg10 : memref<50x64xf32, #tpu.memory_space<vmem>>) dst(%dma_wait3A_375 : memref<50x64xf32, #tpu.memory_space<hbm>>)
    %scan3A_376 = arith.constant 0 : i32
    %scan3A_377 = arith.constant 0 : i32
    %scan3A_378 = arith.constant 50 : i32
    %scan3A_379 = arith.addi %scan3A_377, %scan3A_378 : i32
    %scan3A_380 = arith.constant 1 : i32
    scf.for %scan3A_1114 = %scan3A_377 to %scan3A_379 step %scan3A_380  : i32 {
      %add3A_1115 = arith.constant 0 : i32
      %add3A_1116 = arith.addi %add3A_1115, %scan3A_1114 : i32
      %get3A = arith.constant 2 : i32
      %get3A_1117 = arith.index_cast %get3A : i32 to index
      %get3A_1118 = arith.index_cast %add3A_1116 : i32 to index
      %get3A_1119 = arith.constant 0 : index
      %get3A_1120 = tpu.vector_load %arg6[%get3A_1117, %get3A_1118, %get3A_1119] {strides = array<i32>} : memref<3x200x128xf32, #tpu.memory_space<vmem>>, vector<16xf32>,
      %swap3A = arith.index_cast %scan3A_1114 : i32 to index
      %swap3A_1121 = arith.constant 0 : index
      %swap3A_1122 = tpu.vector_load %arg7[%swap3A, %swap3A_1121] {strides = array<i32>} : memref<50x64xf32, #tpu.memory_space<vmem>>, vector<16xf32>,
      tpu.vector_store %arg7[%swap3A, %swap3A_1121], %get3A_1120 {strides = array<i32>} : memref<50x64xf32, #tpu.memory_space<vmem>>, vector<16xf32>,
      %add3A_1123 = arith.constant 0 : i32
      %add3A_1124 = arith.addi %add3A_1123, %scan3A_1114 : i32
      %get3A_1125 = arith.constant 2 : i32
      %get3A_1126 = arith.index_cast %get3A_1125 : i32 to index
      %get3A_1127 = arith.index_cast %add3A_1124 : i32 to index
      %get3A_1128 = arith.constant 16 : index
      %get3A_1129 = tpu.vector_load %arg6[%get3A_1126, %get3A_1127, %get3A_1128] {strides = array<i32>} : memref<3x200x128xf32, #tpu.memory_space<vmem>>, vector<16xf32>,
      %swap3A_1130 = arith.index_cast %scan3A_1114 : i32 to index
      %swap3A_1131 = arith.constant 16 : index
      %swap3A_1132 = tpu.vector_load %arg7[%swap3A_1130, %swap3A_1131] {strides = array<i32>} : memref<50x64xf32, #tpu.memory_space<vmem>>, vector<16xf32>,
      tpu.vector_store %arg7[%swap3A_1130, %swap3A_1131], %get3A_1129 {strides = array<i32>} : memref<50x64xf32, #tpu.memory_space<vmem>>, vector<16xf32>,
      %add3A_1133 = arith.constant 0 : i32
      %add3A_1134 = arith.addi %add3A_1133, %scan3A_1114 : i32
      %get3A_1135 = arith.constant 2 : i32
      %get3A_1136 = arith.index_cast %get3A_1135 : i32 to index
      %get3A_1137 = arith.index_cast %add3A_1134 : i32 to index
      %get3A_1138 = arith.constant 32 : index
      %get3A_1139 = tpu.vector_load %arg6[%get3A_1136, %get3A_1137, %get3A_1138] {strides = array<i32>} : memref<3x200x128xf32, #tpu.memory_space<vmem>>, vector<16xf32>,
      %swap3A_1140 = arith.index_cast %scan3A_1114 : i32 to index
      %swap3A_1141 = arith.constant 32 : index
      %swap3A_1142 = tpu.vector_load %arg7[%swap3A_1140, %swap3A_1141] {strides = array<i32>} : memref<50x64xf32, #tpu.memory_space<vmem>>, vector<16xf32>,
      tpu.vector_store %arg7[%swap3A_1140, %swap3A_1141], %get3A_1139 {strides = array<i32>} : memref<50x64xf32, #tpu.memory_space<vmem>>, vector<16xf32>,
      %add3A_1143 = arith.constant 0 : i32
      %add3A_1144 = arith.addi %add3A_1143, %scan3A_1114 : i32
      %get3A_1145 = arith.constant 2 : i32
      %get3A_1146 = arith.index_cast %get3A_1145 : i32 to index
      %get3A_1147 = arith.index_cast %add3A_1144 : i32 to index
      %get3A_1148 = arith.constant 48 : index
      %get3A_1149 = tpu.vector_load %arg6[%get3A_1146, %get3A_1147, %get3A_1148] {strides = array<i32>} : memref<3x200x128xf32, #tpu.memory_space<vmem>>, vector<16xf32>,
      %swap3A_1150 = arith.index_cast %scan3A_1114 : i32 to index
      %swap3A_1151 = arith.constant 48 : index
      %swap3A_1152 = tpu.vector_load %arg7[%swap3A_1150, %swap3A_1151] {strides = array<i32>} : memref<50x64xf32, #tpu.memory_space<vmem>>, vector<16xf32>,
      tpu.vector_store %arg7[%swap3A_1150, %swap3A_1151], %get3A_1149 {strides = array<i32>} : memref<50x64xf32, #tpu.memory_space<vmem>>, vector<16xf32>,
      %add3A_1153 = arith.constant 50 : i32
      %add3A_1154 = arith.addi %add3A_1153, %scan3A_1114 : i32
      %get3A_1155 = arith.constant 2 : i32
      %get3A_1156 = arith.index_cast %get3A_1155 : i32 to index
      %get3A_1157 = arith.index_cast %add3A_1154 : i32 to index
      %get3A_1158 = arith.constant 0 : index
      %get3A_1159 = tpu.vector_load %arg6[%get3A_1156, %get3A_1157, %get3A_1158] {strides = array<i32>} : memref<3x200x128xf32, #tpu.memory_space<vmem>>, vector<16xf32>,
      %swap3A_1160 = arith.index_cast %scan3A_1114 : i32 to index
      %swap3A_1161 = arith.constant 0 : index
      %swap3A_1162 = tpu.vector_load %arg8[%swap3A_1160, %swap3A_1161] {strides = array<i32>} : memref<50x64xf32, #tpu.memory_space<vmem>>, vector<16xf32>,
      tpu.vector_store %arg8[%swap3A_1160, %swap3A_1161], %get3A_1159 {strides = array<i32>} : memref<50x64xf32, #tpu.memory_space<vmem>>, vector<16xf32>,
      %add3A_1163 = arith.constant 50 : i32
      %add3A_1164 = arith.addi %add3A_1163, %scan3A_1114 : i32
      %get3A_1165 = arith.constant 2 : i32
      %get3A_1166 = arith.index_cast %get3A_1165 : i32 to index
      %get3A_1167 = arith.index_cast %add3A_1164 : i32 to index
      %get3A_1168 = arith.constant 16 : index
      %get3A_1169 = tpu.vector_load %arg6[%get3A_1166, %get3A_1167, %get3A_1168] {strides = array<i32>} : memref<3x200x128xf32, #tpu.memory_space<vmem>>, vector<16xf32>,
      %swap3A_1170 = arith.index_cast %scan3A_1114 : i32 to index
      %swap3A_1171 = arith.constant 16 : index
      %swap3A_1172 = tpu.vector_load %arg8[%swap3A_1170, %swap3A_1171] {strides = array<i32>} : memref<50x64xf32, #tpu.memory_space<vmem>>, vector<16xf32>,
      tpu.vector_store %arg8[%swap3A_1170, %swap3A_1171], %get3A_1169 {strides = array<i32>} : memref<50x64xf32, #tpu.memory_space<vmem>>, vector<16xf32>,
      %add3A_1173 = arith.constant 50 : i32
      %add3A_1174 = arith.addi %add3A_1173, %scan3A_1114 : i32
      %get3A_1175 = arith.constant 2 : i32
      %get3A_1176 = arith.index_cast %get3A_1175 : i32 to index
      %get3A_1177 = arith.index_cast %add3A_1174 : i32 to index
      %get3A_1178 = arith.constant 32 : index
      %get3A_1179 = tpu.vector_load %arg6[%get3A_1176, %get3A_1177, %get3A_1178] {strides = array<i32>} : memref<3x200x128xf32, #tpu.memory_space<vmem>>, vector<16xf32>,
      %swap3A_1180 = arith.index_cast %scan3A_1114 : i32 to index
      %swap3A_1181 = arith.constant 32 : index
      %swap3A_1182 = tpu.vector_load %arg8[%swap3A_1180, %swap3A_1181] {strides = array<i32>} : memref<50x64xf32, #tpu.memory_space<vmem>>, vector<16xf32>,
      tpu.vector_store %arg8[%swap3A_1180, %swap3A_1181], %get3A_1179 {strides = array<i32>} : memref<50x64xf32, #tpu.memory_space<vmem>>, vector<16xf32>,
      %add3A_1183 = arith.constant 50 : i32
      %add3A_1184 = arith.addi %add3A_1183, %scan3A_1114 : i32
      %get3A_1185 = arith.constant 2 : i32
      %get3A_1186 = arith.index_cast %get3A_1185 : i32 to index
      %get3A_1187 = arith.index_cast %add3A_1184 : i32 to index
      %get3A_1188 = arith.constant 48 : index
      %get3A_1189 = tpu.vector_load %arg6[%get3A_1186, %get3A_1187, %get3A_1188] {strides = array<i32>} : memref<3x200x128xf32, #tpu.memory_space<vmem>>, vector<16xf32>,
      %swap3A_1190 = arith.index_cast %scan3A_1114 : i32 to index
      %swap3A_1191 = arith.constant 48 : index
      %swap3A_1192 = tpu.vector_load %arg8[%swap3A_1190, %swap3A_1191] {strides = array<i32>} : memref<50x64xf32, #tpu.memory_space<vmem>>, vector<16xf32>,
      tpu.vector_store %arg8[%swap3A_1190, %swap3A_1191], %get3A_1189 {strides = array<i32>} : memref<50x64xf32, #tpu.memory_space<vmem>>, vector<16xf32>,
      %add3A_1193 = arith.constant 100 : i32
      %add3A_1194 = arith.addi %add3A_1193, %scan3A_1114 : i32
      %get3A_1195 = arith.constant 2 : i32
      %get3A_1196 = arith.index_cast %get3A_1195 : i32 to index
      %get3A_1197 = arith.index_cast %add3A_1194 : i32 to index
      %get3A_1198 = arith.constant 0 : index
      %get3A_1199 = tpu.vector_load %arg6[%get3A_1196, %get3A_1197, %get3A_1198] {strides = array<i32>} : memref<3x200x128xf32, #tpu.memory_space<vmem>>, vector<16xf32>,
      %swap3A_1200 = arith.index_cast %scan3A_1114 : i32 to index
      %swap3A_1201 = arith.constant 0 : index
      %swap3A_1202 = tpu.vector_load %arg9[%swap3A_1200, %swap3A_1201] {strides = array<i32>} : memref<50x64xf32, #tpu.memory_space<vmem>>, vector<16xf32>,
      tpu.vector_store %arg9[%swap3A_1200, %swap3A_1201], %get3A_1199 {strides = array<i32>} : memref<50x64xf32, #tpu.memory_space<vmem>>, vector<16xf32>,
      %add3A_1203 = arith.constant 100 : i32
      %add3A_1204 = arith.addi %add3A_1203, %scan3A_1114 : i32
      %get3A_1205 = arith.constant 2 : i32
      %get3A_1206 = arith.index_cast %get3A_1205 : i32 to index
      %get3A_1207 = arith.index_cast %add3A_1204 : i32 to index
      %get3A_1208 = arith.constant 16 : index
      %get3A_1209 = tpu.vector_load %arg6[%get3A_1206, %get3A_1207, %get3A_1208] {strides = array<i32>} : memref<3x200x128xf32, #tpu.memory_space<vmem>>, vector<16xf32>,
      %swap3A_1210 = arith.index_cast %scan3A_1114 : i32 to index
      %swap3A_1211 = arith.constant 16 : index
      %swap3A_1212 = tpu.vector_load %arg9[%swap3A_1210, %swap3A_1211] {strides = array<i32>} : memref<50x64xf32, #tpu.memory_space<vmem>>, vector<16xf32>,
      tpu.vector_store %arg9[%swap3A_1210, %swap3A_1211], %get3A_1209 {strides = array<i32>} : memref<50x64xf32, #tpu.memory_space<vmem>>, vector<16xf32>,
      %add3A_1213 = arith.constant 100 : i32
      %add3A_1214 = arith.addi %add3A_1213, %scan3A_1114 : i32
      %get3A_1215 = arith.constant 2 : i32
      %get3A_1216 = arith.index_cast %get3A_1215 : i32 to index
      %get3A_1217 = arith.index_cast %add3A_1214 : i32 to index
      %get3A_1218 = arith.constant 32 : index
      %get3A_1219 = tpu.vector_load %arg6[%get3A_1216, %get3A_1217, %get3A_1218] {strides = array<i32>} : memref<3x200x128xf32, #tpu.memory_space<vmem>>, vector<16xf32>,
      %swap3A_1220 = arith.index_cast %scan3A_1114 : i32 to index
      %swap3A_1221 = arith.constant 32 : index
      %swap3A_1222 = tpu.vector_load %arg9[%swap3A_1220, %swap3A_1221] {strides = array<i32>} : memref<50x64xf32, #tpu.memory_space<vmem>>, vector<16xf32>,
      tpu.vector_store %arg9[%swap3A_1220, %swap3A_1221], %get3A_1219 {strides = array<i32>} : memref<50x64xf32, #tpu.memory_space<vmem>>, vector<16xf32>,
      %add3A_1223 = arith.constant 100 : i32
      %add3A_1224 = arith.addi %add3A_1223, %scan3A_1114 : i32
      %get3A_1225 = arith.constant 2 : i32
      %get3A_1226 = arith.index_cast %get3A_1225 : i32 to index
      %get3A_1227 = arith.index_cast %add3A_1224 : i32 to index
      %get3A_1228 = arith.constant 48 : index
      %get3A_1229 = tpu.vector_load %arg6[%get3A_1226, %get3A_1227, %get3A_1228] {strides = array<i32>} : memref<3x200x128xf32, #tpu.memory_space<vmem>>, vector<16xf32>,
      %swap3A_1230 = arith.index_cast %scan3A_1114 : i32 to index
      %swap3A_1231 = arith.constant 48 : index
      %swap3A_1232 = tpu.vector_load %arg9[%swap3A_1230, %swap3A_1231] {strides = array<i32>} : memref<50x64xf32, #tpu.memory_space<vmem>>, vector<16xf32>,
      tpu.vector_store %arg9[%swap3A_1230, %swap3A_1231], %get3A_1229 {strides = array<i32>} : memref<50x64xf32, #tpu.memory_space<vmem>>, vector<16xf32>,
      %add3A_1233 = arith.constant 150 : i32
      %add3A_1234 = arith.addi %add3A_1233, %scan3A_1114 : i32
      %get3A_1235 = arith.constant 2 : i32
      %get3A_1236 = arith.index_cast %get3A_1235 : i32 to index
      %get3A_1237 = arith.index_cast %add3A_1234 : i32 to index
      %get3A_1238 = arith.constant 0 : index
      %get3A_1239 = tpu.vector_load %arg6[%get3A_1236, %get3A_1237, %get3A_1238] {strides = array<i32>} : memref<3x200x128xf32, #tpu.memory_space<vmem>>, vector<16xf32>,
      %swap3A_1240 = arith.index_cast %scan3A_1114 : i32 to index
      %swap3A_1241 = arith.constant 0 : index
      %swap3A_1242 = tpu.vector_load %arg10[%swap3A_1240, %swap3A_1241] {strides = array<i32>} : memref<50x64xf32, #tpu.memory_space<vmem>>, vector<16xf32>,
      tpu.vector_store %arg10[%swap3A_1240, %swap3A_1241], %get3A_1239 {strides = array<i32>} : memref<50x64xf32, #tpu.memory_space<vmem>>, vector<16xf32>,
      %add3A_1243 = arith.constant 150 : i32
      %add3A_1244 = arith.addi %add3A_1243, %scan3A_1114 : i32
      %get3A_1245 = arith.constant 2 : i32
      %get3A_1246 = arith.index_cast %get3A_1245 : i32 to index
      %get3A_1247 = arith.index_cast %add3A_1244 : i32 to index
      %get3A_1248 = arith.constant 16 : index
      %get3A_1249 = tpu.vector_load %arg6[%get3A_1246, %get3A_1247, %get3A_1248] {strides = array<i32>} : memref<3x200x128xf32, #tpu.memory_space<vmem>>, vector<16xf32>,
      %swap3A_1250 = arith.index_cast %scan3A_1114 : i32 to index
      %swap3A_1251 = arith.constant 16 : index
      %swap3A_1252 = tpu.vector_load %arg10[%swap3A_1250, %swap3A_1251] {strides = array<i32>} : memref<50x64xf32, #tpu.memory_space<vmem>>, vector<16xf32>,
      tpu.vector_store %arg10[%swap3A_1250, %swap3A_1251], %get3A_1249 {strides = array<i32>} : memref<50x64xf32, #tpu.memory_space<vmem>>, vector<16xf32>,
      %add3A_1253 = arith.constant 150 : i32
      %add3A_1254 = arith.addi %add3A_1253, %scan3A_1114 : i32
      %get3A_1255 = arith.constant 2 : i32
      %get3A_1256 = arith.index_cast %get3A_1255 : i32 to index
      %get3A_1257 = arith.index_cast %add3A_1254 : i32 to index
      %get3A_1258 = arith.constant 32 : index
      %get3A_1259 = tpu.vector_load %arg6[%get3A_1256, %get3A_1257, %get3A_1258] {strides = array<i32>} : memref<3x200x128xf32, #tpu.memory_space<vmem>>, vector<16xf32>,
      %swap3A_1260 = arith.index_cast %scan3A_1114 : i32 to index
      %swap3A_1261 = arith.constant 32 : index
      %swap3A_1262 = tpu.vector_load %arg10[%swap3A_1260, %swap3A_1261] {strides = array<i32>} : memref<50x64xf32, #tpu.memory_space<vmem>>, vector<16xf32>,
      tpu.vector_store %arg10[%swap3A_1260, %swap3A_1261], %get3A_1259 {strides = array<i32>} : memref<50x64xf32, #tpu.memory_space<vmem>>, vector<16xf32>,
      %add3A_1263 = arith.constant 150 : i32
      %add3A_1264 = arith.addi %add3A_1263, %scan3A_1114 : i32
      %get3A_1265 = arith.constant 2 : i32
      %get3A_1266 = arith.index_cast %get3A_1265 : i32 to index
      %get3A_1267 = arith.index_cast %add3A_1264 : i32 to index
      %get3A_1268 = arith.constant 48 : index
      %get3A_1269 = tpu.vector_load %arg6[%get3A_1266, %get3A_1267, %get3A_1268] {strides = array<i32>} : memref<3x200x128xf32, #tpu.memory_space<vmem>>, vector<16xf32>,
      %swap3A_1270 = arith.index_cast %scan3A_1114 : i32 to index
      %swap3A_1271 = arith.constant 48 : index
      %swap3A_1272 = tpu.vector_load %arg10[%swap3A_1270, %swap3A_1271] {strides = array<i32>} : memref<50x64xf32, #tpu.memory_space<vmem>>, vector<16xf32>,
      tpu.vector_store %arg10[%swap3A_1270, %swap3A_1271], %get3A_1269 {strides = array<i32>} : memref<50x64xf32, #tpu.memory_space<vmem>>, vector<16xf32>,
    }
    %scan3A_381 = arith.constant 50 : i32
    %add3A_382 = arith.constant 8 : i32
    %add3A_383 = arith.addi %mul3A_6, %add3A_382 : i32
    %add3A_384 = arith.constant 0 : i32
    %add3A_385 = arith.addi %add3A_383, %add3A_384 : i32
    %dma_start3A_386 = arith.constant 0 : i32
    %dma_start3A_387 = arith.constant 0 : i32
    %dma_start3A_388 = tpu.memref_slice %arg4[%add3A_385, %dma_start3A_386, %dma_start3A_387] : memref<16384x50x64xf32, #tpu.memory_space<hbm>> -> memref<1x50x64xf32, #tpu.memory_space<hbm>>
    %dma_start3A_389 = tpu.memref_squeeze %dma_start3A_388 : memref<1x50x64xf32, #tpu.memory_space<hbm>> -> memref<50x64xf32, #tpu.memory_space<hbm>>
    %dma_start3A_390 = arith.constant 0 : i32
    %dma_start3A_391 = arith.constant 0 : i32
    %dma_start3A_392 = tpu.memref_slice %arg4[%add3A_385, %dma_start3A_390, %dma_start3A_391] : memref<16384x50x64xf32, #tpu.memory_space<hbm>> -> memref<1x50x64xf32, #tpu.memory_space<hbm>>
    %dma_start3A_393 = tpu.memref_squeeze %dma_start3A_392 : memref<1x50x64xf32, #tpu.memory_space<hbm>> -> memref<50x64xf32, #tpu.memory_space<hbm>>
    tpu.enqueue_dma source(%arg7 : memref<50x64xf32, #tpu.memory_space<vmem>>) target(%dma_start3A_393 : memref<50x64xf32, #tpu.memory_space<hbm>>) target_semaphore(%arg17 : memref<!tpu.dma_semaphore, #tpu.memory_space<semaphore_mem>>)
    %add3A_394 = arith.constant 8 : i32
    %add3A_395 = arith.addi %mul3A_6, %add3A_394 : i32
    %add3A_396 = arith.constant 1 : i32
    %add3A_397 = arith.addi %add3A_395, %add3A_396 : i32
    %dma_start3A_398 = arith.constant 0 : i32
    %dma_start3A_399 = arith.constant 0 : i32
    %dma_start3A_400 = tpu.memref_slice %arg4[%add3A_397, %dma_start3A_398, %dma_start3A_399] : memref<16384x50x64xf32, #tpu.memory_space<hbm>> -> memref<1x50x64xf32, #tpu.memory_space<hbm>>
    %dma_start3A_401 = tpu.memref_squeeze %dma_start3A_400 : memref<1x50x64xf32, #tpu.memory_space<hbm>> -> memref<50x64xf32, #tpu.memory_space<hbm>>
    %dma_start3A_402 = arith.constant 0 : i32
    %dma_start3A_403 = arith.constant 0 : i32
    %dma_start3A_404 = tpu.memref_slice %arg4[%add3A_397, %dma_start3A_402, %dma_start3A_403] : memref<16384x50x64xf32, #tpu.memory_space<hbm>> -> memref<1x50x64xf32, #tpu.memory_space<hbm>>
    %dma_start3A_405 = tpu.memref_squeeze %dma_start3A_404 : memref<1x50x64xf32, #tpu.memory_space<hbm>> -> memref<50x64xf32, #tpu.memory_space<hbm>>
    tpu.enqueue_dma source(%arg8 : memref<50x64xf32, #tpu.memory_space<vmem>>) target(%dma_start3A_405 : memref<50x64xf32, #tpu.memory_space<hbm>>) target_semaphore(%arg17 : memref<!tpu.dma_semaphore, #tpu.memory_space<semaphore_mem>>)
    %add3A_406 = arith.constant 8 : i32
    %add3A_407 = arith.addi %mul3A_6, %add3A_406 : i32
    %add3A_408 = arith.constant 2 : i32
    %add3A_409 = arith.addi %add3A_407, %add3A_408 : i32
    %dma_start3A_410 = arith.constant 0 : i32
    %dma_start3A_411 = arith.constant 0 : i32
    %dma_start3A_412 = tpu.memref_slice %arg4[%add3A_409, %dma_start3A_410, %dma_start3A_411] : memref<16384x50x64xf32, #tpu.memory_space<hbm>> -> memref<1x50x64xf32, #tpu.memory_space<hbm>>
    %dma_start3A_413 = tpu.memref_squeeze %dma_start3A_412 : memref<1x50x64xf32, #tpu.memory_space<hbm>> -> memref<50x64xf32, #tpu.memory_space<hbm>>
    %dma_start3A_414 = arith.constant 0 : i32
    %dma_start3A_415 = arith.constant 0 : i32
    %dma_start3A_416 = tpu.memref_slice %arg4[%add3A_409, %dma_start3A_414, %dma_start3A_415] : memref<16384x50x64xf32, #tpu.memory_space<hbm>> -> memref<1x50x64xf32, #tpu.memory_space<hbm>>
    %dma_start3A_417 = tpu.memref_squeeze %dma_start3A_416 : memref<1x50x64xf32, #tpu.memory_space<hbm>> -> memref<50x64xf32, #tpu.memory_space<hbm>>
    tpu.enqueue_dma source(%arg9 : memref<50x64xf32, #tpu.memory_space<vmem>>) target(%dma_start3A_417 : memref<50x64xf32, #tpu.memory_space<hbm>>) target_semaphore(%arg17 : memref<!tpu.dma_semaphore, #tpu.memory_space<semaphore_mem>>)
    %add3A_418 = arith.constant 8 : i32
    %add3A_419 = arith.addi %mul3A_6, %add3A_418 : i32
    %add3A_420 = arith.constant 3 : i32
    %add3A_421 = arith.addi %add3A_419, %add3A_420 : i32
    %dma_start3A_422 = arith.constant 0 : i32
    %dma_start3A_423 = arith.constant 0 : i32
    %dma_start3A_424 = tpu.memref_slice %arg4[%add3A_421, %dma_start3A_422, %dma_start3A_423] : memref<16384x50x64xf32, #tpu.memory_space<hbm>> -> memref<1x50x64xf32, #tpu.memory_space<hbm>>
    %dma_start3A_425 = tpu.memref_squeeze %dma_start3A_424 : memref<1x50x64xf32, #tpu.memory_space<hbm>> -> memref<50x64xf32, #tpu.memory_space<hbm>>
    %dma_start3A_426 = arith.constant 0 : i32
    %dma_start3A_427 = arith.constant 0 : i32
    %dma_start3A_428 = tpu.memref_slice %arg4[%add3A_421, %dma_start3A_426, %dma_start3A_427] : memref<16384x50x64xf32, #tpu.memory_space<hbm>> -> memref<1x50x64xf32, #tpu.memory_space<hbm>>
    %dma_start3A_429 = tpu.memref_squeeze %dma_start3A_428 : memref<1x50x64xf32, #tpu.memory_space<hbm>> -> memref<50x64xf32, #tpu.memory_space<hbm>>
    tpu.enqueue_dma source(%arg10 : memref<50x64xf32, #tpu.memory_space<vmem>>) target(%dma_start3A_429 : memref<50x64xf32, #tpu.memory_space<hbm>>) target_semaphore(%arg17 : memref<!tpu.dma_semaphore, #tpu.memory_space<semaphore_mem>>)
    %scan3A_430 = arith.constant 0 : i32
    %scan3A_431 = arith.constant 0 : i32
    %scan3A_432 = arith.constant 40 : i32
    %scan3A_433 = arith.addi %scan3A_431, %scan3A_432 : i32
    %scan3A_434 = arith.constant 1 : i32
    scf.for %scan3A_1114 = %scan3A_431 to %scan3A_433 step %scan3A_434  : i32 {
      %mul3A_1115 = arith.constant 3 : i32
      %mul3A_1116 = arith.muli %scan3A_1114, %mul3A_1115 : i32
      %add3A_1117 = arith.constant 3 : i32
      %add3A_1118 = arith.addi %add3A_1117, %mul3A_1116 : i32
      %add3A_1119 = arith.constant 0 : i32
      %add3A_1120 = arith.addi %add3A_1118, %add3A_1119 : i32
      %dma_wait3A_1121 = arith.constant 0 : i32
      %dma_wait3A_1122 = arith.constant 0 : i32
      %dma_wait3A_1123 = arith.constant 0 : i32
      %dma_wait3A_1124 = tpu.memref_slice %arg6[%dma_wait3A_1121, %dma_wait3A_1122, %dma_wait3A_1123] : memref<3x200x128xf32, #tpu.memory_space<vmem>> -> memref<1x200x128xf32, #tpu.memory_space<vmem>>
      %dma_wait3A_1125 = tpu.memref_squeeze %dma_wait3A_1124 : memref<1x200x128xf32, #tpu.memory_space<vmem>> -> memref<200x128xf32, #tpu.memory_space<vmem>>
      %dma_wait3A_1126 = arith.constant 0 : i32
      %dma_wait3A_1127 = tpu.memref_slice %arg5[%dma_wait3A_1126] : memref<600xi32, #tpu.memory_space<vmem>> -> memref<200xi32, #tpu.memory_space<vmem>>
      %dma_wait3A_1128 = arith.constant 0 : i32
      %dma_wait3A_1129 = arith.constant 0 : i32
      %dma_wait3A_1130 = tpu.memref_slice %arg3[%dma_wait3A_1128, %dma_wait3A_1129] : memref<1000000x128xf32, #tpu.memory_space<hbm>> -> memref<1000000x128xf32, #tpu.memory_space<hbm>>
      tpu.wait_indirect_dma semaphore(%arg14 : memref<!tpu.dma_semaphore, #tpu.memory_space<semaphore_mem>>) src(%dma_wait3A_1130 : memref<1000000x128xf32, #tpu.memory_space<hbm>>) dst(%dma_wait3A_1125 : memref<200x128xf32, #tpu.memory_space<vmem>>)
      %add3A_1131 = arith.constant 3 : i32
      %add3A_1132 = arith.addi %add3A_1120, %add3A_1131 : i32
      %mul3A_1133 = arith.constant 200 : i32
      %mul3A_1134 = arith.muli %add3A_1132, %mul3A_1133 : i32
      %add3A_1135 = arith.addi %mul3A_4, %mul3A_1134 : i32
      %dma_start3A_1136 = arith.constant 0 : i32
      %dma_start3A_1137 = tpu.memref_slice %arg5[%dma_start3A_1136] : memref<600xi32, #tpu.memory_space<vmem>> -> memref<200xi32, #tpu.memory_space<vmem>>
      %dma_start3A_1138 = tpu.memref_slice %arg2[%add3A_1135] : memref<819200xi32, #tpu.memory_space<hbm>> -> memref<200xi32, #tpu.memory_space<hbm>>
      %dma_start3A_1139 = arith.constant 0 : i32
      %dma_start3A_1140 = tpu.memref_slice %arg5[%dma_start3A_1139] : memref<600xi32, #tpu.memory_space<vmem>> -> memref<200xi32, #tpu.memory_space<vmem>>
      %dma_start3A_1141 = tpu.memref_slice %arg2[%add3A_1135] : memref<819200xi32, #tpu.memory_space<hbm>> -> memref<200xi32, #tpu.memory_space<hbm>>
      tpu.enqueue_dma source(%dma_start3A_1141 : memref<200xi32, #tpu.memory_space<hbm>>) target(%dma_start3A_1140 : memref<200xi32, #tpu.memory_space<vmem>>) target_semaphore(%arg11 : memref<!tpu.dma_semaphore, #tpu.memory_space<semaphore_mem>>)
      %add3A_1142 = arith.constant 2 : i32
      %add3A_1143 = arith.addi %add3A_1120, %add3A_1142 : i32
      %mul3A_1144 = arith.constant 200 : i32
      %mul3A_1145 = arith.muli %add3A_1143, %mul3A_1144 : i32
      %add3A_1146 = arith.addi %mul3A_4, %mul3A_1145 : i32
      %dma_wait3A_1147 = arith.constant 400 : i32
      %dma_wait3A_1148 = tpu.memref_slice %arg5[%dma_wait3A_1147] : memref<600xi32, #tpu.memory_space<vmem>> -> memref<200xi32, #tpu.memory_space<vmem>>
      %dma_wait3A_1149 = tpu.memref_slice %arg2[%add3A_1146] : memref<819200xi32, #tpu.memory_space<hbm>> -> memref<200xi32, #tpu.memory_space<hbm>>
      %dma_wait3A_1150 = arith.constant 400 : i32
      %dma_wait3A_1151 = tpu.memref_slice %arg5[%dma_wait3A_1150] : memref<600xi32, #tpu.memory_space<vmem>> -> memref<200xi32, #tpu.memory_space<vmem>>
      %dma_wait3A_1152 = tpu.memref_slice %arg2[%add3A_1146] : memref<819200xi32, #tpu.memory_space<hbm>> -> memref<200xi32, #tpu.memory_space<hbm>>
      tpu.wait_dma2 semaphore(%arg13 : memref<!tpu.dma_semaphore, #tpu.memory_space<semaphore_mem>>) src(%dma_wait3A_1152 : memref<200xi32, #tpu.memory_space<hbm>>) dst(%dma_wait3A_1151 : memref<200xi32, #tpu.memory_space<vmem>>)
      %add3A_1153 = arith.constant 2 : i32
      %add3A_1154 = arith.addi %add3A_1120, %add3A_1153 : i32
      %dma_start3A_1155 = arith.constant 2 : i32
      %dma_start3A_1156 = arith.constant 0 : i32
      %dma_start3A_1157 = arith.constant 0 : i32
      %dma_start3A_1158 = tpu.memref_slice %arg6[%dma_start3A_1155, %dma_start3A_1156, %dma_start3A_1157] : memref<3x200x128xf32, #tpu.memory_space<vmem>> -> memref<1x200x128xf32, #tpu.memory_space<vmem>>
      %dma_start3A_1159 = tpu.memref_squeeze %dma_start3A_1158 : memref<1x200x128xf32, #tpu.memory_space<vmem>> -> memref<200x128xf32, #tpu.memory_space<vmem>>
      %dma_start3A_1160 = arith.constant 400 : i32
      %dma_start3A_1161 = tpu.memref_slice %arg5[%dma_start3A_1160] : memref<600xi32, #tpu.memory_space<vmem>> -> memref<200xi32, #tpu.memory_space<vmem>>
      %dma_start3A_1162 = arith.constant 0 : i32
      %dma_start3A_1163 = arith.constant 0 : i32
      %dma_start3A_1164 = tpu.memref_slice %arg3[%dma_start3A_1162, %dma_start3A_1163] : memref<1000000x128xf32, #tpu.memory_space<hbm>> -> memref<1000000x128xf32, #tpu.memory_space<hbm>>
      tpu.enqueue_indirect_dma source(%dma_start3A_1164 : memref<1000000x128xf32, #tpu.memory_space<hbm>>) target(%dma_start3A_1159 : memref<200x128xf32, #tpu.memory_space<vmem>>) offsets(%dma_start3A_1161 : memref<200xi32, #tpu.memory_space<vmem>>) semaphore(%arg16 : memref<!tpu.dma_semaphore, #tpu.memory_space<semaphore_mem>>)
      %sub3A = arith.constant 1 : i32
      %sub3A_1165 = arith.subi %add3A_1120, %sub3A : i32
      %mul3A_1166 = arith.constant 4 : i32
      %mul3A_1167 = arith.muli %sub3A_1165, %mul3A_1166 : i32
      %add3A_1168 = arith.addi %mul3A_6, %mul3A_1167 : i32
      %add3A_1169 = arith.constant 0 : i32
      %add3A_1170 = arith.addi %add3A_1168, %add3A_1169 : i32
      %dma_wait3A_1171 = arith.constant 0 : i32
      %dma_wait3A_1172 = arith.constant 0 : i32
      %dma_wait3A_1173 = tpu.memref_slice %arg4[%add3A_1170, %dma_wait3A_1171, %dma_wait3A_1172] : memref<16384x50x64xf32, #tpu.memory_space<hbm>> -> memref<1x50x64xf32, #tpu.memory_space<hbm>>
      %dma_wait3A_1174 = tpu.memref_squeeze %dma_wait3A_1173 : memref<1x50x64xf32, #tpu.memory_space<hbm>> -> memref<50x64xf32, #tpu.memory_space<hbm>>
      %dma_wait3A_1175 = arith.constant 0 : i32
      %dma_wait3A_1176 = arith.constant 0 : i32
      %dma_wait3A_1177 = tpu.memref_slice %arg4[%add3A_1170, %dma_wait3A_1175, %dma_wait3A_1176] : memref<16384x50x64xf32, #tpu.memory_space<hbm>> -> memref<1x50x64xf32, #tpu.memory_space<hbm>>
      %dma_wait3A_1178 = tpu.memref_squeeze %dma_wait3A_1177 : memref<1x50x64xf32, #tpu.memory_space<hbm>> -> memref<50x64xf32, #tpu.memory_space<hbm>>
      tpu.wait_dma2 semaphore(%arg17 : memref<!tpu.dma_semaphore, #tpu.memory_space<semaphore_mem>>) src(%arg7 : memref<50x64xf32, #tpu.memory_space<vmem>>) dst(%dma_wait3A_1178 : memref<50x64xf32, #tpu.memory_space<hbm>>)
      %mul3A_1179 = arith.constant 4 : i32
      %mul3A_1180 = arith.muli %sub3A_1165, %mul3A_1179 : i32
      %add3A_1181 = arith.addi %mul3A_6, %mul3A_1180 : i32
      %add3A_1182 = arith.constant 1 : i32
      %add3A_1183 = arith.addi %add3A_1181, %add3A_1182 : i32
      %dma_wait3A_1184 = arith.constant 0 : i32
      %dma_wait3A_1185 = arith.constant 0 : i32
      %dma_wait3A_1186 = tpu.memref_slice %arg4[%add3A_1183, %dma_wait3A_1184, %dma_wait3A_1185] : memref<16384x50x64xf32, #tpu.memory_space<hbm>> -> memref<1x50x64xf32, #tpu.memory_space<hbm>>
      %dma_wait3A_1187 = tpu.memref_squeeze %dma_wait3A_1186 : memref<1x50x64xf32, #tpu.memory_space<hbm>> -> memref<50x64xf32, #tpu.memory_space<hbm>>
      %dma_wait3A_1188 = arith.constant 0 : i32
      %dma_wait3A_1189 = arith.constant 0 : i32
      %dma_wait3A_1190 = tpu.memref_slice %arg4[%add3A_1183, %dma_wait3A_1188, %dma_wait3A_1189] : memref<16384x50x64xf32, #tpu.memory_space<hbm>> -> memref<1x50x64xf32, #tpu.memory_space<hbm>>
      %dma_wait3A_1191 = tpu.memref_squeeze %dma_wait3A_1190 : memref<1x50x64xf32, #tpu.memory_space<hbm>> -> memref<50x64xf32, #tpu.memory_space<hbm>>
      tpu.wait_dma2 semaphore(%arg17 : memref<!tpu.dma_semaphore, #tpu.memory_space<semaphore_mem>>) src(%arg8 : memref<50x64xf32, #tpu.memory_space<vmem>>) dst(%dma_wait3A_1191 : memref<50x64xf32, #tpu.memory_space<hbm>>)
      %mul3A_1192 = arith.constant 4 : i32
      %mul3A_1193 = arith.muli %sub3A_1165, %mul3A_1192 : i32
      %add3A_1194 = arith.addi %mul3A_6, %mul3A_1193 : i32
      %add3A_1195 = arith.constant 2 : i32
      %add3A_1196 = arith.addi %add3A_1194, %add3A_1195 : i32
      %dma_wait3A_1197 = arith.constant 0 : i32
      %dma_wait3A_1198 = arith.constant 0 : i32
      %dma_wait3A_1199 = tpu.memref_slice %arg4[%add3A_1196, %dma_wait3A_1197, %dma_wait3A_1198] : memref<16384x50x64xf32, #tpu.memory_space<hbm>> -> memref<1x50x64xf32, #tpu.memory_space<hbm>>
      %dma_wait3A_1200 = tpu.memref_squeeze %dma_wait3A_1199 : memref<1x50x64xf32, #tpu.memory_space<hbm>> -> memref<50x64xf32, #tpu.memory_space<hbm>>
      %dma_wait3A_1201 = arith.constant 0 : i32
      %dma_wait3A_1202 = arith.constant 0 : i32
      %dma_wait3A_1203 = tpu.memref_slice %arg4[%add3A_1196, %dma_wait3A_1201, %dma_wait3A_1202] : memref<16384x50x64xf32, #tpu.memory_space<hbm>> -> memref<1x50x64xf32, #tpu.memory_space<hbm>>
      %dma_wait3A_1204 = tpu.memref_squeeze %dma_wait3A_1203 : memref<1x50x64xf32, #tpu.memory_space<hbm>> -> memref<50x64xf32, #tpu.memory_space<hbm>>
      tpu.wait_dma2 semaphore(%arg17 : memref<!tpu.dma_semaphore, #tpu.memory_space<semaphore_mem>>) src(%arg9 : memref<50x64xf32, #tpu.memory_space<vmem>>) dst(%dma_wait3A_1204 : memref<50x64xf32, #tpu.memory_space<hbm>>)
      %mul3A_1205 = arith.constant 4 : i32
      %mul3A_1206 = arith.muli %sub3A_1165, %mul3A_1205 : i32
      %add3A_1207 = arith.addi %mul3A_6, %mul3A_1206 : i32
      %add3A_1208 = arith.constant 3 : i32
      %add3A_1209 = arith.addi %add3A_1207, %add3A_1208 : i32
      %dma_wait3A_1210 = arith.constant 0 : i32
      %dma_wait3A_1211 = arith.constant 0 : i32
      %dma_wait3A_1212 = tpu.memref_slice %arg4[%add3A_1209, %dma_wait3A_1210, %dma_wait3A_1211] : memref<16384x50x64xf32, #tpu.memory_space<hbm>> -> memref<1x50x64xf32, #tpu.memory_space<hbm>>
      %dma_wait3A_1213 = tpu.memref_squeeze %dma_wait3A_1212 : memref<1x50x64xf32, #tpu.memory_space<hbm>> -> memref<50x64xf32, #tpu.memory_space<hbm>>
      %dma_wait3A_1214 = arith.constant 0 : i32
      %dma_wait3A_1215 = arith.constant 0 : i32
      %dma_wait3A_1216 = tpu.memref_slice %arg4[%add3A_1209, %dma_wait3A_1214, %dma_wait3A_1215] : memref<16384x50x64xf32, #tpu.memory_space<hbm>> -> memref<1x50x64xf32, #tpu.memory_space<hbm>>
      %dma_wait3A_1217 = tpu.memref_squeeze %dma_wait3A_1216 : memref<1x50x64xf32, #tpu.memory_space<hbm>> -> memref<50x64xf32, #tpu.memory_space<hbm>>
      tpu.wait_dma2 semaphore(%arg17 : memref<!tpu.dma_semaphore, #tpu.memory_space<semaphore_mem>>) src(%arg10 : memref<50x64xf32, #tpu.memory_space<vmem>>) dst(%dma_wait3A_1217 : memref<50x64xf32, #tpu.memory_space<hbm>>)
      %scan3A_1218 = arith.constant 0 : i32
      %scan3A_1219 = arith.constant 0 : i32
      %scan3A_1220 = arith.constant 50 : i32
      %scan3A_1221 = arith.addi %scan3A_1219, %scan3A_1220 : i32
      %scan3A_1222 = arith.constant 1 : i32
      scf.for %scan3A_1600 = %scan3A_1219 to %scan3A_1221 step %scan3A_1222  : i32 {
        %add3A_1601 = arith.constant 0 : i32
        %add3A_1602 = arith.addi %add3A_1601, %scan3A_1600 : i32
        %get3A = arith.constant 0 : i32
        %get3A_1603 = arith.index_cast %get3A : i32 to index
        %get3A_1604 = arith.index_cast %add3A_1602 : i32 to index
        %get3A_1605 = arith.constant 0 : index
        %get3A_1606 = tpu.vector_load %arg6[%get3A_1603, %get3A_1604, %get3A_1605] {strides = array<i32>} : memref<3x200x128xf32, #tpu.memory_space<vmem>>, vector<16xf32>,
        %swap3A = arith.index_cast %scan3A_1600 : i32 to index
        %swap3A_1607 = arith.constant 0 : index
        %swap3A_1608 = tpu.vector_load %arg7[%swap3A, %swap3A_1607] {strides = array<i32>} : memref<50x64xf32, #tpu.memory_space<vmem>>, vector<16xf32>,
        tpu.vector_store %arg7[%swap3A, %swap3A_1607], %get3A_1606 {strides = array<i32>} : memref<50x64xf32, #tpu.memory_space<vmem>>, vector<16xf32>,
        %add3A_1609 = arith.constant 0 : i32
        %add3A_1610 = arith.addi %add3A_1609, %scan3A_1600 : i32
        %get3A_1611 = arith.constant 0 : i32
        %get3A_1612 = arith.index_cast %get3A_1611 : i32 to index
        %get3A_1613 = arith.index_cast %add3A_1610 : i32 to index
        %get3A_1614 = arith.constant 16 : index
        %get3A_1615 = tpu.vector_load %arg6[%get3A_1612, %get3A_1613, %get3A_1614] {strides = array<i32>} : memref<3x200x128xf32, #tpu.memory_space<vmem>>, vector<16xf32>,
        %swap3A_1616 = arith.index_cast %scan3A_1600 : i32 to index
        %swap3A_1617 = arith.constant 16 : index
        %swap3A_1618 = tpu.vector_load %arg7[%swap3A_1616, %swap3A_1617] {strides = array<i32>} : memref<50x64xf32, #tpu.memory_space<vmem>>, vector<16xf32>,
        tpu.vector_store %arg7[%swap3A_1616, %swap3A_1617], %get3A_1615 {strides = array<i32>} : memref<50x64xf32, #tpu.memory_space<vmem>>, vector<16xf32>,
        %add3A_1619 = arith.constant 0 : i32
        %add3A_1620 = arith.addi %add3A_1619, %scan3A_1600 : i32
        %get3A_1621 = arith.constant 0 : i32
        %get3A_1622 = arith.index_cast %get3A_1621 : i32 to index
        %get3A_1623 = arith.index_cast %add3A_1620 : i32 to index
        %get3A_1624 = arith.constant 32 : index
        %get3A_1625 = tpu.vector_load %arg6[%get3A_1622, %get3A_1623, %get3A_1624] {strides = array<i32>} : memref<3x200x128xf32, #tpu.memory_space<vmem>>, vector<16xf32>,
        %swap3A_1626 = arith.index_cast %scan3A_1600 : i32 to index
        %swap3A_1627 = arith.constant 32 : index
        %swap3A_1628 = tpu.vector_load %arg7[%swap3A_1626, %swap3A_1627] {strides = array<i32>} : memref<50x64xf32, #tpu.memory_space<vmem>>, vector<16xf32>,
        tpu.vector_store %arg7[%swap3A_1626, %swap3A_1627], %get3A_1625 {strides = array<i32>} : memref<50x64xf32, #tpu.memory_space<vmem>>, vector<16xf32>,
        %add3A_1629 = arith.constant 0 : i32
        %add3A_1630 = arith.addi %add3A_1629, %scan3A_1600 : i32
        %get3A_1631 = arith.constant 0 : i32
        %get3A_1632 = arith.index_cast %get3A_1631 : i32 to index
        %get3A_1633 = arith.index_cast %add3A_1630 : i32 to index
        %get3A_1634 = arith.constant 48 : index
        %get3A_1635 = tpu.vector_load %arg6[%get3A_1632, %get3A_1633, %get3A_1634] {strides = array<i32>} : memref<3x200x128xf32, #tpu.memory_space<vmem>>, vector<16xf32>,
        %swap3A_1636 = arith.index_cast %scan3A_1600 : i32 to index
        %swap3A_1637 = arith.constant 48 : index
        %swap3A_1638 = tpu.vector_load %arg7[%swap3A_1636, %swap3A_1637] {strides = array<i32>} : memref<50x64xf32, #tpu.memory_space<vmem>>, vector<16xf32>,
        tpu.vector_store %arg7[%swap3A_1636, %swap3A_1637], %get3A_1635 {strides = array<i32>} : memref<50x64xf32, #tpu.memory_space<vmem>>, vector<16xf32>,
        %add3A_1639 = arith.constant 50 : i32
        %add3A_1640 = arith.addi %add3A_1639, %scan3A_1600 : i32
        %get3A_1641 = arith.constant 0 : i32
        %get3A_1642 = arith.index_cast %get3A_1641 : i32 to index
        %get3A_1643 = arith.index_cast %add3A_1640 : i32 to index
        %get3A_1644 = arith.constant 0 : index
        %get3A_1645 = tpu.vector_load %arg6[%get3A_1642, %get3A_1643, %get3A_1644] {strides = array<i32>} : memref<3x200x128xf32, #tpu.memory_space<vmem>>, vector<16xf32>,
        %swap3A_1646 = arith.index_cast %scan3A_1600 : i32 to index
        %swap3A_1647 = arith.constant 0 : index
        %swap3A_1648 = tpu.vector_load %arg8[%swap3A_1646, %swap3A_1647] {strides = array<i32>} : memref<50x64xf32, #tpu.memory_space<vmem>>, vector<16xf32>,
        tpu.vector_store %arg8[%swap3A_1646, %swap3A_1647], %get3A_1645 {strides = array<i32>} : memref<50x64xf32, #tpu.memory_space<vmem>>, vector<16xf32>,
        %add3A_1649 = arith.constant 50 : i32
        %add3A_1650 = arith.addi %add3A_1649, %scan3A_1600 : i32
        %get3A_1651 = arith.constant 0 : i32
        %get3A_1652 = arith.index_cast %get3A_1651 : i32 to index
        %get3A_1653 = arith.index_cast %add3A_1650 : i32 to index
        %get3A_1654 = arith.constant 16 : index
        %get3A_1655 = tpu.vector_load %arg6[%get3A_1652, %get3A_1653, %get3A_1654] {strides = array<i32>} : memref<3x200x128xf32, #tpu.memory_space<vmem>>, vector<16xf32>,
        %swap3A_1656 = arith.index_cast %scan3A_1600 : i32 to index
        %swap3A_1657 = arith.constant 16 : index
        %swap3A_1658 = tpu.vector_load %arg8[%swap3A_1656, %swap3A_1657] {strides = array<i32>} : memref<50x64xf32, #tpu.memory_space<vmem>>, vector<16xf32>,
        tpu.vector_store %arg8[%swap3A_1656, %swap3A_1657], %get3A_1655 {strides = array<i32>} : memref<50x64xf32, #tpu.memory_space<vmem>>, vector<16xf32>,
        %add3A_1659 = arith.constant 50 : i32
        %add3A_1660 = arith.addi %add3A_1659, %scan3A_1600 : i32
        %get3A_1661 = arith.constant 0 : i32
        %get3A_1662 = arith.index_cast %get3A_1661 : i32 to index
        %get3A_1663 = arith.index_cast %add3A_1660 : i32 to index
        %get3A_1664 = arith.constant 32 : index
        %get3A_1665 = tpu.vector_load %arg6[%get3A_1662, %get3A_1663, %get3A_1664] {strides = array<i32>} : memref<3x200x128xf32, #tpu.memory_space<vmem>>, vector<16xf32>,
        %swap3A_1666 = arith.index_cast %scan3A_1600 : i32 to index
        %swap3A_1667 = arith.constant 32 : index
        %swap3A_1668 = tpu.vector_load %arg8[%swap3A_1666, %swap3A_1667] {strides = array<i32>} : memref<50x64xf32, #tpu.memory_space<vmem>>, vector<16xf32>,
        tpu.vector_store %arg8[%swap3A_1666, %swap3A_1667], %get3A_1665 {strides = array<i32>} : memref<50x64xf32, #tpu.memory_space<vmem>>, vector<16xf32>,
        %add3A_1669 = arith.constant 50 : i32
        %add3A_1670 = arith.addi %add3A_1669, %scan3A_1600 : i32
        %get3A_1671 = arith.constant 0 : i32
        %get3A_1672 = arith.index_cast %get3A_1671 : i32 to index
        %get3A_1673 = arith.index_cast %add3A_1670 : i32 to index
        %get3A_1674 = arith.constant 48 : index
        %get3A_1675 = tpu.vector_load %arg6[%get3A_1672, %get3A_1673, %get3A_1674] {strides = array<i32>} : memref<3x200x128xf32, #tpu.memory_space<vmem>>, vector<16xf32>,
        %swap3A_1676 = arith.index_cast %scan3A_1600 : i32 to index
        %swap3A_1677 = arith.constant 48 : index
        %swap3A_1678 = tpu.vector_load %arg8[%swap3A_1676, %swap3A_1677] {strides = array<i32>} : memref<50x64xf32, #tpu.memory_space<vmem>>, vector<16xf32>,
        tpu.vector_store %arg8[%swap3A_1676, %swap3A_1677], %get3A_1675 {strides = array<i32>} : memref<50x64xf32, #tpu.memory_space<vmem>>, vector<16xf32>,
        %add3A_1679 = arith.constant 100 : i32
        %add3A_1680 = arith.addi %add3A_1679, %scan3A_1600 : i32
        %get3A_1681 = arith.constant 0 : i32
        %get3A_1682 = arith.index_cast %get3A_1681 : i32 to index
        %get3A_1683 = arith.index_cast %add3A_1680 : i32 to index
        %get3A_1684 = arith.constant 0 : index
        %get3A_1685 = tpu.vector_load %arg6[%get3A_1682, %get3A_1683, %get3A_1684] {strides = array<i32>} : memref<3x200x128xf32, #tpu.memory_space<vmem>>, vector<16xf32>,
        %swap3A_1686 = arith.index_cast %scan3A_1600 : i32 to index
        %swap3A_1687 = arith.constant 0 : index
        %swap3A_1688 = tpu.vector_load %arg9[%swap3A_1686, %swap3A_1687] {strides = array<i32>} : memref<50x64xf32, #tpu.memory_space<vmem>>, vector<16xf32>,
        tpu.vector_store %arg9[%swap3A_1686, %swap3A_1687], %get3A_1685 {strides = array<i32>} : memref<50x64xf32, #tpu.memory_space<vmem>>, vector<16xf32>,
        %add3A_1689 = arith.constant 100 : i32
        %add3A_1690 = arith.addi %add3A_1689, %scan3A_1600 : i32
        %get3A_1691 = arith.constant 0 : i32
        %get3A_1692 = arith.index_cast %get3A_1691 : i32 to index
        %get3A_1693 = arith.index_cast %add3A_1690 : i32 to index
        %get3A_1694 = arith.constant 16 : index
        %get3A_1695 = tpu.vector_load %arg6[%get3A_1692, %get3A_1693, %get3A_1694] {strides = array<i32>} : memref<3x200x128xf32, #tpu.memory_space<vmem>>, vector<16xf32>,
        %swap3A_1696 = arith.index_cast %scan3A_1600 : i32 to index
        %swap3A_1697 = arith.constant 16 : index
        %swap3A_1698 = tpu.vector_load %arg9[%swap3A_1696, %swap3A_1697] {strides = array<i32>} : memref<50x64xf32, #tpu.memory_space<vmem>>, vector<16xf32>,
        tpu.vector_store %arg9[%swap3A_1696, %swap3A_1697], %get3A_1695 {strides = array<i32>} : memref<50x64xf32, #tpu.memory_space<vmem>>, vector<16xf32>,
        %add3A_1699 = arith.constant 100 : i32
        %add3A_1700 = arith.addi %add3A_1699, %scan3A_1600 : i32
        %get3A_1701 = arith.constant 0 : i32
        %get3A_1702 = arith.index_cast %get3A_1701 : i32 to index
        %get3A_1703 = arith.index_cast %add3A_1700 : i32 to index
        %get3A_1704 = arith.constant 32 : index
        %get3A_1705 = tpu.vector_load %arg6[%get3A_1702, %get3A_1703, %get3A_1704] {strides = array<i32>} : memref<3x200x128xf32, #tpu.memory_space<vmem>>, vector<16xf32>,
        %swap3A_1706 = arith.index_cast %scan3A_1600 : i32 to index
        %swap3A_1707 = arith.constant 32 : index
        %swap3A_1708 = tpu.vector_load %arg9[%swap3A_1706, %swap3A_1707] {strides = array<i32>} : memref<50x64xf32, #tpu.memory_space<vmem>>, vector<16xf32>,
        tpu.vector_store %arg9[%swap3A_1706, %swap3A_1707], %get3A_1705 {strides = array<i32>} : memref<50x64xf32, #tpu.memory_space<vmem>>, vector<16xf32>,
        %add3A_1709 = arith.constant 100 : i32
        %add3A_1710 = arith.addi %add3A_1709, %scan3A_1600 : i32
        %get3A_1711 = arith.constant 0 : i32
        %get3A_1712 = arith.index_cast %get3A_1711 : i32 to index
        %get3A_1713 = arith.index_cast %add3A_1710 : i32 to index
        %get3A_1714 = arith.constant 48 : index
        %get3A_1715 = tpu.vector_load %arg6[%get3A_1712, %get3A_1713, %get3A_1714] {strides = array<i32>} : memref<3x200x128xf32, #tpu.memory_space<vmem>>, vector<16xf32>,
        %swap3A_1716 = arith.index_cast %scan3A_1600 : i32 to index
        %swap3A_1717 = arith.constant 48 : index
        %swap3A_1718 = tpu.vector_load %arg9[%swap3A_1716, %swap3A_1717] {strides = array<i32>} : memref<50x64xf32, #tpu.memory_space<vmem>>, vector<16xf32>,
        tpu.vector_store %arg9[%swap3A_1716, %swap3A_1717], %get3A_1715 {strides = array<i32>} : memref<50x64xf32, #tpu.memory_space<vmem>>, vector<16xf32>,
        %add3A_1719 = arith.constant 150 : i32
        %add3A_1720 = arith.addi %add3A_1719, %scan3A_1600 : i32
        %get3A_1721 = arith.constant 0 : i32
        %get3A_1722 = arith.index_cast %get3A_1721 : i32 to index
        %get3A_1723 = arith.index_cast %add3A_1720 : i32 to index
        %get3A_1724 = arith.constant 0 : index
        %get3A_1725 = tpu.vector_load %arg6[%get3A_1722, %get3A_1723, %get3A_1724] {strides = array<i32>} : memref<3x200x128xf32, #tpu.memory_space<vmem>>, vector<16xf32>,
        %swap3A_1726 = arith.index_cast %scan3A_1600 : i32 to index
        %swap3A_1727 = arith.constant 0 : index
        %swap3A_1728 = tpu.vector_load %arg10[%swap3A_1726, %swap3A_1727] {strides = array<i32>} : memref<50x64xf32, #tpu.memory_space<vmem>>, vector<16xf32>,
        tpu.vector_store %arg10[%swap3A_1726, %swap3A_1727], %get3A_1725 {strides = array<i32>} : memref<50x64xf32, #tpu.memory_space<vmem>>, vector<16xf32>,
        %add3A_1729 = arith.constant 150 : i32
        %add3A_1730 = arith.addi %add3A_1729, %scan3A_1600 : i32
        %get3A_1731 = arith.constant 0 : i32
        %get3A_1732 = arith.index_cast %get3A_1731 : i32 to index
        %get3A_1733 = arith.index_cast %add3A_1730 : i32 to index
        %get3A_1734 = arith.constant 16 : index
        %get3A_1735 = tpu.vector_load %arg6[%get3A_1732, %get3A_1733, %get3A_1734] {strides = array<i32>} : memref<3x200x128xf32, #tpu.memory_space<vmem>>, vector<16xf32>,
        %swap3A_1736 = arith.index_cast %scan3A_1600 : i32 to index
        %swap3A_1737 = arith.constant 16 : index
        %swap3A_1738 = tpu.vector_load %arg10[%swap3A_1736, %swap3A_1737] {strides = array<i32>} : memref<50x64xf32, #tpu.memory_space<vmem>>, vector<16xf32>,
        tpu.vector_store %arg10[%swap3A_1736, %swap3A_1737], %get3A_1735 {strides = array<i32>} : memref<50x64xf32, #tpu.memory_space<vmem>>, vector<16xf32>,
        %add3A_1739 = arith.constant 150 : i32
        %add3A_1740 = arith.addi %add3A_1739, %scan3A_1600 : i32
        %get3A_1741 = arith.constant 0 : i32
        %get3A_1742 = arith.index_cast %get3A_1741 : i32 to index
        %get3A_1743 = arith.index_cast %add3A_1740 : i32 to index
        %get3A_1744 = arith.constant 32 : index
        %get3A_1745 = tpu.vector_load %arg6[%get3A_1742, %get3A_1743, %get3A_1744] {strides = array<i32>} : memref<3x200x128xf32, #tpu.memory_space<vmem>>, vector<16xf32>,
        %swap3A_1746 = arith.index_cast %scan3A_1600 : i32 to index
        %swap3A_1747 = arith.constant 32 : index
        %swap3A_1748 = tpu.vector_load %arg10[%swap3A_1746, %swap3A_1747] {strides = array<i32>} : memref<50x64xf32, #tpu.memory_space<vmem>>, vector<16xf32>,
        tpu.vector_store %arg10[%swap3A_1746, %swap3A_1747], %get3A_1745 {strides = array<i32>} : memref<50x64xf32, #tpu.memory_space<vmem>>, vector<16xf32>,
        %add3A_1749 = arith.constant 150 : i32
        %add3A_1750 = arith.addi %add3A_1749, %scan3A_1600 : i32
        %get3A_1751 = arith.constant 0 : i32
        %get3A_1752 = arith.index_cast %get3A_1751 : i32 to index
        %get3A_1753 = arith.index_cast %add3A_1750 : i32 to index
        %get3A_1754 = arith.constant 48 : index
        %get3A_1755 = tpu.vector_load %arg6[%get3A_1752, %get3A_1753, %get3A_1754] {strides = array<i32>} : memref<3x200x128xf32, #tpu.memory_space<vmem>>, vector<16xf32>,
        %swap3A_1756 = arith.index_cast %scan3A_1600 : i32 to index
        %swap3A_1757 = arith.constant 48 : index
        %swap3A_1758 = tpu.vector_load %arg10[%swap3A_1756, %swap3A_1757] {strides = array<i32>} : memref<50x64xf32, #tpu.memory_space<vmem>>, vector<16xf32>,
        tpu.vector_store %arg10[%swap3A_1756, %swap3A_1757], %get3A_1755 {strides = array<i32>} : memref<50x64xf32, #tpu.memory_space<vmem>>, vector<16xf32>,
      }
      %scan3A_1223 = arith.constant 50 : i32
      %mul3A_1224 = arith.constant 4 : i32
      %mul3A_1225 = arith.muli %add3A_1120, %mul3A_1224 : i32
      %add3A_1226 = arith.addi %mul3A_6, %mul3A_1225 : i32
      %add3A_1227 = arith.constant 0 : i32
      %add3A_1228 = arith.addi %add3A_1226, %add3A_1227 : i32
      %dma_start3A_1229 = arith.constant 0 : i32
      %dma_start3A_1230 = arith.constant 0 : i32
      %dma_start3A_1231 = tpu.memref_slice %arg4[%add3A_1228, %dma_start3A_1229, %dma_start3A_1230] : memref<16384x50x64xf32, #tpu.memory_space<hbm>> -> memref<1x50x64xf32, #tpu.memory_space<hbm>>
      %dma_start3A_1232 = tpu.memref_squeeze %dma_start3A_1231 : memref<1x50x64xf32, #tpu.memory_space<hbm>> -> memref<50x64xf32, #tpu.memory_space<hbm>>
      %dma_start3A_1233 = arith.constant 0 : i32
      %dma_start3A_1234 = arith.constant 0 : i32
      %dma_start3A_1235 = tpu.memref_slice %arg4[%add3A_1228, %dma_start3A_1233, %dma_start3A_1234] : memref<16384x50x64xf32, #tpu.memory_space<hbm>> -> memref<1x50x64xf32, #tpu.memory_space<hbm>>
      %dma_start3A_1236 = tpu.memref_squeeze %dma_start3A_1235 : memref<1x50x64xf32, #tpu.memory_space<hbm>> -> memref<50x64xf32, #tpu.memory_space<hbm>>
      tpu.enqueue_dma source(%arg7 : memref<50x64xf32, #tpu.memory_space<vmem>>) target(%dma_start3A_1236 : memref<50x64xf32, #tpu.memory_space<hbm>>) target_semaphore(%arg17 : memref<!tpu.dma_semaphore, #tpu.memory_space<semaphore_mem>>)
      %mul3A_1237 = arith.constant 4 : i32
      %mul3A_1238 = arith.muli %add3A_1120, %mul3A_1237 : i32
      %add3A_1239 = arith.addi %mul3A_6, %mul3A_1238 : i32
      %add3A_1240 = arith.constant 1 : i32
      %add3A_1241 = arith.addi %add3A_1239, %add3A_1240 : i32
      %dma_start3A_1242 = arith.constant 0 : i32
      %dma_start3A_1243 = arith.constant 0 : i32
      %dma_start3A_1244 = tpu.memref_slice %arg4[%add3A_1241, %dma_start3A_1242, %dma_start3A_1243] : memref<16384x50x64xf32, #tpu.memory_space<hbm>> -> memref<1x50x64xf32, #tpu.memory_space<hbm>>
      %dma_start3A_1245 = tpu.memref_squeeze %dma_start3A_1244 : memref<1x50x64xf32, #tpu.memory_space<hbm>> -> memref<50x64xf32, #tpu.memory_space<hbm>>
      %dma_start3A_1246 = arith.constant 0 : i32
      %dma_start3A_1247 = arith.constant 0 : i32
      %dma_start3A_1248 = tpu.memref_slice %arg4[%add3A_1241, %dma_start3A_1246, %dma_start3A_1247] : memref<16384x50x64xf32, #tpu.memory_space<hbm>> -> memref<1x50x64xf32, #tpu.memory_space<hbm>>
      %dma_start3A_1249 = tpu.memref_squeeze %dma_start3A_1248 : memref<1x50x64xf32, #tpu.memory_space<hbm>> -> memref<50x64xf32, #tpu.memory_space<hbm>>
      tpu.enqueue_dma source(%arg8 : memref<50x64xf32, #tpu.memory_space<vmem>>) target(%dma_start3A_1249 : memref<50x64xf32, #tpu.memory_space<hbm>>) target_semaphore(%arg17 : memref<!tpu.dma_semaphore, #tpu.memory_space<semaphore_mem>>)
      %mul3A_1250 = arith.constant 4 : i32
      %mul3A_1251 = arith.muli %add3A_1120, %mul3A_1250 : i32
      %add3A_1252 = arith.addi %mul3A_6, %mul3A_1251 : i32
      %add3A_1253 = arith.constant 2 : i32
      %add3A_1254 = arith.addi %add3A_1252, %add3A_1253 : i32
      %dma_start3A_1255 = arith.constant 0 : i32
      %dma_start3A_1256 = arith.constant 0 : i32
      %dma_start3A_1257 = tpu.memref_slice %arg4[%add3A_1254, %dma_start3A_1255, %dma_start3A_1256] : memref<16384x50x64xf32, #tpu.memory_space<hbm>> -> memref<1x50x64xf32, #tpu.memory_space<hbm>>
      %dma_start3A_1258 = tpu.memref_squeeze %dma_start3A_1257 : memref<1x50x64xf32, #tpu.memory_space<hbm>> -> memref<50x64xf32, #tpu.memory_space<hbm>>
      %dma_start3A_1259 = arith.constant 0 : i32
      %dma_start3A_1260 = arith.constant 0 : i32
      %dma_start3A_1261 = tpu.memref_slice %arg4[%add3A_1254, %dma_start3A_1259, %dma_start3A_1260] : memref<16384x50x64xf32, #tpu.memory_space<hbm>> -> memref<1x50x64xf32, #tpu.memory_space<hbm>>
      %dma_start3A_1262 = tpu.memref_squeeze %dma_start3A_1261 : memref<1x50x64xf32, #tpu.memory_space<hbm>> -> memref<50x64xf32, #tpu.memory_space<hbm>>
      tpu.enqueue_dma source(%arg9 : memref<50x64xf32, #tpu.memory_space<vmem>>) target(%dma_start3A_1262 : memref<50x64xf32, #tpu.memory_space<hbm>>) target_semaphore(%arg17 : memref<!tpu.dma_semaphore, #tpu.memory_space<semaphore_mem>>)
      %mul3A_1263 = arith.constant 4 : i32
      %mul3A_1264 = arith.muli %add3A_1120, %mul3A_1263 : i32
      %add3A_1265 = arith.addi %mul3A_6, %mul3A_1264 : i32
      %add3A_1266 = arith.constant 3 : i32
      %add3A_1267 = arith.addi %add3A_1265, %add3A_1266 : i32
      %dma_start3A_1268 = arith.constant 0 : i32
      %dma_start3A_1269 = arith.constant 0 : i32
      %dma_start3A_1270 = tpu.memref_slice %arg4[%add3A_1267, %dma_start3A_1268, %dma_start3A_1269] : memref<16384x50x64xf32, #tpu.memory_space<hbm>> -> memref<1x50x64xf32, #tpu.memory_space<hbm>>
      %dma_start3A_1271 = tpu.memref_squeeze %dma_start3A_1270 : memref<1x50x64xf32, #tpu.memory_space<hbm>> -> memref<50x64xf32, #tpu.memory_space<hbm>>
      %dma_start3A_1272 = arith.constant 0 : i32
      %dma_start3A_1273 = arith.constant 0 : i32
      %dma_start3A_1274 = tpu.memref_slice %arg4[%add3A_1267, %dma_start3A_1272, %dma_start3A_1273] : memref<16384x50x64xf32, #tpu.memory_space<hbm>> -> memref<1x50x64xf32, #tpu.memory_space<hbm>>
      %dma_start3A_1275 = tpu.memref_squeeze %dma_start3A_1274 : memref<1x50x64xf32, #tpu.memory_space<hbm>> -> memref<50x64xf32, #tpu.memory_space<hbm>>
      tpu.enqueue_dma source(%arg10 : memref<50x64xf32, #tpu.memory_space<vmem>>) target(%dma_start3A_1275 : memref<50x64xf32, #tpu.memory_space<hbm>>) target_semaphore(%arg17 : memref<!tpu.dma_semaphore, #tpu.memory_space<semaphore_mem>>)
      %mul3A_1276 = arith.constant 3 : i32
      %mul3A_1277 = arith.muli %scan3A_1114, %mul3A_1276 : i32
      %add3A_1278 = arith.constant 3 : i32
      %add3A_1279 = arith.addi %add3A_1278, %mul3A_1277 : i32
      %add3A_1280 = arith.constant 1 : i32
      %add3A_1281 = arith.addi %add3A_1279, %add3A_1280 : i32
      %dma_wait3A_1282 = arith.constant 1 : i32
      %dma_wait3A_1283 = arith.constant 0 : i32
      %dma_wait3A_1284 = arith.constant 0 : i32
      %dma_wait3A_1285 = tpu.memref_slice %arg6[%dma_wait3A_1282, %dma_wait3A_1283, %dma_wait3A_1284] : memref<3x200x128xf32, #tpu.memory_space<vmem>> -> memref<1x200x128xf32, #tpu.memory_space<vmem>>
      %dma_wait3A_1286 = tpu.memref_squeeze %dma_wait3A_1285 : memref<1x200x128xf32, #tpu.memory_space<vmem>> -> memref<200x128xf32, #tpu.memory_space<vmem>>
      %dma_wait3A_1287 = arith.constant 200 : i32
      %dma_wait3A_1288 = tpu.memref_slice %arg5[%dma_wait3A_1287] : memref<600xi32, #tpu.memory_space<vmem>> -> memref<200xi32, #tpu.memory_space<vmem>>
      %dma_wait3A_1289 = arith.constant 0 : i32
      %dma_wait3A_1290 = arith.constant 0 : i32
      %dma_wait3A_1291 = tpu.memref_slice %arg3[%dma_wait3A_1289, %dma_wait3A_1290] : memref<1000000x128xf32, #tpu.memory_space<hbm>> -> memref<1000000x128xf32, #tpu.memory_space<hbm>>
      tpu.wait_indirect_dma semaphore(%arg15 : memref<!tpu.dma_semaphore, #tpu.memory_space<semaphore_mem>>) src(%dma_wait3A_1291 : memref<1000000x128xf32, #tpu.memory_space<hbm>>) dst(%dma_wait3A_1286 : memref<200x128xf32, #tpu.memory_space<vmem>>)
      %add3A_1292 = arith.constant 3 : i32
      %add3A_1293 = arith.addi %add3A_1281, %add3A_1292 : i32
      %mul3A_1294 = arith.constant 200 : i32
      %mul3A_1295 = arith.muli %add3A_1293, %mul3A_1294 : i32
      %add3A_1296 = arith.addi %mul3A_4, %mul3A_1295 : i32
      %dma_start3A_1297 = arith.constant 200 : i32
      %dma_start3A_1298 = tpu.memref_slice %arg5[%dma_start3A_1297] : memref<600xi32, #tpu.memory_space<vmem>> -> memref<200xi32, #tpu.memory_space<vmem>>
      %dma_start3A_1299 = tpu.memref_slice %arg2[%add3A_1296] : memref<819200xi32, #tpu.memory_space<hbm>> -> memref<200xi32, #tpu.memory_space<hbm>>
      %dma_start3A_1300 = arith.constant 200 : i32
      %dma_start3A_1301 = tpu.memref_slice %arg5[%dma_start3A_1300] : memref<600xi32, #tpu.memory_space<vmem>> -> memref<200xi32, #tpu.memory_space<vmem>>
      %dma_start3A_1302 = tpu.memref_slice %arg2[%add3A_1296] : memref<819200xi32, #tpu.memory_space<hbm>> -> memref<200xi32, #tpu.memory_space<hbm>>
      tpu.enqueue_dma source(%dma_start3A_1302 : memref<200xi32, #tpu.memory_space<hbm>>) target(%dma_start3A_1301 : memref<200xi32, #tpu.memory_space<vmem>>) target_semaphore(%arg12 : memref<!tpu.dma_semaphore, #tpu.memory_space<semaphore_mem>>)
      %add3A_1303 = arith.constant 2 : i32
      %add3A_1304 = arith.addi %add3A_1281, %add3A_1303 : i32
      %mul3A_1305 = arith.constant 200 : i32
      %mul3A_1306 = arith.muli %add3A_1304, %mul3A_1305 : i32
      %add3A_1307 = arith.addi %mul3A_4, %mul3A_1306 : i32
      %dma_wait3A_1308 = arith.constant 0 : i32
      %dma_wait3A_1309 = tpu.memref_slice %arg5[%dma_wait3A_1308] : memref<600xi32, #tpu.memory_space<vmem>> -> memref<200xi32, #tpu.memory_space<vmem>>
      %dma_wait3A_1310 = tpu.memref_slice %arg2[%add3A_1307] : memref<819200xi32, #tpu.memory_space<hbm>> -> memref<200xi32, #tpu.memory_space<hbm>>
      %dma_wait3A_1311 = arith.constant 0 : i32
      %dma_wait3A_1312 = tpu.memref_slice %arg5[%dma_wait3A_1311] : memref<600xi32, #tpu.memory_space<vmem>> -> memref<200xi32, #tpu.memory_space<vmem>>
      %dma_wait3A_1313 = tpu.memref_slice %arg2[%add3A_1307] : memref<819200xi32, #tpu.memory_space<hbm>> -> memref<200xi32, #tpu.memory_space<hbm>>
      tpu.wait_dma2 semaphore(%arg11 : memref<!tpu.dma_semaphore, #tpu.memory_space<semaphore_mem>>) src(%dma_wait3A_1313 : memref<200xi32, #tpu.memory_space<hbm>>) dst(%dma_wait3A_1312 : memref<200xi32, #tpu.memory_space<vmem>>)
      %add3A_1314 = arith.constant 2 : i32
      %add3A_1315 = arith.addi %add3A_1281, %add3A_1314 : i32
      %dma_start3A_1316 = arith.constant 0 : i32
      %dma_start3A_1317 = arith.constant 0 : i32
      %dma_start3A_1318 = arith.constant 0 : i32
      %dma_start3A_1319 = tpu.memref_slice %arg6[%dma_start3A_1316, %dma_start3A_1317, %dma_start3A_1318] : memref<3x200x128xf32, #tpu.memory_space<vmem>> -> memref<1x200x128xf32, #tpu.memory_space<vmem>>
      %dma_start3A_1320 = tpu.memref_squeeze %dma_start3A_1319 : memref<1x200x128xf32, #tpu.memory_space<vmem>> -> memref<200x128xf32, #tpu.memory_space<vmem>>
      %dma_start3A_1321 = arith.constant 0 : i32
      %dma_start3A_1322 = tpu.memref_slice %arg5[%dma_start3A_1321] : memref<600xi32, #tpu.memory_space<vmem>> -> memref<200xi32, #tpu.memory_space<vmem>>
      %dma_start3A_1323 = arith.constant 0 : i32
      %dma_start3A_1324 = arith.constant 0 : i32
      %dma_start3A_1325 = tpu.memref_slice %arg3[%dma_start3A_1323, %dma_start3A_1324] : memref<1000000x128xf32, #tpu.memory_space<hbm>> -> memref<1000000x128xf32, #tpu.memory_space<hbm>>
      tpu.enqueue_indirect_dma source(%dma_start3A_1325 : memref<1000000x128xf32, #tpu.memory_space<hbm>>) target(%dma_start3A_1320 : memref<200x128xf32, #tpu.memory_space<vmem>>) offsets(%dma_start3A_1322 : memref<200xi32, #tpu.memory_space<vmem>>) semaphore(%arg14 : memref<!tpu.dma_semaphore, #tpu.memory_space<semaphore_mem>>)
      %sub3A_1326 = arith.constant 1 : i32
      %sub3A_1327 = arith.subi %add3A_1281, %sub3A_1326 : i32
      %mul3A_1328 = arith.constant 4 : i32
      %mul3A_1329 = arith.muli %sub3A_1327, %mul3A_1328 : i32
      %add3A_1330 = arith.addi %mul3A_6, %mul3A_1329 : i32
      %add3A_1331 = arith.constant 0 : i32
      %add3A_1332 = arith.addi %add3A_1330, %add3A_1331 : i32
      %dma_wait3A_1333 = arith.constant 0 : i32
      %dma_wait3A_1334 = arith.constant 0 : i32
      %dma_wait3A_1335 = tpu.memref_slice %arg4[%add3A_1332, %dma_wait3A_1333, %dma_wait3A_1334] : memref<16384x50x64xf32, #tpu.memory_space<hbm>> -> memref<1x50x64xf32, #tpu.memory_space<hbm>>
      %dma_wait3A_1336 = tpu.memref_squeeze %dma_wait3A_1335 : memref<1x50x64xf32, #tpu.memory_space<hbm>> -> memref<50x64xf32, #tpu.memory_space<hbm>>
      %dma_wait3A_1337 = arith.constant 0 : i32
      %dma_wait3A_1338 = arith.constant 0 : i32
      %dma_wait3A_1339 = tpu.memref_slice %arg4[%add3A_1332, %dma_wait3A_1337, %dma_wait3A_1338] : memref<16384x50x64xf32, #tpu.memory_space<hbm>> -> memref<1x50x64xf32, #tpu.memory_space<hbm>>
      %dma_wait3A_1340 = tpu.memref_squeeze %dma_wait3A_1339 : memref<1x50x64xf32, #tpu.memory_space<hbm>> -> memref<50x64xf32, #tpu.memory_space<hbm>>
      tpu.wait_dma2 semaphore(%arg17 : memref<!tpu.dma_semaphore, #tpu.memory_space<semaphore_mem>>) src(%arg7 : memref<50x64xf32, #tpu.memory_space<vmem>>) dst(%dma_wait3A_1340 : memref<50x64xf32, #tpu.memory_space<hbm>>)
      %mul3A_1341 = arith.constant 4 : i32
      %mul3A_1342 = arith.muli %sub3A_1327, %mul3A_1341 : i32
      %add3A_1343 = arith.addi %mul3A_6, %mul3A_1342 : i32
      %add3A_1344 = arith.constant 1 : i32
      %add3A_1345 = arith.addi %add3A_1343, %add3A_1344 : i32
      %dma_wait3A_1346 = arith.constant 0 : i32
      %dma_wait3A_1347 = arith.constant 0 : i32
      %dma_wait3A_1348 = tpu.memref_slice %arg4[%add3A_1345, %dma_wait3A_1346, %dma_wait3A_1347] : memref<16384x50x64xf32, #tpu.memory_space<hbm>> -> memref<1x50x64xf32, #tpu.memory_space<hbm>>
      %dma_wait3A_1349 = tpu.memref_squeeze %dma_wait3A_1348 : memref<1x50x64xf32, #tpu.memory_space<hbm>> -> memref<50x64xf32, #tpu.memory_space<hbm>>
      %dma_wait3A_1350 = arith.constant 0 : i32
      %dma_wait3A_1351 = arith.constant 0 : i32
      %dma_wait3A_1352 = tpu.memref_slice %arg4[%add3A_1345, %dma_wait3A_1350, %dma_wait3A_1351] : memref<16384x50x64xf32, #tpu.memory_space<hbm>> -> memref<1x50x64xf32, #tpu.memory_space<hbm>>
      %dma_wait3A_1353 = tpu.memref_squeeze %dma_wait3A_1352 : memref<1x50x64xf32, #tpu.memory_space<hbm>> -> memref<50x64xf32, #tpu.memory_space<hbm>>
      tpu.wait_dma2 semaphore(%arg17 : memref<!tpu.dma_semaphore, #tpu.memory_space<semaphore_mem>>) src(%arg8 : memref<50x64xf32, #tpu.memory_space<vmem>>) dst(%dma_wait3A_1353 : memref<50x64xf32, #tpu.memory_space<hbm>>)
      %mul3A_1354 = arith.constant 4 : i32
      %mul3A_1355 = arith.muli %sub3A_1327, %mul3A_1354 : i32
      %add3A_1356 = arith.addi %mul3A_6, %mul3A_1355 : i32
      %add3A_1357 = arith.constant 2 : i32
      %add3A_1358 = arith.addi %add3A_1356, %add3A_1357 : i32
      %dma_wait3A_1359 = arith.constant 0 : i32
      %dma_wait3A_1360 = arith.constant 0 : i32
      %dma_wait3A_1361 = tpu.memref_slice %arg4[%add3A_1358, %dma_wait3A_1359, %dma_wait3A_1360] : memref<16384x50x64xf32, #tpu.memory_space<hbm>> -> memref<1x50x64xf32, #tpu.memory_space<hbm>>
      %dma_wait3A_1362 = tpu.memref_squeeze %dma_wait3A_1361 : memref<1x50x64xf32, #tpu.memory_space<hbm>> -> memref<50x64xf32, #tpu.memory_space<hbm>>
      %dma_wait3A_1363 = arith.constant 0 : i32
      %dma_wait3A_1364 = arith.constant 0 : i32
      %dma_wait3A_1365 = tpu.memref_slice %arg4[%add3A_1358, %dma_wait3A_1363, %dma_wait3A_1364] : memref<16384x50x64xf32, #tpu.memory_space<hbm>> -> memref<1x50x64xf32, #tpu.memory_space<hbm>>
      %dma_wait3A_1366 = tpu.memref_squeeze %dma_wait3A_1365 : memref<1x50x64xf32, #tpu.memory_space<hbm>> -> memref<50x64xf32, #tpu.memory_space<hbm>>
      tpu.wait_dma2 semaphore(%arg17 : memref<!tpu.dma_semaphore, #tpu.memory_space<semaphore_mem>>) src(%arg9 : memref<50x64xf32, #tpu.memory_space<vmem>>) dst(%dma_wait3A_1366 : memref<50x64xf32, #tpu.memory_space<hbm>>)
      %mul3A_1367 = arith.constant 4 : i32
      %mul3A_1368 = arith.muli %sub3A_1327, %mul3A_1367 : i32
      %add3A_1369 = arith.addi %mul3A_6, %mul3A_1368 : i32
      %add3A_1370 = arith.constant 3 : i32
      %add3A_1371 = arith.addi %add3A_1369, %add3A_1370 : i32
      %dma_wait3A_1372 = arith.constant 0 : i32
      %dma_wait3A_1373 = arith.constant 0 : i32
      %dma_wait3A_1374 = tpu.memref_slice %arg4[%add3A_1371, %dma_wait3A_1372, %dma_wait3A_1373] : memref<16384x50x64xf32, #tpu.memory_space<hbm>> -> memref<1x50x64xf32, #tpu.memory_space<hbm>>
      %dma_wait3A_1375 = tpu.memref_squeeze %dma_wait3A_1374 : memref<1x50x64xf32, #tpu.memory_space<hbm>> -> memref<50x64xf32, #tpu.memory_space<hbm>>
      %dma_wait3A_1376 = arith.constant 0 : i32
      %dma_wait3A_1377 = arith.constant 0 : i32
      %dma_wait3A_1378 = tpu.memref_slice %arg4[%add3A_1371, %dma_wait3A_1376, %dma_wait3A_1377] : memref<16384x50x64xf32, #tpu.memory_space<hbm>> -> memref<1x50x64xf32, #tpu.memory_space<hbm>>
      %dma_wait3A_1379 = tpu.memref_squeeze %dma_wait3A_1378 : memref<1x50x64xf32, #tpu.memory_space<hbm>> -> memref<50x64xf32, #tpu.memory_space<hbm>>
      tpu.wait_dma2 semaphore(%arg17 : memref<!tpu.dma_semaphore, #tpu.memory_space<semaphore_mem>>) src(%arg10 : memref<50x64xf32, #tpu.memory_space<vmem>>) dst(%dma_wait3A_1379 : memref<50x64xf32, #tpu.memory_space<hbm>>)
      %scan3A_1380 = arith.constant 0 : i32
      %scan3A_1381 = arith.constant 0 : i32
      %scan3A_1382 = arith.constant 50 : i32
      %scan3A_1383 = arith.addi %scan3A_1381, %scan3A_1382 : i32
      %scan3A_1384 = arith.constant 1 : i32
      scf.for %scan3A_1600 = %scan3A_1381 to %scan3A_1383 step %scan3A_1384  : i32 {
        %add3A_1601 = arith.constant 0 : i32
        %add3A_1602 = arith.addi %add3A_1601, %scan3A_1600 : i32
        %get3A = arith.constant 1 : i32
        %get3A_1603 = arith.index_cast %get3A : i32 to index
        %get3A_1604 = arith.index_cast %add3A_1602 : i32 to index
        %get3A_1605 = arith.constant 0 : index
        %get3A_1606 = tpu.vector_load %arg6[%get3A_1603, %get3A_1604, %get3A_1605] {strides = array<i32>} : memref<3x200x128xf32, #tpu.memory_space<vmem>>, vector<16xf32>,
        %swap3A = arith.index_cast %scan3A_1600 : i32 to index
        %swap3A_1607 = arith.constant 0 : index
        %swap3A_1608 = tpu.vector_load %arg7[%swap3A, %swap3A_1607] {strides = array<i32>} : memref<50x64xf32, #tpu.memory_space<vmem>>, vector<16xf32>,
        tpu.vector_store %arg7[%swap3A, %swap3A_1607], %get3A_1606 {strides = array<i32>} : memref<50x64xf32, #tpu.memory_space<vmem>>, vector<16xf32>,
        %add3A_1609 = arith.constant 0 : i32
        %add3A_1610 = arith.addi %add3A_1609, %scan3A_1600 : i32
        %get3A_1611 = arith.constant 1 : i32
        %get3A_1612 = arith.index_cast %get3A_1611 : i32 to index
        %get3A_1613 = arith.index_cast %add3A_1610 : i32 to index
        %get3A_1614 = arith.constant 16 : index
        %get3A_1615 = tpu.vector_load %arg6[%get3A_1612, %get3A_1613, %get3A_1614] {strides = array<i32>} : memref<3x200x128xf32, #tpu.memory_space<vmem>>, vector<16xf32>,
        %swap3A_1616 = arith.index_cast %scan3A_1600 : i32 to index
        %swap3A_1617 = arith.constant 16 : index
        %swap3A_1618 = tpu.vector_load %arg7[%swap3A_1616, %swap3A_1617] {strides = array<i32>} : memref<50x64xf32, #tpu.memory_space<vmem>>, vector<16xf32>,
        tpu.vector_store %arg7[%swap3A_1616, %swap3A_1617], %get3A_1615 {strides = array<i32>} : memref<50x64xf32, #tpu.memory_space<vmem>>, vector<16xf32>,
        %add3A_1619 = arith.constant 0 : i32
        %add3A_1620 = arith.addi %add3A_1619, %scan3A_1600 : i32
        %get3A_1621 = arith.constant 1 : i32
        %get3A_1622 = arith.index_cast %get3A_1621 : i32 to index
        %get3A_1623 = arith.index_cast %add3A_1620 : i32 to index
        %get3A_1624 = arith.constant 32 : index
        %get3A_1625 = tpu.vector_load %arg6[%get3A_1622, %get3A_1623, %get3A_1624] {strides = array<i32>} : memref<3x200x128xf32, #tpu.memory_space<vmem>>, vector<16xf32>,
        %swap3A_1626 = arith.index_cast %scan3A_1600 : i32 to index
        %swap3A_1627 = arith.constant 32 : index
        %swap3A_1628 = tpu.vector_load %arg7[%swap3A_1626, %swap3A_1627] {strides = array<i32>} : memref<50x64xf32, #tpu.memory_space<vmem>>, vector<16xf32>,
        tpu.vector_store %arg7[%swap3A_1626, %swap3A_1627], %get3A_1625 {strides = array<i32>} : memref<50x64xf32, #tpu.memory_space<vmem>>, vector<16xf32>,
        %add3A_1629 = arith.constant 0 : i32
        %add3A_1630 = arith.addi %add3A_1629, %scan3A_1600 : i32
        %get3A_1631 = arith.constant 1 : i32
        %get3A_1632 = arith.index_cast %get3A_1631 : i32 to index
        %get3A_1633 = arith.index_cast %add3A_1630 : i32 to index
        %get3A_1634 = arith.constant 48 : index
        %get3A_1635 = tpu.vector_load %arg6[%get3A_1632, %get3A_1633, %get3A_1634] {strides = array<i32>} : memref<3x200x128xf32, #tpu.memory_space<vmem>>, vector<16xf32>,
        %swap3A_1636 = arith.index_cast %scan3A_1600 : i32 to index
        %swap3A_1637 = arith.constant 48 : index
        %swap3A_1638 = tpu.vector_load %arg7[%swap3A_1636, %swap3A_1637] {strides = array<i32>} : memref<50x64xf32, #tpu.memory_space<vmem>>, vector<16xf32>,
        tpu.vector_store %arg7[%swap3A_1636, %swap3A_1637], %get3A_1635 {strides = array<i32>} : memref<50x64xf32, #tpu.memory_space<vmem>>, vector<16xf32>,
        %add3A_1639 = arith.constant 50 : i32
        %add3A_1640 = arith.addi %add3A_1639, %scan3A_1600 : i32
        %get3A_1641 = arith.constant 1 : i32
        %get3A_1642 = arith.index_cast %get3A_1641 : i32 to index
        %get3A_1643 = arith.index_cast %add3A_1640 : i32 to index
        %get3A_1644 = arith.constant 0 : index
        %get3A_1645 = tpu.vector_load %arg6[%get3A_1642, %get3A_1643, %get3A_1644] {strides = array<i32>} : memref<3x200x128xf32, #tpu.memory_space<vmem>>, vector<16xf32>,
        %swap3A_1646 = arith.index_cast %scan3A_1600 : i32 to index
        %swap3A_1647 = arith.constant 0 : index
        %swap3A_1648 = tpu.vector_load %arg8[%swap3A_1646, %swap3A_1647] {strides = array<i32>} : memref<50x64xf32, #tpu.memory_space<vmem>>, vector<16xf32>,
        tpu.vector_store %arg8[%swap3A_1646, %swap3A_1647], %get3A_1645 {strides = array<i32>} : memref<50x64xf32, #tpu.memory_space<vmem>>, vector<16xf32>,
        %add3A_1649 = arith.constant 50 : i32
        %add3A_1650 = arith.addi %add3A_1649, %scan3A_1600 : i32
        %get3A_1651 = arith.constant 1 : i32
        %get3A_1652 = arith.index_cast %get3A_1651 : i32 to index
        %get3A_1653 = arith.index_cast %add3A_1650 : i32 to index
        %get3A_1654 = arith.constant 16 : index
        %get3A_1655 = tpu.vector_load %arg6[%get3A_1652, %get3A_1653, %get3A_1654] {strides = array<i32>} : memref<3x200x128xf32, #tpu.memory_space<vmem>>, vector<16xf32>,
        %swap3A_1656 = arith.index_cast %scan3A_1600 : i32 to index
        %swap3A_1657 = arith.constant 16 : index
        %swap3A_1658 = tpu.vector_load %arg8[%swap3A_1656, %swap3A_1657] {strides = array<i32>} : memref<50x64xf32, #tpu.memory_space<vmem>>, vector<16xf32>,
        tpu.vector_store %arg8[%swap3A_1656, %swap3A_1657], %get3A_1655 {strides = array<i32>} : memref<50x64xf32, #tpu.memory_space<vmem>>, vector<16xf32>,
        %add3A_1659 = arith.constant 50 : i32
        %add3A_1660 = arith.addi %add3A_1659, %scan3A_1600 : i32
        %get3A_1661 = arith.constant 1 : i32
        %get3A_1662 = arith.index_cast %get3A_1661 : i32 to index
        %get3A_1663 = arith.index_cast %add3A_1660 : i32 to index
        %get3A_1664 = arith.constant 32 : index
        %get3A_1665 = tpu.vector_load %arg6[%get3A_1662, %get3A_1663, %get3A_1664] {strides = array<i32>} : memref<3x200x128xf32, #tpu.memory_space<vmem>>, vector<16xf32>,
        %swap3A_1666 = arith.index_cast %scan3A_1600 : i32 to index
        %swap3A_1667 = arith.constant 32 : index
        %swap3A_1668 = tpu.vector_load %arg8[%swap3A_1666, %swap3A_1667] {strides = array<i32>} : memref<50x64xf32, #tpu.memory_space<vmem>>, vector<16xf32>,
        tpu.vector_store %arg8[%swap3A_1666, %swap3A_1667], %get3A_1665 {strides = array<i32>} : memref<50x64xf32, #tpu.memory_space<vmem>>, vector<16xf32>,
        %add3A_1669 = arith.constant 50 : i32
        %add3A_1670 = arith.addi %add3A_1669, %scan3A_1600 : i32
        %get3A_1671 = arith.constant 1 : i32
        %get3A_1672 = arith.index_cast %get3A_1671 : i32 to index
        %get3A_1673 = arith.index_cast %add3A_1670 : i32 to index
        %get3A_1674 = arith.constant 48 : index
        %get3A_1675 = tpu.vector_load %arg6[%get3A_1672, %get3A_1673, %get3A_1674] {strides = array<i32>} : memref<3x200x128xf32, #tpu.memory_space<vmem>>, vector<16xf32>,
        %swap3A_1676 = arith.index_cast %scan3A_1600 : i32 to index
        %swap3A_1677 = arith.constant 48 : index
        %swap3A_1678 = tpu.vector_load %arg8[%swap3A_1676, %swap3A_1677] {strides = array<i32>} : memref<50x64xf32, #tpu.memory_space<vmem>>, vector<16xf32>,
        tpu.vector_store %arg8[%swap3A_1676, %swap3A_1677], %get3A_1675 {strides = array<i32>} : memref<50x64xf32, #tpu.memory_space<vmem>>, vector<16xf32>,
        %add3A_1679 = arith.constant 100 : i32
        %add3A_1680 = arith.addi %add3A_1679, %scan3A_1600 : i32
        %get3A_1681 = arith.constant 1 : i32
        %get3A_1682 = arith.index_cast %get3A_1681 : i32 to index
        %get3A_1683 = arith.index_cast %add3A_1680 : i32 to index
        %get3A_1684 = arith.constant 0 : index
        %get3A_1685 = tpu.vector_load %arg6[%get3A_1682, %get3A_1683, %get3A_1684] {strides = array<i32>} : memref<3x200x128xf32, #tpu.memory_space<vmem>>, vector<16xf32>,
        %swap3A_1686 = arith.index_cast %scan3A_1600 : i32 to index
        %swap3A_1687 = arith.constant 0 : index
        %swap3A_1688 = tpu.vector_load %arg9[%swap3A_1686, %swap3A_1687] {strides = array<i32>} : memref<50x64xf32, #tpu.memory_space<vmem>>, vector<16xf32>,
        tpu.vector_store %arg9[%swap3A_1686, %swap3A_1687], %get3A_1685 {strides = array<i32>} : memref<50x64xf32, #tpu.memory_space<vmem>>, vector<16xf32>,
        %add3A_1689 = arith.constant 100 : i32
        %add3A_1690 = arith.addi %add3A_1689, %scan3A_1600 : i32
        %get3A_1691 = arith.constant 1 : i32
        %get3A_1692 = arith.index_cast %get3A_1691 : i32 to index
        %get3A_1693 = arith.index_cast %add3A_1690 : i32 to index
        %get3A_1694 = arith.constant 16 : index
        %get3A_1695 = tpu.vector_load %arg6[%get3A_1692, %get3A_1693, %get3A_1694] {strides = array<i32>} : memref<3x200x128xf32, #tpu.memory_space<vmem>>, vector<16xf32>,
        %swap3A_1696 = arith.index_cast %scan3A_1600 : i32 to index
        %swap3A_1697 = arith.constant 16 : index
        %swap3A_1698 = tpu.vector_load %arg9[%swap3A_1696, %swap3A_1697] {strides = array<i32>} : memref<50x64xf32, #tpu.memory_space<vmem>>, vector<16xf32>,
        tpu.vector_store %arg9[%swap3A_1696, %swap3A_1697], %get3A_1695 {strides = array<i32>} : memref<50x64xf32, #tpu.memory_space<vmem>>, vector<16xf32>,
        %add3A_1699 = arith.constant 100 : i32
        %add3A_1700 = arith.addi %add3A_1699, %scan3A_1600 : i32
        %get3A_1701 = arith.constant 1 : i32
        %get3A_1702 = arith.index_cast %get3A_1701 : i32 to index
        %get3A_1703 = arith.index_cast %add3A_1700 : i32 to index
        %get3A_1704 = arith.constant 32 : index
        %get3A_1705 = tpu.vector_load %arg6[%get3A_1702, %get3A_1703, %get3A_1704] {strides = array<i32>} : memref<3x200x128xf32, #tpu.memory_space<vmem>>, vector<16xf32>,
        %swap3A_1706 = arith.index_cast %scan3A_1600 : i32 to index
        %swap3A_1707 = arith.constant 32 : index
        %swap3A_1708 = tpu.vector_load %arg9[%swap3A_1706, %swap3A_1707] {strides = array<i32>} : memref<50x64xf32, #tpu.memory_space<vmem>>, vector<16xf32>,
        tpu.vector_store %arg9[%swap3A_1706, %swap3A_1707], %get3A_1705 {strides = array<i32>} : memref<50x64xf32, #tpu.memory_space<vmem>>, vector<16xf32>,
        %add3A_1709 = arith.constant 100 : i32
        %add3A_1710 = arith.addi %add3A_1709, %scan3A_1600 : i32
        %get3A_1711 = arith.constant 1 : i32
        %get3A_1712 = arith.index_cast %get3A_1711 : i32 to index
        %get3A_1713 = arith.index_cast %add3A_1710 : i32 to index
        %get3A_1714 = arith.constant 48 : index
        %get3A_1715 = tpu.vector_load %arg6[%get3A_1712, %get3A_1713, %get3A_1714] {strides = array<i32>} : memref<3x200x128xf32, #tpu.memory_space<vmem>>, vector<16xf32>,
        %swap3A_1716 = arith.index_cast %scan3A_1600 : i32 to index
        %swap3A_1717 = arith.constant 48 : index
        %swap3A_1718 = tpu.vector_load %arg9[%swap3A_1716, %swap3A_1717] {strides = array<i32>} : memref<50x64xf32, #tpu.memory_space<vmem>>, vector<16xf32>,
        tpu.vector_store %arg9[%swap3A_1716, %swap3A_1717], %get3A_1715 {strides = array<i32>} : memref<50x64xf32, #tpu.memory_space<vmem>>, vector<16xf32>,
        %add3A_1719 = arith.constant 150 : i32
        %add3A_1720 = arith.addi %add3A_1719, %scan3A_1600 : i32
        %get3A_1721 = arith.constant 1 : i32
        %get3A_1722 = arith.index_cast %get3A_1721 : i32 to index
        %get3A_1723 = arith.index_cast %add3A_1720 : i32 to index
        %get3A_1724 = arith.constant 0 : index
        %get3A_1725 = tpu.vector_load %arg6[%get3A_1722, %get3A_1723, %get3A_1724] {strides = array<i32>} : memref<3x200x128xf32, #tpu.memory_space<vmem>>, vector<16xf32>,
        %swap3A_1726 = arith.index_cast %scan3A_1600 : i32 to index
        %swap3A_1727 = arith.constant 0 : index
        %swap3A_1728 = tpu.vector_load %arg10[%swap3A_1726, %swap3A_1727] {strides = array<i32>} : memref<50x64xf32, #tpu.memory_space<vmem>>, vector<16xf32>,
        tpu.vector_store %arg10[%swap3A_1726, %swap3A_1727], %get3A_1725 {strides = array<i32>} : memref<50x64xf32, #tpu.memory_space<vmem>>, vector<16xf32>,
        %add3A_1729 = arith.constant 150 : i32
        %add3A_1730 = arith.addi %add3A_1729, %scan3A_1600 : i32
        %get3A_1731 = arith.constant 1 : i32
        %get3A_1732 = arith.index_cast %get3A_1731 : i32 to index
        %get3A_1733 = arith.index_cast %add3A_1730 : i32 to index
        %get3A_1734 = arith.constant 16 : index
        %get3A_1735 = tpu.vector_load %arg6[%get3A_1732, %get3A_1733, %get3A_1734] {strides = array<i32>} : memref<3x200x128xf32, #tpu.memory_space<vmem>>, vector<16xf32>,
        %swap3A_1736 = arith.index_cast %scan3A_1600 : i32 to index
        %swap3A_1737 = arith.constant 16 : index
        %swap3A_1738 = tpu.vector_load %arg10[%swap3A_1736, %swap3A_1737] {strides = array<i32>} : memref<50x64xf32, #tpu.memory_space<vmem>>, vector<16xf32>,
        tpu.vector_store %arg10[%swap3A_1736, %swap3A_1737], %get3A_1735 {strides = array<i32>} : memref<50x64xf32, #tpu.memory_space<vmem>>, vector<16xf32>,
        %add3A_1739 = arith.constant 150 : i32
        %add3A_1740 = arith.addi %add3A_1739, %scan3A_1600 : i32
        %get3A_1741 = arith.constant 1 : i32
        %get3A_1742 = arith.index_cast %get3A_1741 : i32 to index
        %get3A_1743 = arith.index_cast %add3A_1740 : i32 to index
        %get3A_1744 = arith.constant 32 : index
        %get3A_1745 = tpu.vector_load %arg6[%get3A_1742, %get3A_1743, %get3A_1744] {strides = array<i32>} : memref<3x200x128xf32, #tpu.memory_space<vmem>>, vector<16xf32>,
        %swap3A_1746 = arith.index_cast %scan3A_1600 : i32 to index
        %swap3A_1747 = arith.constant 32 : index
        %swap3A_1748 = tpu.vector_load %arg10[%swap3A_1746, %swap3A_1747] {strides = array<i32>} : memref<50x64xf32, #tpu.memory_space<vmem>>, vector<16xf32>,
        tpu.vector_store %arg10[%swap3A_1746, %swap3A_1747], %get3A_1745 {strides = array<i32>} : memref<50x64xf32, #tpu.memory_space<vmem>>, vector<16xf32>,
        %add3A_1749 = arith.constant 150 : i32
        %add3A_1750 = arith.addi %add3A_1749, %scan3A_1600 : i32
        %get3A_1751 = arith.constant 1 : i32
        %get3A_1752 = arith.index_cast %get3A_1751 : i32 to index
        %get3A_1753 = arith.index_cast %add3A_1750 : i32 to index
        %get3A_1754 = arith.constant 48 : index
        %get3A_1755 = tpu.vector_load %arg6[%get3A_1752, %get3A_1753, %get3A_1754] {strides = array<i32>} : memref<3x200x128xf32, #tpu.memory_space<vmem>>, vector<16xf32>,
        %swap3A_1756 = arith.index_cast %scan3A_1600 : i32 to index
        %swap3A_1757 = arith.constant 48 : index
        %swap3A_1758 = tpu.vector_load %arg10[%swap3A_1756, %swap3A_1757] {strides = array<i32>} : memref<50x64xf32, #tpu.memory_space<vmem>>, vector<16xf32>,
        tpu.vector_store %arg10[%swap3A_1756, %swap3A_1757], %get3A_1755 {strides = array<i32>} : memref<50x64xf32, #tpu.memory_space<vmem>>, vector<16xf32>,
      }
      %scan3A_1385 = arith.constant 50 : i32
      %mul3A_1386 = arith.constant 4 : i32
      %mul3A_1387 = arith.muli %add3A_1281, %mul3A_1386 : i32
      %add3A_1388 = arith.addi %mul3A_6, %mul3A_1387 : i32
      %add3A_1389 = arith.constant 0 : i32
      %add3A_1390 = arith.addi %add3A_1388, %add3A_1389 : i32
      %dma_start3A_1391 = arith.constant 0 : i32
      %dma_start3A_1392 = arith.constant 0 : i32
      %dma_start3A_1393 = tpu.memref_slice %arg4[%add3A_1390, %dma_start3A_1391, %dma_start3A_1392] : memref<16384x50x64xf32, #tpu.memory_space<hbm>> -> memref<1x50x64xf32, #tpu.memory_space<hbm>>
      %dma_start3A_1394 = tpu.memref_squeeze %dma_start3A_1393 : memref<1x50x64xf32, #tpu.memory_space<hbm>> -> memref<50x64xf32, #tpu.memory_space<hbm>>
      %dma_start3A_1395 = arith.constant 0 : i32
      %dma_start3A_1396 = arith.constant 0 : i32
      %dma_start3A_1397 = tpu.memref_slice %arg4[%add3A_1390, %dma_start3A_1395, %dma_start3A_1396] : memref<16384x50x64xf32, #tpu.memory_space<hbm>> -> memref<1x50x64xf32, #tpu.memory_space<hbm>>
      %dma_start3A_1398 = tpu.memref_squeeze %dma_start3A_1397 : memref<1x50x64xf32, #tpu.memory_space<hbm>> -> memref<50x64xf32, #tpu.memory_space<hbm>>
      tpu.enqueue_dma source(%arg7 : memref<50x64xf32, #tpu.memory_space<vmem>>) target(%dma_start3A_1398 : memref<50x64xf32, #tpu.memory_space<hbm>>) target_semaphore(%arg17 : memref<!tpu.dma_semaphore, #tpu.memory_space<semaphore_mem>>)
      %mul3A_1399 = arith.constant 4 : i32
      %mul3A_1400 = arith.muli %add3A_1281, %mul3A_1399 : i32
      %add3A_1401 = arith.addi %mul3A_6, %mul3A_1400 : i32
      %add3A_1402 = arith.constant 1 : i32
      %add3A_1403 = arith.addi %add3A_1401, %add3A_1402 : i32
      %dma_start3A_1404 = arith.constant 0 : i32
      %dma_start3A_1405 = arith.constant 0 : i32
      %dma_start3A_1406 = tpu.memref_slice %arg4[%add3A_1403, %dma_start3A_1404, %dma_start3A_1405] : memref<16384x50x64xf32, #tpu.memory_space<hbm>> -> memref<1x50x64xf32, #tpu.memory_space<hbm>>
      %dma_start3A_1407 = tpu.memref_squeeze %dma_start3A_1406 : memref<1x50x64xf32, #tpu.memory_space<hbm>> -> memref<50x64xf32, #tpu.memory_space<hbm>>
      %dma_start3A_1408 = arith.constant 0 : i32
      %dma_start3A_1409 = arith.constant 0 : i32
      %dma_start3A_1410 = tpu.memref_slice %arg4[%add3A_1403, %dma_start3A_1408, %dma_start3A_1409] : memref<16384x50x64xf32, #tpu.memory_space<hbm>> -> memref<1x50x64xf32, #tpu.memory_space<hbm>>
      %dma_start3A_1411 = tpu.memref_squeeze %dma_start3A_1410 : memref<1x50x64xf32, #tpu.memory_space<hbm>> -> memref<50x64xf32, #tpu.memory_space<hbm>>
      tpu.enqueue_dma source(%arg8 : memref<50x64xf32, #tpu.memory_space<vmem>>) target(%dma_start3A_1411 : memref<50x64xf32, #tpu.memory_space<hbm>>) target_semaphore(%arg17 : memref<!tpu.dma_semaphore, #tpu.memory_space<semaphore_mem>>)
      %mul3A_1412 = arith.constant 4 : i32
      %mul3A_1413 = arith.muli %add3A_1281, %mul3A_1412 : i32
      %add3A_1414 = arith.addi %mul3A_6, %mul3A_1413 : i32
      %add3A_1415 = arith.constant 2 : i32
      %add3A_1416 = arith.addi %add3A_1414, %add3A_1415 : i32
      %dma_start3A_1417 = arith.constant 0 : i32
      %dma_start3A_1418 = arith.constant 0 : i32
      %dma_start3A_1419 = tpu.memref_slice %arg4[%add3A_1416, %dma_start3A_1417, %dma_start3A_1418] : memref<16384x50x64xf32, #tpu.memory_space<hbm>> -> memref<1x50x64xf32, #tpu.memory_space<hbm>>
      %dma_start3A_1420 = tpu.memref_squeeze %dma_start3A_1419 : memref<1x50x64xf32, #tpu.memory_space<hbm>> -> memref<50x64xf32, #tpu.memory_space<hbm>>
      %dma_start3A_1421 = arith.constant 0 : i32
      %dma_start3A_1422 = arith.constant 0 : i32
      %dma_start3A_1423 = tpu.memref_slice %arg4[%add3A_1416, %dma_start3A_1421, %dma_start3A_1422] : memref<16384x50x64xf32, #tpu.memory_space<hbm>> -> memref<1x50x64xf32, #tpu.memory_space<hbm>>
      %dma_start3A_1424 = tpu.memref_squeeze %dma_start3A_1423 : memref<1x50x64xf32, #tpu.memory_space<hbm>> -> memref<50x64xf32, #tpu.memory_space<hbm>>
      tpu.enqueue_dma source(%arg9 : memref<50x64xf32, #tpu.memory_space<vmem>>) target(%dma_start3A_1424 : memref<50x64xf32, #tpu.memory_space<hbm>>) target_semaphore(%arg17 : memref<!tpu.dma_semaphore, #tpu.memory_space<semaphore_mem>>)
      %mul3A_1425 = arith.constant 4 : i32
      %mul3A_1426 = arith.muli %add3A_1281, %mul3A_1425 : i32
      %add3A_1427 = arith.addi %mul3A_6, %mul3A_1426 : i32
      %add3A_1428 = arith.constant 3 : i32
      %add3A_1429 = arith.addi %add3A_1427, %add3A_1428 : i32
      %dma_start3A_1430 = arith.constant 0 : i32
      %dma_start3A_1431 = arith.constant 0 : i32
      %dma_start3A_1432 = tpu.memref_slice %arg4[%add3A_1429, %dma_start3A_1430, %dma_start3A_1431] : memref<16384x50x64xf32, #tpu.memory_space<hbm>> -> memref<1x50x64xf32, #tpu.memory_space<hbm>>
      %dma_start3A_1433 = tpu.memref_squeeze %dma_start3A_1432 : memref<1x50x64xf32, #tpu.memory_space<hbm>> -> memref<50x64xf32, #tpu.memory_space<hbm>>
      %dma_start3A_1434 = arith.constant 0 : i32
      %dma_start3A_1435 = arith.constant 0 : i32
      %dma_start3A_1436 = tpu.memref_slice %arg4[%add3A_1429, %dma_start3A_1434, %dma_start3A_1435] : memref<16384x50x64xf32, #tpu.memory_space<hbm>> -> memref<1x50x64xf32, #tpu.memory_space<hbm>>
      %dma_start3A_1437 = tpu.memref_squeeze %dma_start3A_1436 : memref<1x50x64xf32, #tpu.memory_space<hbm>> -> memref<50x64xf32, #tpu.memory_space<hbm>>
      tpu.enqueue_dma source(%arg10 : memref<50x64xf32, #tpu.memory_space<vmem>>) target(%dma_start3A_1437 : memref<50x64xf32, #tpu.memory_space<hbm>>) target_semaphore(%arg17 : memref<!tpu.dma_semaphore, #tpu.memory_space<semaphore_mem>>)
      %mul3A_1438 = arith.constant 3 : i32
      %mul3A_1439 = arith.muli %scan3A_1114, %mul3A_1438 : i32
      %add3A_1440 = arith.constant 3 : i32
      %add3A_1441 = arith.addi %add3A_1440, %mul3A_1439 : i32
      %add3A_1442 = arith.constant 2 : i32
      %add3A_1443 = arith.addi %add3A_1441, %add3A_1442 : i32
      %dma_wait3A_1444 = arith.constant 2 : i32
      %dma_wait3A_1445 = arith.constant 0 : i32
      %dma_wait3A_1446 = arith.constant 0 : i32
      %dma_wait3A_1447 = tpu.memref_slice %arg6[%dma_wait3A_1444, %dma_wait3A_1445, %dma_wait3A_1446] : memref<3x200x128xf32, #tpu.memory_space<vmem>> -> memref<1x200x128xf32, #tpu.memory_space<vmem>>
      %dma_wait3A_1448 = tpu.memref_squeeze %dma_wait3A_1447 : memref<1x200x128xf32, #tpu.memory_space<vmem>> -> memref<200x128xf32, #tpu.memory_space<vmem>>
      %dma_wait3A_1449 = arith.constant 400 : i32
      %dma_wait3A_1450 = tpu.memref_slice %arg5[%dma_wait3A_1449] : memref<600xi32, #tpu.memory_space<vmem>> -> memref<200xi32, #tpu.memory_space<vmem>>
      %dma_wait3A_1451 = arith.constant 0 : i32
      %dma_wait3A_1452 = arith.constant 0 : i32
      %dma_wait3A_1453 = tpu.memref_slice %arg3[%dma_wait3A_1451, %dma_wait3A_1452] : memref<1000000x128xf32, #tpu.memory_space<hbm>> -> memref<1000000x128xf32, #tpu.memory_space<hbm>>
      tpu.wait_indirect_dma semaphore(%arg16 : memref<!tpu.dma_semaphore, #tpu.memory_space<semaphore_mem>>) src(%dma_wait3A_1453 : memref<1000000x128xf32, #tpu.memory_space<hbm>>) dst(%dma_wait3A_1448 : memref<200x128xf32, #tpu.memory_space<vmem>>)
      %add3A_1454 = arith.constant 3 : i32
      %add3A_1455 = arith.addi %add3A_1443, %add3A_1454 : i32
      %mul3A_1456 = arith.constant 200 : i32
      %mul3A_1457 = arith.muli %add3A_1455, %mul3A_1456 : i32
      %add3A_1458 = arith.addi %mul3A_4, %mul3A_1457 : i32
      %dma_start3A_1459 = arith.constant 400 : i32
      %dma_start3A_1460 = tpu.memref_slice %arg5[%dma_start3A_1459] : memref<600xi32, #tpu.memory_space<vmem>> -> memref<200xi32, #tpu.memory_space<vmem>>
      %dma_start3A_1461 = tpu.memref_slice %arg2[%add3A_1458] : memref<819200xi32, #tpu.memory_space<hbm>> -> memref<200xi32, #tpu.memory_space<hbm>>
      %dma_start3A_1462 = arith.constant 400 : i32
      %dma_start3A_1463 = tpu.memref_slice %arg5[%dma_start3A_1462] : memref<600xi32, #tpu.memory_space<vmem>> -> memref<200xi32, #tpu.memory_space<vmem>>
      %dma_start3A_1464 = tpu.memref_slice %arg2[%add3A_1458] : memref<819200xi32, #tpu.memory_space<hbm>> -> memref<200xi32, #tpu.memory_space<hbm>>
      tpu.enqueue_dma source(%dma_start3A_1464 : memref<200xi32, #tpu.memory_space<hbm>>) target(%dma_start3A_1463 : memref<200xi32, #tpu.memory_space<vmem>>) target_semaphore(%arg13 : memref<!tpu.dma_semaphore, #tpu.memory_space<semaphore_mem>>)
      %add3A_1465 = arith.constant 2 : i32
      %add3A_1466 = arith.addi %add3A_1443, %add3A_1465 : i32
      %mul3A_1467 = arith.constant 200 : i32
      %mul3A_1468 = arith.muli %add3A_1466, %mul3A_1467 : i32
      %add3A_1469 = arith.addi %mul3A_4, %mul3A_1468 : i32
      %dma_wait3A_1470 = arith.constant 200 : i32
      %dma_wait3A_1471 = tpu.memref_slice %arg5[%dma_wait3A_1470] : memref<600xi32, #tpu.memory_space<vmem>> -> memref<200xi32, #tpu.memory_space<vmem>>
      %dma_wait3A_1472 = tpu.memref_slice %arg2[%add3A_1469] : memref<819200xi32, #tpu.memory_space<hbm>> -> memref<200xi32, #tpu.memory_space<hbm>>
      %dma_wait3A_1473 = arith.constant 200 : i32
      %dma_wait3A_1474 = tpu.memref_slice %arg5[%dma_wait3A_1473] : memref<600xi32, #tpu.memory_space<vmem>> -> memref<200xi32, #tpu.memory_space<vmem>>
      %dma_wait3A_1475 = tpu.memref_slice %arg2[%add3A_1469] : memref<819200xi32, #tpu.memory_space<hbm>> -> memref<200xi32, #tpu.memory_space<hbm>>
      tpu.wait_dma2 semaphore(%arg12 : memref<!tpu.dma_semaphore, #tpu.memory_space<semaphore_mem>>) src(%dma_wait3A_1475 : memref<200xi32, #tpu.memory_space<hbm>>) dst(%dma_wait3A_1474 : memref<200xi32, #tpu.memory_space<vmem>>)
      %add3A_1476 = arith.constant 2 : i32
      %add3A_1477 = arith.addi %add3A_1443, %add3A_1476 : i32
      %dma_start3A_1478 = arith.constant 1 : i32
      %dma_start3A_1479 = arith.constant 0 : i32
      %dma_start3A_1480 = arith.constant 0 : i32
      %dma_start3A_1481 = tpu.memref_slice %arg6[%dma_start3A_1478, %dma_start3A_1479, %dma_start3A_1480] : memref<3x200x128xf32, #tpu.memory_space<vmem>> -> memref<1x200x128xf32, #tpu.memory_space<vmem>>
      %dma_start3A_1482 = tpu.memref_squeeze %dma_start3A_1481 : memref<1x200x128xf32, #tpu.memory_space<vmem>> -> memref<200x128xf32, #tpu.memory_space<vmem>>
      %dma_start3A_1483 = arith.constant 200 : i32
      %dma_start3A_1484 = tpu.memref_slice %arg5[%dma_start3A_1483] : memref<600xi32, #tpu.memory_space<vmem>> -> memref<200xi32, #tpu.memory_space<vmem>>
      %dma_start3A_1485 = arith.constant 0 : i32
      %dma_start3A_1486 = arith.constant 0 : i32
      %dma_start3A_1487 = tpu.memref_slice %arg3[%dma_start3A_1485, %dma_start3A_1486] : memref<1000000x128xf32, #tpu.memory_space<hbm>> -> memref<1000000x128xf32, #tpu.memory_space<hbm>>
      tpu.enqueue_indirect_dma source(%dma_start3A_1487 : memref<1000000x128xf32, #tpu.memory_space<hbm>>) target(%dma_start3A_1482 : memref<200x128xf32, #tpu.memory_space<vmem>>) offsets(%dma_start3A_1484 : memref<200xi32, #tpu.memory_space<vmem>>) semaphore(%arg15 : memref<!tpu.dma_semaphore, #tpu.memory_space<semaphore_mem>>)
      %sub3A_1488 = arith.constant 1 : i32
      %sub3A_1489 = arith.subi %add3A_1443, %sub3A_1488 : i32
      %mul3A_1490 = arith.constant 4 : i32
      %mul3A_1491 = arith.muli %sub3A_1489, %mul3A_1490 : i32
      %add3A_1492 = arith.addi %mul3A_6, %mul3A_1491 : i32
      %add3A_1493 = arith.constant 0 : i32
      %add3A_1494 = arith.addi %add3A_1492, %add3A_1493 : i32
      %dma_wait3A_1495 = arith.constant 0 : i32
      %dma_wait3A_1496 = arith.constant 0 : i32
      %dma_wait3A_1497 = tpu.memref_slice %arg4[%add3A_1494, %dma_wait3A_1495, %dma_wait3A_1496] : memref<16384x50x64xf32, #tpu.memory_space<hbm>> -> memref<1x50x64xf32, #tpu.memory_space<hbm>>
      %dma_wait3A_1498 = tpu.memref_squeeze %dma_wait3A_1497 : memref<1x50x64xf32, #tpu.memory_space<hbm>> -> memref<50x64xf32, #tpu.memory_space<hbm>>
      %dma_wait3A_1499 = arith.constant 0 : i32
      %dma_wait3A_1500 = arith.constant 0 : i32
      %dma_wait3A_1501 = tpu.memref_slice %arg4[%add3A_1494, %dma_wait3A_1499, %dma_wait3A_1500] : memref<16384x50x64xf32, #tpu.memory_space<hbm>> -> memref<1x50x64xf32, #tpu.memory_space<hbm>>
      %dma_wait3A_1502 = tpu.memref_squeeze %dma_wait3A_1501 : memref<1x50x64xf32, #tpu.memory_space<hbm>> -> memref<50x64xf32, #tpu.memory_space<hbm>>
      tpu.wait_dma2 semaphore(%arg17 : memref<!tpu.dma_semaphore, #tpu.memory_space<semaphore_mem>>) src(%arg7 : memref<50x64xf32, #tpu.memory_space<vmem>>) dst(%dma_wait3A_1502 : memref<50x64xf32, #tpu.memory_space<hbm>>)
      %mul3A_1503 = arith.constant 4 : i32
      %mul3A_1504 = arith.muli %sub3A_1489, %mul3A_1503 : i32
      %add3A_1505 = arith.addi %mul3A_6, %mul3A_1504 : i32
      %add3A_1506 = arith.constant 1 : i32
      %add3A_1507 = arith.addi %add3A_1505, %add3A_1506 : i32
      %dma_wait3A_1508 = arith.constant 0 : i32
      %dma_wait3A_1509 = arith.constant 0 : i32
      %dma_wait3A_1510 = tpu.memref_slice %arg4[%add3A_1507, %dma_wait3A_1508, %dma_wait3A_1509] : memref<16384x50x64xf32, #tpu.memory_space<hbm>> -> memref<1x50x64xf32, #tpu.memory_space<hbm>>
      %dma_wait3A_1511 = tpu.memref_squeeze %dma_wait3A_1510 : memref<1x50x64xf32, #tpu.memory_space<hbm>> -> memref<50x64xf32, #tpu.memory_space<hbm>>
      %dma_wait3A_1512 = arith.constant 0 : i32
      %dma_wait3A_1513 = arith.constant 0 : i32
      %dma_wait3A_1514 = tpu.memref_slice %arg4[%add3A_1507, %dma_wait3A_1512, %dma_wait3A_1513] : memref<16384x50x64xf32, #tpu.memory_space<hbm>> -> memref<1x50x64xf32, #tpu.memory_space<hbm>>
      %dma_wait3A_1515 = tpu.memref_squeeze %dma_wait3A_1514 : memref<1x50x64xf32, #tpu.memory_space<hbm>> -> memref<50x64xf32, #tpu.memory_space<hbm>>
      tpu.wait_dma2 semaphore(%arg17 : memref<!tpu.dma_semaphore, #tpu.memory_space<semaphore_mem>>) src(%arg8 : memref<50x64xf32, #tpu.memory_space<vmem>>) dst(%dma_wait3A_1515 : memref<50x64xf32, #tpu.memory_space<hbm>>)
      %mul3A_1516 = arith.constant 4 : i32
      %mul3A_1517 = arith.muli %sub3A_1489, %mul3A_1516 : i32
      %add3A_1518 = arith.addi %mul3A_6, %mul3A_1517 : i32
      %add3A_1519 = arith.constant 2 : i32
      %add3A_1520 = arith.addi %add3A_1518, %add3A_1519 : i32
      %dma_wait3A_1521 = arith.constant 0 : i32
      %dma_wait3A_1522 = arith.constant 0 : i32
      %dma_wait3A_1523 = tpu.memref_slice %arg4[%add3A_1520, %dma_wait3A_1521, %dma_wait3A_1522] : memref<16384x50x64xf32, #tpu.memory_space<hbm>> -> memref<1x50x64xf32, #tpu.memory_space<hbm>>
      %dma_wait3A_1524 = tpu.memref_squeeze %dma_wait3A_1523 : memref<1x50x64xf32, #tpu.memory_space<hbm>> -> memref<50x64xf32, #tpu.memory_space<hbm>>
      %dma_wait3A_1525 = arith.constant 0 : i32
      %dma_wait3A_1526 = arith.constant 0 : i32
      %dma_wait3A_1527 = tpu.memref_slice %arg4[%add3A_1520, %dma_wait3A_1525, %dma_wait3A_1526] : memref<16384x50x64xf32, #tpu.memory_space<hbm>> -> memref<1x50x64xf32, #tpu.memory_space<hbm>>
      %dma_wait3A_1528 = tpu.memref_squeeze %dma_wait3A_1527 : memref<1x50x64xf32, #tpu.memory_space<hbm>> -> memref<50x64xf32, #tpu.memory_space<hbm>>
      tpu.wait_dma2 semaphore(%arg17 : memref<!tpu.dma_semaphore, #tpu.memory_space<semaphore_mem>>) src(%arg9 : memref<50x64xf32, #tpu.memory_space<vmem>>) dst(%dma_wait3A_1528 : memref<50x64xf32, #tpu.memory_space<hbm>>)
      %mul3A_1529 = arith.constant 4 : i32
      %mul3A_1530 = arith.muli %sub3A_1489, %mul3A_1529 : i32
      %add3A_1531 = arith.addi %mul3A_6, %mul3A_1530 : i32
      %add3A_1532 = arith.constant 3 : i32
      %add3A_1533 = arith.addi %add3A_1531, %add3A_1532 : i32
      %dma_wait3A_1534 = arith.constant 0 : i32
      %dma_wait3A_1535 = arith.constant 0 : i32
      %dma_wait3A_1536 = tpu.memref_slice %arg4[%add3A_1533, %dma_wait3A_1534, %dma_wait3A_1535] : memref<16384x50x64xf32, #tpu.memory_space<hbm>> -> memref<1x50x64xf32, #tpu.memory_space<hbm>>
      %dma_wait3A_1537 = tpu.memref_squeeze %dma_wait3A_1536 : memref<1x50x64xf32, #tpu.memory_space<hbm>> -> memref<50x64xf32, #tpu.memory_space<hbm>>
      %dma_wait3A_1538 = arith.constant 0 : i32
      %dma_wait3A_1539 = arith.constant 0 : i32
      %dma_wait3A_1540 = tpu.memref_slice %arg4[%add3A_1533, %dma_wait3A_1538, %dma_wait3A_1539] : memref<16384x50x64xf32, #tpu.memory_space<hbm>> -> memref<1x50x64xf32, #tpu.memory_space<hbm>>
      %dma_wait3A_1541 = tpu.memref_squeeze %dma_wait3A_1540 : memref<1x50x64xf32, #tpu.memory_space<hbm>> -> memref<50x64xf32, #tpu.memory_space<hbm>>
      tpu.wait_dma2 semaphore(%arg17 : memref<!tpu.dma_semaphore, #tpu.memory_space<semaphore_mem>>) src(%arg10 : memref<50x64xf32, #tpu.memory_space<vmem>>) dst(%dma_wait3A_1541 : memref<50x64xf32, #tpu.memory_space<hbm>>)
      %scan3A_1542 = arith.constant 0 : i32
      %scan3A_1543 = arith.constant 0 : i32
      %scan3A_1544 = arith.constant 50 : i32
      %scan3A_1545 = arith.addi %scan3A_1543, %scan3A_1544 : i32
      %scan3A_1546 = arith.constant 1 : i32
      scf.for %scan3A_1600 = %scan3A_1543 to %scan3A_1545 step %scan3A_1546  : i32 {
        %add3A_1601 = arith.constant 0 : i32
        %add3A_1602 = arith.addi %add3A_1601, %scan3A_1600 : i32
        %get3A = arith.constant 2 : i32
        %get3A_1603 = arith.index_cast %get3A : i32 to index
        %get3A_1604 = arith.index_cast %add3A_1602 : i32 to index
        %get3A_1605 = arith.constant 0 : index
        %get3A_1606 = tpu.vector_load %arg6[%get3A_1603, %get3A_1604, %get3A_1605] {strides = array<i32>} : memref<3x200x128xf32, #tpu.memory_space<vmem>>, vector<16xf32>,
        %swap3A = arith.index_cast %scan3A_1600 : i32 to index
        %swap3A_1607 = arith.constant 0 : index
        %swap3A_1608 = tpu.vector_load %arg7[%swap3A, %swap3A_1607] {strides = array<i32>} : memref<50x64xf32, #tpu.memory_space<vmem>>, vector<16xf32>,
        tpu.vector_store %arg7[%swap3A, %swap3A_1607], %get3A_1606 {strides = array<i32>} : memref<50x64xf32, #tpu.memory_space<vmem>>, vector<16xf32>,
        %add3A_1609 = arith.constant 0 : i32
        %add3A_1610 = arith.addi %add3A_1609, %scan3A_1600 : i32
        %get3A_1611 = arith.constant 2 : i32
        %get3A_1612 = arith.index_cast %get3A_1611 : i32 to index
        %get3A_1613 = arith.index_cast %add3A_1610 : i32 to index
        %get3A_1614 = arith.constant 16 : index
        %get3A_1615 = tpu.vector_load %arg6[%get3A_1612, %get3A_1613, %get3A_1614] {strides = array<i32>} : memref<3x200x128xf32, #tpu.memory_space<vmem>>, vector<16xf32>,
        %swap3A_1616 = arith.index_cast %scan3A_1600 : i32 to index
        %swap3A_1617 = arith.constant 16 : index
        %swap3A_1618 = tpu.vector_load %arg7[%swap3A_1616, %swap3A_1617] {strides = array<i32>} : memref<50x64xf32, #tpu.memory_space<vmem>>, vector<16xf32>,
        tpu.vector_store %arg7[%swap3A_1616, %swap3A_1617], %get3A_1615 {strides = array<i32>} : memref<50x64xf32, #tpu.memory_space<vmem>>, vector<16xf32>,
        %add3A_1619 = arith.constant 0 : i32
        %add3A_1620 = arith.addi %add3A_1619, %scan3A_1600 : i32
        %get3A_1621 = arith.constant 2 : i32
        %get3A_1622 = arith.index_cast %get3A_1621 : i32 to index
        %get3A_1623 = arith.index_cast %add3A_1620 : i32 to index
        %get3A_1624 = arith.constant 32 : index
        %get3A_1625 = tpu.vector_load %arg6[%get3A_1622, %get3A_1623, %get3A_1624] {strides = array<i32>} : memref<3x200x128xf32, #tpu.memory_space<vmem>>, vector<16xf32>,
        %swap3A_1626 = arith.index_cast %scan3A_1600 : i32 to index
        %swap3A_1627 = arith.constant 32 : index
        %swap3A_1628 = tpu.vector_load %arg7[%swap3A_1626, %swap3A_1627] {strides = array<i32>} : memref<50x64xf32, #tpu.memory_space<vmem>>, vector<16xf32>,
        tpu.vector_store %arg7[%swap3A_1626, %swap3A_1627], %get3A_1625 {strides = array<i32>} : memref<50x64xf32, #tpu.memory_space<vmem>>, vector<16xf32>,
        %add3A_1629 = arith.constant 0 : i32
        %add3A_1630 = arith.addi %add3A_1629, %scan3A_1600 : i32
        %get3A_1631 = arith.constant 2 : i32
        %get3A_1632 = arith.index_cast %get3A_1631 : i32 to index
        %get3A_1633 = arith.index_cast %add3A_1630 : i32 to index
        %get3A_1634 = arith.constant 48 : index
        %get3A_1635 = tpu.vector_load %arg6[%get3A_1632, %get3A_1633, %get3A_1634] {strides = array<i32>} : memref<3x200x128xf32, #tpu.memory_space<vmem>>, vector<16xf32>,
        %swap3A_1636 = arith.index_cast %scan3A_1600 : i32 to index
        %swap3A_1637 = arith.constant 48 : index
        %swap3A_1638 = tpu.vector_load %arg7[%swap3A_1636, %swap3A_1637] {strides = array<i32>} : memref<50x64xf32, #tpu.memory_space<vmem>>, vector<16xf32>,
        tpu.vector_store %arg7[%swap3A_1636, %swap3A_1637], %get3A_1635 {strides = array<i32>} : memref<50x64xf32, #tpu.memory_space<vmem>>, vector<16xf32>,
        %add3A_1639 = arith.constant 50 : i32
        %add3A_1640 = arith.addi %add3A_1639, %scan3A_1600 : i32
        %get3A_1641 = arith.constant 2 : i32
        %get3A_1642 = arith.index_cast %get3A_1641 : i32 to index
        %get3A_1643 = arith.index_cast %add3A_1640 : i32 to index
        %get3A_1644 = arith.constant 0 : index
        %get3A_1645 = tpu.vector_load %arg6[%get3A_1642, %get3A_1643, %get3A_1644] {strides = array<i32>} : memref<3x200x128xf32, #tpu.memory_space<vmem>>, vector<16xf32>,
        %swap3A_1646 = arith.index_cast %scan3A_1600 : i32 to index
        %swap3A_1647 = arith.constant 0 : index
        %swap3A_1648 = tpu.vector_load %arg8[%swap3A_1646, %swap3A_1647] {strides = array<i32>} : memref<50x64xf32, #tpu.memory_space<vmem>>, vector<16xf32>,
        tpu.vector_store %arg8[%swap3A_1646, %swap3A_1647], %get3A_1645 {strides = array<i32>} : memref<50x64xf32, #tpu.memory_space<vmem>>, vector<16xf32>,
        %add3A_1649 = arith.constant 50 : i32
        %add3A_1650 = arith.addi %add3A_1649, %scan3A_1600 : i32
        %get3A_1651 = arith.constant 2 : i32
        %get3A_1652 = arith.index_cast %get3A_1651 : i32 to index
        %get3A_1653 = arith.index_cast %add3A_1650 : i32 to index
        %get3A_1654 = arith.constant 16 : index
        %get3A_1655 = tpu.vector_load %arg6[%get3A_1652, %get3A_1653, %get3A_1654] {strides = array<i32>} : memref<3x200x128xf32, #tpu.memory_space<vmem>>, vector<16xf32>,
        %swap3A_1656 = arith.index_cast %scan3A_1600 : i32 to index
        %swap3A_1657 = arith.constant 16 : index
        %swap3A_1658 = tpu.vector_load %arg8[%swap3A_1656, %swap3A_1657] {strides = array<i32>} : memref<50x64xf32, #tpu.memory_space<vmem>>, vector<16xf32>,
        tpu.vector_store %arg8[%swap3A_1656, %swap3A_1657], %get3A_1655 {strides = array<i32>} : memref<50x64xf32, #tpu.memory_space<vmem>>, vector<16xf32>,
        %add3A_1659 = arith.constant 50 : i32
        %add3A_1660 = arith.addi %add3A_1659, %scan3A_1600 : i32
        %get3A_1661 = arith.constant 2 : i32
        %get3A_1662 = arith.index_cast %get3A_1661 : i32 to index
        %get3A_1663 = arith.index_cast %add3A_1660 : i32 to index
        %get3A_1664 = arith.constant 32 : index
        %get3A_1665 = tpu.vector_load %arg6[%get3A_1662, %get3A_1663, %get3A_1664] {strides = array<i32>} : memref<3x200x128xf32, #tpu.memory_space<vmem>>, vector<16xf32>,
        %swap3A_1666 = arith.index_cast %scan3A_1600 : i32 to index
        %swap3A_1667 = arith.constant 32 : index
        %swap3A_1668 = tpu.vector_load %arg8[%swap3A_1666, %swap3A_1667] {strides = array<i32>} : memref<50x64xf32, #tpu.memory_space<vmem>>, vector<16xf32>,
        tpu.vector_store %arg8[%swap3A_1666, %swap3A_1667], %get3A_1665 {strides = array<i32>} : memref<50x64xf32, #tpu.memory_space<vmem>>, vector<16xf32>,
        %add3A_1669 = arith.constant 50 : i32
        %add3A_1670 = arith.addi %add3A_1669, %scan3A_1600 : i32
        %get3A_1671 = arith.constant 2 : i32
        %get3A_1672 = arith.index_cast %get3A_1671 : i32 to index
        %get3A_1673 = arith.index_cast %add3A_1670 : i32 to index
        %get3A_1674 = arith.constant 48 : index
        %get3A_1675 = tpu.vector_load %arg6[%get3A_1672, %get3A_1673, %get3A_1674] {strides = array<i32>} : memref<3x200x128xf32, #tpu.memory_space<vmem>>, vector<16xf32>,
        %swap3A_1676 = arith.index_cast %scan3A_1600 : i32 to index
        %swap3A_1677 = arith.constant 48 : index
        %swap3A_1678 = tpu.vector_load %arg8[%swap3A_1676, %swap3A_1677] {strides = array<i32>} : memref<50x64xf32, #tpu.memory_space<vmem>>, vector<16xf32>,
        tpu.vector_store %arg8[%swap3A_1676, %swap3A_1677], %get3A_1675 {strides = array<i32>} : memref<50x64xf32, #tpu.memory_space<vmem>>, vector<16xf32>,
        %add3A_1679 = arith.constant 100 : i32
        %add3A_1680 = arith.addi %add3A_1679, %scan3A_1600 : i32
        %get3A_1681 = arith.constant 2 : i32
        %get3A_1682 = arith.index_cast %get3A_1681 : i32 to index
        %get3A_1683 = arith.index_cast %add3A_1680 : i32 to index
        %get3A_1684 = arith.constant 0 : index
        %get3A_1685 = tpu.vector_load %arg6[%get3A_1682, %get3A_1683, %get3A_1684] {strides = array<i32>} : memref<3x200x128xf32, #tpu.memory_space<vmem>>, vector<16xf32>,
        %swap3A_1686 = arith.index_cast %scan3A_1600 : i32 to index
        %swap3A_1687 = arith.constant 0 : index
        %swap3A_1688 = tpu.vector_load %arg9[%swap3A_1686, %swap3A_1687] {strides = array<i32>} : memref<50x64xf32, #tpu.memory_space<vmem>>, vector<16xf32>,
        tpu.vector_store %arg9[%swap3A_1686, %swap3A_1687], %get3A_1685 {strides = array<i32>} : memref<50x64xf32, #tpu.memory_space<vmem>>, vector<16xf32>,
        %add3A_1689 = arith.constant 100 : i32
        %add3A_1690 = arith.addi %add3A_1689, %scan3A_1600 : i32
        %get3A_1691 = arith.constant 2 : i32
        %get3A_1692 = arith.index_cast %get3A_1691 : i32 to index
        %get3A_1693 = arith.index_cast %add3A_1690 : i32 to index
        %get3A_1694 = arith.constant 16 : index
        %get3A_1695 = tpu.vector_load %arg6[%get3A_1692, %get3A_1693, %get3A_1694] {strides = array<i32>} : memref<3x200x128xf32, #tpu.memory_space<vmem>>, vector<16xf32>,
        %swap3A_1696 = arith.index_cast %scan3A_1600 : i32 to index
        %swap3A_1697 = arith.constant 16 : index
        %swap3A_1698 = tpu.vector_load %arg9[%swap3A_1696, %swap3A_1697] {strides = array<i32>} : memref<50x64xf32, #tpu.memory_space<vmem>>, vector<16xf32>,
        tpu.vector_store %arg9[%swap3A_1696, %swap3A_1697], %get3A_1695 {strides = array<i32>} : memref<50x64xf32, #tpu.memory_space<vmem>>, vector<16xf32>,
        %add3A_1699 = arith.constant 100 : i32
        %add3A_1700 = arith.addi %add3A_1699, %scan3A_1600 : i32
        %get3A_1701 = arith.constant 2 : i32
        %get3A_1702 = arith.index_cast %get3A_1701 : i32 to index
        %get3A_1703 = arith.index_cast %add3A_1700 : i32 to index
        %get3A_1704 = arith.constant 32 : index
        %get3A_1705 = tpu.vector_load %arg6[%get3A_1702, %get3A_1703, %get3A_1704] {strides = array<i32>} : memref<3x200x128xf32, #tpu.memory_space<vmem>>, vector<16xf32>,
        %swap3A_1706 = arith.index_cast %scan3A_1600 : i32 to index
        %swap3A_1707 = arith.constant 32 : index
        %swap3A_1708 = tpu.vector_load %arg9[%swap3A_1706, %swap3A_1707] {strides = array<i32>} : memref<50x64xf32, #tpu.memory_space<vmem>>, vector<16xf32>,
        tpu.vector_store %arg9[%swap3A_1706, %swap3A_1707], %get3A_1705 {strides = array<i32>} : memref<50x64xf32, #tpu.memory_space<vmem>>, vector<16xf32>,
        %add3A_1709 = arith.constant 100 : i32
        %add3A_1710 = arith.addi %add3A_1709, %scan3A_1600 : i32
        %get3A_1711 = arith.constant 2 : i32
        %get3A_1712 = arith.index_cast %get3A_1711 : i32 to index
        %get3A_1713 = arith.index_cast %add3A_1710 : i32 to index
        %get3A_1714 = arith.constant 48 : index
        %get3A_1715 = tpu.vector_load %arg6[%get3A_1712, %get3A_1713, %get3A_1714] {strides = array<i32>} : memref<3x200x128xf32, #tpu.memory_space<vmem>>, vector<16xf32>,
        %swap3A_1716 = arith.index_cast %scan3A_1600 : i32 to index
        %swap3A_1717 = arith.constant 48 : index
        %swap3A_1718 = tpu.vector_load %arg9[%swap3A_1716, %swap3A_1717] {strides = array<i32>} : memref<50x64xf32, #tpu.memory_space<vmem>>, vector<16xf32>,
        tpu.vector_store %arg9[%swap3A_1716, %swap3A_1717], %get3A_1715 {strides = array<i32>} : memref<50x64xf32, #tpu.memory_space<vmem>>, vector<16xf32>,
        %add3A_1719 = arith.constant 150 : i32
        %add3A_1720 = arith.addi %add3A_1719, %scan3A_1600 : i32
        %get3A_1721 = arith.constant 2 : i32
        %get3A_1722 = arith.index_cast %get3A_1721 : i32 to index
        %get3A_1723 = arith.index_cast %add3A_1720 : i32 to index
        %get3A_1724 = arith.constant 0 : index
        %get3A_1725 = tpu.vector_load %arg6[%get3A_1722, %get3A_1723, %get3A_1724] {strides = array<i32>} : memref<3x200x128xf32, #tpu.memory_space<vmem>>, vector<16xf32>,
        %swap3A_1726 = arith.index_cast %scan3A_1600 : i32 to index
        %swap3A_1727 = arith.constant 0 : index
        %swap3A_1728 = tpu.vector_load %arg10[%swap3A_1726, %swap3A_1727] {strides = array<i32>} : memref<50x64xf32, #tpu.memory_space<vmem>>, vector<16xf32>,
        tpu.vector_store %arg10[%swap3A_1726, %swap3A_1727], %get3A_1725 {strides = array<i32>} : memref<50x64xf32, #tpu.memory_space<vmem>>, vector<16xf32>,
        %add3A_1729 = arith.constant 150 : i32
        %add3A_1730 = arith.addi %add3A_1729, %scan3A_1600 : i32
        %get3A_1731 = arith.constant 2 : i32
        %get3A_1732 = arith.index_cast %get3A_1731 : i32 to index
        %get3A_1733 = arith.index_cast %add3A_1730 : i32 to index
        %get3A_1734 = arith.constant 16 : index
        %get3A_1735 = tpu.vector_load %arg6[%get3A_1732, %get3A_1733, %get3A_1734] {strides = array<i32>} : memref<3x200x128xf32, #tpu.memory_space<vmem>>, vector<16xf32>,
        %swap3A_1736 = arith.index_cast %scan3A_1600 : i32 to index
        %swap3A_1737 = arith.constant 16 : index
        %swap3A_1738 = tpu.vector_load %arg10[%swap3A_1736, %swap3A_1737] {strides = array<i32>} : memref<50x64xf32, #tpu.memory_space<vmem>>, vector<16xf32>,
        tpu.vector_store %arg10[%swap3A_1736, %swap3A_1737], %get3A_1735 {strides = array<i32>} : memref<50x64xf32, #tpu.memory_space<vmem>>, vector<16xf32>,
        %add3A_1739 = arith.constant 150 : i32
        %add3A_1740 = arith.addi %add3A_1739, %scan3A_1600 : i32
        %get3A_1741 = arith.constant 2 : i32
        %get3A_1742 = arith.index_cast %get3A_1741 : i32 to index
        %get3A_1743 = arith.index_cast %add3A_1740 : i32 to index
        %get3A_1744 = arith.constant 32 : index
        %get3A_1745 = tpu.vector_load %arg6[%get3A_1742, %get3A_1743, %get3A_1744] {strides = array<i32>} : memref<3x200x128xf32, #tpu.memory_space<vmem>>, vector<16xf32>,
        %swap3A_1746 = arith.index_cast %scan3A_1600 : i32 to index
        %swap3A_1747 = arith.constant 32 : index
        %swap3A_1748 = tpu.vector_load %arg10[%swap3A_1746, %swap3A_1747] {strides = array<i32>} : memref<50x64xf32, #tpu.memory_space<vmem>>, vector<16xf32>,
        tpu.vector_store %arg10[%swap3A_1746, %swap3A_1747], %get3A_1745 {strides = array<i32>} : memref<50x64xf32, #tpu.memory_space<vmem>>, vector<16xf32>,
        %add3A_1749 = arith.constant 150 : i32
        %add3A_1750 = arith.addi %add3A_1749, %scan3A_1600 : i32
        %get3A_1751 = arith.constant 2 : i32
        %get3A_1752 = arith.index_cast %get3A_1751 : i32 to index
        %get3A_1753 = arith.index_cast %add3A_1750 : i32 to index
        %get3A_1754 = arith.constant 48 : index
        %get3A_1755 = tpu.vector_load %arg6[%get3A_1752, %get3A_1753, %get3A_1754] {strides = array<i32>} : memref<3x200x128xf32, #tpu.memory_space<vmem>>, vector<16xf32>,
        %swap3A_1756 = arith.index_cast %scan3A_1600 : i32 to index
        %swap3A_1757 = arith.constant 48 : index
        %swap3A_1758 = tpu.vector_load %arg10[%swap3A_1756, %swap3A_1757] {strides = array<i32>} : memref<50x64xf32, #tpu.memory_space<vmem>>, vector<16xf32>,
        tpu.vector_store %arg10[%swap3A_1756, %swap3A_1757], %get3A_1755 {strides = array<i32>} : memref<50x64xf32, #tpu.memory_space<vmem>>, vector<16xf32>,
      }
      %scan3A_1547 = arith.constant 50 : i32
      %mul3A_1548 = arith.constant 4 : i32
      %mul3A_1549 = arith.muli %add3A_1443, %mul3A_1548 : i32
      %add3A_1550 = arith.addi %mul3A_6, %mul3A_1549 : i32
      %add3A_1551 = arith.constant 0 : i32
      %add3A_1552 = arith.addi %add3A_1550, %add3A_1551 : i32
      %dma_start3A_1553 = arith.constant 0 : i32
      %dma_start3A_1554 = arith.constant 0 : i32
      %dma_start3A_1555 = tpu.memref_slice %arg4[%add3A_1552, %dma_start3A_1553, %dma_start3A_1554] : memref<16384x50x64xf32, #tpu.memory_space<hbm>> -> memref<1x50x64xf32, #tpu.memory_space<hbm>>
      %dma_start3A_1556 = tpu.memref_squeeze %dma_start3A_1555 : memref<1x50x64xf32, #tpu.memory_space<hbm>> -> memref<50x64xf32, #tpu.memory_space<hbm>>
      %dma_start3A_1557 = arith.constant 0 : i32
      %dma_start3A_1558 = arith.constant 0 : i32
      %dma_start3A_1559 = tpu.memref_slice %arg4[%add3A_1552, %dma_start3A_1557, %dma_start3A_1558] : memref<16384x50x64xf32, #tpu.memory_space<hbm>> -> memref<1x50x64xf32, #tpu.memory_space<hbm>>
      %dma_start3A_1560 = tpu.memref_squeeze %dma_start3A_1559 : memref<1x50x64xf32, #tpu.memory_space<hbm>> -> memref<50x64xf32, #tpu.memory_space<hbm>>
      tpu.enqueue_dma source(%arg7 : memref<50x64xf32, #tpu.memory_space<vmem>>) target(%dma_start3A_1560 : memref<50x64xf32, #tpu.memory_space<hbm>>) target_semaphore(%arg17 : memref<!tpu.dma_semaphore, #tpu.memory_space<semaphore_mem>>)
      %mul3A_1561 = arith.constant 4 : i32
      %mul3A_1562 = arith.muli %add3A_1443, %mul3A_1561 : i32
      %add3A_1563 = arith.addi %mul3A_6, %mul3A_1562 : i32
      %add3A_1564 = arith.constant 1 : i32
      %add3A_1565 = arith.addi %add3A_1563, %add3A_1564 : i32
      %dma_start3A_1566 = arith.constant 0 : i32
      %dma_start3A_1567 = arith.constant 0 : i32
      %dma_start3A_1568 = tpu.memref_slice %arg4[%add3A_1565, %dma_start3A_1566, %dma_start3A_1567] : memref<16384x50x64xf32, #tpu.memory_space<hbm>> -> memref<1x50x64xf32, #tpu.memory_space<hbm>>
      %dma_start3A_1569 = tpu.memref_squeeze %dma_start3A_1568 : memref<1x50x64xf32, #tpu.memory_space<hbm>> -> memref<50x64xf32, #tpu.memory_space<hbm>>
      %dma_start3A_1570 = arith.constant 0 : i32
      %dma_start3A_1571 = arith.constant 0 : i32
      %dma_start3A_1572 = tpu.memref_slice %arg4[%add3A_1565, %dma_start3A_1570, %dma_start3A_1571] : memref<16384x50x64xf32, #tpu.memory_space<hbm>> -> memref<1x50x64xf32, #tpu.memory_space<hbm>>
      %dma_start3A_1573 = tpu.memref_squeeze %dma_start3A_1572 : memref<1x50x64xf32, #tpu.memory_space<hbm>> -> memref<50x64xf32, #tpu.memory_space<hbm>>
      tpu.enqueue_dma source(%arg8 : memref<50x64xf32, #tpu.memory_space<vmem>>) target(%dma_start3A_1573 : memref<50x64xf32, #tpu.memory_space<hbm>>) target_semaphore(%arg17 : memref<!tpu.dma_semaphore, #tpu.memory_space<semaphore_mem>>)
      %mul3A_1574 = arith.constant 4 : i32
      %mul3A_1575 = arith.muli %add3A_1443, %mul3A_1574 : i32
      %add3A_1576 = arith.addi %mul3A_6, %mul3A_1575 : i32
      %add3A_1577 = arith.constant 2 : i32
      %add3A_1578 = arith.addi %add3A_1576, %add3A_1577 : i32
      %dma_start3A_1579 = arith.constant 0 : i32
      %dma_start3A_1580 = arith.constant 0 : i32
      %dma_start3A_1581 = tpu.memref_slice %arg4[%add3A_1578, %dma_start3A_1579, %dma_start3A_1580] : memref<16384x50x64xf32, #tpu.memory_space<hbm>> -> memref<1x50x64xf32, #tpu.memory_space<hbm>>
      %dma_start3A_1582 = tpu.memref_squeeze %dma_start3A_1581 : memref<1x50x64xf32, #tpu.memory_space<hbm>> -> memref<50x64xf32, #tpu.memory_space<hbm>>
      %dma_start3A_1583 = arith.constant 0 : i32
      %dma_start3A_1584 = arith.constant 0 : i32
      %dma_start3A_1585 = tpu.memref_slice %arg4[%add3A_1578, %dma_start3A_1583, %dma_start3A_1584] : memref<16384x50x64xf32, #tpu.memory_space<hbm>> -> memref<1x50x64xf32, #tpu.memory_space<hbm>>
      %dma_start3A_1586 = tpu.memref_squeeze %dma_start3A_1585 : memref<1x50x64xf32, #tpu.memory_space<hbm>> -> memref<50x64xf32, #tpu.memory_space<hbm>>
      tpu.enqueue_dma source(%arg9 : memref<50x64xf32, #tpu.memory_space<vmem>>) target(%dma_start3A_1586 : memref<50x64xf32, #tpu.memory_space<hbm>>) target_semaphore(%arg17 : memref<!tpu.dma_semaphore, #tpu.memory_space<semaphore_mem>>)
      %mul3A_1587 = arith.constant 4 : i32
      %mul3A_1588 = arith.muli %add3A_1443, %mul3A_1587 : i32
      %add3A_1589 = arith.addi %mul3A_6, %mul3A_1588 : i32
      %add3A_1590 = arith.constant 3 : i32
      %add3A_1591 = arith.addi %add3A_1589, %add3A_1590 : i32
      %dma_start3A_1592 = arith.constant 0 : i32
      %dma_start3A_1593 = arith.constant 0 : i32
      %dma_start3A_1594 = tpu.memref_slice %arg4[%add3A_1591, %dma_start3A_1592, %dma_start3A_1593] : memref<16384x50x64xf32, #tpu.memory_space<hbm>> -> memref<1x50x64xf32, #tpu.memory_space<hbm>>
      %dma_start3A_1595 = tpu.memref_squeeze %dma_start3A_1594 : memref<1x50x64xf32, #tpu.memory_space<hbm>> -> memref<50x64xf32, #tpu.memory_space<hbm>>
      %dma_start3A_1596 = arith.constant 0 : i32
      %dma_start3A_1597 = arith.constant 0 : i32
      %dma_start3A_1598 = tpu.memref_slice %arg4[%add3A_1591, %dma_start3A_1596, %dma_start3A_1597] : memref<16384x50x64xf32, #tpu.memory_space<hbm>> -> memref<1x50x64xf32, #tpu.memory_space<hbm>>
      %dma_start3A_1599 = tpu.memref_squeeze %dma_start3A_1598 : memref<1x50x64xf32, #tpu.memory_space<hbm>> -> memref<50x64xf32, #tpu.memory_space<hbm>>
      tpu.enqueue_dma source(%arg10 : memref<50x64xf32, #tpu.memory_space<vmem>>) target(%dma_start3A_1599 : memref<50x64xf32, #tpu.memory_space<hbm>>) target_semaphore(%arg17 : memref<!tpu.dma_semaphore, #tpu.memory_space<semaphore_mem>>)
    }
    %scan3A_435 = arith.constant 40 : i32
    %dma_wait3A_436 = arith.constant 0 : i32
    %dma_wait3A_437 = arith.constant 0 : i32
    %dma_wait3A_438 = arith.constant 0 : i32
    %dma_wait3A_439 = tpu.memref_slice %arg6[%dma_wait3A_436, %dma_wait3A_437, %dma_wait3A_438] : memref<3x200x128xf32, #tpu.memory_space<vmem>> -> memref<1x200x128xf32, #tpu.memory_space<vmem>>
    %dma_wait3A_440 = tpu.memref_squeeze %dma_wait3A_439 : memref<1x200x128xf32, #tpu.memory_space<vmem>> -> memref<200x128xf32, #tpu.memory_space<vmem>>
    %dma_wait3A_441 = arith.constant 0 : i32
    %dma_wait3A_442 = tpu.memref_slice %arg5[%dma_wait3A_441] : memref<600xi32, #tpu.memory_space<vmem>> -> memref<200xi32, #tpu.memory_space<vmem>>
    %dma_wait3A_443 = arith.constant 0 : i32
    %dma_wait3A_444 = arith.constant 0 : i32
    %dma_wait3A_445 = tpu.memref_slice %arg3[%dma_wait3A_443, %dma_wait3A_444] : memref<1000000x128xf32, #tpu.memory_space<hbm>> -> memref<1000000x128xf32, #tpu.memory_space<hbm>>
    tpu.wait_indirect_dma semaphore(%arg14 : memref<!tpu.dma_semaphore, #tpu.memory_space<semaphore_mem>>) src(%dma_wait3A_445 : memref<1000000x128xf32, #tpu.memory_space<hbm>>) dst(%dma_wait3A_440 : memref<200x128xf32, #tpu.memory_space<vmem>>)
    %add3A_446 = arith.constant 25200 : i32
    %add3A_447 = arith.addi %mul3A_4, %add3A_446 : i32
    %dma_start3A_448 = arith.constant 0 : i32
    %dma_start3A_449 = tpu.memref_slice %arg5[%dma_start3A_448] : memref<600xi32, #tpu.memory_space<vmem>> -> memref<200xi32, #tpu.memory_space<vmem>>
    %dma_start3A_450 = tpu.memref_slice %arg2[%add3A_447] : memref<819200xi32, #tpu.memory_space<hbm>> -> memref<200xi32, #tpu.memory_space<hbm>>
    %dma_start3A_451 = arith.constant 0 : i32
    %dma_start3A_452 = tpu.memref_slice %arg5[%dma_start3A_451] : memref<600xi32, #tpu.memory_space<vmem>> -> memref<200xi32, #tpu.memory_space<vmem>>
    %dma_start3A_453 = tpu.memref_slice %arg2[%add3A_447] : memref<819200xi32, #tpu.memory_space<hbm>> -> memref<200xi32, #tpu.memory_space<hbm>>
    tpu.enqueue_dma source(%dma_start3A_453 : memref<200xi32, #tpu.memory_space<hbm>>) target(%dma_start3A_452 : memref<200xi32, #tpu.memory_space<vmem>>) target_semaphore(%arg11 : memref<!tpu.dma_semaphore, #tpu.memory_space<semaphore_mem>>)
    %add3A_454 = arith.constant 25000 : i32
    %add3A_455 = arith.addi %mul3A_4, %add3A_454 : i32
    %dma_wait3A_456 = arith.constant 400 : i32
    %dma_wait3A_457 = tpu.memref_slice %arg5[%dma_wait3A_456] : memref<600xi32, #tpu.memory_space<vmem>> -> memref<200xi32, #tpu.memory_space<vmem>>
    %dma_wait3A_458 = tpu.memref_slice %arg2[%add3A_455] : memref<819200xi32, #tpu.memory_space<hbm>> -> memref<200xi32, #tpu.memory_space<hbm>>
    %dma_wait3A_459 = arith.constant 400 : i32
    %dma_wait3A_460 = tpu.memref_slice %arg5[%dma_wait3A_459] : memref<600xi32, #tpu.memory_space<vmem>> -> memref<200xi32, #tpu.memory_space<vmem>>
    %dma_wait3A_461 = tpu.memref_slice %arg2[%add3A_455] : memref<819200xi32, #tpu.memory_space<hbm>> -> memref<200xi32, #tpu.memory_space<hbm>>
    tpu.wait_dma2 semaphore(%arg13 : memref<!tpu.dma_semaphore, #tpu.memory_space<semaphore_mem>>) src(%dma_wait3A_461 : memref<200xi32, #tpu.memory_space<hbm>>) dst(%dma_wait3A_460 : memref<200xi32, #tpu.memory_space<vmem>>)
    %dma_start3A_462 = arith.constant 2 : i32
    %dma_start3A_463 = arith.constant 0 : i32
    %dma_start3A_464 = arith.constant 0 : i32
    %dma_start3A_465 = tpu.memref_slice %arg6[%dma_start3A_462, %dma_start3A_463, %dma_start3A_464] : memref<3x200x128xf32, #tpu.memory_space<vmem>> -> memref<1x200x128xf32, #tpu.memory_space<vmem>>
    %dma_start3A_466 = tpu.memref_squeeze %dma_start3A_465 : memref<1x200x128xf32, #tpu.memory_space<vmem>> -> memref<200x128xf32, #tpu.memory_space<vmem>>
    %dma_start3A_467 = arith.constant 400 : i32
    %dma_start3A_468 = tpu.memref_slice %arg5[%dma_start3A_467] : memref<600xi32, #tpu.memory_space<vmem>> -> memref<200xi32, #tpu.memory_space<vmem>>
    %dma_start3A_469 = arith.constant 0 : i32
    %dma_start3A_470 = arith.constant 0 : i32
    %dma_start3A_471 = tpu.memref_slice %arg3[%dma_start3A_469, %dma_start3A_470] : memref<1000000x128xf32, #tpu.memory_space<hbm>> -> memref<1000000x128xf32, #tpu.memory_space<hbm>>
    tpu.enqueue_indirect_dma source(%dma_start3A_471 : memref<1000000x128xf32, #tpu.memory_space<hbm>>) target(%dma_start3A_466 : memref<200x128xf32, #tpu.memory_space<vmem>>) offsets(%dma_start3A_468 : memref<200xi32, #tpu.memory_space<vmem>>) semaphore(%arg16 : memref<!tpu.dma_semaphore, #tpu.memory_space<semaphore_mem>>)
    %add3A_472 = arith.constant 488 : i32
    %add3A_473 = arith.addi %mul3A_6, %add3A_472 : i32
    %add3A_474 = arith.constant 0 : i32
    %add3A_475 = arith.addi %add3A_473, %add3A_474 : i32
    %dma_wait3A_476 = arith.constant 0 : i32
    %dma_wait3A_477 = arith.constant 0 : i32
    %dma_wait3A_478 = tpu.memref_slice %arg4[%add3A_475, %dma_wait3A_476, %dma_wait3A_477] : memref<16384x50x64xf32, #tpu.memory_space<hbm>> -> memref<1x50x64xf32, #tpu.memory_space<hbm>>
    %dma_wait3A_479 = tpu.memref_squeeze %dma_wait3A_478 : memref<1x50x64xf32, #tpu.memory_space<hbm>> -> memref<50x64xf32, #tpu.memory_space<hbm>>
    %dma_wait3A_480 = arith.constant 0 : i32
    %dma_wait3A_481 = arith.constant 0 : i32
    %dma_wait3A_482 = tpu.memref_slice %arg4[%add3A_475, %dma_wait3A_480, %dma_wait3A_481] : memref<16384x50x64xf32, #tpu.memory_space<hbm>> -> memref<1x50x64xf32, #tpu.memory_space<hbm>>
    %dma_wait3A_483 = tpu.memref_squeeze %dma_wait3A_482 : memref<1x50x64xf32, #tpu.memory_space<hbm>> -> memref<50x64xf32, #tpu.memory_space<hbm>>
    tpu.wait_dma2 semaphore(%arg17 : memref<!tpu.dma_semaphore, #tpu.memory_space<semaphore_mem>>) src(%arg7 : memref<50x64xf32, #tpu.memory_space<vmem>>) dst(%dma_wait3A_483 : memref<50x64xf32, #tpu.memory_space<hbm>>)
    %add3A_484 = arith.constant 488 : i32
    %add3A_485 = arith.addi %mul3A_6, %add3A_484 : i32
    %add3A_486 = arith.constant 1 : i32
    %add3A_487 = arith.addi %add3A_485, %add3A_486 : i32
    %dma_wait3A_488 = arith.constant 0 : i32
    %dma_wait3A_489 = arith.constant 0 : i32
    %dma_wait3A_490 = tpu.memref_slice %arg4[%add3A_487, %dma_wait3A_488, %dma_wait3A_489] : memref<16384x50x64xf32, #tpu.memory_space<hbm>> -> memref<1x50x64xf32, #tpu.memory_space<hbm>>
    %dma_wait3A_491 = tpu.memref_squeeze %dma_wait3A_490 : memref<1x50x64xf32, #tpu.memory_space<hbm>> -> memref<50x64xf32, #tpu.memory_space<hbm>>
    %dma_wait3A_492 = arith.constant 0 : i32
    %dma_wait3A_493 = arith.constant 0 : i32
    %dma_wait3A_494 = tpu.memref_slice %arg4[%add3A_487, %dma_wait3A_492, %dma_wait3A_493] : memref<16384x50x64xf32, #tpu.memory_space<hbm>> -> memref<1x50x64xf32, #tpu.memory_space<hbm>>
    %dma_wait3A_495 = tpu.memref_squeeze %dma_wait3A_494 : memref<1x50x64xf32, #tpu.memory_space<hbm>> -> memref<50x64xf32, #tpu.memory_space<hbm>>
    tpu.wait_dma2 semaphore(%arg17 : memref<!tpu.dma_semaphore, #tpu.memory_space<semaphore_mem>>) src(%arg8 : memref<50x64xf32, #tpu.memory_space<vmem>>) dst(%dma_wait3A_495 : memref<50x64xf32, #tpu.memory_space<hbm>>)
    %add3A_496 = arith.constant 488 : i32
    %add3A_497 = arith.addi %mul3A_6, %add3A_496 : i32
    %add3A_498 = arith.constant 2 : i32
    %add3A_499 = arith.addi %add3A_497, %add3A_498 : i32
    %dma_wait3A_500 = arith.constant 0 : i32
    %dma_wait3A_501 = arith.constant 0 : i32
    %dma_wait3A_502 = tpu.memref_slice %arg4[%add3A_499, %dma_wait3A_500, %dma_wait3A_501] : memref<16384x50x64xf32, #tpu.memory_space<hbm>> -> memref<1x50x64xf32, #tpu.memory_space<hbm>>
    %dma_wait3A_503 = tpu.memref_squeeze %dma_wait3A_502 : memref<1x50x64xf32, #tpu.memory_space<hbm>> -> memref<50x64xf32, #tpu.memory_space<hbm>>
    %dma_wait3A_504 = arith.constant 0 : i32
    %dma_wait3A_505 = arith.constant 0 : i32
    %dma_wait3A_506 = tpu.memref_slice %arg4[%add3A_499, %dma_wait3A_504, %dma_wait3A_505] : memref<16384x50x64xf32, #tpu.memory_space<hbm>> -> memref<1x50x64xf32, #tpu.memory_space<hbm>>
    %dma_wait3A_507 = tpu.memref_squeeze %dma_wait3A_506 : memref<1x50x64xf32, #tpu.memory_space<hbm>> -> memref<50x64xf32, #tpu.memory_space<hbm>>
    tpu.wait_dma2 semaphore(%arg17 : memref<!tpu.dma_semaphore, #tpu.memory_space<semaphore_mem>>) src(%arg9 : memref<50x64xf32, #tpu.memory_space<vmem>>) dst(%dma_wait3A_507 : memref<50x64xf32, #tpu.memory_space<hbm>>)
    %add3A_508 = arith.constant 488 : i32
    %add3A_509 = arith.addi %mul3A_6, %add3A_508 : i32
    %add3A_510 = arith.constant 3 : i32
    %add3A_511 = arith.addi %add3A_509, %add3A_510 : i32
    %dma_wait3A_512 = arith.constant 0 : i32
    %dma_wait3A_513 = arith.constant 0 : i32
    %dma_wait3A_514 = tpu.memref_slice %arg4[%add3A_511, %dma_wait3A_512, %dma_wait3A_513] : memref<16384x50x64xf32, #tpu.memory_space<hbm>> -> memref<1x50x64xf32, #tpu.memory_space<hbm>>
    %dma_wait3A_515 = tpu.memref_squeeze %dma_wait3A_514 : memref<1x50x64xf32, #tpu.memory_space<hbm>> -> memref<50x64xf32, #tpu.memory_space<hbm>>
    %dma_wait3A_516 = arith.constant 0 : i32
    %dma_wait3A_517 = arith.constant 0 : i32
    %dma_wait3A_518 = tpu.memref_slice %arg4[%add3A_511, %dma_wait3A_516, %dma_wait3A_517] : memref<16384x50x64xf32, #tpu.memory_space<hbm>> -> memref<1x50x64xf32, #tpu.memory_space<hbm>>
    %dma_wait3A_519 = tpu.memref_squeeze %dma_wait3A_518 : memref<1x50x64xf32, #tpu.memory_space<hbm>> -> memref<50x64xf32, #tpu.memory_space<hbm>>
    tpu.wait_dma2 semaphore(%arg17 : memref<!tpu.dma_semaphore, #tpu.memory_space<semaphore_mem>>) src(%arg10 : memref<50x64xf32, #tpu.memory_space<vmem>>) dst(%dma_wait3A_519 : memref<50x64xf32, #tpu.memory_space<hbm>>)
    %scan3A_520 = arith.constant 0 : i32
    %scan3A_521 = arith.constant 0 : i32
    %scan3A_522 = arith.constant 50 : i32
    %scan3A_523 = arith.addi %scan3A_521, %scan3A_522 : i32
    %scan3A_524 = arith.constant 1 : i32
    scf.for %scan3A_1114 = %scan3A_521 to %scan3A_523 step %scan3A_524  : i32 {
      %add3A_1115 = arith.constant 0 : i32
      %add3A_1116 = arith.addi %add3A_1115, %scan3A_1114 : i32
      %get3A = arith.constant 0 : i32
      %get3A_1117 = arith.index_cast %get3A : i32 to index
      %get3A_1118 = arith.index_cast %add3A_1116 : i32 to index
      %get3A_1119 = arith.constant 0 : index
      %get3A_1120 = tpu.vector_load %arg6[%get3A_1117, %get3A_1118, %get3A_1119] {strides = array<i32>} : memref<3x200x128xf32, #tpu.memory_space<vmem>>, vector<16xf32>,
      %swap3A = arith.index_cast %scan3A_1114 : i32 to index
      %swap3A_1121 = arith.constant 0 : index
      %swap3A_1122 = tpu.vector_load %arg7[%swap3A, %swap3A_1121] {strides = array<i32>} : memref<50x64xf32, #tpu.memory_space<vmem>>, vector<16xf32>,
      tpu.vector_store %arg7[%swap3A, %swap3A_1121], %get3A_1120 {strides = array<i32>} : memref<50x64xf32, #tpu.memory_space<vmem>>, vector<16xf32>,
      %add3A_1123 = arith.constant 0 : i32
      %add3A_1124 = arith.addi %add3A_1123, %scan3A_1114 : i32
      %get3A_1125 = arith.constant 0 : i32
      %get3A_1126 = arith.index_cast %get3A_1125 : i32 to index
      %get3A_1127 = arith.index_cast %add3A_1124 : i32 to index
      %get3A_1128 = arith.constant 16 : index
      %get3A_1129 = tpu.vector_load %arg6[%get3A_1126, %get3A_1127, %get3A_1128] {strides = array<i32>} : memref<3x200x128xf32, #tpu.memory_space<vmem>>, vector<16xf32>,
      %swap3A_1130 = arith.index_cast %scan3A_1114 : i32 to index
      %swap3A_1131 = arith.constant 16 : index
      %swap3A_1132 = tpu.vector_load %arg7[%swap3A_1130, %swap3A_1131] {strides = array<i32>} : memref<50x64xf32, #tpu.memory_space<vmem>>, vector<16xf32>,
      tpu.vector_store %arg7[%swap3A_1130, %swap3A_1131], %get3A_1129 {strides = array<i32>} : memref<50x64xf32, #tpu.memory_space<vmem>>, vector<16xf32>,
      %add3A_1133 = arith.constant 0 : i32
      %add3A_1134 = arith.addi %add3A_1133, %scan3A_1114 : i32
      %get3A_1135 = arith.constant 0 : i32
      %get3A_1136 = arith.index_cast %get3A_1135 : i32 to index
      %get3A_1137 = arith.index_cast %add3A_1134 : i32 to index
      %get3A_1138 = arith.constant 32 : index
      %get3A_1139 = tpu.vector_load %arg6[%get3A_1136, %get3A_1137, %get3A_1138] {strides = array<i32>} : memref<3x200x128xf32, #tpu.memory_space<vmem>>, vector<16xf32>,
      %swap3A_1140 = arith.index_cast %scan3A_1114 : i32 to index
      %swap3A_1141 = arith.constant 32 : index
      %swap3A_1142 = tpu.vector_load %arg7[%swap3A_1140, %swap3A_1141] {strides = array<i32>} : memref<50x64xf32, #tpu.memory_space<vmem>>, vector<16xf32>,
      tpu.vector_store %arg7[%swap3A_1140, %swap3A_1141], %get3A_1139 {strides = array<i32>} : memref<50x64xf32, #tpu.memory_space<vmem>>, vector<16xf32>,
      %add3A_1143 = arith.constant 0 : i32
      %add3A_1144 = arith.addi %add3A_1143, %scan3A_1114 : i32
      %get3A_1145 = arith.constant 0 : i32
      %get3A_1146 = arith.index_cast %get3A_1145 : i32 to index
      %get3A_1147 = arith.index_cast %add3A_1144 : i32 to index
      %get3A_1148 = arith.constant 48 : index
      %get3A_1149 = tpu.vector_load %arg6[%get3A_1146, %get3A_1147, %get3A_1148] {strides = array<i32>} : memref<3x200x128xf32, #tpu.memory_space<vmem>>, vector<16xf32>,
      %swap3A_1150 = arith.index_cast %scan3A_1114 : i32 to index
      %swap3A_1151 = arith.constant 48 : index
      %swap3A_1152 = tpu.vector_load %arg7[%swap3A_1150, %swap3A_1151] {strides = array<i32>} : memref<50x64xf32, #tpu.memory_space<vmem>>, vector<16xf32>,
      tpu.vector_store %arg7[%swap3A_1150, %swap3A_1151], %get3A_1149 {strides = array<i32>} : memref<50x64xf32, #tpu.memory_space<vmem>>, vector<16xf32>,
      %add3A_1153 = arith.constant 50 : i32
      %add3A_1154 = arith.addi %add3A_1153, %scan3A_1114 : i32
      %get3A_1155 = arith.constant 0 : i32
      %get3A_1156 = arith.index_cast %get3A_1155 : i32 to index
      %get3A_1157 = arith.index_cast %add3A_1154 : i32 to index
      %get3A_1158 = arith.constant 0 : index
      %get3A_1159 = tpu.vector_load %arg6[%get3A_1156, %get3A_1157, %get3A_1158] {strides = array<i32>} : memref<3x200x128xf32, #tpu.memory_space<vmem>>, vector<16xf32>,
      %swap3A_1160 = arith.index_cast %scan3A_1114 : i32 to index
      %swap3A_1161 = arith.constant 0 : index
      %swap3A_1162 = tpu.vector_load %arg8[%swap3A_1160, %swap3A_1161] {strides = array<i32>} : memref<50x64xf32, #tpu.memory_space<vmem>>, vector<16xf32>,
      tpu.vector_store %arg8[%swap3A_1160, %swap3A_1161], %get3A_1159 {strides = array<i32>} : memref<50x64xf32, #tpu.memory_space<vmem>>, vector<16xf32>,
      %add3A_1163 = arith.constant 50 : i32
      %add3A_1164 = arith.addi %add3A_1163, %scan3A_1114 : i32
      %get3A_1165 = arith.constant 0 : i32
      %get3A_1166 = arith.index_cast %get3A_1165 : i32 to index
      %get3A_1167 = arith.index_cast %add3A_1164 : i32 to index
      %get3A_1168 = arith.constant 16 : index
      %get3A_1169 = tpu.vector_load %arg6[%get3A_1166, %get3A_1167, %get3A_1168] {strides = array<i32>} : memref<3x200x128xf32, #tpu.memory_space<vmem>>, vector<16xf32>,
      %swap3A_1170 = arith.index_cast %scan3A_1114 : i32 to index
      %swap3A_1171 = arith.constant 16 : index
      %swap3A_1172 = tpu.vector_load %arg8[%swap3A_1170, %swap3A_1171] {strides = array<i32>} : memref<50x64xf32, #tpu.memory_space<vmem>>, vector<16xf32>,
      tpu.vector_store %arg8[%swap3A_1170, %swap3A_1171], %get3A_1169 {strides = array<i32>} : memref<50x64xf32, #tpu.memory_space<vmem>>, vector<16xf32>,
      %add3A_1173 = arith.constant 50 : i32
      %add3A_1174 = arith.addi %add3A_1173, %scan3A_1114 : i32
      %get3A_1175 = arith.constant 0 : i32
      %get3A_1176 = arith.index_cast %get3A_1175 : i32 to index
      %get3A_1177 = arith.index_cast %add3A_1174 : i32 to index
      %get3A_1178 = arith.constant 32 : index
      %get3A_1179 = tpu.vector_load %arg6[%get3A_1176, %get3A_1177, %get3A_1178] {strides = array<i32>} : memref<3x200x128xf32, #tpu.memory_space<vmem>>, vector<16xf32>,
      %swap3A_1180 = arith.index_cast %scan3A_1114 : i32 to index
      %swap3A_1181 = arith.constant 32 : index
      %swap3A_1182 = tpu.vector_load %arg8[%swap3A_1180, %swap3A_1181] {strides = array<i32>} : memref<50x64xf32, #tpu.memory_space<vmem>>, vector<16xf32>,
      tpu.vector_store %arg8[%swap3A_1180, %swap3A_1181], %get3A_1179 {strides = array<i32>} : memref<50x64xf32, #tpu.memory_space<vmem>>, vector<16xf32>,
      %add3A_1183 = arith.constant 50 : i32
      %add3A_1184 = arith.addi %add3A_1183, %scan3A_1114 : i32
      %get3A_1185 = arith.constant 0 : i32
      %get3A_1186 = arith.index_cast %get3A_1185 : i32 to index
      %get3A_1187 = arith.index_cast %add3A_1184 : i32 to index
      %get3A_1188 = arith.constant 48 : index
      %get3A_1189 = tpu.vector_load %arg6[%get3A_1186, %get3A_1187, %get3A_1188] {strides = array<i32>} : memref<3x200x128xf32, #tpu.memory_space<vmem>>, vector<16xf32>,
      %swap3A_1190 = arith.index_cast %scan3A_1114 : i32 to index
      %swap3A_1191 = arith.constant 48 : index
      %swap3A_1192 = tpu.vector_load %arg8[%swap3A_1190, %swap3A_1191] {strides = array<i32>} : memref<50x64xf32, #tpu.memory_space<vmem>>, vector<16xf32>,
      tpu.vector_store %arg8[%swap3A_1190, %swap3A_1191], %get3A_1189 {strides = array<i32>} : memref<50x64xf32, #tpu.memory_space<vmem>>, vector<16xf32>,
      %add3A_1193 = arith.constant 100 : i32
      %add3A_1194 = arith.addi %add3A_1193, %scan3A_1114 : i32
      %get3A_1195 = arith.constant 0 : i32
      %get3A_1196 = arith.index_cast %get3A_1195 : i32 to index
      %get3A_1197 = arith.index_cast %add3A_1194 : i32 to index
      %get3A_1198 = arith.constant 0 : index
      %get3A_1199 = tpu.vector_load %arg6[%get3A_1196, %get3A_1197, %get3A_1198] {strides = array<i32>} : memref<3x200x128xf32, #tpu.memory_space<vmem>>, vector<16xf32>,
      %swap3A_1200 = arith.index_cast %scan3A_1114 : i32 to index
      %swap3A_1201 = arith.constant 0 : index
      %swap3A_1202 = tpu.vector_load %arg9[%swap3A_1200, %swap3A_1201] {strides = array<i32>} : memref<50x64xf32, #tpu.memory_space<vmem>>, vector<16xf32>,
      tpu.vector_store %arg9[%swap3A_1200, %swap3A_1201], %get3A_1199 {strides = array<i32>} : memref<50x64xf32, #tpu.memory_space<vmem>>, vector<16xf32>,
      %add3A_1203 = arith.constant 100 : i32
      %add3A_1204 = arith.addi %add3A_1203, %scan3A_1114 : i32
      %get3A_1205 = arith.constant 0 : i32
      %get3A_1206 = arith.index_cast %get3A_1205 : i32 to index
      %get3A_1207 = arith.index_cast %add3A_1204 : i32 to index
      %get3A_1208 = arith.constant 16 : index
      %get3A_1209 = tpu.vector_load %arg6[%get3A_1206, %get3A_1207, %get3A_1208] {strides = array<i32>} : memref<3x200x128xf32, #tpu.memory_space<vmem>>, vector<16xf32>,
      %swap3A_1210 = arith.index_cast %scan3A_1114 : i32 to index
      %swap3A_1211 = arith.constant 16 : index
      %swap3A_1212 = tpu.vector_load %arg9[%swap3A_1210, %swap3A_1211] {strides = array<i32>} : memref<50x64xf32, #tpu.memory_space<vmem>>, vector<16xf32>,
      tpu.vector_store %arg9[%swap3A_1210, %swap3A_1211], %get3A_1209 {strides = array<i32>} : memref<50x64xf32, #tpu.memory_space<vmem>>, vector<16xf32>,
      %add3A_1213 = arith.constant 100 : i32
      %add3A_1214 = arith.addi %add3A_1213, %scan3A_1114 : i32
      %get3A_1215 = arith.constant 0 : i32
      %get3A_1216 = arith.index_cast %get3A_1215 : i32 to index
      %get3A_1217 = arith.index_cast %add3A_1214 : i32 to index
      %get3A_1218 = arith.constant 32 : index
      %get3A_1219 = tpu.vector_load %arg6[%get3A_1216, %get3A_1217, %get3A_1218] {strides = array<i32>} : memref<3x200x128xf32, #tpu.memory_space<vmem>>, vector<16xf32>,
      %swap3A_1220 = arith.index_cast %scan3A_1114 : i32 to index
      %swap3A_1221 = arith.constant 32 : index
      %swap3A_1222 = tpu.vector_load %arg9[%swap3A_1220, %swap3A_1221] {strides = array<i32>} : memref<50x64xf32, #tpu.memory_space<vmem>>, vector<16xf32>,
      tpu.vector_store %arg9[%swap3A_1220, %swap3A_1221], %get3A_1219 {strides = array<i32>} : memref<50x64xf32, #tpu.memory_space<vmem>>, vector<16xf32>,
      %add3A_1223 = arith.constant 100 : i32
      %add3A_1224 = arith.addi %add3A_1223, %scan3A_1114 : i32
      %get3A_1225 = arith.constant 0 : i32
      %get3A_1226 = arith.index_cast %get3A_1225 : i32 to index
      %get3A_1227 = arith.index_cast %add3A_1224 : i32 to index
      %get3A_1228 = arith.constant 48 : index
      %get3A_1229 = tpu.vector_load %arg6[%get3A_1226, %get3A_1227, %get3A_1228] {strides = array<i32>} : memref<3x200x128xf32, #tpu.memory_space<vmem>>, vector<16xf32>,
      %swap3A_1230 = arith.index_cast %scan3A_1114 : i32 to index
      %swap3A_1231 = arith.constant 48 : index
      %swap3A_1232 = tpu.vector_load %arg9[%swap3A_1230, %swap3A_1231] {strides = array<i32>} : memref<50x64xf32, #tpu.memory_space<vmem>>, vector<16xf32>,
      tpu.vector_store %arg9[%swap3A_1230, %swap3A_1231], %get3A_1229 {strides = array<i32>} : memref<50x64xf32, #tpu.memory_space<vmem>>, vector<16xf32>,
      %add3A_1233 = arith.constant 150 : i32
      %add3A_1234 = arith.addi %add3A_1233, %scan3A_1114 : i32
      %get3A_1235 = arith.constant 0 : i32
      %get3A_1236 = arith.index_cast %get3A_1235 : i32 to index
      %get3A_1237 = arith.index_cast %add3A_1234 : i32 to index
      %get3A_1238 = arith.constant 0 : index
      %get3A_1239 = tpu.vector_load %arg6[%get3A_1236, %get3A_1237, %get3A_1238] {strides = array<i32>} : memref<3x200x128xf32, #tpu.memory_space<vmem>>, vector<16xf32>,
      %swap3A_1240 = arith.index_cast %scan3A_1114 : i32 to index
      %swap3A_1241 = arith.constant 0 : index
      %swap3A_1242 = tpu.vector_load %arg10[%swap3A_1240, %swap3A_1241] {strides = array<i32>} : memref<50x64xf32, #tpu.memory_space<vmem>>, vector<16xf32>,
      tpu.vector_store %arg10[%swap3A_1240, %swap3A_1241], %get3A_1239 {strides = array<i32>} : memref<50x64xf32, #tpu.memory_space<vmem>>, vector<16xf32>,
      %add3A_1243 = arith.constant 150 : i32
      %add3A_1244 = arith.addi %add3A_1243, %scan3A_1114 : i32
      %get3A_1245 = arith.constant 0 : i32
      %get3A_1246 = arith.index_cast %get3A_1245 : i32 to index
      %get3A_1247 = arith.index_cast %add3A_1244 : i32 to index
      %get3A_1248 = arith.constant 16 : index
      %get3A_1249 = tpu.vector_load %arg6[%get3A_1246, %get3A_1247, %get3A_1248] {strides = array<i32>} : memref<3x200x128xf32, #tpu.memory_space<vmem>>, vector<16xf32>,
      %swap3A_1250 = arith.index_cast %scan3A_1114 : i32 to index
      %swap3A_1251 = arith.constant 16 : index
      %swap3A_1252 = tpu.vector_load %arg10[%swap3A_1250, %swap3A_1251] {strides = array<i32>} : memref<50x64xf32, #tpu.memory_space<vmem>>, vector<16xf32>,
      tpu.vector_store %arg10[%swap3A_1250, %swap3A_1251], %get3A_1249 {strides = array<i32>} : memref<50x64xf32, #tpu.memory_space<vmem>>, vector<16xf32>,
      %add3A_1253 = arith.constant 150 : i32
      %add3A_1254 = arith.addi %add3A_1253, %scan3A_1114 : i32
      %get3A_1255 = arith.constant 0 : i32
      %get3A_1256 = arith.index_cast %get3A_1255 : i32 to index
      %get3A_1257 = arith.index_cast %add3A_1254 : i32 to index
      %get3A_1258 = arith.constant 32 : index
      %get3A_1259 = tpu.vector_load %arg6[%get3A_1256, %get3A_1257, %get3A_1258] {strides = array<i32>} : memref<3x200x128xf32, #tpu.memory_space<vmem>>, vector<16xf32>,
      %swap3A_1260 = arith.index_cast %scan3A_1114 : i32 to index
      %swap3A_1261 = arith.constant 32 : index
      %swap3A_1262 = tpu.vector_load %arg10[%swap3A_1260, %swap3A_1261] {strides = array<i32>} : memref<50x64xf32, #tpu.memory_space<vmem>>, vector<16xf32>,
      tpu.vector_store %arg10[%swap3A_1260, %swap3A_1261], %get3A_1259 {strides = array<i32>} : memref<50x64xf32, #tpu.memory_space<vmem>>, vector<16xf32>,
      %add3A_1263 = arith.constant 150 : i32
      %add3A_1264 = arith.addi %add3A_1263, %scan3A_1114 : i32
      %get3A_1265 = arith.constant 0 : i32
      %get3A_1266 = arith.index_cast %get3A_1265 : i32 to index
      %get3A_1267 = arith.index_cast %add3A_1264 : i32 to index
      %get3A_1268 = arith.constant 48 : index
      %get3A_1269 = tpu.vector_load %arg6[%get3A_1266, %get3A_1267, %get3A_1268] {strides = array<i32>} : memref<3x200x128xf32, #tpu.memory_space<vmem>>, vector<16xf32>,
      %swap3A_1270 = arith.index_cast %scan3A_1114 : i32 to index
      %swap3A_1271 = arith.constant 48 : index
      %swap3A_1272 = tpu.vector_load %arg10[%swap3A_1270, %swap3A_1271] {strides = array<i32>} : memref<50x64xf32, #tpu.memory_space<vmem>>, vector<16xf32>,
      tpu.vector_store %arg10[%swap3A_1270, %swap3A_1271], %get3A_1269 {strides = array<i32>} : memref<50x64xf32, #tpu.memory_space<vmem>>, vector<16xf32>,
    }
    %scan3A_525 = arith.constant 50 : i32
    %add3A_526 = arith.constant 492 : i32
    %add3A_527 = arith.addi %mul3A_6, %add3A_526 : i32
    %add3A_528 = arith.constant 0 : i32
    %add3A_529 = arith.addi %add3A_527, %add3A_528 : i32
    %dma_start3A_530 = arith.constant 0 : i32
    %dma_start3A_531 = arith.constant 0 : i32
    %dma_start3A_532 = tpu.memref_slice %arg4[%add3A_529, %dma_start3A_530, %dma_start3A_531] : memref<16384x50x64xf32, #tpu.memory_space<hbm>> -> memref<1x50x64xf32, #tpu.memory_space<hbm>>
    %dma_start3A_533 = tpu.memref_squeeze %dma_start3A_532 : memref<1x50x64xf32, #tpu.memory_space<hbm>> -> memref<50x64xf32, #tpu.memory_space<hbm>>
    %dma_start3A_534 = arith.constant 0 : i32
    %dma_start3A_535 = arith.constant 0 : i32
    %dma_start3A_536 = tpu.memref_slice %arg4[%add3A_529, %dma_start3A_534, %dma_start3A_535] : memref<16384x50x64xf32, #tpu.memory_space<hbm>> -> memref<1x50x64xf32, #tpu.memory_space<hbm>>
    %dma_start3A_537 = tpu.memref_squeeze %dma_start3A_536 : memref<1x50x64xf32, #tpu.memory_space<hbm>> -> memref<50x64xf32, #tpu.memory_space<hbm>>
    tpu.enqueue_dma source(%arg7 : memref<50x64xf32, #tpu.memory_space<vmem>>) target(%dma_start3A_537 : memref<50x64xf32, #tpu.memory_space<hbm>>) target_semaphore(%arg17 : memref<!tpu.dma_semaphore, #tpu.memory_space<semaphore_mem>>)
    %add3A_538 = arith.constant 492 : i32
    %add3A_539 = arith.addi %mul3A_6, %add3A_538 : i32
    %add3A_540 = arith.constant 1 : i32
    %add3A_541 = arith.addi %add3A_539, %add3A_540 : i32
    %dma_start3A_542 = arith.constant 0 : i32
    %dma_start3A_543 = arith.constant 0 : i32
    %dma_start3A_544 = tpu.memref_slice %arg4[%add3A_541, %dma_start3A_542, %dma_start3A_543] : memref<16384x50x64xf32, #tpu.memory_space<hbm>> -> memref<1x50x64xf32, #tpu.memory_space<hbm>>
    %dma_start3A_545 = tpu.memref_squeeze %dma_start3A_544 : memref<1x50x64xf32, #tpu.memory_space<hbm>> -> memref<50x64xf32, #tpu.memory_space<hbm>>
    %dma_start3A_546 = arith.constant 0 : i32
    %dma_start3A_547 = arith.constant 0 : i32
    %dma_start3A_548 = tpu.memref_slice %arg4[%add3A_541, %dma_start3A_546, %dma_start3A_547] : memref<16384x50x64xf32, #tpu.memory_space<hbm>> -> memref<1x50x64xf32, #tpu.memory_space<hbm>>
    %dma_start3A_549 = tpu.memref_squeeze %dma_start3A_548 : memref<1x50x64xf32, #tpu.memory_space<hbm>> -> memref<50x64xf32, #tpu.memory_space<hbm>>
    tpu.enqueue_dma source(%arg8 : memref<50x64xf32, #tpu.memory_space<vmem>>) target(%dma_start3A_549 : memref<50x64xf32, #tpu.memory_space<hbm>>) target_semaphore(%arg17 : memref<!tpu.dma_semaphore, #tpu.memory_space<semaphore_mem>>)
    %add3A_550 = arith.constant 492 : i32
    %add3A_551 = arith.addi %mul3A_6, %add3A_550 : i32
    %add3A_552 = arith.constant 2 : i32
    %add3A_553 = arith.addi %add3A_551, %add3A_552 : i32
    %dma_start3A_554 = arith.constant 0 : i32
    %dma_start3A_555 = arith.constant 0 : i32
    %dma_start3A_556 = tpu.memref_slice %arg4[%add3A_553, %dma_start3A_554, %dma_start3A_555] : memref<16384x50x64xf32, #tpu.memory_space<hbm>> -> memref<1x50x64xf32, #tpu.memory_space<hbm>>
    %dma_start3A_557 = tpu.memref_squeeze %dma_start3A_556 : memref<1x50x64xf32, #tpu.memory_space<hbm>> -> memref<50x64xf32, #tpu.memory_space<hbm>>
    %dma_start3A_558 = arith.constant 0 : i32
    %dma_start3A_559 = arith.constant 0 : i32
    %dma_start3A_560 = tpu.memref_slice %arg4[%add3A_553, %dma_start3A_558, %dma_start3A_559] : memref<16384x50x64xf32, #tpu.memory_space<hbm>> -> memref<1x50x64xf32, #tpu.memory_space<hbm>>
    %dma_start3A_561 = tpu.memref_squeeze %dma_start3A_560 : memref<1x50x64xf32, #tpu.memory_space<hbm>> -> memref<50x64xf32, #tpu.memory_space<hbm>>
    tpu.enqueue_dma source(%arg9 : memref<50x64xf32, #tpu.memory_space<vmem>>) target(%dma_start3A_561 : memref<50x64xf32, #tpu.memory_space<hbm>>) target_semaphore(%arg17 : memref<!tpu.dma_semaphore, #tpu.memory_space<semaphore_mem>>)
    %add3A_562 = arith.constant 492 : i32
    %add3A_563 = arith.addi %mul3A_6, %add3A_562 : i32
    %add3A_564 = arith.constant 3 : i32
    %add3A_565 = arith.addi %add3A_563, %add3A_564 : i32
    %dma_start3A_566 = arith.constant 0 : i32
    %dma_start3A_567 = arith.constant 0 : i32
    %dma_start3A_568 = tpu.memref_slice %arg4[%add3A_565, %dma_start3A_566, %dma_start3A_567] : memref<16384x50x64xf32, #tpu.memory_space<hbm>> -> memref<1x50x64xf32, #tpu.memory_space<hbm>>
    %dma_start3A_569 = tpu.memref_squeeze %dma_start3A_568 : memref<1x50x64xf32, #tpu.memory_space<hbm>> -> memref<50x64xf32, #tpu.memory_space<hbm>>
    %dma_start3A_570 = arith.constant 0 : i32
    %dma_start3A_571 = arith.constant 0 : i32
    %dma_start3A_572 = tpu.memref_slice %arg4[%add3A_565, %dma_start3A_570, %dma_start3A_571] : memref<16384x50x64xf32, #tpu.memory_space<hbm>> -> memref<1x50x64xf32, #tpu.memory_space<hbm>>
    %dma_start3A_573 = tpu.memref_squeeze %dma_start3A_572 : memref<1x50x64xf32, #tpu.memory_space<hbm>> -> memref<50x64xf32, #tpu.memory_space<hbm>>
    tpu.enqueue_dma source(%arg10 : memref<50x64xf32, #tpu.memory_space<vmem>>) target(%dma_start3A_573 : memref<50x64xf32, #tpu.memory_space<hbm>>) target_semaphore(%arg17 : memref<!tpu.dma_semaphore, #tpu.memory_space<semaphore_mem>>)
    %dma_wait3A_574 = arith.constant 1 : i32
    %dma_wait3A_575 = arith.constant 0 : i32
    %dma_wait3A_576 = arith.constant 0 : i32
    %dma_wait3A_577 = tpu.memref_slice %arg6[%dma_wait3A_574, %dma_wait3A_575, %dma_wait3A_576] : memref<3x200x128xf32, #tpu.memory_space<vmem>> -> memref<1x200x128xf32, #tpu.memory_space<vmem>>
    %dma_wait3A_578 = tpu.memref_squeeze %dma_wait3A_577 : memref<1x200x128xf32, #tpu.memory_space<vmem>> -> memref<200x128xf32, #tpu.memory_space<vmem>>
    %dma_wait3A_579 = arith.constant 200 : i32
    %dma_wait3A_580 = tpu.memref_slice %arg5[%dma_wait3A_579] : memref<600xi32, #tpu.memory_space<vmem>> -> memref<200xi32, #tpu.memory_space<vmem>>
    %dma_wait3A_581 = arith.constant 0 : i32
    %dma_wait3A_582 = arith.constant 0 : i32
    %dma_wait3A_583 = tpu.memref_slice %arg3[%dma_wait3A_581, %dma_wait3A_582] : memref<1000000x128xf32, #tpu.memory_space<hbm>> -> memref<1000000x128xf32, #tpu.memory_space<hbm>>
    tpu.wait_indirect_dma semaphore(%arg15 : memref<!tpu.dma_semaphore, #tpu.memory_space<semaphore_mem>>) src(%dma_wait3A_583 : memref<1000000x128xf32, #tpu.memory_space<hbm>>) dst(%dma_wait3A_578 : memref<200x128xf32, #tpu.memory_space<vmem>>)
    %add3A_584 = arith.constant 25400 : i32
    %add3A_585 = arith.addi %mul3A_4, %add3A_584 : i32
    %dma_start3A_586 = arith.constant 200 : i32
    %dma_start3A_587 = tpu.memref_slice %arg5[%dma_start3A_586] : memref<600xi32, #tpu.memory_space<vmem>> -> memref<200xi32, #tpu.memory_space<vmem>>
    %dma_start3A_588 = tpu.memref_slice %arg2[%add3A_585] : memref<819200xi32, #tpu.memory_space<hbm>> -> memref<200xi32, #tpu.memory_space<hbm>>
    %dma_start3A_589 = arith.constant 200 : i32
    %dma_start3A_590 = tpu.memref_slice %arg5[%dma_start3A_589] : memref<600xi32, #tpu.memory_space<vmem>> -> memref<200xi32, #tpu.memory_space<vmem>>
    %dma_start3A_591 = tpu.memref_slice %arg2[%add3A_585] : memref<819200xi32, #tpu.memory_space<hbm>> -> memref<200xi32, #tpu.memory_space<hbm>>
    tpu.enqueue_dma source(%dma_start3A_591 : memref<200xi32, #tpu.memory_space<hbm>>) target(%dma_start3A_590 : memref<200xi32, #tpu.memory_space<vmem>>) target_semaphore(%arg12 : memref<!tpu.dma_semaphore, #tpu.memory_space<semaphore_mem>>)
    %add3A_592 = arith.constant 25200 : i32
    %add3A_593 = arith.addi %mul3A_4, %add3A_592 : i32
    %dma_wait3A_594 = arith.constant 0 : i32
    %dma_wait3A_595 = tpu.memref_slice %arg5[%dma_wait3A_594] : memref<600xi32, #tpu.memory_space<vmem>> -> memref<200xi32, #tpu.memory_space<vmem>>
    %dma_wait3A_596 = tpu.memref_slice %arg2[%add3A_593] : memref<819200xi32, #tpu.memory_space<hbm>> -> memref<200xi32, #tpu.memory_space<hbm>>
    %dma_wait3A_597 = arith.constant 0 : i32
    %dma_wait3A_598 = tpu.memref_slice %arg5[%dma_wait3A_597] : memref<600xi32, #tpu.memory_space<vmem>> -> memref<200xi32, #tpu.memory_space<vmem>>
    %dma_wait3A_599 = tpu.memref_slice %arg2[%add3A_593] : memref<819200xi32, #tpu.memory_space<hbm>> -> memref<200xi32, #tpu.memory_space<hbm>>
    tpu.wait_dma2 semaphore(%arg11 : memref<!tpu.dma_semaphore, #tpu.memory_space<semaphore_mem>>) src(%dma_wait3A_599 : memref<200xi32, #tpu.memory_space<hbm>>) dst(%dma_wait3A_598 : memref<200xi32, #tpu.memory_space<vmem>>)
    %dma_start3A_600 = arith.constant 0 : i32
    %dma_start3A_601 = arith.constant 0 : i32
    %dma_start3A_602 = arith.constant 0 : i32
    %dma_start3A_603 = tpu.memref_slice %arg6[%dma_start3A_600, %dma_start3A_601, %dma_start3A_602] : memref<3x200x128xf32, #tpu.memory_space<vmem>> -> memref<1x200x128xf32, #tpu.memory_space<vmem>>
    %dma_start3A_604 = tpu.memref_squeeze %dma_start3A_603 : memref<1x200x128xf32, #tpu.memory_space<vmem>> -> memref<200x128xf32, #tpu.memory_space<vmem>>
    %dma_start3A_605 = arith.constant 0 : i32
    %dma_start3A_606 = tpu.memref_slice %arg5[%dma_start3A_605] : memref<600xi32, #tpu.memory_space<vmem>> -> memref<200xi32, #tpu.memory_space<vmem>>
    %dma_start3A_607 = arith.constant 0 : i32
    %dma_start3A_608 = arith.constant 0 : i32
    %dma_start3A_609 = tpu.memref_slice %arg3[%dma_start3A_607, %dma_start3A_608] : memref<1000000x128xf32, #tpu.memory_space<hbm>> -> memref<1000000x128xf32, #tpu.memory_space<hbm>>
    tpu.enqueue_indirect_dma source(%dma_start3A_609 : memref<1000000x128xf32, #tpu.memory_space<hbm>>) target(%dma_start3A_604 : memref<200x128xf32, #tpu.memory_space<vmem>>) offsets(%dma_start3A_606 : memref<200xi32, #tpu.memory_space<vmem>>) semaphore(%arg14 : memref<!tpu.dma_semaphore, #tpu.memory_space<semaphore_mem>>)
    %add3A_610 = arith.constant 492 : i32
    %add3A_611 = arith.addi %mul3A_6, %add3A_610 : i32
    %add3A_612 = arith.constant 0 : i32
    %add3A_613 = arith.addi %add3A_611, %add3A_612 : i32
    %dma_wait3A_614 = arith.constant 0 : i32
    %dma_wait3A_615 = arith.constant 0 : i32
    %dma_wait3A_616 = tpu.memref_slice %arg4[%add3A_613, %dma_wait3A_614, %dma_wait3A_615] : memref<16384x50x64xf32, #tpu.memory_space<hbm>> -> memref<1x50x64xf32, #tpu.memory_space<hbm>>
    %dma_wait3A_617 = tpu.memref_squeeze %dma_wait3A_616 : memref<1x50x64xf32, #tpu.memory_space<hbm>> -> memref<50x64xf32, #tpu.memory_space<hbm>>
    %dma_wait3A_618 = arith.constant 0 : i32
    %dma_wait3A_619 = arith.constant 0 : i32
    %dma_wait3A_620 = tpu.memref_slice %arg4[%add3A_613, %dma_wait3A_618, %dma_wait3A_619] : memref<16384x50x64xf32, #tpu.memory_space<hbm>> -> memref<1x50x64xf32, #tpu.memory_space<hbm>>
    %dma_wait3A_621 = tpu.memref_squeeze %dma_wait3A_620 : memref<1x50x64xf32, #tpu.memory_space<hbm>> -> memref<50x64xf32, #tpu.memory_space<hbm>>
    tpu.wait_dma2 semaphore(%arg17 : memref<!tpu.dma_semaphore, #tpu.memory_space<semaphore_mem>>) src(%arg7 : memref<50x64xf32, #tpu.memory_space<vmem>>) dst(%dma_wait3A_621 : memref<50x64xf32, #tpu.memory_space<hbm>>)
    %add3A_622 = arith.constant 492 : i32
    %add3A_623 = arith.addi %mul3A_6, %add3A_622 : i32
    %add3A_624 = arith.constant 1 : i32
    %add3A_625 = arith.addi %add3A_623, %add3A_624 : i32
    %dma_wait3A_626 = arith.constant 0 : i32
    %dma_wait3A_627 = arith.constant 0 : i32
    %dma_wait3A_628 = tpu.memref_slice %arg4[%add3A_625, %dma_wait3A_626, %dma_wait3A_627] : memref<16384x50x64xf32, #tpu.memory_space<hbm>> -> memref<1x50x64xf32, #tpu.memory_space<hbm>>
    %dma_wait3A_629 = tpu.memref_squeeze %dma_wait3A_628 : memref<1x50x64xf32, #tpu.memory_space<hbm>> -> memref<50x64xf32, #tpu.memory_space<hbm>>
    %dma_wait3A_630 = arith.constant 0 : i32
    %dma_wait3A_631 = arith.constant 0 : i32
    %dma_wait3A_632 = tpu.memref_slice %arg4[%add3A_625, %dma_wait3A_630, %dma_wait3A_631] : memref<16384x50x64xf32, #tpu.memory_space<hbm>> -> memref<1x50x64xf32, #tpu.memory_space<hbm>>
    %dma_wait3A_633 = tpu.memref_squeeze %dma_wait3A_632 : memref<1x50x64xf32, #tpu.memory_space<hbm>> -> memref<50x64xf32, #tpu.memory_space<hbm>>
    tpu.wait_dma2 semaphore(%arg17 : memref<!tpu.dma_semaphore, #tpu.memory_space<semaphore_mem>>) src(%arg8 : memref<50x64xf32, #tpu.memory_space<vmem>>) dst(%dma_wait3A_633 : memref<50x64xf32, #tpu.memory_space<hbm>>)
    %add3A_634 = arith.constant 492 : i32
    %add3A_635 = arith.addi %mul3A_6, %add3A_634 : i32
    %add3A_636 = arith.constant 2 : i32
    %add3A_637 = arith.addi %add3A_635, %add3A_636 : i32
    %dma_wait3A_638 = arith.constant 0 : i32
    %dma_wait3A_639 = arith.constant 0 : i32
    %dma_wait3A_640 = tpu.memref_slice %arg4[%add3A_637, %dma_wait3A_638, %dma_wait3A_639] : memref<16384x50x64xf32, #tpu.memory_space<hbm>> -> memref<1x50x64xf32, #tpu.memory_space<hbm>>
    %dma_wait3A_641 = tpu.memref_squeeze %dma_wait3A_640 : memref<1x50x64xf32, #tpu.memory_space<hbm>> -> memref<50x64xf32, #tpu.memory_space<hbm>>
    %dma_wait3A_642 = arith.constant 0 : i32
    %dma_wait3A_643 = arith.constant 0 : i32
    %dma_wait3A_644 = tpu.memref_slice %arg4[%add3A_637, %dma_wait3A_642, %dma_wait3A_643] : memref<16384x50x64xf32, #tpu.memory_space<hbm>> -> memref<1x50x64xf32, #tpu.memory_space<hbm>>
    %dma_wait3A_645 = tpu.memref_squeeze %dma_wait3A_644 : memref<1x50x64xf32, #tpu.memory_space<hbm>> -> memref<50x64xf32, #tpu.memory_space<hbm>>
    tpu.wait_dma2 semaphore(%arg17 : memref<!tpu.dma_semaphore, #tpu.memory_space<semaphore_mem>>) src(%arg9 : memref<50x64xf32, #tpu.memory_space<vmem>>) dst(%dma_wait3A_645 : memref<50x64xf32, #tpu.memory_space<hbm>>)
    %add3A_646 = arith.constant 492 : i32
    %add3A_647 = arith.addi %mul3A_6, %add3A_646 : i32
    %add3A_648 = arith.constant 3 : i32
    %add3A_649 = arith.addi %add3A_647, %add3A_648 : i32
    %dma_wait3A_650 = arith.constant 0 : i32
    %dma_wait3A_651 = arith.constant 0 : i32
    %dma_wait3A_652 = tpu.memref_slice %arg4[%add3A_649, %dma_wait3A_650, %dma_wait3A_651] : memref<16384x50x64xf32, #tpu.memory_space<hbm>> -> memref<1x50x64xf32, #tpu.memory_space<hbm>>
    %dma_wait3A_653 = tpu.memref_squeeze %dma_wait3A_652 : memref<1x50x64xf32, #tpu.memory_space<hbm>> -> memref<50x64xf32, #tpu.memory_space<hbm>>
    %dma_wait3A_654 = arith.constant 0 : i32
    %dma_wait3A_655 = arith.constant 0 : i32
    %dma_wait3A_656 = tpu.memref_slice %arg4[%add3A_649, %dma_wait3A_654, %dma_wait3A_655] : memref<16384x50x64xf32, #tpu.memory_space<hbm>> -> memref<1x50x64xf32, #tpu.memory_space<hbm>>
    %dma_wait3A_657 = tpu.memref_squeeze %dma_wait3A_656 : memref<1x50x64xf32, #tpu.memory_space<hbm>> -> memref<50x64xf32, #tpu.memory_space<hbm>>
    tpu.wait_dma2 semaphore(%arg17 : memref<!tpu.dma_semaphore, #tpu.memory_space<semaphore_mem>>) src(%arg10 : memref<50x64xf32, #tpu.memory_space<vmem>>) dst(%dma_wait3A_657 : memref<50x64xf32, #tpu.memory_space<hbm>>)
    %scan3A_658 = arith.constant 0 : i32
    %scan3A_659 = arith.constant 0 : i32
    %scan3A_660 = arith.constant 50 : i32
    %scan3A_661 = arith.addi %scan3A_659, %scan3A_660 : i32
    %scan3A_662 = arith.constant 1 : i32
    scf.for %scan3A_1114 = %scan3A_659 to %scan3A_661 step %scan3A_662  : i32 {
      %add3A_1115 = arith.constant 0 : i32
      %add3A_1116 = arith.addi %add3A_1115, %scan3A_1114 : i32
      %get3A = arith.constant 1 : i32
      %get3A_1117 = arith.index_cast %get3A : i32 to index
      %get3A_1118 = arith.index_cast %add3A_1116 : i32 to index
      %get3A_1119 = arith.constant 0 : index
      %get3A_1120 = tpu.vector_load %arg6[%get3A_1117, %get3A_1118, %get3A_1119] {strides = array<i32>} : memref<3x200x128xf32, #tpu.memory_space<vmem>>, vector<16xf32>,
      %swap3A = arith.index_cast %scan3A_1114 : i32 to index
      %swap3A_1121 = arith.constant 0 : index
      %swap3A_1122 = tpu.vector_load %arg7[%swap3A, %swap3A_1121] {strides = array<i32>} : memref<50x64xf32, #tpu.memory_space<vmem>>, vector<16xf32>,
      tpu.vector_store %arg7[%swap3A, %swap3A_1121], %get3A_1120 {strides = array<i32>} : memref<50x64xf32, #tpu.memory_space<vmem>>, vector<16xf32>,
      %add3A_1123 = arith.constant 0 : i32
      %add3A_1124 = arith.addi %add3A_1123, %scan3A_1114 : i32
      %get3A_1125 = arith.constant 1 : i32
      %get3A_1126 = arith.index_cast %get3A_1125 : i32 to index
      %get3A_1127 = arith.index_cast %add3A_1124 : i32 to index
      %get3A_1128 = arith.constant 16 : index
      %get3A_1129 = tpu.vector_load %arg6[%get3A_1126, %get3A_1127, %get3A_1128] {strides = array<i32>} : memref<3x200x128xf32, #tpu.memory_space<vmem>>, vector<16xf32>,
      %swap3A_1130 = arith.index_cast %scan3A_1114 : i32 to index
      %swap3A_1131 = arith.constant 16 : index
      %swap3A_1132 = tpu.vector_load %arg7[%swap3A_1130, %swap3A_1131] {strides = array<i32>} : memref<50x64xf32, #tpu.memory_space<vmem>>, vector<16xf32>,
      tpu.vector_store %arg7[%swap3A_1130, %swap3A_1131], %get3A_1129 {strides = array<i32>} : memref<50x64xf32, #tpu.memory_space<vmem>>, vector<16xf32>,
      %add3A_1133 = arith.constant 0 : i32
      %add3A_1134 = arith.addi %add3A_1133, %scan3A_1114 : i32
      %get3A_1135 = arith.constant 1 : i32
      %get3A_1136 = arith.index_cast %get3A_1135 : i32 to index
      %get3A_1137 = arith.index_cast %add3A_1134 : i32 to index
      %get3A_1138 = arith.constant 32 : index
      %get3A_1139 = tpu.vector_load %arg6[%get3A_1136, %get3A_1137, %get3A_1138] {strides = array<i32>} : memref<3x200x128xf32, #tpu.memory_space<vmem>>, vector<16xf32>,
      %swap3A_1140 = arith.index_cast %scan3A_1114 : i32 to index
      %swap3A_1141 = arith.constant 32 : index
      %swap3A_1142 = tpu.vector_load %arg7[%swap3A_1140, %swap3A_1141] {strides = array<i32>} : memref<50x64xf32, #tpu.memory_space<vmem>>, vector<16xf32>,
      tpu.vector_store %arg7[%swap3A_1140, %swap3A_1141], %get3A_1139 {strides = array<i32>} : memref<50x64xf32, #tpu.memory_space<vmem>>, vector<16xf32>,
      %add3A_1143 = arith.constant 0 : i32
      %add3A_1144 = arith.addi %add3A_1143, %scan3A_1114 : i32
      %get3A_1145 = arith.constant 1 : i32
      %get3A_1146 = arith.index_cast %get3A_1145 : i32 to index
      %get3A_1147 = arith.index_cast %add3A_1144 : i32 to index
      %get3A_1148 = arith.constant 48 : index
      %get3A_1149 = tpu.vector_load %arg6[%get3A_1146, %get3A_1147, %get3A_1148] {strides = array<i32>} : memref<3x200x128xf32, #tpu.memory_space<vmem>>, vector<16xf32>,
      %swap3A_1150 = arith.index_cast %scan3A_1114 : i32 to index
      %swap3A_1151 = arith.constant 48 : index
      %swap3A_1152 = tpu.vector_load %arg7[%swap3A_1150, %swap3A_1151] {strides = array<i32>} : memref<50x64xf32, #tpu.memory_space<vmem>>, vector<16xf32>,
      tpu.vector_store %arg7[%swap3A_1150, %swap3A_1151], %get3A_1149 {strides = array<i32>} : memref<50x64xf32, #tpu.memory_space<vmem>>, vector<16xf32>,
      %add3A_1153 = arith.constant 50 : i32
      %add3A_1154 = arith.addi %add3A_1153, %scan3A_1114 : i32
      %get3A_1155 = arith.constant 1 : i32
      %get3A_1156 = arith.index_cast %get3A_1155 : i32 to index
      %get3A_1157 = arith.index_cast %add3A_1154 : i32 to index
      %get3A_1158 = arith.constant 0 : index
      %get3A_1159 = tpu.vector_load %arg6[%get3A_1156, %get3A_1157, %get3A_1158] {strides = array<i32>} : memref<3x200x128xf32, #tpu.memory_space<vmem>>, vector<16xf32>,
      %swap3A_1160 = arith.index_cast %scan3A_1114 : i32 to index
      %swap3A_1161 = arith.constant 0 : index
      %swap3A_1162 = tpu.vector_load %arg8[%swap3A_1160, %swap3A_1161] {strides = array<i32>} : memref<50x64xf32, #tpu.memory_space<vmem>>, vector<16xf32>,
      tpu.vector_store %arg8[%swap3A_1160, %swap3A_1161], %get3A_1159 {strides = array<i32>} : memref<50x64xf32, #tpu.memory_space<vmem>>, vector<16xf32>,
      %add3A_1163 = arith.constant 50 : i32
      %add3A_1164 = arith.addi %add3A_1163, %scan3A_1114 : i32
      %get3A_1165 = arith.constant 1 : i32
      %get3A_1166 = arith.index_cast %get3A_1165 : i32 to index
      %get3A_1167 = arith.index_cast %add3A_1164 : i32 to index
      %get3A_1168 = arith.constant 16 : index
      %get3A_1169 = tpu.vector_load %arg6[%get3A_1166, %get3A_1167, %get3A_1168] {strides = array<i32>} : memref<3x200x128xf32, #tpu.memory_space<vmem>>, vector<16xf32>,
      %swap3A_1170 = arith.index_cast %scan3A_1114 : i32 to index
      %swap3A_1171 = arith.constant 16 : index
      %swap3A_1172 = tpu.vector_load %arg8[%swap3A_1170, %swap3A_1171] {strides = array<i32>} : memref<50x64xf32, #tpu.memory_space<vmem>>, vector<16xf32>,
      tpu.vector_store %arg8[%swap3A_1170, %swap3A_1171], %get3A_1169 {strides = array<i32>} : memref<50x64xf32, #tpu.memory_space<vmem>>, vector<16xf32>,
      %add3A_1173 = arith.constant 50 : i32
      %add3A_1174 = arith.addi %add3A_1173, %scan3A_1114 : i32
      %get3A_1175 = arith.constant 1 : i32
      %get3A_1176 = arith.index_cast %get3A_1175 : i32 to index
      %get3A_1177 = arith.index_cast %add3A_1174 : i32 to index
      %get3A_1178 = arith.constant 32 : index
      %get3A_1179 = tpu.vector_load %arg6[%get3A_1176, %get3A_1177, %get3A_1178] {strides = array<i32>} : memref<3x200x128xf32, #tpu.memory_space<vmem>>, vector<16xf32>,
      %swap3A_1180 = arith.index_cast %scan3A_1114 : i32 to index
      %swap3A_1181 = arith.constant 32 : index
      %swap3A_1182 = tpu.vector_load %arg8[%swap3A_1180, %swap3A_1181] {strides = array<i32>} : memref<50x64xf32, #tpu.memory_space<vmem>>, vector<16xf32>,
      tpu.vector_store %arg8[%swap3A_1180, %swap3A_1181], %get3A_1179 {strides = array<i32>} : memref<50x64xf32, #tpu.memory_space<vmem>>, vector<16xf32>,
      %add3A_1183 = arith.constant 50 : i32
      %add3A_1184 = arith.addi %add3A_1183, %scan3A_1114 : i32
      %get3A_1185 = arith.constant 1 : i32
      %get3A_1186 = arith.index_cast %get3A_1185 : i32 to index
      %get3A_1187 = arith.index_cast %add3A_1184 : i32 to index
      %get3A_1188 = arith.constant 48 : index
      %get3A_1189 = tpu.vector_load %arg6[%get3A_1186, %get3A_1187, %get3A_1188] {strides = array<i32>} : memref<3x200x128xf32, #tpu.memory_space<vmem>>, vector<16xf32>,
      %swap3A_1190 = arith.index_cast %scan3A_1114 : i32 to index
      %swap3A_1191 = arith.constant 48 : index
      %swap3A_1192 = tpu.vector_load %arg8[%swap3A_1190, %swap3A_1191] {strides = array<i32>} : memref<50x64xf32, #tpu.memory_space<vmem>>, vector<16xf32>,
      tpu.vector_store %arg8[%swap3A_1190, %swap3A_1191], %get3A_1189 {strides = array<i32>} : memref<50x64xf32, #tpu.memory_space<vmem>>, vector<16xf32>,
      %add3A_1193 = arith.constant 100 : i32
      %add3A_1194 = arith.addi %add3A_1193, %scan3A_1114 : i32
      %get3A_1195 = arith.constant 1 : i32
      %get3A_1196 = arith.index_cast %get3A_1195 : i32 to index
      %get3A_1197 = arith.index_cast %add3A_1194 : i32 to index
      %get3A_1198 = arith.constant 0 : index
      %get3A_1199 = tpu.vector_load %arg6[%get3A_1196, %get3A_1197, %get3A_1198] {strides = array<i32>} : memref<3x200x128xf32, #tpu.memory_space<vmem>>, vector<16xf32>,
      %swap3A_1200 = arith.index_cast %scan3A_1114 : i32 to index
      %swap3A_1201 = arith.constant 0 : index
      %swap3A_1202 = tpu.vector_load %arg9[%swap3A_1200, %swap3A_1201] {strides = array<i32>} : memref<50x64xf32, #tpu.memory_space<vmem>>, vector<16xf32>,
      tpu.vector_store %arg9[%swap3A_1200, %swap3A_1201], %get3A_1199 {strides = array<i32>} : memref<50x64xf32, #tpu.memory_space<vmem>>, vector<16xf32>,
      %add3A_1203 = arith.constant 100 : i32
      %add3A_1204 = arith.addi %add3A_1203, %scan3A_1114 : i32
      %get3A_1205 = arith.constant 1 : i32
      %get3A_1206 = arith.index_cast %get3A_1205 : i32 to index
      %get3A_1207 = arith.index_cast %add3A_1204 : i32 to index
      %get3A_1208 = arith.constant 16 : index
      %get3A_1209 = tpu.vector_load %arg6[%get3A_1206, %get3A_1207, %get3A_1208] {strides = array<i32>} : memref<3x200x128xf32, #tpu.memory_space<vmem>>, vector<16xf32>,
      %swap3A_1210 = arith.index_cast %scan3A_1114 : i32 to index
      %swap3A_1211 = arith.constant 16 : index
      %swap3A_1212 = tpu.vector_load %arg9[%swap3A_1210, %swap3A_1211] {strides = array<i32>} : memref<50x64xf32, #tpu.memory_space<vmem>>, vector<16xf32>,
      tpu.vector_store %arg9[%swap3A_1210, %swap3A_1211], %get3A_1209 {strides = array<i32>} : memref<50x64xf32, #tpu.memory_space<vmem>>, vector<16xf32>,
      %add3A_1213 = arith.constant 100 : i32
      %add3A_1214 = arith.addi %add3A_1213, %scan3A_1114 : i32
      %get3A_1215 = arith.constant 1 : i32
      %get3A_1216 = arith.index_cast %get3A_1215 : i32 to index
      %get3A_1217 = arith.index_cast %add3A_1214 : i32 to index
      %get3A_1218 = arith.constant 32 : index
      %get3A_1219 = tpu.vector_load %arg6[%get3A_1216, %get3A_1217, %get3A_1218] {strides = array<i32>} : memref<3x200x128xf32, #tpu.memory_space<vmem>>, vector<16xf32>,
      %swap3A_1220 = arith.index_cast %scan3A_1114 : i32 to index
      %swap3A_1221 = arith.constant 32 : index
      %swap3A_1222 = tpu.vector_load %arg9[%swap3A_1220, %swap3A_1221] {strides = array<i32>} : memref<50x64xf32, #tpu.memory_space<vmem>>, vector<16xf32>,
      tpu.vector_store %arg9[%swap3A_1220, %swap3A_1221], %get3A_1219 {strides = array<i32>} : memref<50x64xf32, #tpu.memory_space<vmem>>, vector<16xf32>,
      %add3A_1223 = arith.constant 100 : i32
      %add3A_1224 = arith.addi %add3A_1223, %scan3A_1114 : i32
      %get3A_1225 = arith.constant 1 : i32
      %get3A_1226 = arith.index_cast %get3A_1225 : i32 to index
      %get3A_1227 = arith.index_cast %add3A_1224 : i32 to index
      %get3A_1228 = arith.constant 48 : index
      %get3A_1229 = tpu.vector_load %arg6[%get3A_1226, %get3A_1227, %get3A_1228] {strides = array<i32>} : memref<3x200x128xf32, #tpu.memory_space<vmem>>, vector<16xf32>,
      %swap3A_1230 = arith.index_cast %scan3A_1114 : i32 to index
      %swap3A_1231 = arith.constant 48 : index
      %swap3A_1232 = tpu.vector_load %arg9[%swap3A_1230, %swap3A_1231] {strides = array<i32>} : memref<50x64xf32, #tpu.memory_space<vmem>>, vector<16xf32>,
      tpu.vector_store %arg9[%swap3A_1230, %swap3A_1231], %get3A_1229 {strides = array<i32>} : memref<50x64xf32, #tpu.memory_space<vmem>>, vector<16xf32>,
      %add3A_1233 = arith.constant 150 : i32
      %add3A_1234 = arith.addi %add3A_1233, %scan3A_1114 : i32
      %get3A_1235 = arith.constant 1 : i32
      %get3A_1236 = arith.index_cast %get3A_1235 : i32 to index
      %get3A_1237 = arith.index_cast %add3A_1234 : i32 to index
      %get3A_1238 = arith.constant 0 : index
      %get3A_1239 = tpu.vector_load %arg6[%get3A_1236, %get3A_1237, %get3A_1238] {strides = array<i32>} : memref<3x200x128xf32, #tpu.memory_space<vmem>>, vector<16xf32>,
      %swap3A_1240 = arith.index_cast %scan3A_1114 : i32 to index
      %swap3A_1241 = arith.constant 0 : index
      %swap3A_1242 = tpu.vector_load %arg10[%swap3A_1240, %swap3A_1241] {strides = array<i32>} : memref<50x64xf32, #tpu.memory_space<vmem>>, vector<16xf32>,
      tpu.vector_store %arg10[%swap3A_1240, %swap3A_1241], %get3A_1239 {strides = array<i32>} : memref<50x64xf32, #tpu.memory_space<vmem>>, vector<16xf32>,
      %add3A_1243 = arith.constant 150 : i32
      %add3A_1244 = arith.addi %add3A_1243, %scan3A_1114 : i32
      %get3A_1245 = arith.constant 1 : i32
      %get3A_1246 = arith.index_cast %get3A_1245 : i32 to index
      %get3A_1247 = arith.index_cast %add3A_1244 : i32 to index
      %get3A_1248 = arith.constant 16 : index
      %get3A_1249 = tpu.vector_load %arg6[%get3A_1246, %get3A_1247, %get3A_1248] {strides = array<i32>} : memref<3x200x128xf32, #tpu.memory_space<vmem>>, vector<16xf32>,
      %swap3A_1250 = arith.index_cast %scan3A_1114 : i32 to index
      %swap3A_1251 = arith.constant 16 : index
      %swap3A_1252 = tpu.vector_load %arg10[%swap3A_1250, %swap3A_1251] {strides = array<i32>} : memref<50x64xf32, #tpu.memory_space<vmem>>, vector<16xf32>,
      tpu.vector_store %arg10[%swap3A_1250, %swap3A_1251], %get3A_1249 {strides = array<i32>} : memref<50x64xf32, #tpu.memory_space<vmem>>, vector<16xf32>,
      %add3A_1253 = arith.constant 150 : i32
      %add3A_1254 = arith.addi %add3A_1253, %scan3A_1114 : i32
      %get3A_1255 = arith.constant 1 : i32
      %get3A_1256 = arith.index_cast %get3A_1255 : i32 to index
      %get3A_1257 = arith.index_cast %add3A_1254 : i32 to index
      %get3A_1258 = arith.constant 32 : index
      %get3A_1259 = tpu.vector_load %arg6[%get3A_1256, %get3A_1257, %get3A_1258] {strides = array<i32>} : memref<3x200x128xf32, #tpu.memory_space<vmem>>, vector<16xf32>,
      %swap3A_1260 = arith.index_cast %scan3A_1114 : i32 to index
      %swap3A_1261 = arith.constant 32 : index
      %swap3A_1262 = tpu.vector_load %arg10[%swap3A_1260, %swap3A_1261] {strides = array<i32>} : memref<50x64xf32, #tpu.memory_space<vmem>>, vector<16xf32>,
      tpu.vector_store %arg10[%swap3A_1260, %swap3A_1261], %get3A_1259 {strides = array<i32>} : memref<50x64xf32, #tpu.memory_space<vmem>>, vector<16xf32>,
      %add3A_1263 = arith.constant 150 : i32
      %add3A_1264 = arith.addi %add3A_1263, %scan3A_1114 : i32
      %get3A_1265 = arith.constant 1 : i32
      %get3A_1266 = arith.index_cast %get3A_1265 : i32 to index
      %get3A_1267 = arith.index_cast %add3A_1264 : i32 to index
      %get3A_1268 = arith.constant 48 : index
      %get3A_1269 = tpu.vector_load %arg6[%get3A_1266, %get3A_1267, %get3A_1268] {strides = array<i32>} : memref<3x200x128xf32, #tpu.memory_space<vmem>>, vector<16xf32>,
      %swap3A_1270 = arith.index_cast %scan3A_1114 : i32 to index
      %swap3A_1271 = arith.constant 48 : index
      %swap3A_1272 = tpu.vector_load %arg10[%swap3A_1270, %swap3A_1271] {strides = array<i32>} : memref<50x64xf32, #tpu.memory_space<vmem>>, vector<16xf32>,
      tpu.vector_store %arg10[%swap3A_1270, %swap3A_1271], %get3A_1269 {strides = array<i32>} : memref<50x64xf32, #tpu.memory_space<vmem>>, vector<16xf32>,
    }
    %scan3A_663 = arith.constant 50 : i32
    %add3A_664 = arith.constant 496 : i32
    %add3A_665 = arith.addi %mul3A_6, %add3A_664 : i32
    %add3A_666 = arith.constant 0 : i32
    %add3A_667 = arith.addi %add3A_665, %add3A_666 : i32
    %dma_start3A_668 = arith.constant 0 : i32
    %dma_start3A_669 = arith.constant 0 : i32
    %dma_start3A_670 = tpu.memref_slice %arg4[%add3A_667, %dma_start3A_668, %dma_start3A_669] : memref<16384x50x64xf32, #tpu.memory_space<hbm>> -> memref<1x50x64xf32, #tpu.memory_space<hbm>>
    %dma_start3A_671 = tpu.memref_squeeze %dma_start3A_670 : memref<1x50x64xf32, #tpu.memory_space<hbm>> -> memref<50x64xf32, #tpu.memory_space<hbm>>
    %dma_start3A_672 = arith.constant 0 : i32
    %dma_start3A_673 = arith.constant 0 : i32
    %dma_start3A_674 = tpu.memref_slice %arg4[%add3A_667, %dma_start3A_672, %dma_start3A_673] : memref<16384x50x64xf32, #tpu.memory_space<hbm>> -> memref<1x50x64xf32, #tpu.memory_space<hbm>>
    %dma_start3A_675 = tpu.memref_squeeze %dma_start3A_674 : memref<1x50x64xf32, #tpu.memory_space<hbm>> -> memref<50x64xf32, #tpu.memory_space<hbm>>
    tpu.enqueue_dma source(%arg7 : memref<50x64xf32, #tpu.memory_space<vmem>>) target(%dma_start3A_675 : memref<50x64xf32, #tpu.memory_space<hbm>>) target_semaphore(%arg17 : memref<!tpu.dma_semaphore, #tpu.memory_space<semaphore_mem>>)
    %add3A_676 = arith.constant 496 : i32
    %add3A_677 = arith.addi %mul3A_6, %add3A_676 : i32
    %add3A_678 = arith.constant 1 : i32
    %add3A_679 = arith.addi %add3A_677, %add3A_678 : i32
    %dma_start3A_680 = arith.constant 0 : i32
    %dma_start3A_681 = arith.constant 0 : i32
    %dma_start3A_682 = tpu.memref_slice %arg4[%add3A_679, %dma_start3A_680, %dma_start3A_681] : memref<16384x50x64xf32, #tpu.memory_space<hbm>> -> memref<1x50x64xf32, #tpu.memory_space<hbm>>
    %dma_start3A_683 = tpu.memref_squeeze %dma_start3A_682 : memref<1x50x64xf32, #tpu.memory_space<hbm>> -> memref<50x64xf32, #tpu.memory_space<hbm>>
    %dma_start3A_684 = arith.constant 0 : i32
    %dma_start3A_685 = arith.constant 0 : i32
    %dma_start3A_686 = tpu.memref_slice %arg4[%add3A_679, %dma_start3A_684, %dma_start3A_685] : memref<16384x50x64xf32, #tpu.memory_space<hbm>> -> memref<1x50x64xf32, #tpu.memory_space<hbm>>
    %dma_start3A_687 = tpu.memref_squeeze %dma_start3A_686 : memref<1x50x64xf32, #tpu.memory_space<hbm>> -> memref<50x64xf32, #tpu.memory_space<hbm>>
    tpu.enqueue_dma source(%arg8 : memref<50x64xf32, #tpu.memory_space<vmem>>) target(%dma_start3A_687 : memref<50x64xf32, #tpu.memory_space<hbm>>) target_semaphore(%arg17 : memref<!tpu.dma_semaphore, #tpu.memory_space<semaphore_mem>>)
    %add3A_688 = arith.constant 496 : i32
    %add3A_689 = arith.addi %mul3A_6, %add3A_688 : i32
    %add3A_690 = arith.constant 2 : i32
    %add3A_691 = arith.addi %add3A_689, %add3A_690 : i32
    %dma_start3A_692 = arith.constant 0 : i32
    %dma_start3A_693 = arith.constant 0 : i32
    %dma_start3A_694 = tpu.memref_slice %arg4[%add3A_691, %dma_start3A_692, %dma_start3A_693] : memref<16384x50x64xf32, #tpu.memory_space<hbm>> -> memref<1x50x64xf32, #tpu.memory_space<hbm>>
    %dma_start3A_695 = tpu.memref_squeeze %dma_start3A_694 : memref<1x50x64xf32, #tpu.memory_space<hbm>> -> memref<50x64xf32, #tpu.memory_space<hbm>>
    %dma_start3A_696 = arith.constant 0 : i32
    %dma_start3A_697 = arith.constant 0 : i32
    %dma_start3A_698 = tpu.memref_slice %arg4[%add3A_691, %dma_start3A_696, %dma_start3A_697] : memref<16384x50x64xf32, #tpu.memory_space<hbm>> -> memref<1x50x64xf32, #tpu.memory_space<hbm>>
    %dma_start3A_699 = tpu.memref_squeeze %dma_start3A_698 : memref<1x50x64xf32, #tpu.memory_space<hbm>> -> memref<50x64xf32, #tpu.memory_space<hbm>>
    tpu.enqueue_dma source(%arg9 : memref<50x64xf32, #tpu.memory_space<vmem>>) target(%dma_start3A_699 : memref<50x64xf32, #tpu.memory_space<hbm>>) target_semaphore(%arg17 : memref<!tpu.dma_semaphore, #tpu.memory_space<semaphore_mem>>)
    %add3A_700 = arith.constant 496 : i32
    %add3A_701 = arith.addi %mul3A_6, %add3A_700 : i32
    %add3A_702 = arith.constant 3 : i32
    %add3A_703 = arith.addi %add3A_701, %add3A_702 : i32
    %dma_start3A_704 = arith.constant 0 : i32
    %dma_start3A_705 = arith.constant 0 : i32
    %dma_start3A_706 = tpu.memref_slice %arg4[%add3A_703, %dma_start3A_704, %dma_start3A_705] : memref<16384x50x64xf32, #tpu.memory_space<hbm>> -> memref<1x50x64xf32, #tpu.memory_space<hbm>>
    %dma_start3A_707 = tpu.memref_squeeze %dma_start3A_706 : memref<1x50x64xf32, #tpu.memory_space<hbm>> -> memref<50x64xf32, #tpu.memory_space<hbm>>
    %dma_start3A_708 = arith.constant 0 : i32
    %dma_start3A_709 = arith.constant 0 : i32
    %dma_start3A_710 = tpu.memref_slice %arg4[%add3A_703, %dma_start3A_708, %dma_start3A_709] : memref<16384x50x64xf32, #tpu.memory_space<hbm>> -> memref<1x50x64xf32, #tpu.memory_space<hbm>>
    %dma_start3A_711 = tpu.memref_squeeze %dma_start3A_710 : memref<1x50x64xf32, #tpu.memory_space<hbm>> -> memref<50x64xf32, #tpu.memory_space<hbm>>
    tpu.enqueue_dma source(%arg10 : memref<50x64xf32, #tpu.memory_space<vmem>>) target(%dma_start3A_711 : memref<50x64xf32, #tpu.memory_space<hbm>>) target_semaphore(%arg17 : memref<!tpu.dma_semaphore, #tpu.memory_space<semaphore_mem>>)
    %dma_wait3A_712 = arith.constant 2 : i32
    %dma_wait3A_713 = arith.constant 0 : i32
    %dma_wait3A_714 = arith.constant 0 : i32
    %dma_wait3A_715 = tpu.memref_slice %arg6[%dma_wait3A_712, %dma_wait3A_713, %dma_wait3A_714] : memref<3x200x128xf32, #tpu.memory_space<vmem>> -> memref<1x200x128xf32, #tpu.memory_space<vmem>>
    %dma_wait3A_716 = tpu.memref_squeeze %dma_wait3A_715 : memref<1x200x128xf32, #tpu.memory_space<vmem>> -> memref<200x128xf32, #tpu.memory_space<vmem>>
    %dma_wait3A_717 = arith.constant 400 : i32
    %dma_wait3A_718 = tpu.memref_slice %arg5[%dma_wait3A_717] : memref<600xi32, #tpu.memory_space<vmem>> -> memref<200xi32, #tpu.memory_space<vmem>>
    %dma_wait3A_719 = arith.constant 0 : i32
    %dma_wait3A_720 = arith.constant 0 : i32
    %dma_wait3A_721 = tpu.memref_slice %arg3[%dma_wait3A_719, %dma_wait3A_720] : memref<1000000x128xf32, #tpu.memory_space<hbm>> -> memref<1000000x128xf32, #tpu.memory_space<hbm>>
    tpu.wait_indirect_dma semaphore(%arg16 : memref<!tpu.dma_semaphore, #tpu.memory_space<semaphore_mem>>) src(%dma_wait3A_721 : memref<1000000x128xf32, #tpu.memory_space<hbm>>) dst(%dma_wait3A_716 : memref<200x128xf32, #tpu.memory_space<vmem>>)
    %add3A_722 = arith.constant 25400 : i32
    %add3A_723 = arith.addi %mul3A_4, %add3A_722 : i32
    %dma_wait3A_724 = arith.constant 200 : i32
    %dma_wait3A_725 = tpu.memref_slice %arg5[%dma_wait3A_724] : memref<600xi32, #tpu.memory_space<vmem>> -> memref<200xi32, #tpu.memory_space<vmem>>
    %dma_wait3A_726 = tpu.memref_slice %arg2[%add3A_723] : memref<819200xi32, #tpu.memory_space<hbm>> -> memref<200xi32, #tpu.memory_space<hbm>>
    %dma_wait3A_727 = arith.constant 200 : i32
    %dma_wait3A_728 = tpu.memref_slice %arg5[%dma_wait3A_727] : memref<600xi32, #tpu.memory_space<vmem>> -> memref<200xi32, #tpu.memory_space<vmem>>
    %dma_wait3A_729 = tpu.memref_slice %arg2[%add3A_723] : memref<819200xi32, #tpu.memory_space<hbm>> -> memref<200xi32, #tpu.memory_space<hbm>>
    tpu.wait_dma2 semaphore(%arg12 : memref<!tpu.dma_semaphore, #tpu.memory_space<semaphore_mem>>) src(%dma_wait3A_729 : memref<200xi32, #tpu.memory_space<hbm>>) dst(%dma_wait3A_728 : memref<200xi32, #tpu.memory_space<vmem>>)
    %dma_start3A_730 = arith.constant 1 : i32
    %dma_start3A_731 = arith.constant 0 : i32
    %dma_start3A_732 = arith.constant 0 : i32
    %dma_start3A_733 = tpu.memref_slice %arg6[%dma_start3A_730, %dma_start3A_731, %dma_start3A_732] : memref<3x200x128xf32, #tpu.memory_space<vmem>> -> memref<1x200x128xf32, #tpu.memory_space<vmem>>
    %dma_start3A_734 = tpu.memref_squeeze %dma_start3A_733 : memref<1x200x128xf32, #tpu.memory_space<vmem>> -> memref<200x128xf32, #tpu.memory_space<vmem>>
    %dma_start3A_735 = arith.constant 200 : i32
    %dma_start3A_736 = tpu.memref_slice %arg5[%dma_start3A_735] : memref<600xi32, #tpu.memory_space<vmem>> -> memref<200xi32, #tpu.memory_space<vmem>>
    %dma_start3A_737 = arith.constant 0 : i32
    %dma_start3A_738 = arith.constant 0 : i32
    %dma_start3A_739 = tpu.memref_slice %arg3[%dma_start3A_737, %dma_start3A_738] : memref<1000000x128xf32, #tpu.memory_space<hbm>> -> memref<1000000x128xf32, #tpu.memory_space<hbm>>
    tpu.enqueue_indirect_dma source(%dma_start3A_739 : memref<1000000x128xf32, #tpu.memory_space<hbm>>) target(%dma_start3A_734 : memref<200x128xf32, #tpu.memory_space<vmem>>) offsets(%dma_start3A_736 : memref<200xi32, #tpu.memory_space<vmem>>) semaphore(%arg15 : memref<!tpu.dma_semaphore, #tpu.memory_space<semaphore_mem>>)
    %add3A_740 = arith.constant 496 : i32
    %add3A_741 = arith.addi %mul3A_6, %add3A_740 : i32
    %add3A_742 = arith.constant 0 : i32
    %add3A_743 = arith.addi %add3A_741, %add3A_742 : i32
    %dma_wait3A_744 = arith.constant 0 : i32
    %dma_wait3A_745 = arith.constant 0 : i32
    %dma_wait3A_746 = tpu.memref_slice %arg4[%add3A_743, %dma_wait3A_744, %dma_wait3A_745] : memref<16384x50x64xf32, #tpu.memory_space<hbm>> -> memref<1x50x64xf32, #tpu.memory_space<hbm>>
    %dma_wait3A_747 = tpu.memref_squeeze %dma_wait3A_746 : memref<1x50x64xf32, #tpu.memory_space<hbm>> -> memref<50x64xf32, #tpu.memory_space<hbm>>
    %dma_wait3A_748 = arith.constant 0 : i32
    %dma_wait3A_749 = arith.constant 0 : i32
    %dma_wait3A_750 = tpu.memref_slice %arg4[%add3A_743, %dma_wait3A_748, %dma_wait3A_749] : memref<16384x50x64xf32, #tpu.memory_space<hbm>> -> memref<1x50x64xf32, #tpu.memory_space<hbm>>
    %dma_wait3A_751 = tpu.memref_squeeze %dma_wait3A_750 : memref<1x50x64xf32, #tpu.memory_space<hbm>> -> memref<50x64xf32, #tpu.memory_space<hbm>>
    tpu.wait_dma2 semaphore(%arg17 : memref<!tpu.dma_semaphore, #tpu.memory_space<semaphore_mem>>) src(%arg7 : memref<50x64xf32, #tpu.memory_space<vmem>>) dst(%dma_wait3A_751 : memref<50x64xf32, #tpu.memory_space<hbm>>)
    %add3A_752 = arith.constant 496 : i32
    %add3A_753 = arith.addi %mul3A_6, %add3A_752 : i32
    %add3A_754 = arith.constant 1 : i32
    %add3A_755 = arith.addi %add3A_753, %add3A_754 : i32
    %dma_wait3A_756 = arith.constant 0 : i32
    %dma_wait3A_757 = arith.constant 0 : i32
    %dma_wait3A_758 = tpu.memref_slice %arg4[%add3A_755, %dma_wait3A_756, %dma_wait3A_757] : memref<16384x50x64xf32, #tpu.memory_space<hbm>> -> memref<1x50x64xf32, #tpu.memory_space<hbm>>
    %dma_wait3A_759 = tpu.memref_squeeze %dma_wait3A_758 : memref<1x50x64xf32, #tpu.memory_space<hbm>> -> memref<50x64xf32, #tpu.memory_space<hbm>>
    %dma_wait3A_760 = arith.constant 0 : i32
    %dma_wait3A_761 = arith.constant 0 : i32
    %dma_wait3A_762 = tpu.memref_slice %arg4[%add3A_755, %dma_wait3A_760, %dma_wait3A_761] : memref<16384x50x64xf32, #tpu.memory_space<hbm>> -> memref<1x50x64xf32, #tpu.memory_space<hbm>>
    %dma_wait3A_763 = tpu.memref_squeeze %dma_wait3A_762 : memref<1x50x64xf32, #tpu.memory_space<hbm>> -> memref<50x64xf32, #tpu.memory_space<hbm>>
    tpu.wait_dma2 semaphore(%arg17 : memref<!tpu.dma_semaphore, #tpu.memory_space<semaphore_mem>>) src(%arg8 : memref<50x64xf32, #tpu.memory_space<vmem>>) dst(%dma_wait3A_763 : memref<50x64xf32, #tpu.memory_space<hbm>>)
    %add3A_764 = arith.constant 496 : i32
    %add3A_765 = arith.addi %mul3A_6, %add3A_764 : i32
    %add3A_766 = arith.constant 2 : i32
    %add3A_767 = arith.addi %add3A_765, %add3A_766 : i32
    %dma_wait3A_768 = arith.constant 0 : i32
    %dma_wait3A_769 = arith.constant 0 : i32
    %dma_wait3A_770 = tpu.memref_slice %arg4[%add3A_767, %dma_wait3A_768, %dma_wait3A_769] : memref<16384x50x64xf32, #tpu.memory_space<hbm>> -> memref<1x50x64xf32, #tpu.memory_space<hbm>>
    %dma_wait3A_771 = tpu.memref_squeeze %dma_wait3A_770 : memref<1x50x64xf32, #tpu.memory_space<hbm>> -> memref<50x64xf32, #tpu.memory_space<hbm>>
    %dma_wait3A_772 = arith.constant 0 : i32
    %dma_wait3A_773 = arith.constant 0 : i32
    %dma_wait3A_774 = tpu.memref_slice %arg4[%add3A_767, %dma_wait3A_772, %dma_wait3A_773] : memref<16384x50x64xf32, #tpu.memory_space<hbm>> -> memref<1x50x64xf32, #tpu.memory_space<hbm>>
    %dma_wait3A_775 = tpu.memref_squeeze %dma_wait3A_774 : memref<1x50x64xf32, #tpu.memory_space<hbm>> -> memref<50x64xf32, #tpu.memory_space<hbm>>
    tpu.wait_dma2 semaphore(%arg17 : memref<!tpu.dma_semaphore, #tpu.memory_space<semaphore_mem>>) src(%arg9 : memref<50x64xf32, #tpu.memory_space<vmem>>) dst(%dma_wait3A_775 : memref<50x64xf32, #tpu.memory_space<hbm>>)
    %add3A_776 = arith.constant 496 : i32
    %add3A_777 = arith.addi %mul3A_6, %add3A_776 : i32
    %add3A_778 = arith.constant 3 : i32
    %add3A_779 = arith.addi %add3A_777, %add3A_778 : i32
    %dma_wait3A_780 = arith.constant 0 : i32
    %dma_wait3A_781 = arith.constant 0 : i32
    %dma_wait3A_782 = tpu.memref_slice %arg4[%add3A_779, %dma_wait3A_780, %dma_wait3A_781] : memref<16384x50x64xf32, #tpu.memory_space<hbm>> -> memref<1x50x64xf32, #tpu.memory_space<hbm>>
    %dma_wait3A_783 = tpu.memref_squeeze %dma_wait3A_782 : memref<1x50x64xf32, #tpu.memory_space<hbm>> -> memref<50x64xf32, #tpu.memory_space<hbm>>
    %dma_wait3A_784 = arith.constant 0 : i32
    %dma_wait3A_785 = arith.constant 0 : i32
    %dma_wait3A_786 = tpu.memref_slice %arg4[%add3A_779, %dma_wait3A_784, %dma_wait3A_785] : memref<16384x50x64xf32, #tpu.memory_space<hbm>> -> memref<1x50x64xf32, #tpu.memory_space<hbm>>
    %dma_wait3A_787 = tpu.memref_squeeze %dma_wait3A_786 : memref<1x50x64xf32, #tpu.memory_space<hbm>> -> memref<50x64xf32, #tpu.memory_space<hbm>>
    tpu.wait_dma2 semaphore(%arg17 : memref<!tpu.dma_semaphore, #tpu.memory_space<semaphore_mem>>) src(%arg10 : memref<50x64xf32, #tpu.memory_space<vmem>>) dst(%dma_wait3A_787 : memref<50x64xf32, #tpu.memory_space<hbm>>)
    %scan3A_788 = arith.constant 0 : i32
    %scan3A_789 = arith.constant 0 : i32
    %scan3A_790 = arith.constant 50 : i32
    %scan3A_791 = arith.addi %scan3A_789, %scan3A_790 : i32
    %scan3A_792 = arith.constant 1 : i32
    scf.for %scan3A_1114 = %scan3A_789 to %scan3A_791 step %scan3A_792  : i32 {
      %add3A_1115 = arith.constant 0 : i32
      %add3A_1116 = arith.addi %add3A_1115, %scan3A_1114 : i32
      %get3A = arith.constant 2 : i32
      %get3A_1117 = arith.index_cast %get3A : i32 to index
      %get3A_1118 = arith.index_cast %add3A_1116 : i32 to index
      %get3A_1119 = arith.constant 0 : index
      %get3A_1120 = tpu.vector_load %arg6[%get3A_1117, %get3A_1118, %get3A_1119] {strides = array<i32>} : memref<3x200x128xf32, #tpu.memory_space<vmem>>, vector<16xf32>,
      %swap3A = arith.index_cast %scan3A_1114 : i32 to index
      %swap3A_1121 = arith.constant 0 : index
      %swap3A_1122 = tpu.vector_load %arg7[%swap3A, %swap3A_1121] {strides = array<i32>} : memref<50x64xf32, #tpu.memory_space<vmem>>, vector<16xf32>,
      tpu.vector_store %arg7[%swap3A, %swap3A_1121], %get3A_1120 {strides = array<i32>} : memref<50x64xf32, #tpu.memory_space<vmem>>, vector<16xf32>,
      %add3A_1123 = arith.constant 0 : i32
      %add3A_1124 = arith.addi %add3A_1123, %scan3A_1114 : i32
      %get3A_1125 = arith.constant 2 : i32
      %get3A_1126 = arith.index_cast %get3A_1125 : i32 to index
      %get3A_1127 = arith.index_cast %add3A_1124 : i32 to index
      %get3A_1128 = arith.constant 16 : index
      %get3A_1129 = tpu.vector_load %arg6[%get3A_1126, %get3A_1127, %get3A_1128] {strides = array<i32>} : memref<3x200x128xf32, #tpu.memory_space<vmem>>, vector<16xf32>,
      %swap3A_1130 = arith.index_cast %scan3A_1114 : i32 to index
      %swap3A_1131 = arith.constant 16 : index
      %swap3A_1132 = tpu.vector_load %arg7[%swap3A_1130, %swap3A_1131] {strides = array<i32>} : memref<50x64xf32, #tpu.memory_space<vmem>>, vector<16xf32>,
      tpu.vector_store %arg7[%swap3A_1130, %swap3A_1131], %get3A_1129 {strides = array<i32>} : memref<50x64xf32, #tpu.memory_space<vmem>>, vector<16xf32>,
      %add3A_1133 = arith.constant 0 : i32
      %add3A_1134 = arith.addi %add3A_1133, %scan3A_1114 : i32
      %get3A_1135 = arith.constant 2 : i32
      %get3A_1136 = arith.index_cast %get3A_1135 : i32 to index
      %get3A_1137 = arith.index_cast %add3A_1134 : i32 to index
      %get3A_1138 = arith.constant 32 : index
      %get3A_1139 = tpu.vector_load %arg6[%get3A_1136, %get3A_1137, %get3A_1138] {strides = array<i32>} : memref<3x200x128xf32, #tpu.memory_space<vmem>>, vector<16xf32>,
      %swap3A_1140 = arith.index_cast %scan3A_1114 : i32 to index
      %swap3A_1141 = arith.constant 32 : index
      %swap3A_1142 = tpu.vector_load %arg7[%swap3A_1140, %swap3A_1141] {strides = array<i32>} : memref<50x64xf32, #tpu.memory_space<vmem>>, vector<16xf32>,
      tpu.vector_store %arg7[%swap3A_1140, %swap3A_1141], %get3A_1139 {strides = array<i32>} : memref<50x64xf32, #tpu.memory_space<vmem>>, vector<16xf32>,
      %add3A_1143 = arith.constant 0 : i32
      %add3A_1144 = arith.addi %add3A_1143, %scan3A_1114 : i32
      %get3A_1145 = arith.constant 2 : i32
      %get3A_1146 = arith.index_cast %get3A_1145 : i32 to index
      %get3A_1147 = arith.index_cast %add3A_1144 : i32 to index
      %get3A_1148 = arith.constant 48 : index
      %get3A_1149 = tpu.vector_load %arg6[%get3A_1146, %get3A_1147, %get3A_1148] {strides = array<i32>} : memref<3x200x128xf32, #tpu.memory_space<vmem>>, vector<16xf32>,
      %swap3A_1150 = arith.index_cast %scan3A_1114 : i32 to index
      %swap3A_1151 = arith.constant 48 : index
      %swap3A_1152 = tpu.vector_load %arg7[%swap3A_1150, %swap3A_1151] {strides = array<i32>} : memref<50x64xf32, #tpu.memory_space<vmem>>, vector<16xf32>,
      tpu.vector_store %arg7[%swap3A_1150, %swap3A_1151], %get3A_1149 {strides = array<i32>} : memref<50x64xf32, #tpu.memory_space<vmem>>, vector<16xf32>,
      %add3A_1153 = arith.constant 50 : i32
      %add3A_1154 = arith.addi %add3A_1153, %scan3A_1114 : i32
      %get3A_1155 = arith.constant 2 : i32
      %get3A_1156 = arith.index_cast %get3A_1155 : i32 to index
      %get3A_1157 = arith.index_cast %add3A_1154 : i32 to index
      %get3A_1158 = arith.constant 0 : index
      %get3A_1159 = tpu.vector_load %arg6[%get3A_1156, %get3A_1157, %get3A_1158] {strides = array<i32>} : memref<3x200x128xf32, #tpu.memory_space<vmem>>, vector<16xf32>,
      %swap3A_1160 = arith.index_cast %scan3A_1114 : i32 to index
      %swap3A_1161 = arith.constant 0 : index
      %swap3A_1162 = tpu.vector_load %arg8[%swap3A_1160, %swap3A_1161] {strides = array<i32>} : memref<50x64xf32, #tpu.memory_space<vmem>>, vector<16xf32>,
      tpu.vector_store %arg8[%swap3A_1160, %swap3A_1161], %get3A_1159 {strides = array<i32>} : memref<50x64xf32, #tpu.memory_space<vmem>>, vector<16xf32>,
      %add3A_1163 = arith.constant 50 : i32
      %add3A_1164 = arith.addi %add3A_1163, %scan3A_1114 : i32
      %get3A_1165 = arith.constant 2 : i32
      %get3A_1166 = arith.index_cast %get3A_1165 : i32 to index
      %get3A_1167 = arith.index_cast %add3A_1164 : i32 to index
      %get3A_1168 = arith.constant 16 : index
      %get3A_1169 = tpu.vector_load %arg6[%get3A_1166, %get3A_1167, %get3A_1168] {strides = array<i32>} : memref<3x200x128xf32, #tpu.memory_space<vmem>>, vector<16xf32>,
      %swap3A_1170 = arith.index_cast %scan3A_1114 : i32 to index
      %swap3A_1171 = arith.constant 16 : index
      %swap3A_1172 = tpu.vector_load %arg8[%swap3A_1170, %swap3A_1171] {strides = array<i32>} : memref<50x64xf32, #tpu.memory_space<vmem>>, vector<16xf32>,
      tpu.vector_store %arg8[%swap3A_1170, %swap3A_1171], %get3A_1169 {strides = array<i32>} : memref<50x64xf32, #tpu.memory_space<vmem>>, vector<16xf32>,
      %add3A_1173 = arith.constant 50 : i32
      %add3A_1174 = arith.addi %add3A_1173, %scan3A_1114 : i32
      %get3A_1175 = arith.constant 2 : i32
      %get3A_1176 = arith.index_cast %get3A_1175 : i32 to index
      %get3A_1177 = arith.index_cast %add3A_1174 : i32 to index
      %get3A_1178 = arith.constant 32 : index
      %get3A_1179 = tpu.vector_load %arg6[%get3A_1176, %get3A_1177, %get3A_1178] {strides = array<i32>} : memref<3x200x128xf32, #tpu.memory_space<vmem>>, vector<16xf32>,
      %swap3A_1180 = arith.index_cast %scan3A_1114 : i32 to index
      %swap3A_1181 = arith.constant 32 : index
      %swap3A_1182 = tpu.vector_load %arg8[%swap3A_1180, %swap3A_1181] {strides = array<i32>} : memref<50x64xf32, #tpu.memory_space<vmem>>, vector<16xf32>,
      tpu.vector_store %arg8[%swap3A_1180, %swap3A_1181], %get3A_1179 {strides = array<i32>} : memref<50x64xf32, #tpu.memory_space<vmem>>, vector<16xf32>,
      %add3A_1183 = arith.constant 50 : i32
      %add3A_1184 = arith.addi %add3A_1183, %scan3A_1114 : i32
      %get3A_1185 = arith.constant 2 : i32
      %get3A_1186 = arith.index_cast %get3A_1185 : i32 to index
      %get3A_1187 = arith.index_cast %add3A_1184 : i32 to index
      %get3A_1188 = arith.constant 48 : index
      %get3A_1189 = tpu.vector_load %arg6[%get3A_1186, %get3A_1187, %get3A_1188] {strides = array<i32>} : memref<3x200x128xf32, #tpu.memory_space<vmem>>, vector<16xf32>,
      %swap3A_1190 = arith.index_cast %scan3A_1114 : i32 to index
      %swap3A_1191 = arith.constant 48 : index
      %swap3A_1192 = tpu.vector_load %arg8[%swap3A_1190, %swap3A_1191] {strides = array<i32>} : memref<50x64xf32, #tpu.memory_space<vmem>>, vector<16xf32>,
      tpu.vector_store %arg8[%swap3A_1190, %swap3A_1191], %get3A_1189 {strides = array<i32>} : memref<50x64xf32, #tpu.memory_space<vmem>>, vector<16xf32>,
      %add3A_1193 = arith.constant 100 : i32
      %add3A_1194 = arith.addi %add3A_1193, %scan3A_1114 : i32
      %get3A_1195 = arith.constant 2 : i32
      %get3A_1196 = arith.index_cast %get3A_1195 : i32 to index
      %get3A_1197 = arith.index_cast %add3A_1194 : i32 to index
      %get3A_1198 = arith.constant 0 : index
      %get3A_1199 = tpu.vector_load %arg6[%get3A_1196, %get3A_1197, %get3A_1198] {strides = array<i32>} : memref<3x200x128xf32, #tpu.memory_space<vmem>>, vector<16xf32>,
      %swap3A_1200 = arith.index_cast %scan3A_1114 : i32 to index
      %swap3A_1201 = arith.constant 0 : index
      %swap3A_1202 = tpu.vector_load %arg9[%swap3A_1200, %swap3A_1201] {strides = array<i32>} : memref<50x64xf32, #tpu.memory_space<vmem>>, vector<16xf32>,
      tpu.vector_store %arg9[%swap3A_1200, %swap3A_1201], %get3A_1199 {strides = array<i32>} : memref<50x64xf32, #tpu.memory_space<vmem>>, vector<16xf32>,
      %add3A_1203 = arith.constant 100 : i32
      %add3A_1204 = arith.addi %add3A_1203, %scan3A_1114 : i32
      %get3A_1205 = arith.constant 2 : i32
      %get3A_1206 = arith.index_cast %get3A_1205 : i32 to index
      %get3A_1207 = arith.index_cast %add3A_1204 : i32 to index
      %get3A_1208 = arith.constant 16 : index
      %get3A_1209 = tpu.vector_load %arg6[%get3A_1206, %get3A_1207, %get3A_1208] {strides = array<i32>} : memref<3x200x128xf32, #tpu.memory_space<vmem>>, vector<16xf32>,
      %swap3A_1210 = arith.index_cast %scan3A_1114 : i32 to index
      %swap3A_1211 = arith.constant 16 : index
      %swap3A_1212 = tpu.vector_load %arg9[%swap3A_1210, %swap3A_1211] {strides = array<i32>} : memref<50x64xf32, #tpu.memory_space<vmem>>, vector<16xf32>,
      tpu.vector_store %arg9[%swap3A_1210, %swap3A_1211], %get3A_1209 {strides = array<i32>} : memref<50x64xf32, #tpu.memory_space<vmem>>, vector<16xf32>,
      %add3A_1213 = arith.constant 100 : i32
      %add3A_1214 = arith.addi %add3A_1213, %scan3A_1114 : i32
      %get3A_1215 = arith.constant 2 : i32
      %get3A_1216 = arith.index_cast %get3A_1215 : i32 to index
      %get3A_1217 = arith.index_cast %add3A_1214 : i32 to index
      %get3A_1218 = arith.constant 32 : index
      %get3A_1219 = tpu.vector_load %arg6[%get3A_1216, %get3A_1217, %get3A_1218] {strides = array<i32>} : memref<3x200x128xf32, #tpu.memory_space<vmem>>, vector<16xf32>,
      %swap3A_1220 = arith.index_cast %scan3A_1114 : i32 to index
      %swap3A_1221 = arith.constant 32 : index
      %swap3A_1222 = tpu.vector_load %arg9[%swap3A_1220, %swap3A_1221] {strides = array<i32>} : memref<50x64xf32, #tpu.memory_space<vmem>>, vector<16xf32>,
      tpu.vector_store %arg9[%swap3A_1220, %swap3A_1221], %get3A_1219 {strides = array<i32>} : memref<50x64xf32, #tpu.memory_space<vmem>>, vector<16xf32>,
      %add3A_1223 = arith.constant 100 : i32
      %add3A_1224 = arith.addi %add3A_1223, %scan3A_1114 : i32
      %get3A_1225 = arith.constant 2 : i32
      %get3A_1226 = arith.index_cast %get3A_1225 : i32 to index
      %get3A_1227 = arith.index_cast %add3A_1224 : i32 to index
      %get3A_1228 = arith.constant 48 : index
      %get3A_1229 = tpu.vector_load %arg6[%get3A_1226, %get3A_1227, %get3A_1228] {strides = array<i32>} : memref<3x200x128xf32, #tpu.memory_space<vmem>>, vector<16xf32>,
      %swap3A_1230 = arith.index_cast %scan3A_1114 : i32 to index
      %swap3A_1231 = arith.constant 48 : index
      %swap3A_1232 = tpu.vector_load %arg9[%swap3A_1230, %swap3A_1231] {strides = array<i32>} : memref<50x64xf32, #tpu.memory_space<vmem>>, vector<16xf32>,
      tpu.vector_store %arg9[%swap3A_1230, %swap3A_1231], %get3A_1229 {strides = array<i32>} : memref<50x64xf32, #tpu.memory_space<vmem>>, vector<16xf32>,
      %add3A_1233 = arith.constant 150 : i32
      %add3A_1234 = arith.addi %add3A_1233, %scan3A_1114 : i32
      %get3A_1235 = arith.constant 2 : i32
      %get3A_1236 = arith.index_cast %get3A_1235 : i32 to index
      %get3A_1237 = arith.index_cast %add3A_1234 : i32 to index
      %get3A_1238 = arith.constant 0 : index
      %get3A_1239 = tpu.vector_load %arg6[%get3A_1236, %get3A_1237, %get3A_1238] {strides = array<i32>} : memref<3x200x128xf32, #tpu.memory_space<vmem>>, vector<16xf32>,
      %swap3A_1240 = arith.index_cast %scan3A_1114 : i32 to index
      %swap3A_1241 = arith.constant 0 : index
      %swap3A_1242 = tpu.vector_load %arg10[%swap3A_1240, %swap3A_1241] {strides = array<i32>} : memref<50x64xf32, #tpu.memory_space<vmem>>, vector<16xf32>,
      tpu.vector_store %arg10[%swap3A_1240, %swap3A_1241], %get3A_1239 {strides = array<i32>} : memref<50x64xf32, #tpu.memory_space<vmem>>, vector<16xf32>,
      %add3A_1243 = arith.constant 150 : i32
      %add3A_1244 = arith.addi %add3A_1243, %scan3A_1114 : i32
      %get3A_1245 = arith.constant 2 : i32
      %get3A_1246 = arith.index_cast %get3A_1245 : i32 to index
      %get3A_1247 = arith.index_cast %add3A_1244 : i32 to index
      %get3A_1248 = arith.constant 16 : index
      %get3A_1249 = tpu.vector_load %arg6[%get3A_1246, %get3A_1247, %get3A_1248] {strides = array<i32>} : memref<3x200x128xf32, #tpu.memory_space<vmem>>, vector<16xf32>,
      %swap3A_1250 = arith.index_cast %scan3A_1114 : i32 to index
      %swap3A_1251 = arith.constant 16 : index
      %swap3A_1252 = tpu.vector_load %arg10[%swap3A_1250, %swap3A_1251] {strides = array<i32>} : memref<50x64xf32, #tpu.memory_space<vmem>>, vector<16xf32>,
      tpu.vector_store %arg10[%swap3A_1250, %swap3A_1251], %get3A_1249 {strides = array<i32>} : memref<50x64xf32, #tpu.memory_space<vmem>>, vector<16xf32>,
      %add3A_1253 = arith.constant 150 : i32
      %add3A_1254 = arith.addi %add3A_1253, %scan3A_1114 : i32
      %get3A_1255 = arith.constant 2 : i32
      %get3A_1256 = arith.index_cast %get3A_1255 : i32 to index
      %get3A_1257 = arith.index_cast %add3A_1254 : i32 to index
      %get3A_1258 = arith.constant 32 : index
      %get3A_1259 = tpu.vector_load %arg6[%get3A_1256, %get3A_1257, %get3A_1258] {strides = array<i32>} : memref<3x200x128xf32, #tpu.memory_space<vmem>>, vector<16xf32>,
      %swap3A_1260 = arith.index_cast %scan3A_1114 : i32 to index
      %swap3A_1261 = arith.constant 32 : index
      %swap3A_1262 = tpu.vector_load %arg10[%swap3A_1260, %swap3A_1261] {strides = array<i32>} : memref<50x64xf32, #tpu.memory_space<vmem>>, vector<16xf32>,
      tpu.vector_store %arg10[%swap3A_1260, %swap3A_1261], %get3A_1259 {strides = array<i32>} : memref<50x64xf32, #tpu.memory_space<vmem>>, vector<16xf32>,
      %add3A_1263 = arith.constant 150 : i32
      %add3A_1264 = arith.addi %add3A_1263, %scan3A_1114 : i32
      %get3A_1265 = arith.constant 2 : i32
      %get3A_1266 = arith.index_cast %get3A_1265 : i32 to index
      %get3A_1267 = arith.index_cast %add3A_1264 : i32 to index
      %get3A_1268 = arith.constant 48 : index
      %get3A_1269 = tpu.vector_load %arg6[%get3A_1266, %get3A_1267, %get3A_1268] {strides = array<i32>} : memref<3x200x128xf32, #tpu.memory_space<vmem>>, vector<16xf32>,
      %swap3A_1270 = arith.index_cast %scan3A_1114 : i32 to index
      %swap3A_1271 = arith.constant 48 : index
      %swap3A_1272 = tpu.vector_load %arg10[%swap3A_1270, %swap3A_1271] {strides = array<i32>} : memref<50x64xf32, #tpu.memory_space<vmem>>, vector<16xf32>,
      tpu.vector_store %arg10[%swap3A_1270, %swap3A_1271], %get3A_1269 {strides = array<i32>} : memref<50x64xf32, #tpu.memory_space<vmem>>, vector<16xf32>,
    }
    %scan3A_793 = arith.constant 50 : i32
    %add3A_794 = arith.constant 500 : i32
    %add3A_795 = arith.addi %mul3A_6, %add3A_794 : i32
    %add3A_796 = arith.constant 0 : i32
    %add3A_797 = arith.addi %add3A_795, %add3A_796 : i32
    %dma_start3A_798 = arith.constant 0 : i32
    %dma_start3A_799 = arith.constant 0 : i32
    %dma_start3A_800 = tpu.memref_slice %arg4[%add3A_797, %dma_start3A_798, %dma_start3A_799] : memref<16384x50x64xf32, #tpu.memory_space<hbm>> -> memref<1x50x64xf32, #tpu.memory_space<hbm>>
    %dma_start3A_801 = tpu.memref_squeeze %dma_start3A_800 : memref<1x50x64xf32, #tpu.memory_space<hbm>> -> memref<50x64xf32, #tpu.memory_space<hbm>>
    %dma_start3A_802 = arith.constant 0 : i32
    %dma_start3A_803 = arith.constant 0 : i32
    %dma_start3A_804 = tpu.memref_slice %arg4[%add3A_797, %dma_start3A_802, %dma_start3A_803] : memref<16384x50x64xf32, #tpu.memory_space<hbm>> -> memref<1x50x64xf32, #tpu.memory_space<hbm>>
    %dma_start3A_805 = tpu.memref_squeeze %dma_start3A_804 : memref<1x50x64xf32, #tpu.memory_space<hbm>> -> memref<50x64xf32, #tpu.memory_space<hbm>>
    tpu.enqueue_dma source(%arg7 : memref<50x64xf32, #tpu.memory_space<vmem>>) target(%dma_start3A_805 : memref<50x64xf32, #tpu.memory_space<hbm>>) target_semaphore(%arg17 : memref<!tpu.dma_semaphore, #tpu.memory_space<semaphore_mem>>)
    %add3A_806 = arith.constant 500 : i32
    %add3A_807 = arith.addi %mul3A_6, %add3A_806 : i32
    %add3A_808 = arith.constant 1 : i32
    %add3A_809 = arith.addi %add3A_807, %add3A_808 : i32
    %dma_start3A_810 = arith.constant 0 : i32
    %dma_start3A_811 = arith.constant 0 : i32
    %dma_start3A_812 = tpu.memref_slice %arg4[%add3A_809, %dma_start3A_810, %dma_start3A_811] : memref<16384x50x64xf32, #tpu.memory_space<hbm>> -> memref<1x50x64xf32, #tpu.memory_space<hbm>>
    %dma_start3A_813 = tpu.memref_squeeze %dma_start3A_812 : memref<1x50x64xf32, #tpu.memory_space<hbm>> -> memref<50x64xf32, #tpu.memory_space<hbm>>
    %dma_start3A_814 = arith.constant 0 : i32
    %dma_start3A_815 = arith.constant 0 : i32
    %dma_start3A_816 = tpu.memref_slice %arg4[%add3A_809, %dma_start3A_814, %dma_start3A_815] : memref<16384x50x64xf32, #tpu.memory_space<hbm>> -> memref<1x50x64xf32, #tpu.memory_space<hbm>>
    %dma_start3A_817 = tpu.memref_squeeze %dma_start3A_816 : memref<1x50x64xf32, #tpu.memory_space<hbm>> -> memref<50x64xf32, #tpu.memory_space<hbm>>
    tpu.enqueue_dma source(%arg8 : memref<50x64xf32, #tpu.memory_space<vmem>>) target(%dma_start3A_817 : memref<50x64xf32, #tpu.memory_space<hbm>>) target_semaphore(%arg17 : memref<!tpu.dma_semaphore, #tpu.memory_space<semaphore_mem>>)
    %add3A_818 = arith.constant 500 : i32
    %add3A_819 = arith.addi %mul3A_6, %add3A_818 : i32
    %add3A_820 = arith.constant 2 : i32
    %add3A_821 = arith.addi %add3A_819, %add3A_820 : i32
    %dma_start3A_822 = arith.constant 0 : i32
    %dma_start3A_823 = arith.constant 0 : i32
    %dma_start3A_824 = tpu.memref_slice %arg4[%add3A_821, %dma_start3A_822, %dma_start3A_823] : memref<16384x50x64xf32, #tpu.memory_space<hbm>> -> memref<1x50x64xf32, #tpu.memory_space<hbm>>
    %dma_start3A_825 = tpu.memref_squeeze %dma_start3A_824 : memref<1x50x64xf32, #tpu.memory_space<hbm>> -> memref<50x64xf32, #tpu.memory_space<hbm>>
    %dma_start3A_826 = arith.constant 0 : i32
    %dma_start3A_827 = arith.constant 0 : i32
    %dma_start3A_828 = tpu.memref_slice %arg4[%add3A_821, %dma_start3A_826, %dma_start3A_827] : memref<16384x50x64xf32, #tpu.memory_space<hbm>> -> memref<1x50x64xf32, #tpu.memory_space<hbm>>
    %dma_start3A_829 = tpu.memref_squeeze %dma_start3A_828 : memref<1x50x64xf32, #tpu.memory_space<hbm>> -> memref<50x64xf32, #tpu.memory_space<hbm>>
    tpu.enqueue_dma source(%arg9 : memref<50x64xf32, #tpu.memory_space<vmem>>) target(%dma_start3A_829 : memref<50x64xf32, #tpu.memory_space<hbm>>) target_semaphore(%arg17 : memref<!tpu.dma_semaphore, #tpu.memory_space<semaphore_mem>>)
    %add3A_830 = arith.constant 500 : i32
    %add3A_831 = arith.addi %mul3A_6, %add3A_830 : i32
    %add3A_832 = arith.constant 3 : i32
    %add3A_833 = arith.addi %add3A_831, %add3A_832 : i32
    %dma_start3A_834 = arith.constant 0 : i32
    %dma_start3A_835 = arith.constant 0 : i32
    %dma_start3A_836 = tpu.memref_slice %arg4[%add3A_833, %dma_start3A_834, %dma_start3A_835] : memref<16384x50x64xf32, #tpu.memory_space<hbm>> -> memref<1x50x64xf32, #tpu.memory_space<hbm>>
    %dma_start3A_837 = tpu.memref_squeeze %dma_start3A_836 : memref<1x50x64xf32, #tpu.memory_space<hbm>> -> memref<50x64xf32, #tpu.memory_space<hbm>>
    %dma_start3A_838 = arith.constant 0 : i32
    %dma_start3A_839 = arith.constant 0 : i32
    %dma_start3A_840 = tpu.memref_slice %arg4[%add3A_833, %dma_start3A_838, %dma_start3A_839] : memref<16384x50x64xf32, #tpu.memory_space<hbm>> -> memref<1x50x64xf32, #tpu.memory_space<hbm>>
    %dma_start3A_841 = tpu.memref_squeeze %dma_start3A_840 : memref<1x50x64xf32, #tpu.memory_space<hbm>> -> memref<50x64xf32, #tpu.memory_space<hbm>>
    tpu.enqueue_dma source(%arg10 : memref<50x64xf32, #tpu.memory_space<vmem>>) target(%dma_start3A_841 : memref<50x64xf32, #tpu.memory_space<hbm>>) target_semaphore(%arg17 : memref<!tpu.dma_semaphore, #tpu.memory_space<semaphore_mem>>)
    %dma_wait3A_842 = arith.constant 0 : i32
    %dma_wait3A_843 = arith.constant 0 : i32
    %dma_wait3A_844 = arith.constant 0 : i32
    %dma_wait3A_845 = tpu.memref_slice %arg6[%dma_wait3A_842, %dma_wait3A_843, %dma_wait3A_844] : memref<3x200x128xf32, #tpu.memory_space<vmem>> -> memref<1x200x128xf32, #tpu.memory_space<vmem>>
    %dma_wait3A_846 = tpu.memref_squeeze %dma_wait3A_845 : memref<1x200x128xf32, #tpu.memory_space<vmem>> -> memref<200x128xf32, #tpu.memory_space<vmem>>
    %dma_wait3A_847 = arith.constant 0 : i32
    %dma_wait3A_848 = tpu.memref_slice %arg5[%dma_wait3A_847] : memref<600xi32, #tpu.memory_space<vmem>> -> memref<200xi32, #tpu.memory_space<vmem>>
    %dma_wait3A_849 = arith.constant 0 : i32
    %dma_wait3A_850 = arith.constant 0 : i32
    %dma_wait3A_851 = tpu.memref_slice %arg3[%dma_wait3A_849, %dma_wait3A_850] : memref<1000000x128xf32, #tpu.memory_space<hbm>> -> memref<1000000x128xf32, #tpu.memory_space<hbm>>
    tpu.wait_indirect_dma semaphore(%arg14 : memref<!tpu.dma_semaphore, #tpu.memory_space<semaphore_mem>>) src(%dma_wait3A_851 : memref<1000000x128xf32, #tpu.memory_space<hbm>>) dst(%dma_wait3A_846 : memref<200x128xf32, #tpu.memory_space<vmem>>)
    %add3A_852 = arith.constant 500 : i32
    %add3A_853 = arith.addi %mul3A_6, %add3A_852 : i32
    %add3A_854 = arith.constant 0 : i32
    %add3A_855 = arith.addi %add3A_853, %add3A_854 : i32
    %dma_wait3A_856 = arith.constant 0 : i32
    %dma_wait3A_857 = arith.constant 0 : i32
    %dma_wait3A_858 = tpu.memref_slice %arg4[%add3A_855, %dma_wait3A_856, %dma_wait3A_857] : memref<16384x50x64xf32, #tpu.memory_space<hbm>> -> memref<1x50x64xf32, #tpu.memory_space<hbm>>
    %dma_wait3A_859 = tpu.memref_squeeze %dma_wait3A_858 : memref<1x50x64xf32, #tpu.memory_space<hbm>> -> memref<50x64xf32, #tpu.memory_space<hbm>>
    %dma_wait3A_860 = arith.constant 0 : i32
    %dma_wait3A_861 = arith.constant 0 : i32
    %dma_wait3A_862 = tpu.memref_slice %arg4[%add3A_855, %dma_wait3A_860, %dma_wait3A_861] : memref<16384x50x64xf32, #tpu.memory_space<hbm>> -> memref<1x50x64xf32, #tpu.memory_space<hbm>>
    %dma_wait3A_863 = tpu.memref_squeeze %dma_wait3A_862 : memref<1x50x64xf32, #tpu.memory_space<hbm>> -> memref<50x64xf32, #tpu.memory_space<hbm>>
    tpu.wait_dma2 semaphore(%arg17 : memref<!tpu.dma_semaphore, #tpu.memory_space<semaphore_mem>>) src(%arg7 : memref<50x64xf32, #tpu.memory_space<vmem>>) dst(%dma_wait3A_863 : memref<50x64xf32, #tpu.memory_space<hbm>>)
    %add3A_864 = arith.constant 500 : i32
    %add3A_865 = arith.addi %mul3A_6, %add3A_864 : i32
    %add3A_866 = arith.constant 1 : i32
    %add3A_867 = arith.addi %add3A_865, %add3A_866 : i32
    %dma_wait3A_868 = arith.constant 0 : i32
    %dma_wait3A_869 = arith.constant 0 : i32
    %dma_wait3A_870 = tpu.memref_slice %arg4[%add3A_867, %dma_wait3A_868, %dma_wait3A_869] : memref<16384x50x64xf32, #tpu.memory_space<hbm>> -> memref<1x50x64xf32, #tpu.memory_space<hbm>>
    %dma_wait3A_871 = tpu.memref_squeeze %dma_wait3A_870 : memref<1x50x64xf32, #tpu.memory_space<hbm>> -> memref<50x64xf32, #tpu.memory_space<hbm>>
    %dma_wait3A_872 = arith.constant 0 : i32
    %dma_wait3A_873 = arith.constant 0 : i32
    %dma_wait3A_874 = tpu.memref_slice %arg4[%add3A_867, %dma_wait3A_872, %dma_wait3A_873] : memref<16384x50x64xf32, #tpu.memory_space<hbm>> -> memref<1x50x64xf32, #tpu.memory_space<hbm>>
    %dma_wait3A_875 = tpu.memref_squeeze %dma_wait3A_874 : memref<1x50x64xf32, #tpu.memory_space<hbm>> -> memref<50x64xf32, #tpu.memory_space<hbm>>
    tpu.wait_dma2 semaphore(%arg17 : memref<!tpu.dma_semaphore, #tpu.memory_space<semaphore_mem>>) src(%arg8 : memref<50x64xf32, #tpu.memory_space<vmem>>) dst(%dma_wait3A_875 : memref<50x64xf32, #tpu.memory_space<hbm>>)
    %add3A_876 = arith.constant 500 : i32
    %add3A_877 = arith.addi %mul3A_6, %add3A_876 : i32
    %add3A_878 = arith.constant 2 : i32
    %add3A_879 = arith.addi %add3A_877, %add3A_878 : i32
    %dma_wait3A_880 = arith.constant 0 : i32
    %dma_wait3A_881 = arith.constant 0 : i32
    %dma_wait3A_882 = tpu.memref_slice %arg4[%add3A_879, %dma_wait3A_880, %dma_wait3A_881] : memref<16384x50x64xf32, #tpu.memory_space<hbm>> -> memref<1x50x64xf32, #tpu.memory_space<hbm>>
    %dma_wait3A_883 = tpu.memref_squeeze %dma_wait3A_882 : memref<1x50x64xf32, #tpu.memory_space<hbm>> -> memref<50x64xf32, #tpu.memory_space<hbm>>
    %dma_wait3A_884 = arith.constant 0 : i32
    %dma_wait3A_885 = arith.constant 0 : i32
    %dma_wait3A_886 = tpu.memref_slice %arg4[%add3A_879, %dma_wait3A_884, %dma_wait3A_885] : memref<16384x50x64xf32, #tpu.memory_space<hbm>> -> memref<1x50x64xf32, #tpu.memory_space<hbm>>
    %dma_wait3A_887 = tpu.memref_squeeze %dma_wait3A_886 : memref<1x50x64xf32, #tpu.memory_space<hbm>> -> memref<50x64xf32, #tpu.memory_space<hbm>>
    tpu.wait_dma2 semaphore(%arg17 : memref<!tpu.dma_semaphore, #tpu.memory_space<semaphore_mem>>) src(%arg9 : memref<50x64xf32, #tpu.memory_space<vmem>>) dst(%dma_wait3A_887 : memref<50x64xf32, #tpu.memory_space<hbm>>)
    %add3A_888 = arith.constant 500 : i32
    %add3A_889 = arith.addi %mul3A_6, %add3A_888 : i32
    %add3A_890 = arith.constant 3 : i32
    %add3A_891 = arith.addi %add3A_889, %add3A_890 : i32
    %dma_wait3A_892 = arith.constant 0 : i32
    %dma_wait3A_893 = arith.constant 0 : i32
    %dma_wait3A_894 = tpu.memref_slice %arg4[%add3A_891, %dma_wait3A_892, %dma_wait3A_893] : memref<16384x50x64xf32, #tpu.memory_space<hbm>> -> memref<1x50x64xf32, #tpu.memory_space<hbm>>
    %dma_wait3A_895 = tpu.memref_squeeze %dma_wait3A_894 : memref<1x50x64xf32, #tpu.memory_space<hbm>> -> memref<50x64xf32, #tpu.memory_space<hbm>>
    %dma_wait3A_896 = arith.constant 0 : i32
    %dma_wait3A_897 = arith.constant 0 : i32
    %dma_wait3A_898 = tpu.memref_slice %arg4[%add3A_891, %dma_wait3A_896, %dma_wait3A_897] : memref<16384x50x64xf32, #tpu.memory_space<hbm>> -> memref<1x50x64xf32, #tpu.memory_space<hbm>>
    %dma_wait3A_899 = tpu.memref_squeeze %dma_wait3A_898 : memref<1x50x64xf32, #tpu.memory_space<hbm>> -> memref<50x64xf32, #tpu.memory_space<hbm>>
    tpu.wait_dma2 semaphore(%arg17 : memref<!tpu.dma_semaphore, #tpu.memory_space<semaphore_mem>>) src(%arg10 : memref<50x64xf32, #tpu.memory_space<vmem>>) dst(%dma_wait3A_899 : memref<50x64xf32, #tpu.memory_space<hbm>>)
    %scan3A_900 = arith.constant 0 : i32
    %scan3A_901 = arith.constant 0 : i32
    %scan3A_902 = arith.constant 50 : i32
    %scan3A_903 = arith.addi %scan3A_901, %scan3A_902 : i32
    %scan3A_904 = arith.constant 1 : i32
    scf.for %scan3A_1114 = %scan3A_901 to %scan3A_903 step %scan3A_904  : i32 {
      %add3A_1115 = arith.constant 0 : i32
      %add3A_1116 = arith.addi %add3A_1115, %scan3A_1114 : i32
      %get3A = arith.constant 0 : i32
      %get3A_1117 = arith.index_cast %get3A : i32 to index
      %get3A_1118 = arith.index_cast %add3A_1116 : i32 to index
      %get3A_1119 = arith.constant 0 : index
      %get3A_1120 = tpu.vector_load %arg6[%get3A_1117, %get3A_1118, %get3A_1119] {strides = array<i32>} : memref<3x200x128xf32, #tpu.memory_space<vmem>>, vector<16xf32>,
      %swap3A = arith.index_cast %scan3A_1114 : i32 to index
      %swap3A_1121 = arith.constant 0 : index
      %swap3A_1122 = tpu.vector_load %arg7[%swap3A, %swap3A_1121] {strides = array<i32>} : memref<50x64xf32, #tpu.memory_space<vmem>>, vector<16xf32>,
      tpu.vector_store %arg7[%swap3A, %swap3A_1121], %get3A_1120 {strides = array<i32>} : memref<50x64xf32, #tpu.memory_space<vmem>>, vector<16xf32>,
      %add3A_1123 = arith.constant 0 : i32
      %add3A_1124 = arith.addi %add3A_1123, %scan3A_1114 : i32
      %get3A_1125 = arith.constant 0 : i32
      %get3A_1126 = arith.index_cast %get3A_1125 : i32 to index
      %get3A_1127 = arith.index_cast %add3A_1124 : i32 to index
      %get3A_1128 = arith.constant 16 : index
      %get3A_1129 = tpu.vector_load %arg6[%get3A_1126, %get3A_1127, %get3A_1128] {strides = array<i32>} : memref<3x200x128xf32, #tpu.memory_space<vmem>>, vector<16xf32>,
      %swap3A_1130 = arith.index_cast %scan3A_1114 : i32 to index
      %swap3A_1131 = arith.constant 16 : index
      %swap3A_1132 = tpu.vector_load %arg7[%swap3A_1130, %swap3A_1131] {strides = array<i32>} : memref<50x64xf32, #tpu.memory_space<vmem>>, vector<16xf32>,
      tpu.vector_store %arg7[%swap3A_1130, %swap3A_1131], %get3A_1129 {strides = array<i32>} : memref<50x64xf32, #tpu.memory_space<vmem>>, vector<16xf32>,
      %add3A_1133 = arith.constant 0 : i32
      %add3A_1134 = arith.addi %add3A_1133, %scan3A_1114 : i32
      %get3A_1135 = arith.constant 0 : i32
      %get3A_1136 = arith.index_cast %get3A_1135 : i32 to index
      %get3A_1137 = arith.index_cast %add3A_1134 : i32 to index
      %get3A_1138 = arith.constant 32 : index
      %get3A_1139 = tpu.vector_load %arg6[%get3A_1136, %get3A_1137, %get3A_1138] {strides = array<i32>} : memref<3x200x128xf32, #tpu.memory_space<vmem>>, vector<16xf32>,
      %swap3A_1140 = arith.index_cast %scan3A_1114 : i32 to index
      %swap3A_1141 = arith.constant 32 : index
      %swap3A_1142 = tpu.vector_load %arg7[%swap3A_1140, %swap3A_1141] {strides = array<i32>} : memref<50x64xf32, #tpu.memory_space<vmem>>, vector<16xf32>,
      tpu.vector_store %arg7[%swap3A_1140, %swap3A_1141], %get3A_1139 {strides = array<i32>} : memref<50x64xf32, #tpu.memory_space<vmem>>, vector<16xf32>,
      %add3A_1143 = arith.constant 0 : i32
      %add3A_1144 = arith.addi %add3A_1143, %scan3A_1114 : i32
      %get3A_1145 = arith.constant 0 : i32
      %get3A_1146 = arith.index_cast %get3A_1145 : i32 to index
      %get3A_1147 = arith.index_cast %add3A_1144 : i32 to index
      %get3A_1148 = arith.constant 48 : index
      %get3A_1149 = tpu.vector_load %arg6[%get3A_1146, %get3A_1147, %get3A_1148] {strides = array<i32>} : memref<3x200x128xf32, #tpu.memory_space<vmem>>, vector<16xf32>,
      %swap3A_1150 = arith.index_cast %scan3A_1114 : i32 to index
      %swap3A_1151 = arith.constant 48 : index
      %swap3A_1152 = tpu.vector_load %arg7[%swap3A_1150, %swap3A_1151] {strides = array<i32>} : memref<50x64xf32, #tpu.memory_space<vmem>>, vector<16xf32>,
      tpu.vector_store %arg7[%swap3A_1150, %swap3A_1151], %get3A_1149 {strides = array<i32>} : memref<50x64xf32, #tpu.memory_space<vmem>>, vector<16xf32>,
      %add3A_1153 = arith.constant 50 : i32
      %add3A_1154 = arith.addi %add3A_1153, %scan3A_1114 : i32
      %get3A_1155 = arith.constant 0 : i32
      %get3A_1156 = arith.index_cast %get3A_1155 : i32 to index
      %get3A_1157 = arith.index_cast %add3A_1154 : i32 to index
      %get3A_1158 = arith.constant 0 : index
      %get3A_1159 = tpu.vector_load %arg6[%get3A_1156, %get3A_1157, %get3A_1158] {strides = array<i32>} : memref<3x200x128xf32, #tpu.memory_space<vmem>>, vector<16xf32>,
      %swap3A_1160 = arith.index_cast %scan3A_1114 : i32 to index
      %swap3A_1161 = arith.constant 0 : index
      %swap3A_1162 = tpu.vector_load %arg8[%swap3A_1160, %swap3A_1161] {strides = array<i32>} : memref<50x64xf32, #tpu.memory_space<vmem>>, vector<16xf32>,
      tpu.vector_store %arg8[%swap3A_1160, %swap3A_1161], %get3A_1159 {strides = array<i32>} : memref<50x64xf32, #tpu.memory_space<vmem>>, vector<16xf32>,
      %add3A_1163 = arith.constant 50 : i32
      %add3A_1164 = arith.addi %add3A_1163, %scan3A_1114 : i32
      %get3A_1165 = arith.constant 0 : i32
      %get3A_1166 = arith.index_cast %get3A_1165 : i32 to index
      %get3A_1167 = arith.index_cast %add3A_1164 : i32 to index
      %get3A_1168 = arith.constant 16 : index
      %get3A_1169 = tpu.vector_load %arg6[%get3A_1166, %get3A_1167, %get3A_1168] {strides = array<i32>} : memref<3x200x128xf32, #tpu.memory_space<vmem>>, vector<16xf32>,
      %swap3A_1170 = arith.index_cast %scan3A_1114 : i32 to index
      %swap3A_1171 = arith.constant 16 : index
      %swap3A_1172 = tpu.vector_load %arg8[%swap3A_1170, %swap3A_1171] {strides = array<i32>} : memref<50x64xf32, #tpu.memory_space<vmem>>, vector<16xf32>,
      tpu.vector_store %arg8[%swap3A_1170, %swap3A_1171], %get3A_1169 {strides = array<i32>} : memref<50x64xf32, #tpu.memory_space<vmem>>, vector<16xf32>,
      %add3A_1173 = arith.constant 50 : i32
      %add3A_1174 = arith.addi %add3A_1173, %scan3A_1114 : i32
      %get3A_1175 = arith.constant 0 : i32
      %get3A_1176 = arith.index_cast %get3A_1175 : i32 to index
      %get3A_1177 = arith.index_cast %add3A_1174 : i32 to index
      %get3A_1178 = arith.constant 32 : index
      %get3A_1179 = tpu.vector_load %arg6[%get3A_1176, %get3A_1177, %get3A_1178] {strides = array<i32>} : memref<3x200x128xf32, #tpu.memory_space<vmem>>, vector<16xf32>,
      %swap3A_1180 = arith.index_cast %scan3A_1114 : i32 to index
      %swap3A_1181 = arith.constant 32 : index
      %swap3A_1182 = tpu.vector_load %arg8[%swap3A_1180, %swap3A_1181] {strides = array<i32>} : memref<50x64xf32, #tpu.memory_space<vmem>>, vector<16xf32>,
      tpu.vector_store %arg8[%swap3A_1180, %swap3A_1181], %get3A_1179 {strides = array<i32>} : memref<50x64xf32, #tpu.memory_space<vmem>>, vector<16xf32>,
      %add3A_1183 = arith.constant 50 : i32
      %add3A_1184 = arith.addi %add3A_1183, %scan3A_1114 : i32
      %get3A_1185 = arith.constant 0 : i32
      %get3A_1186 = arith.index_cast %get3A_1185 : i32 to index
      %get3A_1187 = arith.index_cast %add3A_1184 : i32 to index
      %get3A_1188 = arith.constant 48 : index
      %get3A_1189 = tpu.vector_load %arg6[%get3A_1186, %get3A_1187, %get3A_1188] {strides = array<i32>} : memref<3x200x128xf32, #tpu.memory_space<vmem>>, vector<16xf32>,
      %swap3A_1190 = arith.index_cast %scan3A_1114 : i32 to index
      %swap3A_1191 = arith.constant 48 : index
      %swap3A_1192 = tpu.vector_load %arg8[%swap3A_1190, %swap3A_1191] {strides = array<i32>} : memref<50x64xf32, #tpu.memory_space<vmem>>, vector<16xf32>,
      tpu.vector_store %arg8[%swap3A_1190, %swap3A_1191], %get3A_1189 {strides = array<i32>} : memref<50x64xf32, #tpu.memory_space<vmem>>, vector<16xf32>,
      %add3A_1193 = arith.constant 100 : i32
      %add3A_1194 = arith.addi %add3A_1193, %scan3A_1114 : i32
      %get3A_1195 = arith.constant 0 : i32
      %get3A_1196 = arith.index_cast %get3A_1195 : i32 to index
      %get3A_1197 = arith.index_cast %add3A_1194 : i32 to index
      %get3A_1198 = arith.constant 0 : index
      %get3A_1199 = tpu.vector_load %arg6[%get3A_1196, %get3A_1197, %get3A_1198] {strides = array<i32>} : memref<3x200x128xf32, #tpu.memory_space<vmem>>, vector<16xf32>,
      %swap3A_1200 = arith.index_cast %scan3A_1114 : i32 to index
      %swap3A_1201 = arith.constant 0 : index
      %swap3A_1202 = tpu.vector_load %arg9[%swap3A_1200, %swap3A_1201] {strides = array<i32>} : memref<50x64xf32, #tpu.memory_space<vmem>>, vector<16xf32>,
      tpu.vector_store %arg9[%swap3A_1200, %swap3A_1201], %get3A_1199 {strides = array<i32>} : memref<50x64xf32, #tpu.memory_space<vmem>>, vector<16xf32>,
      %add3A_1203 = arith.constant 100 : i32
      %add3A_1204 = arith.addi %add3A_1203, %scan3A_1114 : i32
      %get3A_1205 = arith.constant 0 : i32
      %get3A_1206 = arith.index_cast %get3A_1205 : i32 to index
      %get3A_1207 = arith.index_cast %add3A_1204 : i32 to index
      %get3A_1208 = arith.constant 16 : index
      %get3A_1209 = tpu.vector_load %arg6[%get3A_1206, %get3A_1207, %get3A_1208] {strides = array<i32>} : memref<3x200x128xf32, #tpu.memory_space<vmem>>, vector<16xf32>,
      %swap3A_1210 = arith.index_cast %scan3A_1114 : i32 to index
      %swap3A_1211 = arith.constant 16 : index
      %swap3A_1212 = tpu.vector_load %arg9[%swap3A_1210, %swap3A_1211] {strides = array<i32>} : memref<50x64xf32, #tpu.memory_space<vmem>>, vector<16xf32>,
      tpu.vector_store %arg9[%swap3A_1210, %swap3A_1211], %get3A_1209 {strides = array<i32>} : memref<50x64xf32, #tpu.memory_space<vmem>>, vector<16xf32>,
      %add3A_1213 = arith.constant 100 : i32
      %add3A_1214 = arith.addi %add3A_1213, %scan3A_1114 : i32
      %get3A_1215 = arith.constant 0 : i32
      %get3A_1216 = arith.index_cast %get3A_1215 : i32 to index
      %get3A_1217 = arith.index_cast %add3A_1214 : i32 to index
      %get3A_1218 = arith.constant 32 : index
      %get3A_1219 = tpu.vector_load %arg6[%get3A_1216, %get3A_1217, %get3A_1218] {strides = array<i32>} : memref<3x200x128xf32, #tpu.memory_space<vmem>>, vector<16xf32>,
      %swap3A_1220 = arith.index_cast %scan3A_1114 : i32 to index
      %swap3A_1221 = arith.constant 32 : index
      %swap3A_1222 = tpu.vector_load %arg9[%swap3A_1220, %swap3A_1221] {strides = array<i32>} : memref<50x64xf32, #tpu.memory_space<vmem>>, vector<16xf32>,
      tpu.vector_store %arg9[%swap3A_1220, %swap3A_1221], %get3A_1219 {strides = array<i32>} : memref<50x64xf32, #tpu.memory_space<vmem>>, vector<16xf32>,
      %add3A_1223 = arith.constant 100 : i32
      %add3A_1224 = arith.addi %add3A_1223, %scan3A_1114 : i32
      %get3A_1225 = arith.constant 0 : i32
      %get3A_1226 = arith.index_cast %get3A_1225 : i32 to index
      %get3A_1227 = arith.index_cast %add3A_1224 : i32 to index
      %get3A_1228 = arith.constant 48 : index
      %get3A_1229 = tpu.vector_load %arg6[%get3A_1226, %get3A_1227, %get3A_1228] {strides = array<i32>} : memref<3x200x128xf32, #tpu.memory_space<vmem>>, vector<16xf32>,
      %swap3A_1230 = arith.index_cast %scan3A_1114 : i32 to index
      %swap3A_1231 = arith.constant 48 : index
      %swap3A_1232 = tpu.vector_load %arg9[%swap3A_1230, %swap3A_1231] {strides = array<i32>} : memref<50x64xf32, #tpu.memory_space<vmem>>, vector<16xf32>,
      tpu.vector_store %arg9[%swap3A_1230, %swap3A_1231], %get3A_1229 {strides = array<i32>} : memref<50x64xf32, #tpu.memory_space<vmem>>, vector<16xf32>,
      %add3A_1233 = arith.constant 150 : i32
      %add3A_1234 = arith.addi %add3A_1233, %scan3A_1114 : i32
      %get3A_1235 = arith.constant 0 : i32
      %get3A_1236 = arith.index_cast %get3A_1235 : i32 to index
      %get3A_1237 = arith.index_cast %add3A_1234 : i32 to index
      %get3A_1238 = arith.constant 0 : index
      %get3A_1239 = tpu.vector_load %arg6[%get3A_1236, %get3A_1237, %get3A_1238] {strides = array<i32>} : memref<3x200x128xf32, #tpu.memory_space<vmem>>, vector<16xf32>,
      %swap3A_1240 = arith.index_cast %scan3A_1114 : i32 to index
      %swap3A_1241 = arith.constant 0 : index
      %swap3A_1242 = tpu.vector_load %arg10[%swap3A_1240, %swap3A_1241] {strides = array<i32>} : memref<50x64xf32, #tpu.memory_space<vmem>>, vector<16xf32>,
      tpu.vector_store %arg10[%swap3A_1240, %swap3A_1241], %get3A_1239 {strides = array<i32>} : memref<50x64xf32, #tpu.memory_space<vmem>>, vector<16xf32>,
      %add3A_1243 = arith.constant 150 : i32
      %add3A_1244 = arith.addi %add3A_1243, %scan3A_1114 : i32
      %get3A_1245 = arith.constant 0 : i32
      %get3A_1246 = arith.index_cast %get3A_1245 : i32 to index
      %get3A_1247 = arith.index_cast %add3A_1244 : i32 to index
      %get3A_1248 = arith.constant 16 : index
      %get3A_1249 = tpu.vector_load %arg6[%get3A_1246, %get3A_1247, %get3A_1248] {strides = array<i32>} : memref<3x200x128xf32, #tpu.memory_space<vmem>>, vector<16xf32>,
      %swap3A_1250 = arith.index_cast %scan3A_1114 : i32 to index
      %swap3A_1251 = arith.constant 16 : index
      %swap3A_1252 = tpu.vector_load %arg10[%swap3A_1250, %swap3A_1251] {strides = array<i32>} : memref<50x64xf32, #tpu.memory_space<vmem>>, vector<16xf32>,
      tpu.vector_store %arg10[%swap3A_1250, %swap3A_1251], %get3A_1249 {strides = array<i32>} : memref<50x64xf32, #tpu.memory_space<vmem>>, vector<16xf32>,
      %add3A_1253 = arith.constant 150 : i32
      %add3A_1254 = arith.addi %add3A_1253, %scan3A_1114 : i32
      %get3A_1255 = arith.constant 0 : i32
      %get3A_1256 = arith.index_cast %get3A_1255 : i32 to index
      %get3A_1257 = arith.index_cast %add3A_1254 : i32 to index
      %get3A_1258 = arith.constant 32 : index
      %get3A_1259 = tpu.vector_load %arg6[%get3A_1256, %get3A_1257, %get3A_1258] {strides = array<i32>} : memref<3x200x128xf32, #tpu.memory_space<vmem>>, vector<16xf32>,
      %swap3A_1260 = arith.index_cast %scan3A_1114 : i32 to index
      %swap3A_1261 = arith.constant 32 : index
      %swap3A_1262 = tpu.vector_load %arg10[%swap3A_1260, %swap3A_1261] {strides = array<i32>} : memref<50x64xf32, #tpu.memory_space<vmem>>, vector<16xf32>,
      tpu.vector_store %arg10[%swap3A_1260, %swap3A_1261], %get3A_1259 {strides = array<i32>} : memref<50x64xf32, #tpu.memory_space<vmem>>, vector<16xf32>,
      %add3A_1263 = arith.constant 150 : i32
      %add3A_1264 = arith.addi %add3A_1263, %scan3A_1114 : i32
      %get3A_1265 = arith.constant 0 : i32
      %get3A_1266 = arith.index_cast %get3A_1265 : i32 to index
      %get3A_1267 = arith.index_cast %add3A_1264 : i32 to index
      %get3A_1268 = arith.constant 48 : index
      %get3A_1269 = tpu.vector_load %arg6[%get3A_1266, %get3A_1267, %get3A_1268] {strides = array<i32>} : memref<3x200x128xf32, #tpu.memory_space<vmem>>, vector<16xf32>,
      %swap3A_1270 = arith.index_cast %scan3A_1114 : i32 to index
      %swap3A_1271 = arith.constant 48 : index
      %swap3A_1272 = tpu.vector_load %arg10[%swap3A_1270, %swap3A_1271] {strides = array<i32>} : memref<50x64xf32, #tpu.memory_space<vmem>>, vector<16xf32>,
      tpu.vector_store %arg10[%swap3A_1270, %swap3A_1271], %get3A_1269 {strides = array<i32>} : memref<50x64xf32, #tpu.memory_space<vmem>>, vector<16xf32>,
    }
    %scan3A_905 = arith.constant 50 : i32
    %add3A_906 = arith.constant 504 : i32
    %add3A_907 = arith.addi %mul3A_6, %add3A_906 : i32
    %add3A_908 = arith.constant 0 : i32
    %add3A_909 = arith.addi %add3A_907, %add3A_908 : i32
    %dma_start3A_910 = arith.constant 0 : i32
    %dma_start3A_911 = arith.constant 0 : i32
    %dma_start3A_912 = tpu.memref_slice %arg4[%add3A_909, %dma_start3A_910, %dma_start3A_911] : memref<16384x50x64xf32, #tpu.memory_space<hbm>> -> memref<1x50x64xf32, #tpu.memory_space<hbm>>
    %dma_start3A_913 = tpu.memref_squeeze %dma_start3A_912 : memref<1x50x64xf32, #tpu.memory_space<hbm>> -> memref<50x64xf32, #tpu.memory_space<hbm>>
    %dma_start3A_914 = arith.constant 0 : i32
    %dma_start3A_915 = arith.constant 0 : i32
    %dma_start3A_916 = tpu.memref_slice %arg4[%add3A_909, %dma_start3A_914, %dma_start3A_915] : memref<16384x50x64xf32, #tpu.memory_space<hbm>> -> memref<1x50x64xf32, #tpu.memory_space<hbm>>
    %dma_start3A_917 = tpu.memref_squeeze %dma_start3A_916 : memref<1x50x64xf32, #tpu.memory_space<hbm>> -> memref<50x64xf32, #tpu.memory_space<hbm>>
    tpu.enqueue_dma source(%arg7 : memref<50x64xf32, #tpu.memory_space<vmem>>) target(%dma_start3A_917 : memref<50x64xf32, #tpu.memory_space<hbm>>) target_semaphore(%arg17 : memref<!tpu.dma_semaphore, #tpu.memory_space<semaphore_mem>>)
    %add3A_918 = arith.constant 504 : i32
    %add3A_919 = arith.addi %mul3A_6, %add3A_918 : i32
    %add3A_920 = arith.constant 1 : i32
    %add3A_921 = arith.addi %add3A_919, %add3A_920 : i32
    %dma_start3A_922 = arith.constant 0 : i32
    %dma_start3A_923 = arith.constant 0 : i32
    %dma_start3A_924 = tpu.memref_slice %arg4[%add3A_921, %dma_start3A_922, %dma_start3A_923] : memref<16384x50x64xf32, #tpu.memory_space<hbm>> -> memref<1x50x64xf32, #tpu.memory_space<hbm>>
    %dma_start3A_925 = tpu.memref_squeeze %dma_start3A_924 : memref<1x50x64xf32, #tpu.memory_space<hbm>> -> memref<50x64xf32, #tpu.memory_space<hbm>>
    %dma_start3A_926 = arith.constant 0 : i32
    %dma_start3A_927 = arith.constant 0 : i32
    %dma_start3A_928 = tpu.memref_slice %arg4[%add3A_921, %dma_start3A_926, %dma_start3A_927] : memref<16384x50x64xf32, #tpu.memory_space<hbm>> -> memref<1x50x64xf32, #tpu.memory_space<hbm>>
    %dma_start3A_929 = tpu.memref_squeeze %dma_start3A_928 : memref<1x50x64xf32, #tpu.memory_space<hbm>> -> memref<50x64xf32, #tpu.memory_space<hbm>>
    tpu.enqueue_dma source(%arg8 : memref<50x64xf32, #tpu.memory_space<vmem>>) target(%dma_start3A_929 : memref<50x64xf32, #tpu.memory_space<hbm>>) target_semaphore(%arg17 : memref<!tpu.dma_semaphore, #tpu.memory_space<semaphore_mem>>)
    %add3A_930 = arith.constant 504 : i32
    %add3A_931 = arith.addi %mul3A_6, %add3A_930 : i32
    %add3A_932 = arith.constant 2 : i32
    %add3A_933 = arith.addi %add3A_931, %add3A_932 : i32
    %dma_start3A_934 = arith.constant 0 : i32
    %dma_start3A_935 = arith.constant 0 : i32
    %dma_start3A_936 = tpu.memref_slice %arg4[%add3A_933, %dma_start3A_934, %dma_start3A_935] : memref<16384x50x64xf32, #tpu.memory_space<hbm>> -> memref<1x50x64xf32, #tpu.memory_space<hbm>>
    %dma_start3A_937 = tpu.memref_squeeze %dma_start3A_936 : memref<1x50x64xf32, #tpu.memory_space<hbm>> -> memref<50x64xf32, #tpu.memory_space<hbm>>
    %dma_start3A_938 = arith.constant 0 : i32
    %dma_start3A_939 = arith.constant 0 : i32
    %dma_start3A_940 = tpu.memref_slice %arg4[%add3A_933, %dma_start3A_938, %dma_start3A_939] : memref<16384x50x64xf32, #tpu.memory_space<hbm>> -> memref<1x50x64xf32, #tpu.memory_space<hbm>>
    %dma_start3A_941 = tpu.memref_squeeze %dma_start3A_940 : memref<1x50x64xf32, #tpu.memory_space<hbm>> -> memref<50x64xf32, #tpu.memory_space<hbm>>
    tpu.enqueue_dma source(%arg9 : memref<50x64xf32, #tpu.memory_space<vmem>>) target(%dma_start3A_941 : memref<50x64xf32, #tpu.memory_space<hbm>>) target_semaphore(%arg17 : memref<!tpu.dma_semaphore, #tpu.memory_space<semaphore_mem>>)
    %add3A_942 = arith.constant 504 : i32
    %add3A_943 = arith.addi %mul3A_6, %add3A_942 : i32
    %add3A_944 = arith.constant 3 : i32
    %add3A_945 = arith.addi %add3A_943, %add3A_944 : i32
    %dma_start3A_946 = arith.constant 0 : i32
    %dma_start3A_947 = arith.constant 0 : i32
    %dma_start3A_948 = tpu.memref_slice %arg4[%add3A_945, %dma_start3A_946, %dma_start3A_947] : memref<16384x50x64xf32, #tpu.memory_space<hbm>> -> memref<1x50x64xf32, #tpu.memory_space<hbm>>
    %dma_start3A_949 = tpu.memref_squeeze %dma_start3A_948 : memref<1x50x64xf32, #tpu.memory_space<hbm>> -> memref<50x64xf32, #tpu.memory_space<hbm>>
    %dma_start3A_950 = arith.constant 0 : i32
    %dma_start3A_951 = arith.constant 0 : i32
    %dma_start3A_952 = tpu.memref_slice %arg4[%add3A_945, %dma_start3A_950, %dma_start3A_951] : memref<16384x50x64xf32, #tpu.memory_space<hbm>> -> memref<1x50x64xf32, #tpu.memory_space<hbm>>
    %dma_start3A_953 = tpu.memref_squeeze %dma_start3A_952 : memref<1x50x64xf32, #tpu.memory_space<hbm>> -> memref<50x64xf32, #tpu.memory_space<hbm>>
    tpu.enqueue_dma source(%arg10 : memref<50x64xf32, #tpu.memory_space<vmem>>) target(%dma_start3A_953 : memref<50x64xf32, #tpu.memory_space<hbm>>) target_semaphore(%arg17 : memref<!tpu.dma_semaphore, #tpu.memory_space<semaphore_mem>>)
    %dma_wait3A_954 = arith.constant 1 : i32
    %dma_wait3A_955 = arith.constant 0 : i32
    %dma_wait3A_956 = arith.constant 0 : i32
    %dma_wait3A_957 = tpu.memref_slice %arg6[%dma_wait3A_954, %dma_wait3A_955, %dma_wait3A_956] : memref<3x200x128xf32, #tpu.memory_space<vmem>> -> memref<1x200x128xf32, #tpu.memory_space<vmem>>
    %dma_wait3A_958 = tpu.memref_squeeze %dma_wait3A_957 : memref<1x200x128xf32, #tpu.memory_space<vmem>> -> memref<200x128xf32, #tpu.memory_space<vmem>>
    %dma_wait3A_959 = arith.constant 200 : i32
    %dma_wait3A_960 = tpu.memref_slice %arg5[%dma_wait3A_959] : memref<600xi32, #tpu.memory_space<vmem>> -> memref<200xi32, #tpu.memory_space<vmem>>
    %dma_wait3A_961 = arith.constant 0 : i32
    %dma_wait3A_962 = arith.constant 0 : i32
    %dma_wait3A_963 = tpu.memref_slice %arg3[%dma_wait3A_961, %dma_wait3A_962] : memref<1000000x128xf32, #tpu.memory_space<hbm>> -> memref<1000000x128xf32, #tpu.memory_space<hbm>>
    tpu.wait_indirect_dma semaphore(%arg15 : memref<!tpu.dma_semaphore, #tpu.memory_space<semaphore_mem>>) src(%dma_wait3A_963 : memref<1000000x128xf32, #tpu.memory_space<hbm>>) dst(%dma_wait3A_958 : memref<200x128xf32, #tpu.memory_space<vmem>>)
    %add3A_964 = arith.constant 504 : i32
    %add3A_965 = arith.addi %mul3A_6, %add3A_964 : i32
    %add3A_966 = arith.constant 0 : i32
    %add3A_967 = arith.addi %add3A_965, %add3A_966 : i32
    %dma_wait3A_968 = arith.constant 0 : i32
    %dma_wait3A_969 = arith.constant 0 : i32
    %dma_wait3A_970 = tpu.memref_slice %arg4[%add3A_967, %dma_wait3A_968, %dma_wait3A_969] : memref<16384x50x64xf32, #tpu.memory_space<hbm>> -> memref<1x50x64xf32, #tpu.memory_space<hbm>>
    %dma_wait3A_971 = tpu.memref_squeeze %dma_wait3A_970 : memref<1x50x64xf32, #tpu.memory_space<hbm>> -> memref<50x64xf32, #tpu.memory_space<hbm>>
    %dma_wait3A_972 = arith.constant 0 : i32
    %dma_wait3A_973 = arith.constant 0 : i32
    %dma_wait3A_974 = tpu.memref_slice %arg4[%add3A_967, %dma_wait3A_972, %dma_wait3A_973] : memref<16384x50x64xf32, #tpu.memory_space<hbm>> -> memref<1x50x64xf32, #tpu.memory_space<hbm>>
    %dma_wait3A_975 = tpu.memref_squeeze %dma_wait3A_974 : memref<1x50x64xf32, #tpu.memory_space<hbm>> -> memref<50x64xf32, #tpu.memory_space<hbm>>
    tpu.wait_dma2 semaphore(%arg17 : memref<!tpu.dma_semaphore, #tpu.memory_space<semaphore_mem>>) src(%arg7 : memref<50x64xf32, #tpu.memory_space<vmem>>) dst(%dma_wait3A_975 : memref<50x64xf32, #tpu.memory_space<hbm>>)
    %add3A_976 = arith.constant 504 : i32
    %add3A_977 = arith.addi %mul3A_6, %add3A_976 : i32
    %add3A_978 = arith.constant 1 : i32
    %add3A_979 = arith.addi %add3A_977, %add3A_978 : i32
    %dma_wait3A_980 = arith.constant 0 : i32
    %dma_wait3A_981 = arith.constant 0 : i32
    %dma_wait3A_982 = tpu.memref_slice %arg4[%add3A_979, %dma_wait3A_980, %dma_wait3A_981] : memref<16384x50x64xf32, #tpu.memory_space<hbm>> -> memref<1x50x64xf32, #tpu.memory_space<hbm>>
    %dma_wait3A_983 = tpu.memref_squeeze %dma_wait3A_982 : memref<1x50x64xf32, #tpu.memory_space<hbm>> -> memref<50x64xf32, #tpu.memory_space<hbm>>
    %dma_wait3A_984 = arith.constant 0 : i32
    %dma_wait3A_985 = arith.constant 0 : i32
    %dma_wait3A_986 = tpu.memref_slice %arg4[%add3A_979, %dma_wait3A_984, %dma_wait3A_985] : memref<16384x50x64xf32, #tpu.memory_space<hbm>> -> memref<1x50x64xf32, #tpu.memory_space<hbm>>
    %dma_wait3A_987 = tpu.memref_squeeze %dma_wait3A_986 : memref<1x50x64xf32, #tpu.memory_space<hbm>> -> memref<50x64xf32, #tpu.memory_space<hbm>>
    tpu.wait_dma2 semaphore(%arg17 : memref<!tpu.dma_semaphore, #tpu.memory_space<semaphore_mem>>) src(%arg8 : memref<50x64xf32, #tpu.memory_space<vmem>>) dst(%dma_wait3A_987 : memref<50x64xf32, #tpu.memory_space<hbm>>)
    %add3A_988 = arith.constant 504 : i32
    %add3A_989 = arith.addi %mul3A_6, %add3A_988 : i32
    %add3A_990 = arith.constant 2 : i32
    %add3A_991 = arith.addi %add3A_989, %add3A_990 : i32
    %dma_wait3A_992 = arith.constant 0 : i32
    %dma_wait3A_993 = arith.constant 0 : i32
    %dma_wait3A_994 = tpu.memref_slice %arg4[%add3A_991, %dma_wait3A_992, %dma_wait3A_993] : memref<16384x50x64xf32, #tpu.memory_space<hbm>> -> memref<1x50x64xf32, #tpu.memory_space<hbm>>
    %dma_wait3A_995 = tpu.memref_squeeze %dma_wait3A_994 : memref<1x50x64xf32, #tpu.memory_space<hbm>> -> memref<50x64xf32, #tpu.memory_space<hbm>>
    %dma_wait3A_996 = arith.constant 0 : i32
    %dma_wait3A_997 = arith.constant 0 : i32
    %dma_wait3A_998 = tpu.memref_slice %arg4[%add3A_991, %dma_wait3A_996, %dma_wait3A_997] : memref<16384x50x64xf32, #tpu.memory_space<hbm>> -> memref<1x50x64xf32, #tpu.memory_space<hbm>>
    %dma_wait3A_999 = tpu.memref_squeeze %dma_wait3A_998 : memref<1x50x64xf32, #tpu.memory_space<hbm>> -> memref<50x64xf32, #tpu.memory_space<hbm>>
    tpu.wait_dma2 semaphore(%arg17 : memref<!tpu.dma_semaphore, #tpu.memory_space<semaphore_mem>>) src(%arg9 : memref<50x64xf32, #tpu.memory_space<vmem>>) dst(%dma_wait3A_999 : memref<50x64xf32, #tpu.memory_space<hbm>>)
    %add3A_1000 = arith.constant 504 : i32
    %add3A_1001 = arith.addi %mul3A_6, %add3A_1000 : i32
    %add3A_1002 = arith.constant 3 : i32
    %add3A_1003 = arith.addi %add3A_1001, %add3A_1002 : i32
    %dma_wait3A_1004 = arith.constant 0 : i32
    %dma_wait3A_1005 = arith.constant 0 : i32
    %dma_wait3A_1006 = tpu.memref_slice %arg4[%add3A_1003, %dma_wait3A_1004, %dma_wait3A_1005] : memref<16384x50x64xf32, #tpu.memory_space<hbm>> -> memref<1x50x64xf32, #tpu.memory_space<hbm>>
    %dma_wait3A_1007 = tpu.memref_squeeze %dma_wait3A_1006 : memref<1x50x64xf32, #tpu.memory_space<hbm>> -> memref<50x64xf32, #tpu.memory_space<hbm>>
    %dma_wait3A_1008 = arith.constant 0 : i32
    %dma_wait3A_1009 = arith.constant 0 : i32
    %dma_wait3A_1010 = tpu.memref_slice %arg4[%add3A_1003, %dma_wait3A_1008, %dma_wait3A_1009] : memref<16384x50x64xf32, #tpu.memory_space<hbm>> -> memref<1x50x64xf32, #tpu.memory_space<hbm>>
    %dma_wait3A_1011 = tpu.memref_squeeze %dma_wait3A_1010 : memref<1x50x64xf32, #tpu.memory_space<hbm>> -> memref<50x64xf32, #tpu.memory_space<hbm>>
    tpu.wait_dma2 semaphore(%arg17 : memref<!tpu.dma_semaphore, #tpu.memory_space<semaphore_mem>>) src(%arg10 : memref<50x64xf32, #tpu.memory_space<vmem>>) dst(%dma_wait3A_1011 : memref<50x64xf32, #tpu.memory_space<hbm>>)
    %scan3A_1012 = arith.constant 0 : i32
    %scan3A_1013 = arith.constant 0 : i32
    %scan3A_1014 = arith.constant 50 : i32
    %scan3A_1015 = arith.addi %scan3A_1013, %scan3A_1014 : i32
    %scan3A_1016 = arith.constant 1 : i32
    scf.for %scan3A_1114 = %scan3A_1013 to %scan3A_1015 step %scan3A_1016  : i32 {
      %add3A_1115 = arith.constant 0 : i32
      %add3A_1116 = arith.addi %add3A_1115, %scan3A_1114 : i32
      %get3A = arith.constant 1 : i32
      %get3A_1117 = arith.index_cast %get3A : i32 to index
      %get3A_1118 = arith.index_cast %add3A_1116 : i32 to index
      %get3A_1119 = arith.constant 0 : index
      %get3A_1120 = tpu.vector_load %arg6[%get3A_1117, %get3A_1118, %get3A_1119] {strides = array<i32>} : memref<3x200x128xf32, #tpu.memory_space<vmem>>, vector<16xf32>,
      %swap3A = arith.index_cast %scan3A_1114 : i32 to index
      %swap3A_1121 = arith.constant 0 : index
      %swap3A_1122 = tpu.vector_load %arg7[%swap3A, %swap3A_1121] {strides = array<i32>} : memref<50x64xf32, #tpu.memory_space<vmem>>, vector<16xf32>,
      tpu.vector_store %arg7[%swap3A, %swap3A_1121], %get3A_1120 {strides = array<i32>} : memref<50x64xf32, #tpu.memory_space<vmem>>, vector<16xf32>,
      %add3A_1123 = arith.constant 0 : i32
      %add3A_1124 = arith.addi %add3A_1123, %scan3A_1114 : i32
      %get3A_1125 = arith.constant 1 : i32
      %get3A_1126 = arith.index_cast %get3A_1125 : i32 to index
      %get3A_1127 = arith.index_cast %add3A_1124 : i32 to index
      %get3A_1128 = arith.constant 16 : index
      %get3A_1129 = tpu.vector_load %arg6[%get3A_1126, %get3A_1127, %get3A_1128] {strides = array<i32>} : memref<3x200x128xf32, #tpu.memory_space<vmem>>, vector<16xf32>,
      %swap3A_1130 = arith.index_cast %scan3A_1114 : i32 to index
      %swap3A_1131 = arith.constant 16 : index
      %swap3A_1132 = tpu.vector_load %arg7[%swap3A_1130, %swap3A_1131] {strides = array<i32>} : memref<50x64xf32, #tpu.memory_space<vmem>>, vector<16xf32>,
      tpu.vector_store %arg7[%swap3A_1130, %swap3A_1131], %get3A_1129 {strides = array<i32>} : memref<50x64xf32, #tpu.memory_space<vmem>>, vector<16xf32>,
      %add3A_1133 = arith.constant 0 : i32
      %add3A_1134 = arith.addi %add3A_1133, %scan3A_1114 : i32
      %get3A_1135 = arith.constant 1 : i32
      %get3A_1136 = arith.index_cast %get3A_1135 : i32 to index
      %get3A_1137 = arith.index_cast %add3A_1134 : i32 to index
      %get3A_1138 = arith.constant 32 : index
      %get3A_1139 = tpu.vector_load %arg6[%get3A_1136, %get3A_1137, %get3A_1138] {strides = array<i32>} : memref<3x200x128xf32, #tpu.memory_space<vmem>>, vector<16xf32>,
      %swap3A_1140 = arith.index_cast %scan3A_1114 : i32 to index
      %swap3A_1141 = arith.constant 32 : index
      %swap3A_1142 = tpu.vector_load %arg7[%swap3A_1140, %swap3A_1141] {strides = array<i32>} : memref<50x64xf32, #tpu.memory_space<vmem>>, vector<16xf32>,
      tpu.vector_store %arg7[%swap3A_1140, %swap3A_1141], %get3A_1139 {strides = array<i32>} : memref<50x64xf32, #tpu.memory_space<vmem>>, vector<16xf32>,
      %add3A_1143 = arith.constant 0 : i32
      %add3A_1144 = arith.addi %add3A_1143, %scan3A_1114 : i32
      %get3A_1145 = arith.constant 1 : i32
      %get3A_1146 = arith.index_cast %get3A_1145 : i32 to index
      %get3A_1147 = arith.index_cast %add3A_1144 : i32 to index
      %get3A_1148 = arith.constant 48 : index
      %get3A_1149 = tpu.vector_load %arg6[%get3A_1146, %get3A_1147, %get3A_1148] {strides = array<i32>} : memref<3x200x128xf32, #tpu.memory_space<vmem>>, vector<16xf32>,
      %swap3A_1150 = arith.index_cast %scan3A_1114 : i32 to index
      %swap3A_1151 = arith.constant 48 : index
      %swap3A_1152 = tpu.vector_load %arg7[%swap3A_1150, %swap3A_1151] {strides = array<i32>} : memref<50x64xf32, #tpu.memory_space<vmem>>, vector<16xf32>,
      tpu.vector_store %arg7[%swap3A_1150, %swap3A_1151], %get3A_1149 {strides = array<i32>} : memref<50x64xf32, #tpu.memory_space<vmem>>, vector<16xf32>,
      %add3A_1153 = arith.constant 50 : i32
      %add3A_1154 = arith.addi %add3A_1153, %scan3A_1114 : i32
      %get3A_1155 = arith.constant 1 : i32
      %get3A_1156 = arith.index_cast %get3A_1155 : i32 to index
      %get3A_1157 = arith.index_cast %add3A_1154 : i32 to index
      %get3A_1158 = arith.constant 0 : index
      %get3A_1159 = tpu.vector_load %arg6[%get3A_1156, %get3A_1157, %get3A_1158] {strides = array<i32>} : memref<3x200x128xf32, #tpu.memory_space<vmem>>, vector<16xf32>,
      %swap3A_1160 = arith.index_cast %scan3A_1114 : i32 to index
      %swap3A_1161 = arith.constant 0 : index
      %swap3A_1162 = tpu.vector_load %arg8[%swap3A_1160, %swap3A_1161] {strides = array<i32>} : memref<50x64xf32, #tpu.memory_space<vmem>>, vector<16xf32>,
      tpu.vector_store %arg8[%swap3A_1160, %swap3A_1161], %get3A_1159 {strides = array<i32>} : memref<50x64xf32, #tpu.memory_space<vmem>>, vector<16xf32>,
      %add3A_1163 = arith.constant 50 : i32
      %add3A_1164 = arith.addi %add3A_1163, %scan3A_1114 : i32
      %get3A_1165 = arith.constant 1 : i32
      %get3A_1166 = arith.index_cast %get3A_1165 : i32 to index
      %get3A_1167 = arith.index_cast %add3A_1164 : i32 to index
      %get3A_1168 = arith.constant 16 : index
      %get3A_1169 = tpu.vector_load %arg6[%get3A_1166, %get3A_1167, %get3A_1168] {strides = array<i32>} : memref<3x200x128xf32, #tpu.memory_space<vmem>>, vector<16xf32>,
      %swap3A_1170 = arith.index_cast %scan3A_1114 : i32 to index
      %swap3A_1171 = arith.constant 16 : index
      %swap3A_1172 = tpu.vector_load %arg8[%swap3A_1170, %swap3A_1171] {strides = array<i32>} : memref<50x64xf32, #tpu.memory_space<vmem>>, vector<16xf32>,
      tpu.vector_store %arg8[%swap3A_1170, %swap3A_1171], %get3A_1169 {strides = array<i32>} : memref<50x64xf32, #tpu.memory_space<vmem>>, vector<16xf32>,
      %add3A_1173 = arith.constant 50 : i32
      %add3A_1174 = arith.addi %add3A_1173, %scan3A_1114 : i32
      %get3A_1175 = arith.constant 1 : i32
      %get3A_1176 = arith.index_cast %get3A_1175 : i32 to index
      %get3A_1177 = arith.index_cast %add3A_1174 : i32 to index
      %get3A_1178 = arith.constant 32 : index
      %get3A_1179 = tpu.vector_load %arg6[%get3A_1176, %get3A_1177, %get3A_1178] {strides = array<i32>} : memref<3x200x128xf32, #tpu.memory_space<vmem>>, vector<16xf32>,
      %swap3A_1180 = arith.index_cast %scan3A_1114 : i32 to index
      %swap3A_1181 = arith.constant 32 : index
      %swap3A_1182 = tpu.vector_load %arg8[%swap3A_1180, %swap3A_1181] {strides = array<i32>} : memref<50x64xf32, #tpu.memory_space<vmem>>, vector<16xf32>,
      tpu.vector_store %arg8[%swap3A_1180, %swap3A_1181], %get3A_1179 {strides = array<i32>} : memref<50x64xf32, #tpu.memory_space<vmem>>, vector<16xf32>,
      %add3A_1183 = arith.constant 50 : i32
      %add3A_1184 = arith.addi %add3A_1183, %scan3A_1114 : i32
      %get3A_1185 = arith.constant 1 : i32
      %get3A_1186 = arith.index_cast %get3A_1185 : i32 to index
      %get3A_1187 = arith.index_cast %add3A_1184 : i32 to index
      %get3A_1188 = arith.constant 48 : index
      %get3A_1189 = tpu.vector_load %arg6[%get3A_1186, %get3A_1187, %get3A_1188] {strides = array<i32>} : memref<3x200x128xf32, #tpu.memory_space<vmem>>, vector<16xf32>,
      %swap3A_1190 = arith.index_cast %scan3A_1114 : i32 to index
      %swap3A_1191 = arith.constant 48 : index
      %swap3A_1192 = tpu.vector_load %arg8[%swap3A_1190, %swap3A_1191] {strides = array<i32>} : memref<50x64xf32, #tpu.memory_space<vmem>>, vector<16xf32>,
      tpu.vector_store %arg8[%swap3A_1190, %swap3A_1191], %get3A_1189 {strides = array<i32>} : memref<50x64xf32, #tpu.memory_space<vmem>>, vector<16xf32>,
      %add3A_1193 = arith.constant 100 : i32
      %add3A_1194 = arith.addi %add3A_1193, %scan3A_1114 : i32
      %get3A_1195 = arith.constant 1 : i32
      %get3A_1196 = arith.index_cast %get3A_1195 : i32 to index
      %get3A_1197 = arith.index_cast %add3A_1194 : i32 to index
      %get3A_1198 = arith.constant 0 : index
      %get3A_1199 = tpu.vector_load %arg6[%get3A_1196, %get3A_1197, %get3A_1198] {strides = array<i32>} : memref<3x200x128xf32, #tpu.memory_space<vmem>>, vector<16xf32>,
      %swap3A_1200 = arith.index_cast %scan3A_1114 : i32 to index
      %swap3A_1201 = arith.constant 0 : index
      %swap3A_1202 = tpu.vector_load %arg9[%swap3A_1200, %swap3A_1201] {strides = array<i32>} : memref<50x64xf32, #tpu.memory_space<vmem>>, vector<16xf32>,
      tpu.vector_store %arg9[%swap3A_1200, %swap3A_1201], %get3A_1199 {strides = array<i32>} : memref<50x64xf32, #tpu.memory_space<vmem>>, vector<16xf32>,
      %add3A_1203 = arith.constant 100 : i32
      %add3A_1204 = arith.addi %add3A_1203, %scan3A_1114 : i32
      %get3A_1205 = arith.constant 1 : i32
      %get3A_1206 = arith.index_cast %get3A_1205 : i32 to index
      %get3A_1207 = arith.index_cast %add3A_1204 : i32 to index
      %get3A_1208 = arith.constant 16 : index
      %get3A_1209 = tpu.vector_load %arg6[%get3A_1206, %get3A_1207, %get3A_1208] {strides = array<i32>} : memref<3x200x128xf32, #tpu.memory_space<vmem>>, vector<16xf32>,
      %swap3A_1210 = arith.index_cast %scan3A_1114 : i32 to index
      %swap3A_1211 = arith.constant 16 : index
      %swap3A_1212 = tpu.vector_load %arg9[%swap3A_1210, %swap3A_1211] {strides = array<i32>} : memref<50x64xf32, #tpu.memory_space<vmem>>, vector<16xf32>,
      tpu.vector_store %arg9[%swap3A_1210, %swap3A_1211], %get3A_1209 {strides = array<i32>} : memref<50x64xf32, #tpu.memory_space<vmem>>, vector<16xf32>,
      %add3A_1213 = arith.constant 100 : i32
      %add3A_1214 = arith.addi %add3A_1213, %scan3A_1114 : i32
      %get3A_1215 = arith.constant 1 : i32
      %get3A_1216 = arith.index_cast %get3A_1215 : i32 to index
      %get3A_1217 = arith.index_cast %add3A_1214 : i32 to index
      %get3A_1218 = arith.constant 32 : index
      %get3A_1219 = tpu.vector_load %arg6[%get3A_1216, %get3A_1217, %get3A_1218] {strides = array<i32>} : memref<3x200x128xf32, #tpu.memory_space<vmem>>, vector<16xf32>,
      %swap3A_1220 = arith.index_cast %scan3A_1114 : i32 to index
      %swap3A_1221 = arith.constant 32 : index
      %swap3A_1222 = tpu.vector_load %arg9[%swap3A_1220, %swap3A_1221] {strides = array<i32>} : memref<50x64xf32, #tpu.memory_space<vmem>>, vector<16xf32>,
      tpu.vector_store %arg9[%swap3A_1220, %swap3A_1221], %get3A_1219 {strides = array<i32>} : memref<50x64xf32, #tpu.memory_space<vmem>>, vector<16xf32>,
      %add3A_1223 = arith.constant 100 : i32
      %add3A_1224 = arith.addi %add3A_1223, %scan3A_1114 : i32
      %get3A_1225 = arith.constant 1 : i32
      %get3A_1226 = arith.index_cast %get3A_1225 : i32 to index
      %get3A_1227 = arith.index_cast %add3A_1224 : i32 to index
      %get3A_1228 = arith.constant 48 : index
      %get3A_1229 = tpu.vector_load %arg6[%get3A_1226, %get3A_1227, %get3A_1228] {strides = array<i32>} : memref<3x200x128xf32, #tpu.memory_space<vmem>>, vector<16xf32>,
      %swap3A_1230 = arith.index_cast %scan3A_1114 : i32 to index
      %swap3A_1231 = arith.constant 48 : index
      %swap3A_1232 = tpu.vector_load %arg9[%swap3A_1230, %swap3A_1231] {strides = array<i32>} : memref<50x64xf32, #tpu.memory_space<vmem>>, vector<16xf32>,
      tpu.vector_store %arg9[%swap3A_1230, %swap3A_1231], %get3A_1229 {strides = array<i32>} : memref<50x64xf32, #tpu.memory_space<vmem>>, vector<16xf32>,
      %add3A_1233 = arith.constant 150 : i32
      %add3A_1234 = arith.addi %add3A_1233, %scan3A_1114 : i32
      %get3A_1235 = arith.constant 1 : i32
      %get3A_1236 = arith.index_cast %get3A_1235 : i32 to index
      %get3A_1237 = arith.index_cast %add3A_1234 : i32 to index
      %get3A_1238 = arith.constant 0 : index
      %get3A_1239 = tpu.vector_load %arg6[%get3A_1236, %get3A_1237, %get3A_1238] {strides = array<i32>} : memref<3x200x128xf32, #tpu.memory_space<vmem>>, vector<16xf32>,
      %swap3A_1240 = arith.index_cast %scan3A_1114 : i32 to index
      %swap3A_1241 = arith.constant 0 : index
      %swap3A_1242 = tpu.vector_load %arg10[%swap3A_1240, %swap3A_1241] {strides = array<i32>} : memref<50x64xf32, #tpu.memory_space<vmem>>, vector<16xf32>,
      tpu.vector_store %arg10[%swap3A_1240, %swap3A_1241], %get3A_1239 {strides = array<i32>} : memref<50x64xf32, #tpu.memory_space<vmem>>, vector<16xf32>,
      %add3A_1243 = arith.constant 150 : i32
      %add3A_1244 = arith.addi %add3A_1243, %scan3A_1114 : i32
      %get3A_1245 = arith.constant 1 : i32
      %get3A_1246 = arith.index_cast %get3A_1245 : i32 to index
      %get3A_1247 = arith.index_cast %add3A_1244 : i32 to index
      %get3A_1248 = arith.constant 16 : index
      %get3A_1249 = tpu.vector_load %arg6[%get3A_1246, %get3A_1247, %get3A_1248] {strides = array<i32>} : memref<3x200x128xf32, #tpu.memory_space<vmem>>, vector<16xf32>,
      %swap3A_1250 = arith.index_cast %scan3A_1114 : i32 to index
      %swap3A_1251 = arith.constant 16 : index
      %swap3A_1252 = tpu.vector_load %arg10[%swap3A_1250, %swap3A_1251] {strides = array<i32>} : memref<50x64xf32, #tpu.memory_space<vmem>>, vector<16xf32>,
      tpu.vector_store %arg10[%swap3A_1250, %swap3A_1251], %get3A_1249 {strides = array<i32>} : memref<50x64xf32, #tpu.memory_space<vmem>>, vector<16xf32>,
      %add3A_1253 = arith.constant 150 : i32
      %add3A_1254 = arith.addi %add3A_1253, %scan3A_1114 : i32
      %get3A_1255 = arith.constant 1 : i32
      %get3A_1256 = arith.index_cast %get3A_1255 : i32 to index
      %get3A_1257 = arith.index_cast %add3A_1254 : i32 to index
      %get3A_1258 = arith.constant 32 : index
      %get3A_1259 = tpu.vector_load %arg6[%get3A_1256, %get3A_1257, %get3A_1258] {strides = array<i32>} : memref<3x200x128xf32, #tpu.memory_space<vmem>>, vector<16xf32>,
      %swap3A_1260 = arith.index_cast %scan3A_1114 : i32 to index
      %swap3A_1261 = arith.constant 32 : index
      %swap3A_1262 = tpu.vector_load %arg10[%swap3A_1260, %swap3A_1261] {strides = array<i32>} : memref<50x64xf32, #tpu.memory_space<vmem>>, vector<16xf32>,
      tpu.vector_store %arg10[%swap3A_1260, %swap3A_1261], %get3A_1259 {strides = array<i32>} : memref<50x64xf32, #tpu.memory_space<vmem>>, vector<16xf32>,
      %add3A_1263 = arith.constant 150 : i32
      %add3A_1264 = arith.addi %add3A_1263, %scan3A_1114 : i32
      %get3A_1265 = arith.constant 1 : i32
      %get3A_1266 = arith.index_cast %get3A_1265 : i32 to index
      %get3A_1267 = arith.index_cast %add3A_1264 : i32 to index
      %get3A_1268 = arith.constant 48 : index
      %get3A_1269 = tpu.vector_load %arg6[%get3A_1266, %get3A_1267, %get3A_1268] {strides = array<i32>} : memref<3x200x128xf32, #tpu.memory_space<vmem>>, vector<16xf32>,
      %swap3A_1270 = arith.index_cast %scan3A_1114 : i32 to index
      %swap3A_1271 = arith.constant 48 : index
      %swap3A_1272 = tpu.vector_load %arg10[%swap3A_1270, %swap3A_1271] {strides = array<i32>} : memref<50x64xf32, #tpu.memory_space<vmem>>, vector<16xf32>,
      tpu.vector_store %arg10[%swap3A_1270, %swap3A_1271], %get3A_1269 {strides = array<i32>} : memref<50x64xf32, #tpu.memory_space<vmem>>, vector<16xf32>,
    }
    %scan3A_1017 = arith.constant 50 : i32
    %add3A_1018 = arith.constant 508 : i32
    %add3A_1019 = arith.addi %mul3A_6, %add3A_1018 : i32
    %add3A_1020 = arith.constant 0 : i32
    %add3A_1021 = arith.addi %add3A_1019, %add3A_1020 : i32
    %dma_start3A_1022 = arith.constant 0 : i32
    %dma_start3A_1023 = arith.constant 0 : i32
    %dma_start3A_1024 = tpu.memref_slice %arg4[%add3A_1021, %dma_start3A_1022, %dma_start3A_1023] : memref<16384x50x64xf32, #tpu.memory_space<hbm>> -> memref<1x50x64xf32, #tpu.memory_space<hbm>>
    %dma_start3A_1025 = tpu.memref_squeeze %dma_start3A_1024 : memref<1x50x64xf32, #tpu.memory_space<hbm>> -> memref<50x64xf32, #tpu.memory_space<hbm>>
    %dma_start3A_1026 = arith.constant 0 : i32
    %dma_start3A_1027 = arith.constant 0 : i32
    %dma_start3A_1028 = tpu.memref_slice %arg4[%add3A_1021, %dma_start3A_1026, %dma_start3A_1027] : memref<16384x50x64xf32, #tpu.memory_space<hbm>> -> memref<1x50x64xf32, #tpu.memory_space<hbm>>
    %dma_start3A_1029 = tpu.memref_squeeze %dma_start3A_1028 : memref<1x50x64xf32, #tpu.memory_space<hbm>> -> memref<50x64xf32, #tpu.memory_space<hbm>>
    tpu.enqueue_dma source(%arg7 : memref<50x64xf32, #tpu.memory_space<vmem>>) target(%dma_start3A_1029 : memref<50x64xf32, #tpu.memory_space<hbm>>) target_semaphore(%arg17 : memref<!tpu.dma_semaphore, #tpu.memory_space<semaphore_mem>>)
    %add3A_1030 = arith.constant 508 : i32
    %add3A_1031 = arith.addi %mul3A_6, %add3A_1030 : i32
    %add3A_1032 = arith.constant 1 : i32
    %add3A_1033 = arith.addi %add3A_1031, %add3A_1032 : i32
    %dma_start3A_1034 = arith.constant 0 : i32
    %dma_start3A_1035 = arith.constant 0 : i32
    %dma_start3A_1036 = tpu.memref_slice %arg4[%add3A_1033, %dma_start3A_1034, %dma_start3A_1035] : memref<16384x50x64xf32, #tpu.memory_space<hbm>> -> memref<1x50x64xf32, #tpu.memory_space<hbm>>
    %dma_start3A_1037 = tpu.memref_squeeze %dma_start3A_1036 : memref<1x50x64xf32, #tpu.memory_space<hbm>> -> memref<50x64xf32, #tpu.memory_space<hbm>>
    %dma_start3A_1038 = arith.constant 0 : i32
    %dma_start3A_1039 = arith.constant 0 : i32
    %dma_start3A_1040 = tpu.memref_slice %arg4[%add3A_1033, %dma_start3A_1038, %dma_start3A_1039] : memref<16384x50x64xf32, #tpu.memory_space<hbm>> -> memref<1x50x64xf32, #tpu.memory_space<hbm>>
    %dma_start3A_1041 = tpu.memref_squeeze %dma_start3A_1040 : memref<1x50x64xf32, #tpu.memory_space<hbm>> -> memref<50x64xf32, #tpu.memory_space<hbm>>
    tpu.enqueue_dma source(%arg8 : memref<50x64xf32, #tpu.memory_space<vmem>>) target(%dma_start3A_1041 : memref<50x64xf32, #tpu.memory_space<hbm>>) target_semaphore(%arg17 : memref<!tpu.dma_semaphore, #tpu.memory_space<semaphore_mem>>)
    %add3A_1042 = arith.constant 508 : i32
    %add3A_1043 = arith.addi %mul3A_6, %add3A_1042 : i32
    %add3A_1044 = arith.constant 2 : i32
    %add3A_1045 = arith.addi %add3A_1043, %add3A_1044 : i32
    %dma_start3A_1046 = arith.constant 0 : i32
    %dma_start3A_1047 = arith.constant 0 : i32
    %dma_start3A_1048 = tpu.memref_slice %arg4[%add3A_1045, %dma_start3A_1046, %dma_start3A_1047] : memref<16384x50x64xf32, #tpu.memory_space<hbm>> -> memref<1x50x64xf32, #tpu.memory_space<hbm>>
    %dma_start3A_1049 = tpu.memref_squeeze %dma_start3A_1048 : memref<1x50x64xf32, #tpu.memory_space<hbm>> -> memref<50x64xf32, #tpu.memory_space<hbm>>
    %dma_start3A_1050 = arith.constant 0 : i32
    %dma_start3A_1051 = arith.constant 0 : i32
    %dma_start3A_1052 = tpu.memref_slice %arg4[%add3A_1045, %dma_start3A_1050, %dma_start3A_1051] : memref<16384x50x64xf32, #tpu.memory_space<hbm>> -> memref<1x50x64xf32, #tpu.memory_space<hbm>>
    %dma_start3A_1053 = tpu.memref_squeeze %dma_start3A_1052 : memref<1x50x64xf32, #tpu.memory_space<hbm>> -> memref<50x64xf32, #tpu.memory_space<hbm>>
    tpu.enqueue_dma source(%arg9 : memref<50x64xf32, #tpu.memory_space<vmem>>) target(%dma_start3A_1053 : memref<50x64xf32, #tpu.memory_space<hbm>>) target_semaphore(%arg17 : memref<!tpu.dma_semaphore, #tpu.memory_space<semaphore_mem>>)
    %add3A_1054 = arith.constant 508 : i32
    %add3A_1055 = arith.addi %mul3A_6, %add3A_1054 : i32
    %add3A_1056 = arith.constant 3 : i32
    %add3A_1057 = arith.addi %add3A_1055, %add3A_1056 : i32
    %dma_start3A_1058 = arith.constant 0 : i32
    %dma_start3A_1059 = arith.constant 0 : i32
    %dma_start3A_1060 = tpu.memref_slice %arg4[%add3A_1057, %dma_start3A_1058, %dma_start3A_1059] : memref<16384x50x64xf32, #tpu.memory_space<hbm>> -> memref<1x50x64xf32, #tpu.memory_space<hbm>>
    %dma_start3A_1061 = tpu.memref_squeeze %dma_start3A_1060 : memref<1x50x64xf32, #tpu.memory_space<hbm>> -> memref<50x64xf32, #tpu.memory_space<hbm>>
    %dma_start3A_1062 = arith.constant 0 : i32
    %dma_start3A_1063 = arith.constant 0 : i32
    %dma_start3A_1064 = tpu.memref_slice %arg4[%add3A_1057, %dma_start3A_1062, %dma_start3A_1063] : memref<16384x50x64xf32, #tpu.memory_space<hbm>> -> memref<1x50x64xf32, #tpu.memory_space<hbm>>
    %dma_start3A_1065 = tpu.memref_squeeze %dma_start3A_1064 : memref<1x50x64xf32, #tpu.memory_space<hbm>> -> memref<50x64xf32, #tpu.memory_space<hbm>>
    tpu.enqueue_dma source(%arg10 : memref<50x64xf32, #tpu.memory_space<vmem>>) target(%dma_start3A_1065 : memref<50x64xf32, #tpu.memory_space<hbm>>) target_semaphore(%arg17 : memref<!tpu.dma_semaphore, #tpu.memory_space<semaphore_mem>>)
    %add3A_1066 = arith.constant 508 : i32
    %add3A_1067 = arith.addi %mul3A_6, %add3A_1066 : i32
    %add3A_1068 = arith.constant 0 : i32
    %add3A_1069 = arith.addi %add3A_1067, %add3A_1068 : i32
    %dma_wait3A_1070 = arith.constant 0 : i32
    %dma_wait3A_1071 = arith.constant 0 : i32
    %dma_wait3A_1072 = tpu.memref_slice %arg4[%add3A_1069, %dma_wait3A_1070, %dma_wait3A_1071] : memref<16384x50x64xf32, #tpu.memory_space<hbm>> -> memref<1x50x64xf32, #tpu.memory_space<hbm>>
    %dma_wait3A_1073 = tpu.memref_squeeze %dma_wait3A_1072 : memref<1x50x64xf32, #tpu.memory_space<hbm>> -> memref<50x64xf32, #tpu.memory_space<hbm>>
    %dma_wait3A_1074 = arith.constant 0 : i32
    %dma_wait3A_1075 = arith.constant 0 : i32
    %dma_wait3A_1076 = tpu.memref_slice %arg4[%add3A_1069, %dma_wait3A_1074, %dma_wait3A_1075] : memref<16384x50x64xf32, #tpu.memory_space<hbm>> -> memref<1x50x64xf32, #tpu.memory_space<hbm>>
    %dma_wait3A_1077 = tpu.memref_squeeze %dma_wait3A_1076 : memref<1x50x64xf32, #tpu.memory_space<hbm>> -> memref<50x64xf32, #tpu.memory_space<hbm>>
    tpu.wait_dma2 semaphore(%arg17 : memref<!tpu.dma_semaphore, #tpu.memory_space<semaphore_mem>>) src(%arg7 : memref<50x64xf32, #tpu.memory_space<vmem>>) dst(%dma_wait3A_1077 : memref<50x64xf32, #tpu.memory_space<hbm>>)
    %add3A_1078 = arith.constant 508 : i32
    %add3A_1079 = arith.addi %mul3A_6, %add3A_1078 : i32
    %add3A_1080 = arith.constant 1 : i32
    %add3A_1081 = arith.addi %add3A_1079, %add3A_1080 : i32
    %dma_wait3A_1082 = arith.constant 0 : i32
    %dma_wait3A_1083 = arith.constant 0 : i32
    %dma_wait3A_1084 = tpu.memref_slice %arg4[%add3A_1081, %dma_wait3A_1082, %dma_wait3A_1083] : memref<16384x50x64xf32, #tpu.memory_space<hbm>> -> memref<1x50x64xf32, #tpu.memory_space<hbm>>
    %dma_wait3A_1085 = tpu.memref_squeeze %dma_wait3A_1084 : memref<1x50x64xf32, #tpu.memory_space<hbm>> -> memref<50x64xf32, #tpu.memory_space<hbm>>
    %dma_wait3A_1086 = arith.constant 0 : i32
    %dma_wait3A_1087 = arith.constant 0 : i32
    %dma_wait3A_1088 = tpu.memref_slice %arg4[%add3A_1081, %dma_wait3A_1086, %dma_wait3A_1087] : memref<16384x50x64xf32, #tpu.memory_space<hbm>> -> memref<1x50x64xf32, #tpu.memory_space<hbm>>
    %dma_wait3A_1089 = tpu.memref_squeeze %dma_wait3A_1088 : memref<1x50x64xf32, #tpu.memory_space<hbm>> -> memref<50x64xf32, #tpu.memory_space<hbm>>
    tpu.wait_dma2 semaphore(%arg17 : memref<!tpu.dma_semaphore, #tpu.memory_space<semaphore_mem>>) src(%arg8 : memref<50x64xf32, #tpu.memory_space<vmem>>) dst(%dma_wait3A_1089 : memref<50x64xf32, #tpu.memory_space<hbm>>)
    %add3A_1090 = arith.constant 508 : i32
    %add3A_1091 = arith.addi %mul3A_6, %add3A_1090 : i32
    %add3A_1092 = arith.constant 2 : i32
    %add3A_1093 = arith.addi %add3A_1091, %add3A_1092 : i32
    %dma_wait3A_1094 = arith.constant 0 : i32
    %dma_wait3A_1095 = arith.constant 0 : i32
    %dma_wait3A_1096 = tpu.memref_slice %arg4[%add3A_1093, %dma_wait3A_1094, %dma_wait3A_1095] : memref<16384x50x64xf32, #tpu.memory_space<hbm>> -> memref<1x50x64xf32, #tpu.memory_space<hbm>>
    %dma_wait3A_1097 = tpu.memref_squeeze %dma_wait3A_1096 : memref<1x50x64xf32, #tpu.memory_space<hbm>> -> memref<50x64xf32, #tpu.memory_space<hbm>>
    %dma_wait3A_1098 = arith.constant 0 : i32
    %dma_wait3A_1099 = arith.constant 0 : i32
    %dma_wait3A_1100 = tpu.memref_slice %arg4[%add3A_1093, %dma_wait3A_1098, %dma_wait3A_1099] : memref<16384x50x64xf32, #tpu.memory_space<hbm>> -> memref<1x50x64xf32, #tpu.memory_space<hbm>>
    %dma_wait3A_1101 = tpu.memref_squeeze %dma_wait3A_1100 : memref<1x50x64xf32, #tpu.memory_space<hbm>> -> memref<50x64xf32, #tpu.memory_space<hbm>>
    tpu.wait_dma2 semaphore(%arg17 : memref<!tpu.dma_semaphore, #tpu.memory_space<semaphore_mem>>) src(%arg9 : memref<50x64xf32, #tpu.memory_space<vmem>>) dst(%dma_wait3A_1101 : memref<50x64xf32, #tpu.memory_space<hbm>>)
    %add3A_1102 = arith.constant 508 : i32
    %add3A_1103 = arith.addi %mul3A_6, %add3A_1102 : i32
    %add3A_1104 = arith.constant 3 : i32
    %add3A_1105 = arith.addi %add3A_1103, %add3A_1104 : i32
    %dma_wait3A_1106 = arith.constant 0 : i32
    %dma_wait3A_1107 = arith.constant 0 : i32
    %dma_wait3A_1108 = tpu.memref_slice %arg4[%add3A_1105, %dma_wait3A_1106, %dma_wait3A_1107] : memref<16384x50x64xf32, #tpu.memory_space<hbm>> -> memref<1x50x64xf32, #tpu.memory_space<hbm>>
    %dma_wait3A_1109 = tpu.memref_squeeze %dma_wait3A_1108 : memref<1x50x64xf32, #tpu.memory_space<hbm>> -> memref<50x64xf32, #tpu.memory_space<hbm>>
    %dma_wait3A_1110 = arith.constant 0 : i32
    %dma_wait3A_1111 = arith.constant 0 : i32
    %dma_wait3A_1112 = tpu.memref_slice %arg4[%add3A_1105, %dma_wait3A_1110, %dma_wait3A_1111] : memref<16384x50x64xf32, #tpu.memory_space<hbm>> -> memref<1x50x64xf32, #tpu.memory_space<hbm>>
    %dma_wait3A_1113 = tpu.memref_squeeze %dma_wait3A_1112 : memref<1x50x64xf32, #tpu.memory_space<hbm>> -> memref<50x64xf32, #tpu.memory_space<hbm>>
    tpu.wait_dma2 semaphore(%arg17 : memref<!tpu.dma_semaphore, #tpu.memory_space<semaphore_mem>>) src(%arg10 : memref<50x64xf32, #tpu.memory_space<vmem>>) dst(%dma_wait3A_1113 : memref<50x64xf32, #tpu.memory_space<hbm>>)
    return
  }
}

</mosaic_0001>

<sc_bundles>
// kernel: kernel.3.cloned.1.call-start
scs
__scs_entry_jumppad:
0x0: {  	(pc) =	sbr.rel $0x88, $3  }
0x1: {  	(tag) =	ssettag $0x0;
	lr =	simm.s32 $0x1  }
0x2: {  	[smem:$0x3F9F] =	sst lr;
	_ =	strace $0xD0000000  }
0x3: {  	_ = 	snop  }
0x4: {  	_ = 	snop  }
0x5: {  	_ = 	snop  }
0x6: {  	_ = 	snop  }
0x7: {  	_ = 	snop  }
__scs_overlays_trampoline_lowered:
0x8: {  	[smem:$0x3FAE] =	sst s0  }
0x9: {  	[smem:$0x3FAF] =	sst s1  }
0xa: {  	[smem:$0x3FB0] =	sst s2  }
0xb: {  	[smem:$0x3FB1] =	sst s3  }
0xc: {  	[smem:$0x3FB2] =	sst s4  }
0xd: {  	[smem:$0x3FB3] =	sst s5  }
0xe: {  	[smem:$0x3FB4] =	sst s6  }
0xf: {  	[smem:$0x3FB5] =	sst s7  }
0x10: {  	[smem:$0x3FB6] =	sst s8  }
0x11: {  	[smem:$0x3FB7] =	sst s9;
	s0 =	simm.s32 @!p0 $0x0  }
0x12: {  	s1 =	sld [smem:$0x3F9D];
	s0 =	simm.s32 @p0 $0x1  }
0x13: {  	[smem:$0x3FB8] =	sst s0;
	s0 =	simm.s32 @!p1 $0x0  }
0x14: {  	s2 =	sld [smem:$0x3F9C];
	s0 =	simm.s32 @p1 $0x1  }
0x15: {  	[smem:$0x3FB9] =	sst s0;
	s0 =	simm.s32 @!p2 $0x0  }
0x16: {  	s3 =	sld [smem:$0x3FDB];
	s0 =	simm.s32 @p2 $0x1  }
0x17: {  	s4 =	simm.s32 $0x1BF5;
	[smem:$0x3FBB] =	sst s0  }
0x18: {  	s0 =	sld [smem:$0x3F9E];
	_ =	swait.ge [sflag:s4], $0x0  }
0x19: {  	s7 =	sld [smem:$0x3F9F]  }
0x1a: {  	s8 =	sadd.s32 $0xFFFFE003, lr  }
0x1b: {  	s9 =	sadd.s32 $0xFFFFFEF7, lr;
	s5 =	simm.s32 $0xFFFFFFFF;
	p2 =	slt.u32 s8, $0xFFFFF086  }
0x1c: {  	p1 =	slt.u32 s9, $0xF7A;
	s5 =	simm.s32 @!p2 $0x0  }
0x1d: {  	s5 =	simm.s32 @p1 $0x1;
	p0 =	seq.s32 s7, s2  }
0x1e: {  	s7 =	smul.u32 @!p0 $0xF7A, s2;
	p2 =	seq.s32 @!p0 s5, $0x0  }
0x1f: {  	s9 =	smul.u32 $0xF7A, s1;
	s8 =	simm.s32 @!p0 $0x1BF5;
	p2 =	por !p2, p0  }
0x20: {  	[sflag:s8] =	ssyncset.s32 @!p0 $0xFFFFF086;
	s6 =	sadd.s32 @!p0 s3, s7;
	s7 =	simm.s32 @!p0 $0x108  }
0x21: {  	s3 =	sadd.s32 s3, s9;
	s6 =	sadd.s32 @!p0 $0x88, s6;
	s7 =	simm.s32 @p2 $0x1082  }
0x22: {  	[simem:s7], [sflag:s8] =	dma.local @!p0 [hbm:s6], $0xF7A  }
0x23: {  	s9 =	sor.u32 $0xD0000000, s2;
	s6 =	simm.s32 $0x108;
	_ =	swait.ge @!p0 [sflag:s8], $0x0  }
0x24: {  	s3 =	sadd.s32 $0x88, s3;
	s6 =	simm.s32 @!p1 $0x1082;
	[sflag:s4] =	ssyncset.s32 $0xFFFFF086  }
0x25: {  	[simem:s6], [sflag:s4] =	dma.local [hbm:s3], $0xF7A  }
0x26: {  	[smem:$0x3F9F] =	sst s1;
	(tag) =	ssettag s2;
	_ =	strace s9  }
0x27: {  	s1 =	sld [smem:$0x3FAF]  }
0x28: {  	s2 =	sld [smem:$0x3FB0]  }
0x29: {  	s4 =	sld [smem:$0x3FB2]  }
0x2a: {  	p0 =	seq.s32 s5, $0x0;
	s5 =	sld [smem:$0x3FB3]  }
0x2b: {  	s6 =	sld [smem:$0x3FB4]  }
0x2c: {  	s7 =	sld [smem:$0x3FB5]  }
0x2d: {  	s3 =	simm.s32 $0x108;
	s8 =	sld [smem:$0x3FB6]  }
0x2e: {  	s3 =	simm.s32 @!p0 $0x1082;
	s9 =	sld [smem:$0x3FB7]  }
0x2f: {  	lr =	sadd.s32 s0, s3;
	s0 =	sld [smem:$0x3FAE]  }
0x30: {  	s3 =	sld [smem:$0x3FB1]  }
0x31: {  	[smem:$0x3FBA] =	sst s10  }
0x32: {  	s10 =	sld [smem:$0x3FB8];
	_ =	sdelay $0x3  }
0x33: {  	p0 =	seq.s32 s10, $0x1;
	s10 =	sld [smem:$0x3FBA];
	_ =	sdelay $0x3  }
0x34: {  	[smem:$0x3FBA] =	sst s10  }
0x35: {  	s10 =	sld [smem:$0x3FB9];
	_ =	sdelay $0x3  }
0x36: {  	p1 =	seq.s32 s10, $0x1;
	s10 =	sld [smem:$0x3FBA];
	_ =	sdelay $0x3  }
0x37: {  	[smem:$0x3FBA] =	sst s10  }
0x38: {  	s10 =	sld [smem:$0x3FBB]  }
0x39: {  	_ = 	snop;
	(pc) =	sbr.ind lr, $3  }
0x3a: {  	_ = 	snop  }
0x3b: {  	_ = 	snop  }
0x3c: {  	p2 =	seq.s32 s10, $0x1;
	s10 =	sld [smem:$0x3FBA]  }
0x3d: {  	_ =	shalt  }
0x3e: {  	_ =	shalt  }
0x3f: {  	_ =	shalt  }
0x40: {  	_ =	shalt  }
0x41: {  	_ =	shalt  }
0x42: {  	_ =	shalt  }
0x43: {  	_ =	shalt  }
0x44: {  	_ =	shalt  }
0x45: {  	_ =	shalt  }
0x46: {  	_ =	shalt  }
0x47: {  	_ =	shalt  }
0x48: {  	_ =	shalt  }
0x49: {  	_ =	shalt  }
0x4a: {  	_ =	shalt  }
0x4b: {  	_ =	shalt  }
0x4c: {  	_ =	shalt  }
0x4d: {  	_ =	shalt  }
0x4e: {  	_ =	shalt  }
0x4f: {  	_ =	shalt  }
0x50: {  	_ =	shalt  }
0x51: {  	_ =	shalt  }
0x52: {  	_ =	shalt  }
0x53: {  	_ =	shalt  }
0x54: {  	_ =	shalt  }
0x55: {  	_ =	shalt  }
0x56: {  	_ =	shalt  }
0x57: {  	_ =	shalt  }
0x58: {  	_ =	shalt  }
0x59: {  	_ =	shalt  }
0x5a: {  	_ =	shalt  }
0x5b: {  	_ =	shalt  }
0x5c: {  	_ =	shalt  }
0x5d: {  	_ =	shalt  }
0x5e: {  	_ =	shalt  }
0x5f: {  	_ =	shalt  }
0x60: {  	_ =	shalt  }
0x61: {  	_ =	shalt  }
0x62: {  	_ =	shalt  }
0x63: {  	_ =	shalt  }
0x64: {  	_ =	shalt  }
0x65: {  	_ =	shalt  }
0x66: {  	_ =	shalt  }
0x67: {  	_ =	shalt  }
0x68: {  	_ =	shalt  }
0x69: {  	_ =	shalt  }
0x6a: {  	_ =	shalt  }
0x6b: {  	_ =	shalt  }
0x6c: {  	_ =	shalt  }
0x6d: {  	_ =	shalt  }
0x6e: {  	_ =	shalt  }
0x6f: {  	_ =	shalt  }
0x70: {  	_ =	shalt  }
0x71: {  	_ =	shalt  }
0x72: {  	_ =	shalt  }
0x73: {  	_ =	shalt  }
0x74: {  	_ =	shalt  }
0x75: {  	_ =	shalt  }
0x76: {  	_ =	shalt  }
0x77: {  	_ =	shalt  }
0x78: {  	_ =	shalt  }
0x79: {  	_ =	shalt  }
0x7a: {  	_ =	shalt  }
0x7b: {  	_ =	shalt  }
0x7c: {  	_ =	shalt  }
0x7d: {  	_ =	shalt  }
0x7e: {  	_ =	shalt  }
0x7f: {  	_ =	shalt  }
0x80: {  	_ =	shalt  }
0x81: {  	_ =	shalt  }
0x82: {  	_ =	shalt  }
0x83: {  	_ =	shalt  }
0x84: {  	_ =	shalt  }
0x85: {  	_ =	shalt  }
0x86: {  	_ =	shalt  }
0x87: {  	_ =	shalt  }
.Lfunc_end0:
.L_simem_size_0:
called_computation_lowered:
.L_overlay_start_0:
0x88: {  	s2 =	sld [smem:$0x3FD9]  }
0x89: {  	s3 =	sld [smem:$0x3FFE];
	_ =	sdelay $0x1  }
0x8a: {  	s1 =	srdreg.scid  }
0x8b: {  	s0 =	sand.u32 $0x1, s1  }
0x8c: {  	s17 =	sshll.u32 s0, $0xA;
	s2 =	sadd.s32 s3, s2  }
0x8d: {  	s2 =	sadd.s32 s2, s17  }
0x8e: {  	[smem:$0x3FC6] =	sst s2  }
0x8f: {  	_ = 	snop  }
0x90: {  	s2 =	sld [smem:$0x3FD0];
	(tm) =	ssettm $0x1  }
0x91: {  	s18 =	sld [smem:$0x3FFB];
	_ =	sdelay $0x3  }
0x92: {  	_ =	strace s18  }
0x93: {  	s3 =	sld [smem:$0x3FFC];
	_ =	sdelay $0x3  }
0x94: {  	_ =	strace s3  }
0x95: {  	s3 =	sld [smem:$0x3FFD];
	_ =	sdelay $0x3  }
0x96: {  	_ =	strace s3  }
0x97: {  	_ =	strace $0x8FFFFFFF  }
0x98: {  	s19 =	sld [smem:$0x3FDB];
	_ =	sdelay $0x1  }
0x99: {  	s4 =	simm.s32 $_scs_section_size  }
0x9a: {  	s5 =	simm.s32 $_size__tile_overlayer_lowered;
	s6 =	simm.s32 $_tile_overlayer_lowered  }
0x9b: {  	s22 =	simm.s32 $0x1BFF;
	s21 =	sshll.u32 s6, $0x1;
	s3 =	sadd.s32 s4, s19  }
0x9c: {  	s7 =	simm.s32 $0x0;
	s20 =	sshll.u32 s5, $0x1;
	s5 =	sadd.s32 s21, s3  }
0x9d: {  	[timem:s7], [sflag:s22] =	dma.local [hbm:s5], s20  }
0x9e: {  	_ =	swait.ge [sflag:s22], s20  }
0x9f: {  	s4 =	ssub.s32 $0x0, s20;
	[sflag:s22] =	ssyncset.done $0x0  }
0xa0: {  	[sflag:s22] =	ssyncadd.s32 s4;
	_ =	sdelay $0x1  }
0xa1: {  	s23 =	simm.s32 $0x1B8B  }
0xa2: {  	_ =	swait.ge [sflag:s23], $0x1  }
0xa3: {  	[sflag:s23] =	ssyncset.done $0x0  }
0xa4: {  	s25 =	simm.s32 $0x1B8E;
	s24 =	sld [smem:$0x3FFE];
	[sflag:s23] =	ssyncadd.s32 $0xFFFFFFFF  }
0xa5: {  	s26 =	simm.s32 $execute0_lowered;
	[smem:$0x3FD2] =	sst s25  }
0xa6: {  	s5 =	sshll.u32 s26, $0x1;
	_ =	strace $0x80000046;
	[dreg:$0x1] =	wrdreg $0xFFFFFFFF  }
0xa7: {  	s28 =	simm.s32 $_size_execute0_lowered;
	s3 =	sadd.s32 s3, s5;
	[dreg:$0x0] =	wrdreg $0x0  }
0xa8: {  	s5 =	sshll.u32 s28, $0x1;
	[dreg:$0x2] =	wrdreg s3  }
0xa9: {  	[dreg:$0x3] =	wrdreg s5  }
0xaa: {  	[dreg:$0x4] =	wrdreg $0xC0  }
0xab: {  	_ =	task [dreg:s7], $0x5FFFF  }
0xac: {  	[dreg:$0x1] =	wrdreg $0xFFFFFFFF  }
0xad: {  	[dreg:$0x0] =	wrdreg $0x60  }
0xae: {  	[dreg:$0x2] =	wrdreg s2  }
0xaf: {  	[dreg:$0x3] =	wrdreg s24  }
0xb0: {  	[dreg:$0x4] =	wrdreg $0x9  }
0xb1: {  	_ =	task.clear_ibuf [dreg:s7], $0x5FFFF;
	_ =	strace $0x90000046  }
0xb2: {  	s29 =	simm.s32 $0x9;
	_ =	strace $0x80000048  }
0xb3: {  	_ =	swait.ge [sflag:s29], $0x1  }
0xb4: {  	[sflag:s29] =	ssyncadd.s32 $0xFFFFFFFF  }
0xb5: {  	_ =	strace $0x90000048  }
0xb6: {  	_ =	sfence  }
0xb7: {  	s30 =	sld [smem:$0x0];
	_ =	sdelay $0x2  }
0xb8: {  	s31 =	sshll.u32 s1, $0xD;
	s1 =	sshrl.u32 s1, $0x2  }
0xb9: {  	s3 =	sand.u32 $0x4000, s31;
	s1 =	sadd.s32 s1, s30  }
0xba: {  	s0 =	sor.u32 s3, s0;
	s1 =	sshll.u32 s1, $0x11  }
0xbb: {  	s0 =	sor.u32 s1, s0  }
0xbc: {  	s0 =	sadd.s32 $0x8F2B, s0  }
0xbd: {  	[sflag:s0] =	ssyncadd.remote.s32 $0x1  }
0xbe: {  	_ =	sfence.sel $0xFFFF  }
0xbf: {  	[dreg:$0x0] =	wrdreg $0xFFFFFFFF;
	(pc) =	sbr.abs _section_cstart, $3  }
0xc0: {  	[dreg:$0x1] =	wrdreg $0xFFFFFFFF  }
0xc1: {  	_ =	task.clear_ibuf [dreg:s7], $0x2FFFF;
	_ =	strace $0x9FFFFFFF  }
0xc2: {  	(tm) =	ssettm $0x7FFFFFFF  }
0xc3: {  	_ =	shalt  }
tec
execute0_lowered:
.L_overlay_start_1:
0x0: {  	(tag) =	ssettag $0x1  }
0x1: {  	s1 =	rddreg [dreg:$0x0]  }
0x2: {  	s0 =	rddreg [dreg:$0x1]  }
0x3: {  	s2 =	srdreg.scid;
	s4 =	stileid.u32  }
0x4: {  	s3 =	simm.s32 $0x0;
	s2 =	sand.u32 $0x1, s2;
	s4 =	sshll.u32 s4, $0x1  }
0x5: {  	[smem:$0x7FF] =	sst s3;
	s6 =	sor.u32 s2, s4  }
0x6: {  	s5 =	sadd.s32 $0x600, s0;
	s2 =	ssub.s32 $0x2, s2;
	s7 =	smul.u32 $0x6400, s6  }
0x7: {  	s4 =	sadd.s32 $0xF42A00, s0;
	s12 =	sshrl.u32 s2, $0x1;
	s8 =	smul.u32 $0x70000, s6  }
0x8: {  	s13 =	sshll.u32 s6, $0x9;
	s6 =	smul.u32 $0x380000, s6;
	s0 =	ssub.s32 s2, s12  }
0x9: {  	_ =	strace $0x80000047;
	s9 =	sshrl.u32 s7, $0x3;
	s0 =	smax.u32 s0, $0x1  }
0xa: {  	s15 =	sadd.s32 s5, s8;
	s6 =	sshrl.u32 s6, $0x3;
	[dreg:$0x1a] =	wrdreg s0  }
0xb: {  	s14 =	sadd.s32 s1, s9;
	s2 =	sadd.s32 s5, s6;
	[dreg:$0x4] =	wrdreg s15  }
0xc: {  	s17 =	sadd.s32 $0x6BA00, s2;
	[dreg:$0x3] =	wrdreg s14  }
0xd: {  	s18 =	sadd.s32 $0x6BD80, s2;
	[dreg:$0x5] =	wrdreg s17  }
0xe: {  	s16 =	sadd.s32 $0x6338, s7;
	s19 =	sadd.s32 $0x6C100, s2;
	[dreg:$0x6] =	wrdreg s18  }
0xf: {  	s6 =	sshrl.u32 s16, $0x3;
	s20 =	sadd.s32 $0x6C480, s2;
	[dreg:$0x7] =	wrdreg s19  }
0x10: {  	s6 =	sadd.s32 s1, s6;
	[dreg:$0x8] =	wrdreg s20  }
0x11: {  	s21 =	sadd.s32 $0x6C800, s2;
	[dreg:$0x9] =	wrdreg s6  }
0x12: {  	s22 =	sadd.s32 $0x6CB80, s2;
	[dreg:$0xa] =	wrdreg s21  }
0x13: {  	s23 =	sadd.s32 $0x6CF00, s2;
	[dreg:$0xb] =	wrdreg s22  }
0x14: {  	s24 =	sadd.s32 $0x6D280, s2;
	[dreg:$0xc] =	wrdreg s23  }
0x15: {  	s8 =	sadd.s32 $0x4B0, s7;
	s25 =	sadd.s32 $0x6D600, s2;
	[dreg:$0xd] =	wrdreg s24  }
0x16: {  	s10 =	sadd.s32 $0x578, s7;
	s26 =	sadd.s32 $0x6D980, s2;
	[dreg:$0xe] =	wrdreg s25  }
0x17: {  	s12 =	sadd.s32 $0x640, s7;
	s7 =	sadd.s32 $0x6DD00, s2;
	[dreg:$0xf] =	wrdreg s26  }
0x18: {  	s16 =	sadd.s32 $0x6E080, s2;
	[dreg:$0x10] =	wrdreg s7  }
0x19: {  	[dreg:$0x11] =	wrdreg s16;
	s17 =	sadd.s32 $0x6E400, s2  }
0x1a: {  	s18 =	sadd.s32 $0x6E780, s2;
	[dreg:$0x12] =	wrdreg s17  }
0x1b: {  	s19 =	sadd.s32 $0x6EB00, s2;
	[dreg:$0x13] =	wrdreg s18  }
0x1c: {  	s20 =	sadd.s32 $0x6EE80, s2;
	[dreg:$0x14] =	wrdreg s19  }
0x1d: {  	s21 =	sadd.s32 $0x6F200, s2;
	[dreg:$0x15] =	wrdreg s20  }
0x1e: {  	s22 =	sadd.s32 $0x6F580, s2;
	[dreg:$0x16] =	wrdreg s21  }
0x1f: {  	s23 =	sadd.s32 $0x6F900, s2;
	[dreg:$0x17] =	wrdreg s22  }
0x20: {  	s2 =	sadd.s32 $0x6FC80, s2;
	[dreg:$0x18] =	wrdreg s23  }
0x21: {  	s24 =	sadd.s32 $0x19, s14;
	[dreg:$0x19] =	wrdreg s2  }
0x22: {  	s25 =	sadd.s32 $0x32, s14;
	[dreg:$0x1b] =	wrdreg s24  }
0x23: {  	s26 =	sadd.s32 $0x4B, s14;
	[dreg:$0x1c] =	wrdreg s25  }
0x24: {  	s6 =	sadd.s32 $0x700, s15;
	[dreg:$0x1d] =	wrdreg s26  }
0x25: {  	s7 =	sadd.s32 $0xA80, s15;
	[dreg:$0x1f] =	wrdreg s6  }
0x26: {  	s16 =	sadd.s32 $0x64, s14;
	[smem:$0x7F2] =	sst s7  }
0x27: {  	s2 =	sadd.s32 $0x380, s15;
	[smem:$0x7F3] =	sst s16  }
0x28: {  	s17 =	sadd.s32 $0xE00, s15;
	[dreg:$0x1e] =	wrdreg s2  }
0x29: {  	s18 =	sadd.s32 $0x1180, s15;
	[smem:$0x7F4] =	sst s17  }
0x2a: {  	s19 =	sadd.s32 $0x1500, s15;
	[smem:$0x7F5] =	sst s18  }
0x2b: {  	s28 =	simm.s32 $0x18280;
	s20 =	sadd.s32 $0x1880, s15;
	[smem:$0x7F6] =	sst s19  }
0x2c: {  	s29 =	simm.s32 $0x5;
	s21 =	sadd.s32 $0x7D, s14;
	[smem:$0x7F7] =	sst s20  }
0x2d: {  	s30 =	simm.s32 $0x7;
	s22 =	sadd.s32 $0x1C00, s15;
	[smem:$0x7F8] =	sst s21  }
0x2e: {  	s31 =	simm.s32 $0x6;
	s23 =	sadd.s32 $0x1F80, s15;
	[smem:$0x7F9] =	sst s22  }
0x2f: {  	s11 =	sor.u32 $0x10, s13;
	s24 =	sadd.s32 $0x2300, s15;
	[smem:$0x7FA] =	sst s23  }
0x30: {  	s9 =	sor.u32 $0xC, s13;
	s25 =	sadd.s32 $0x2680, s15;
	[smem:$0x7FB] =	sst s24  }
0x31: {  	s13 =	sor.u32 $0x14, s13;
	s26 =	sadd.s32 $0xC4E, s14;
	[smem:$0x7FC] =	sst s25  }
0x32: {  	s15 =	simm.s32 $0xC8;
	s16 =	simm.s32 $0x190;
	[smem:$0x7FD] =	sst s26  }
0x33: {  	s17 =	simm.s32 $0x1;
	s19 =	simm.s32 $0x2;
	s20 =	simm.s32 $0x6680  }
0x34: {  	s21 =	simm.s32 $0x4;
	s22 =	simm.s32 $0x3;
	s24 =	simm.s32 $0x12E80  }
0x35: {  	s25 =	simm.s32 $0x14A80;
	s26 =	simm.s32 $0x16680;
	s2 =	simm.s32 $0x0  }
.LBB2_1:
0x36: {  	[smem:$0x7F1] =	sst s2  }
0x37: {  	s0 =	rddreg [dreg:$0x3]  }
0x38: {  	[tilespmem:s3], [sflag:$0x1] =	stream.linear.gather [hbm4b:s0+s3], $0xC8, $0x38;
	[tilespmem:$0x19E80] =	vst v63  }
0x39: {  	s6 =	rddreg [dreg:$0x1b]  }
0x3a: {  	[tilespmem:s15], [sflag:$0x2] =	stream.linear.gather [hbm4b:s6+s3], $0xC8, $0x38;
	[tilespmem:$0x19E80] =	vst v63  }
0x3b: {  	s7 =	rddreg [dreg:$0x1c]  }
0x3c: {  	[tilespmem:s16], [sflag:$0x3] =	stream.linear.gather [hbm4b:s7+s3], $0xC8, $0x38;
	[tilespmem:$0x19E80] =	vst v63  }
0x3d: {  	_ =	swait.ge [sflag:s17], $0xC8  }
0x3e: {  	[sflag:s17] =	ssyncset.done $0x0  }
0x3f: {  	s14 =	simm.s32 $0x280;
	[sflag:s17] =	ssyncadd.s32 $0xFFFFFF38  }
0x40: {  	[tilespmem:s14], [sflag:$0x4] =	stream.indirect.gather [hbm4b:s4+s15], $0x80, s3, s15, $0xb8;
	[tilespmem:$0x19E80] =	vst v63  }
0x41: {  	_ =	swait.ge [sflag:s19], $0xC8  }
0x42: {  	[sflag:s19] =	ssyncset.done $0x0  }
0x43: {  	[sflag:s19] =	ssyncadd.s32 $0xFFFFFF38  }
0x44: {  	[tilespmem:s20], [sflag:$0x5] =	stream.indirect.gather [hbm4b:s4+s15], $0x80, s15, s15, $0xb8;
	[tilespmem:$0x19E80] =	vst v63  }
0x45: {  	_ =	swait.ge [sflag:s21], $0x6400  }
0x46: {  	[sflag:s21] =	ssyncset.done $0x0  }
0x47: {  	s18 =	rddreg [dreg:$0x1d];
	[sflag:s21] =	ssyncadd.s32 $0xFFFF9C00  }
0x48: {  	[tilespmem:s3], [sflag:$0x1] =	stream.linear.gather [hbm4b:s18+s3], $0xC8, $0x38;
	[tilespmem:$0x19E80] =	vst v63  }
0x49: {  	_ =	swait.ge [sflag:s22], $0xC8  }
0x4a: {  	[sflag:s22] =	ssyncset.done $0x0  }
0x4b: {  	s23 =	simm.s32 $0xCA80;
	s2 =	simm.s32 $0x0;
	[sflag:s22] =	ssyncadd.s32 $0xFFFFFF38  }
0x4c: {  	[tilespmem:s23], [sflag:$0x6] =	stream.indirect.gather [hbm4b:s4+s15], $0x80, s16, s15, $0xb8;
	[tilespmem:$0x19E80] =	vst v63  }
0x4d: {  	v0 =	vld [tilespmem:s2+$0x4DB0]  }
0x4e: {  	v1 =	vld [tilespmem:s2+$0x280]  }
0x4f: {  	v2 =	vld [tilespmem:s2+$0x290]  }
0x50: {  	v3 =	vld [tilespmem:s2+$0x2A0]  }
0x51: {  	v4 =	vld [tilespmem:s2+$0x2B0]  }
0x52: {  	v5 =	vld [tilespmem:s2+$0x1B80];
	[tilespmem:s2+$0x182B0] =	vst v0  }
0x53: {  	[tilespmem:s2+$0x12E80] =	vst v1;
	v0 =	vld [tilespmem:s2+$0x1B90]  }
0x54: {  	[tilespmem:s2+$0x12E90] =	vst v2;
	v1 =	vld [tilespmem:s2+$0x1BA0]  }
0x55: {  	[tilespmem:s2+$0x12EA0] =	vst v3;
	v2 =	vld [tilespmem:s2+$0x1BB0]  }
0x56: {  	[tilespmem:s2+$0x12EB0] =	vst v4;
	v3 =	vld [tilespmem:s2+$0x3480]  }
0x57: {  	[tilespmem:s2+$0x14A80] =	vst v5;
	v4 =	vld [tilespmem:s2+$0x3490]  }
0x58: {  	[tilespmem:s2+$0x14A90] =	vst v0;
	v0 =	vld [tilespmem:s2+$0x34A0]  }
0x59: {  	[tilespmem:s2+$0x14AA0] =	vst v1;
	v1 =	vld [tilespmem:s2+$0x34B0]  }
0x5a: {  	[tilespmem:s2+$0x14AB0] =	vst v2;
	v2 =	vld [tilespmem:s2+$0x4D80]  }
0x5b: {  	[tilespmem:s2+$0x16680] =	vst v3;
	v3 =	vld [tilespmem:s2+$0x4D90]  }
0x5c: {  	s0 =	simm.s32 $0x80;
	s6 =	simm.s32 $0x400;
	[tilespmem:s2+$0x16690] =	vst v4;
	v4 =	vld [tilespmem:s2+$0x4DA0]  }
.LBB2_2:
0x5d: {  	p0 =	sne.s32 s6, $0x6200;
	v5 =	vld [tilespmem:s0+$0x4DB0];
	[tilespmem:s2+$0x166A0] =	vst v0  }
0x5e: {  	v0 =	vld [tilespmem:s0+$0x280];
	[tilespmem:s2+$0x166B0] =	vst v1  }
0x5f: {  	v1 =	vld [tilespmem:s0+$0x290];
	[tilespmem:s2+$0x18280] =	vst v2  }
0x60: {  	v2 =	vld [tilespmem:s0+$0x2A0];
	[tilespmem:s2+$0x18290] =	vst v3  }
0x61: {  	v3 =	vld [tilespmem:s0+$0x2B0];
	[tilespmem:s2+$0x182A0] =	vst v4;
	s2 =	smov.u32 s0  }
0x62: {  	v4 =	vld [tilespmem:s2+$0x1B80];
	[tilespmem:s2+$0x182B0] =	vst v5  }
0x63: {  	[tilespmem:s2+$0x12E80] =	vst v0;
	v0 =	vld [tilespmem:s2+$0x1B90]  }
0x64: {  	[tilespmem:s2+$0x12E90] =	vst v1;
	v1 =	vld [tilespmem:s2+$0x1BA0]  }
0x65: {  	[tilespmem:s2+$0x12EA0] =	vst v2;
	v2 =	vld [tilespmem:s2+$0x1BB0]  }
0x66: {  	[tilespmem:s2+$0x12EB0] =	vst v3;
	v3 =	vld [tilespmem:s2+$0x3480]  }
0x67: {  	[tilespmem:s2+$0x14A80] =	vst v4;
	v4 =	vld [tilespmem:s2+$0x3490]  }
.Ltmp0:
0x68: {  	[tilespmem:s2+$0x14A90] =	vst v0;
	v0 =	vld [tilespmem:s2+$0x34A0];
	(pc) =	sbr.rel @p0 .LBB2_2-.Ltmp0, $4  }
0x69: {  	[tilespmem:s2+$0x14AA0] =	vst v1;
	v1 =	vld [tilespmem:s2+$0x34B0]  }
0x6a: {  	[tilespmem:s2+$0x14AB0] =	vst v2;
	v2 =	vld [tilespmem:s2+$0x4D80]  }
0x6b: {  	[tilespmem:s2+$0x16680] =	vst v3;
	v3 =	vld [tilespmem:s2+$0x4D90]  }
0x6c: {  	s0 =	sshra.s32 s6, $0x2;
	s6 =	sadd.s32 $0x200, s6;
	[tilespmem:s2+$0x16690] =	vst v4;
	v4 =	vld [tilespmem:s2+$0x4DA0]  }
0x6d: {  	v5 =	vld [tilespmem:s0+$0x4DB0];
	[tilespmem:s2+$0x166A0] =	vst v0  }
0x6e: {  	v0 =	vld [tilespmem:s0+$0x280];
	[tilespmem:s2+$0x166B0] =	vst v1  }
0x6f: {  	v1 =	vld [tilespmem:s0+$0x290];
	[tilespmem:s2+$0x18280] =	vst v2  }
0x70: {  	v2 =	vld [tilespmem:s0+$0x2A0];
	[tilespmem:s2+$0x18290] =	vst v3  }
0x71: {  	v3 =	vld [tilespmem:s0+$0x2B0];
	[tilespmem:s2+$0x182A0] =	vst v4  }
0x72: {  	v4 =	vld [tilespmem:s0+$0x1B80];
	[tilespmem:s0+$0x182B0] =	vst v5  }
0x73: {  	[tilespmem:s0+$0x12E80] =	vst v0;
	v0 =	vld [tilespmem:s0+$0x1B90]  }
0x74: {  	[tilespmem:s0+$0x12E90] =	vst v1;
	v1 =	vld [tilespmem:s0+$0x1BA0]  }
0x75: {  	[tilespmem:s0+$0x12EA0] =	vst v2;
	v2 =	vld [tilespmem:s0+$0x1BB0]  }
0x76: {  	[tilespmem:s0+$0x12EB0] =	vst v3;
	v3 =	vld [tilespmem:s0+$0x3480]  }
0x77: {  	[tilespmem:s0+$0x14A80] =	vst v4;
	v4 =	vld [tilespmem:s0+$0x3490]  }
0x78: {  	[tilespmem:s0+$0x14A90] =	vst v0;
	v0 =	vld [tilespmem:s0+$0x34A0]  }
0x79: {  	[tilespmem:s0+$0x14AA0] =	vst v1;
	v1 =	vld [tilespmem:s0+$0x34B0]  }
0x7a: {  	[tilespmem:s0+$0x14AB0] =	vst v2;
	v2 =	vld [tilespmem:s0+$0x4D80]  }
0x7b: {  	[tilespmem:s0+$0x16680] =	vst v3;
	v3 =	vld [tilespmem:s0+$0x4D90]  }
0x7c: {  	[tilespmem:s0+$0x16690] =	vst v4;
	v4 =	vld [tilespmem:s0+$0x4DA0]  }
0x7d: {  	[tilespmem:s0+$0x166A0] =	vst v0  }
0x7e: {  	[tilespmem:s0+$0x166B0] =	vst v1  }
0x7f: {  	[tilespmem:s0+$0x18280] =	vst v2  }
0x80: {  	s23 =	rddreg [dreg:$0x4];
	[tilespmem:s0+$0x18290] =	vst v3  }
0x81: {  	s6 =	rddreg [dreg:$0x1e];
	[tilespmem:s0+$0x182A0] =	vst v4;
	s0 =	simm.s32 $0x0  }
0x82: {  	[hbm4b:s23+s0] =	stream.linear.scatter [tilespmem:s24], [sflag:$0x7], $0x1900, $0x38;
	[tilespmem:$0x19E80] =	vst v63  }
0x83: {  	s7 =	rddreg [dreg:$0x1f]  }
0x84: {  	[hbm4b:s6+s0] =	stream.linear.scatter [tilespmem:s25], [sflag:$0x7], $0x1900, $0x38;
	[tilespmem:$0x19E80] =	vst v63  }
0x85: {  	s14 =	sld [smem:$0x7F2]  }
0x86: {  	[hbm4b:s7+s0] =	stream.linear.scatter [tilespmem:s26], [sflag:$0x7], $0x1900, $0x38;
	[tilespmem:$0x19E80] =	vst v63  }
0x87: {  	_ = 	snop  }
0x88: {  	[hbm4b:s14+s0] =	stream.linear.scatter [tilespmem:s28], [sflag:$0x7], $0x1900, $0x38;
	[tilespmem:$0x19E80] =	vst v63  }
0x89: {  	_ =	swait.ge [sflag:s29], $0x6400  }
0x8a: {  	s18 =	sld [smem:$0x7F3]  }
0x8b: {  	[sflag:s29] =	ssyncset.done $0x0  }
0x8c: {  	[sflag:s29] =	ssyncadd.s32 $0xFFFF9C00  }
0x8d: {  	[tilespmem:s15], [sflag:$0x2] =	stream.linear.gather [hbm4b:s18+s0], $0xC8, $0x38;
	[tilespmem:$0x19E80] =	vst v63  }
0x8e: {  	_ =	swait.ge [sflag:s17], $0xC8  }
0x8f: {  	[sflag:s17] =	ssyncset.done $0x0  }
0x90: {  	s23 =	simm.s32 $0x280;
	[sflag:s17] =	ssyncadd.s32 $0xFFFFFF38  }
0x91: {  	[tilespmem:s23], [sflag:$0x4] =	stream.indirect.gather [hbm4b:s4+s15], $0x80, s0, s15, $0xb8;
	[tilespmem:$0x19E80] =	vst v63  }
0x92: {  	_ =	swait.ge [sflag:s30], $0x1900  }
0x93: {  	[sflag:s30] =	ssyncset.done $0x0  }
0x94: {  	[sflag:s30] =	ssyncadd.s32 $0xFFFFE700  }
0x95: {  	_ =	swait.ge [sflag:s30], $0x1900  }
0x96: {  	[sflag:s30] =	ssyncset.done $0x0  }
0x97: {  	[sflag:s30] =	ssyncadd.s32 $0xFFFFE700  }
0x98: {  	_ =	swait.ge [sflag:s30], $0x1900  }
0x99: {  	[sflag:s30] =	ssyncset.done $0x0  }
0x9a: {  	[sflag:s30] =	ssyncadd.s32 $0xFFFFE700  }
0x9b: {  	_ =	swait.ge [sflag:s30], $0x1900  }
0x9c: {  	[sflag:s30] =	ssyncset.done $0x0  }
0x9d: {  	s2 =	simm.s32 $0x0;
	[sflag:s30] =	ssyncadd.s32 $0xFFFFE700  }
0x9e: {  	v0 =	vld [tilespmem:s2+$0xB1B0]  }
0x9f: {  	v1 =	vld [tilespmem:s2+$0x6680]  }
0xa0: {  	v2 =	vld [tilespmem:s2+$0x6690]  }
0xa1: {  	v3 =	vld [tilespmem:s2+$0x66A0]  }
0xa2: {  	v4 =	vld [tilespmem:s2+$0x66B0]  }
0xa3: {  	v5 =	vld [tilespmem:s2+$0x7F80];
	[tilespmem:s2+$0x182B0] =	vst v0  }
0xa4: {  	[tilespmem:s2+$0x12E80] =	vst v1;
	v0 =	vld [tilespmem:s2+$0x7F90]  }
0xa5: {  	[tilespmem:s2+$0x12E90] =	vst v2;
	v1 =	vld [tilespmem:s2+$0x7FA0]  }
0xa6: {  	[tilespmem:s2+$0x12EA0] =	vst v3;
	v2 =	vld [tilespmem:s2+$0x7FB0]  }
0xa7: {  	[tilespmem:s2+$0x12EB0] =	vst v4;
	v3 =	vld [tilespmem:s2+$0x9880]  }
0xa8: {  	[tilespmem:s2+$0x14A80] =	vst v5;
	v4 =	vld [tilespmem:s2+$0x9890]  }
0xa9: {  	[tilespmem:s2+$0x14A90] =	vst v0;
	v0 =	vld [tilespmem:s2+$0x98A0]  }
0xaa: {  	[tilespmem:s2+$0x14AA0] =	vst v1;
	v1 =	vld [tilespmem:s2+$0x98B0]  }
0xab: {  	[tilespmem:s2+$0x14AB0] =	vst v2;
	v2 =	vld [tilespmem:s2+$0xB180]  }
0xac: {  	[tilespmem:s2+$0x16680] =	vst v3;
	v3 =	vld [tilespmem:s2+$0xB190]  }
0xad: {  	s6 =	simm.s32 $0x400;
	s0 =	simm.s32 $0x80;
	[tilespmem:s2+$0x16690] =	vst v4;
	v4 =	vld [tilespmem:s2+$0xB1A0]  }
.LBB2_4:
0xae: {  	p0 =	sne.s32 s6, $0x6200;
	v5 =	vld [tilespmem:s0+$0xB1B0];
	[tilespmem:s2+$0x166A0] =	vst v0  }
0xaf: {  	v0 =	vld [tilespmem:s0+$0x6680];
	[tilespmem:s2+$0x166B0] =	vst v1  }
0xb0: {  	v1 =	vld [tilespmem:s0+$0x6690];
	[tilespmem:s2+$0x18280] =	vst v2  }
0xb1: {  	v2 =	vld [tilespmem:s0+$0x66A0];
	[tilespmem:s2+$0x18290] =	vst v3  }
0xb2: {  	v3 =	vld [tilespmem:s0+$0x66B0];
	[tilespmem:s2+$0x182A0] =	vst v4;
	s2 =	smov.u32 s0  }
0xb3: {  	v4 =	vld [tilespmem:s2+$0x7F80];
	[tilespmem:s2+$0x182B0] =	vst v5  }
0xb4: {  	[tilespmem:s2+$0x12E80] =	vst v0;
	v0 =	vld [tilespmem:s2+$0x7F90]  }
0xb5: {  	[tilespmem:s2+$0x12E90] =	vst v1;
	v1 =	vld [tilespmem:s2+$0x7FA0]  }
0xb6: {  	[tilespmem:s2+$0x12EA0] =	vst v2;
	v2 =	vld [tilespmem:s2+$0x7FB0]  }
0xb7: {  	[tilespmem:s2+$0x12EB0] =	vst v3;
	v3 =	vld [tilespmem:s2+$0x9880]  }
0xb8: {  	[tilespmem:s2+$0x14A80] =	vst v4;
	v4 =	vld [tilespmem:s2+$0x9890]  }
.Ltmp1:
0xb9: {  	[tilespmem:s2+$0x14A90] =	vst v0;
	v0 =	vld [tilespmem:s2+$0x98A0];
	(pc) =	sbr.rel @p0 .LBB2_4-.Ltmp1, $4  }
0xba: {  	[tilespmem:s2+$0x14AA0] =	vst v1;
	v1 =	vld [tilespmem:s2+$0x98B0]  }
0xbb: {  	[tilespmem:s2+$0x14AB0] =	vst v2;
	v2 =	vld [tilespmem:s2+$0xB180]  }
0xbc: {  	[tilespmem:s2+$0x16680] =	vst v3;
	v3 =	vld [tilespmem:s2+$0xB190]  }
0xbd: {  	s0 =	sshra.s32 s6, $0x2;
	s6 =	sadd.s32 $0x200, s6;
	[tilespmem:s2+$0x16690] =	vst v4;
	v4 =	vld [tilespmem:s2+$0xB1A0]  }
0xbe: {  	v5 =	vld [tilespmem:s0+$0xB1B0];
	[tilespmem:s2+$0x166A0] =	vst v0  }
0xbf: {  	v0 =	vld [tilespmem:s0+$0x6680];
	[tilespmem:s2+$0x166B0] =	vst v1  }
0xc0: {  	v1 =	vld [tilespmem:s0+$0x6690];
	[tilespmem:s2+$0x18280] =	vst v2  }
0xc1: {  	v2 =	vld [tilespmem:s0+$0x66A0];
	[tilespmem:s2+$0x18290] =	vst v3  }
0xc2: {  	v3 =	vld [tilespmem:s0+$0x66B0];
	[tilespmem:s2+$0x182A0] =	vst v4  }
0xc3: {  	v4 =	vld [tilespmem:s0+$0x7F80];
	[tilespmem:s0+$0x182B0] =	vst v5  }
0xc4: {  	[tilespmem:s0+$0x12E80] =	vst v0;
	v0 =	vld [tilespmem:s0+$0x7F90]  }
0xc5: {  	[tilespmem:s0+$0x12E90] =	vst v1;
	v1 =	vld [tilespmem:s0+$0x7FA0]  }
0xc6: {  	[tilespmem:s0+$0x12EA0] =	vst v2;
	v2 =	vld [tilespmem:s0+$0x7FB0]  }
0xc7: {  	[tilespmem:s0+$0x12EB0] =	vst v3;
	v3 =	vld [tilespmem:s0+$0x9880]  }
0xc8: {  	[tilespmem:s0+$0x14A80] =	vst v4;
	v4 =	vld [tilespmem:s0+$0x9890]  }
0xc9: {  	[tilespmem:s0+$0x14A90] =	vst v0;
	v0 =	vld [tilespmem:s0+$0x98A0]  }
0xca: {  	[tilespmem:s0+$0x14AA0] =	vst v1;
	v1 =	vld [tilespmem:s0+$0x98B0]  }
0xcb: {  	[tilespmem:s0+$0x14AB0] =	vst v2;
	v2 =	vld [tilespmem:s0+$0xB180]  }
0xcc: {  	[tilespmem:s0+$0x16680] =	vst v3;
	v3 =	vld [tilespmem:s0+$0xB190]  }
0xcd: {  	[tilespmem:s0+$0x16690] =	vst v4;
	v4 =	vld [tilespmem:s0+$0xB1A0]  }
0xce: {  	[tilespmem:s0+$0x166A0] =	vst v0  }
0xcf: {  	[tilespmem:s0+$0x166B0] =	vst v1  }
0xd0: {  	s6 =	sld [smem:$0x7F4];
	[tilespmem:s0+$0x18280] =	vst v2  }
0xd1: {  	[tilespmem:s0+$0x18290] =	vst v3  }
0xd2: {  	s7 =	sld [smem:$0x7F5];
	[tilespmem:s0+$0x182A0] =	vst v4;
	s0 =	simm.s32 $0x0  }
0xd3: {  	[hbm4b:s6+s0] =	stream.linear.scatter [tilespmem:s24], [sflag:$0x7], $0x1900, $0x38;
	[tilespmem:$0x19E80] =	vst v63  }
0xd4: {  	s14 =	sld [smem:$0x7F6]  }
0xd5: {  	[hbm4b:s7+s0] =	stream.linear.scatter [tilespmem:s25], [sflag:$0x7], $0x1900, $0x38;
	[tilespmem:$0x19E80] =	vst v63  }
0xd6: {  	s18 =	sld [smem:$0x7F7]  }
0xd7: {  	[hbm4b:s14+s0] =	stream.linear.scatter [tilespmem:s26], [sflag:$0x7], $0x1900, $0x38;
	[tilespmem:$0x19E80] =	vst v63  }
0xd8: {  	_ = 	snop  }
0xd9: {  	[hbm4b:s18+s0] =	stream.linear.scatter [tilespmem:s28], [sflag:$0x7], $0x1900, $0x38;
	[tilespmem:$0x19E80] =	vst v63  }
0xda: {  	_ =	swait.ge [sflag:s31], $0x6400  }
0xdb: {  	s23 =	sld [smem:$0x7F8]  }
0xdc: {  	[sflag:s31] =	ssyncset.done $0x0  }
0xdd: {  	[sflag:s31] =	ssyncadd.s32 $0xFFFF9C00  }
0xde: {  	[tilespmem:s16], [sflag:$0x3] =	stream.linear.gather [hbm4b:s23+s0], $0xC8, $0x38;
	[tilespmem:$0x19E80] =	vst v63  }
0xdf: {  	_ =	swait.ge [sflag:s19], $0xC8  }
0xe0: {  	[sflag:s19] =	ssyncset.done $0x0  }
0xe1: {  	[sflag:s19] =	ssyncadd.s32 $0xFFFFFF38  }
0xe2: {  	[tilespmem:s20], [sflag:$0x5] =	stream.indirect.gather [hbm4b:s4+s15], $0x80, s15, s15, $0xb8;
	[tilespmem:$0x19E80] =	vst v63  }
0xe3: {  	_ =	swait.ge [sflag:s30], $0x1900  }
0xe4: {  	[sflag:s30] =	ssyncset.done $0x0  }
0xe5: {  	[sflag:s30] =	ssyncadd.s32 $0xFFFFE700  }
0xe6: {  	_ =	swait.ge [sflag:s30], $0x1900  }
0xe7: {  	[sflag:s30] =	ssyncset.done $0x0  }
0xe8: {  	[sflag:s30] =	ssyncadd.s32 $0xFFFFE700  }
0xe9: {  	_ =	swait.ge [sflag:s30], $0x1900  }
0xea: {  	[sflag:s30] =	ssyncset.done $0x0  }
0xeb: {  	[sflag:s30] =	ssyncadd.s32 $0xFFFFE700  }
0xec: {  	_ =	swait.ge [sflag:s30], $0x1900  }
0xed: {  	[sflag:s30] =	ssyncset.done $0x0  }
0xee: {  	s2 =	simm.s32 $0x0;
	[sflag:s30] =	ssyncadd.s32 $0xFFFFE700  }
0xef: {  	v0 =	vld [tilespmem:s2+$0x115B0]  }
0xf0: {  	v1 =	vld [tilespmem:s2+$0xCA80]  }
0xf1: {  	v2 =	vld [tilespmem:s2+$0xCA90]  }
0xf2: {  	v3 =	vld [tilespmem:s2+$0xCAA0]  }
0xf3: {  	v4 =	vld [tilespmem:s2+$0xCAB0]  }
0xf4: {  	v5 =	vld [tilespmem:s2+$0xE380];
	[tilespmem:s2+$0x182B0] =	vst v0  }
0xf5: {  	[tilespmem:s2+$0x12E80] =	vst v1;
	v0 =	vld [tilespmem:s2+$0xE390]  }
0xf6: {  	[tilespmem:s2+$0x12E90] =	vst v2;
	v1 =	vld [tilespmem:s2+$0xE3A0]  }
0xf7: {  	[tilespmem:s2+$0x12EA0] =	vst v3;
	v2 =	vld [tilespmem:s2+$0xE3B0]  }
0xf8: {  	[tilespmem:s2+$0x12EB0] =	vst v4;
	v3 =	vld [tilespmem:s2+$0xFC80]  }
0xf9: {  	[tilespmem:s2+$0x14A80] =	vst v5;
	v4 =	vld [tilespmem:s2+$0xFC90]  }
0xfa: {  	[tilespmem:s2+$0x14A90] =	vst v0;
	v0 =	vld [tilespmem:s2+$0xFCA0]  }
0xfb: {  	[tilespmem:s2+$0x14AA0] =	vst v1;
	v1 =	vld [tilespmem:s2+$0xFCB0]  }
0xfc: {  	[tilespmem:s2+$0x14AB0] =	vst v2;
	v2 =	vld [tilespmem:s2+$0x11580]  }
0xfd: {  	[tilespmem:s2+$0x16680] =	vst v3;
	v3 =	vld [tilespmem:s2+$0x11590]  }
0xfe: {  	s6 =	simm.s32 $0x400;
	s0 =	simm.s32 $0x80;
	[tilespmem:s2+$0x16690] =	vst v4;
	v4 =	vld [tilespmem:s2+$0x115A0]  }
.LBB2_6:
0xff: {  	p0 =	sne.s32 s6, $0x6200;
	v5 =	vld [tilespmem:s0+$0x115B0];
	[tilespmem:s2+$0x166A0] =	vst v0  }
0x100: {  	v0 =	vld [tilespmem:s0+$0xCA80];
	[tilespmem:s2+$0x166B0] =	vst v1  }
0x101: {  	v1 =	vld [tilespmem:s0+$0xCA90];
	[tilespmem:s2+$0x18280] =	vst v2  }
0x102: {  	v2 =	vld [tilespmem:s0+$0xCAA0];
	[tilespmem:s2+$0x18290] =	vst v3  }
0x103: {  	v3 =	vld [tilespmem:s0+$0xCAB0];
	[tilespmem:s2+$0x182A0] =	vst v4;
	s2 =	smov.u32 s0  }
0x104: {  	v4 =	vld [tilespmem:s2+$0xE380];
	[tilespmem:s2+$0x182B0] =	vst v5  }
0x105: {  	[tilespmem:s2+$0x12E80] =	vst v0;
	v0 =	vld [tilespmem:s2+$0xE390]  }
0x106: {  	[tilespmem:s2+$0x12E90] =	vst v1;
	v1 =	vld [tilespmem:s2+$0xE3A0]  }
0x107: {  	[tilespmem:s2+$0x12EA0] =	vst v2;
	v2 =	vld [tilespmem:s2+$0xE3B0]  }
0x108: {  	[tilespmem:s2+$0x12EB0] =	vst v3;
	v3 =	vld [tilespmem:s2+$0xFC80]  }
0x109: {  	[tilespmem:s2+$0x14A80] =	vst v4;
	v4 =	vld [tilespmem:s2+$0xFC90]  }
.Ltmp2:
0x10a: {  	[tilespmem:s2+$0x14A90] =	vst v0;
	v0 =	vld [tilespmem:s2+$0xFCA0];
	(pc) =	sbr.rel @p0 .LBB2_6-.Ltmp2, $4  }
0x10b: {  	[tilespmem:s2+$0x14AA0] =	vst v1;
	v1 =	vld [tilespmem:s2+$0xFCB0]  }
0x10c: {  	[tilespmem:s2+$0x14AB0] =	vst v2;
	v2 =	vld [tilespmem:s2+$0x11580]  }
0x10d: {  	[tilespmem:s2+$0x16680] =	vst v3;
	v3 =	vld [tilespmem:s2+$0x11590]  }
0x10e: {  	s0 =	sshra.s32 s6, $0x2;
	s6 =	sadd.s32 $0x200, s6;
	[tilespmem:s2+$0x16690] =	vst v4;
	v4 =	vld [tilespmem:s2+$0x115A0]  }
0x10f: {  	v5 =	vld [tilespmem:s0+$0x115B0];
	[tilespmem:s2+$0x166A0] =	vst v0  }
0x110: {  	v0 =	vld [tilespmem:s0+$0xCA80];
	[tilespmem:s2+$0x166B0] =	vst v1  }
0x111: {  	v1 =	vld [tilespmem:s0+$0xCA90];
	[tilespmem:s2+$0x18280] =	vst v2  }
0x112: {  	v2 =	vld [tilespmem:s0+$0xCAA0];
	[tilespmem:s2+$0x18290] =	vst v3  }
0x113: {  	v3 =	vld [tilespmem:s0+$0xCAB0];
	[tilespmem:s2+$0x182A0] =	vst v4  }
0x114: {  	v4 =	vld [tilespmem:s0+$0xE380];
	[tilespmem:s0+$0x182B0] =	vst v5  }
0x115: {  	v54 =	vld [tilespmem:s0+$0xE390];
	[tilespmem:s0+$0x12E80] =	vst v0  }
0x116: {  	v55 =	vld [tilespmem:s0+$0xE3A0];
	[tilespmem:s0+$0x12E90] =	vst v1  }
0x117: {  	v56 =	vld [tilespmem:s0+$0xE3B0];
	[tilespmem:s0+$0x12EA0] =	vst v2  }
0x118: {  	v57 =	vld [tilespmem:s0+$0xFC80];
	[tilespmem:s0+$0x12EB0] =	vst v3  }
0x119: {  	v58 =	vld [tilespmem:s0+$0xFC90];
	[tilespmem:s0+$0x14A80] =	vst v4  }
0x11a: {  	v59 =	vld [tilespmem:s0+$0xFCA0];
	[tilespmem:s0+$0x14A90] =	vst v54  }
0x11b: {  	v60 =	vld [tilespmem:s0+$0xFCB0];
	[tilespmem:s0+$0x14AA0] =	vst v55  }
0x11c: {  	v61 =	vld [tilespmem:s0+$0x11580];
	[tilespmem:s0+$0x14AB0] =	vst v56  }
0x11d: {  	v62 =	vld [tilespmem:s0+$0x11590];
	[tilespmem:s0+$0x16680] =	vst v57  }
0x11e: {  	v63 =	vld [tilespmem:s0+$0x115A0];
	[tilespmem:s0+$0x16690] =	vst v58  }
0x11f: {  	[tilespmem:s0+$0x166A0] =	vst v59  }
0x120: {  	[tilespmem:s0+$0x166B0] =	vst v60  }
0x121: {  	s7 =	sld [smem:$0x7F9];
	[tilespmem:s0+$0x18280] =	vst v61  }
0x122: {  	[tilespmem:s0+$0x18290] =	vst v62  }
0x123: {  	s14 =	sld [smem:$0x7FA];
	s2 =	simm.s32 $0x0;
	[tilespmem:s0+$0x182A0] =	vst v63  }
0x124: {  	[hbm4b:s7+s2] =	stream.linear.scatter [tilespmem:s24], [sflag:$0x7], $0x1900, $0x38;
	[tilespmem:$0x19E80] =	vst v63  }
0x125: {  	s18 =	sld [smem:$0x7FB]  }
0x126: {  	[hbm4b:s14+s2] =	stream.linear.scatter [tilespmem:s25], [sflag:$0x7], $0x1900, $0x38;
	[tilespmem:$0x19E80] =	vst v63  }
0x127: {  	s23 =	sld [smem:$0x7FC]  }
0x128: {  	[hbm4b:s18+s2] =	stream.linear.scatter [tilespmem:s26], [sflag:$0x7], $0x1900, $0x38;
	[tilespmem:$0x19E80] =	vst v63  }
0x129: {  	s14 =	simm.s32 $0x0  }
0x12a: {  	[hbm4b:s23+s2] =	stream.linear.scatter [tilespmem:s28], [sflag:$0x7], $0x1900, $0x38;
	[tilespmem:$0x19E80] =	vst v63  }
.LBB2_8:
0x12b: {  	s6 =	smul.u32 $0x258, s14;
	_ =	sdelay $0x1  }
0x12c: {  	_ =	swait.ge [sflag:s21], $0x6400;
	s0 =	sadd.s32 s6, s8  }
0x12d: {  	[sflag:s21] =	ssyncset.done $0x0;
	s0 =	sshrl.u32 s0, $0x3  }
0x12e: {  	[sflag:s21] =	ssyncadd.s32 $0xFFFF9C00;
	s0 =	sadd.s32 s1, s0  }
0x12f: {  	[tilespmem:s2], [sflag:$0x1] =	stream.linear.gather [hbm4b:s0+s2], $0xC8, $0x38;
	[tilespmem:$0x19E80] =	vst v63  }
0x130: {  	_ =	swait.ge [sflag:s22], $0xC8  }
0x131: {  	[sflag:s22] =	ssyncset.done $0x0  }
0x132: {  	s23 =	simm.s32 $0xCA80;
	[sflag:s22] =	ssyncadd.s32 $0xFFFFFF38  }
0x133: {  	[tilespmem:s23], [sflag:$0x6] =	stream.indirect.gather [hbm4b:s4+s15], $0x80, s16, s15, $0xb8;
	[tilespmem:$0x19E80] =	vst v63  }
0x134: {  	_ =	swait.ge [sflag:s30], $0x1900  }
0x135: {  	[sflag:s30] =	ssyncset.done $0x0  }
0x136: {  	[sflag:s30] =	ssyncadd.s32 $0xFFFFE700  }
0x137: {  	_ =	swait.ge [sflag:s30], $0x1900  }
0x138: {  	[sflag:s30] =	ssyncset.done $0x0  }
0x139: {  	[sflag:s30] =	ssyncadd.s32 $0xFFFFE700  }
0x13a: {  	_ =	swait.ge [sflag:s30], $0x1900  }
0x13b: {  	[sflag:s30] =	ssyncset.done $0x0  }
0x13c: {  	[sflag:s30] =	ssyncadd.s32 $0xFFFFE700  }
0x13d: {  	_ =	swait.ge [sflag:s30], $0x1900  }
0x13e: {  	[sflag:s30] =	ssyncset.done $0x0  }
0x13f: {  	s7 =	simm.s32 $0x0;
	[sflag:s30] =	ssyncadd.s32 $0xFFFFE700  }
0x140: {  	v0 =	vld [tilespmem:s7+$0x4DB0]  }
0x141: {  	v1 =	vld [tilespmem:s7+$0x280]  }
0x142: {  	v2 =	vld [tilespmem:s7+$0x290]  }
0x143: {  	v3 =	vld [tilespmem:s7+$0x2A0]  }
0x144: {  	v4 =	vld [tilespmem:s7+$0x2B0]  }
0x145: {  	v5 =	vld [tilespmem:s7+$0x1B80];
	[tilespmem:s7+$0x182B0] =	vst v0  }
0x146: {  	[tilespmem:s7+$0x12E80] =	vst v1;
	v0 =	vld [tilespmem:s7+$0x1B90]  }
0x147: {  	[tilespmem:s7+$0x12E90] =	vst v2;
	v1 =	vld [tilespmem:s7+$0x1BA0]  }
0x148: {  	[tilespmem:s7+$0x12EA0] =	vst v3;
	v2 =	vld [tilespmem:s7+$0x1BB0]  }
0x149: {  	[tilespmem:s7+$0x12EB0] =	vst v4;
	v3 =	vld [tilespmem:s7+$0x3480]  }
0x14a: {  	[tilespmem:s7+$0x14A80] =	vst v5;
	v4 =	vld [tilespmem:s7+$0x3490]  }
0x14b: {  	[tilespmem:s7+$0x14A90] =	vst v0;
	v0 =	vld [tilespmem:s7+$0x34A0]  }
0x14c: {  	[tilespmem:s7+$0x14AA0] =	vst v1;
	v1 =	vld [tilespmem:s7+$0x34B0]  }
0x14d: {  	[tilespmem:s7+$0x14AB0] =	vst v2;
	v2 =	vld [tilespmem:s7+$0x4D80]  }
0x14e: {  	[tilespmem:s7+$0x16680] =	vst v3;
	v3 =	vld [tilespmem:s7+$0x4D90]  }
0x14f: {  	s0 =	simm.s32 $0x80;
	s23 =	simm.s32 $0x400;
	[tilespmem:s7+$0x16690] =	vst v4;
	v4 =	vld [tilespmem:s7+$0x4DA0]  }
.LBB2_9:
0x150: {  	p0 =	sne.s32 s23, $0x6200;
	v5 =	vld [tilespmem:s0+$0x4DB0];
	[tilespmem:s7+$0x166A0] =	vst v0  }
0x151: {  	v0 =	vld [tilespmem:s0+$0x280];
	[tilespmem:s7+$0x166B0] =	vst v1  }
0x152: {  	v1 =	vld [tilespmem:s0+$0x290];
	[tilespmem:s7+$0x18280] =	vst v2  }
0x153: {  	v2 =	vld [tilespmem:s0+$0x2A0];
	[tilespmem:s7+$0x18290] =	vst v3  }
0x154: {  	v3 =	vld [tilespmem:s0+$0x2B0];
	[tilespmem:s7+$0x182A0] =	vst v4;
	s7 =	smov.u32 s0  }
0x155: {  	v4 =	vld [tilespmem:s7+$0x1B80];
	[tilespmem:s7+$0x182B0] =	vst v5  }
0x156: {  	[tilespmem:s7+$0x12E80] =	vst v0;
	v0 =	vld [tilespmem:s7+$0x1B90]  }
0x157: {  	[tilespmem:s7+$0x12E90] =	vst v1;
	v1 =	vld [tilespmem:s7+$0x1BA0]  }
0x158: {  	[tilespmem:s7+$0x12EA0] =	vst v2;
	v2 =	vld [tilespmem:s7+$0x1BB0]  }
0x159: {  	[tilespmem:s7+$0x12EB0] =	vst v3;
	v3 =	vld [tilespmem:s7+$0x3480]  }
0x15a: {  	[tilespmem:s7+$0x14A80] =	vst v4;
	v4 =	vld [tilespmem:s7+$0x3490]  }
.Ltmp3:
0x15b: {  	[tilespmem:s7+$0x14A90] =	vst v0;
	v0 =	vld [tilespmem:s7+$0x34A0];
	(pc) =	sbr.rel @p0 .LBB2_9-.Ltmp3, $4  }
0x15c: {  	[tilespmem:s7+$0x14AA0] =	vst v1;
	v1 =	vld [tilespmem:s7+$0x34B0]  }
0x15d: {  	[tilespmem:s7+$0x14AB0] =	vst v2;
	v2 =	vld [tilespmem:s7+$0x4D80]  }
0x15e: {  	[tilespmem:s7+$0x16680] =	vst v3;
	v3 =	vld [tilespmem:s7+$0x4D90]  }
0x15f: {  	s0 =	sshra.s32 s23, $0x2;
	s23 =	sadd.s32 $0x200, s23;
	[tilespmem:s7+$0x16690] =	vst v4;
	v4 =	vld [tilespmem:s7+$0x4DA0]  }
0x160: {  	v5 =	vld [tilespmem:s0+$0x4DB0];
	[tilespmem:s7+$0x166A0] =	vst v0  }
0x161: {  	v0 =	vld [tilespmem:s0+$0x280];
	[tilespmem:s7+$0x166B0] =	vst v1  }
0x162: {  	v1 =	vld [tilespmem:s0+$0x290];
	[tilespmem:s7+$0x18280] =	vst v2  }
0x163: {  	v2 =	vld [tilespmem:s0+$0x2A0];
	[tilespmem:s7+$0x18290] =	vst v3  }
0x164: {  	v3 =	vld [tilespmem:s0+$0x2B0];
	[tilespmem:s7+$0x182A0] =	vst v4  }
0x165: {  	v4 =	vld [tilespmem:s0+$0x1B80];
	[tilespmem:s0+$0x182B0] =	vst v5  }
0x166: {  	[tilespmem:s0+$0x12E80] =	vst v0;
	v0 =	vld [tilespmem:s0+$0x1B90]  }
0x167: {  	[tilespmem:s0+$0x12E90] =	vst v1;
	v1 =	vld [tilespmem:s0+$0x1BA0]  }
0x168: {  	[tilespmem:s0+$0x12EA0] =	vst v2;
	v2 =	vld [tilespmem:s0+$0x1BB0]  }
0x169: {  	[tilespmem:s0+$0x12EB0] =	vst v3;
	v3 =	vld [tilespmem:s0+$0x3480]  }
0x16a: {  	[tilespmem:s0+$0x14A80] =	vst v4;
	v4 =	vld [tilespmem:s0+$0x3490]  }
0x16b: {  	[tilespmem:s0+$0x14A90] =	vst v0;
	v0 =	vld [tilespmem:s0+$0x34A0]  }
0x16c: {  	[tilespmem:s0+$0x14AA0] =	vst v1;
	v1 =	vld [tilespmem:s0+$0x34B0]  }
0x16d: {  	[tilespmem:s0+$0x14AB0] =	vst v2;
	v2 =	vld [tilespmem:s0+$0x4D80]  }
0x16e: {  	s7 =	smul.u32 $0xC, s14;
	[tilespmem:s0+$0x16680] =	vst v3;
	v3 =	vld [tilespmem:s0+$0x4D90]  }
0x16f: {  	[tilespmem:s0+$0x16690] =	vst v4;
	v4 =	vld [tilespmem:s0+$0x4DA0]  }
0x170: {  	s18 =	sadd.s32 s7, s9;
	[tilespmem:s0+$0x166A0] =	vst v0  }
0x171: {  	s23 =	smul.u32 $0x380, s18;
	[tilespmem:s0+$0x166B0] =	vst v1  }
0x172: {  	s18 =	smul.u32 $0x1C00, s18;
	[tilespmem:s0+$0x18280] =	vst v2  }
0x173: {  	[tilespmem:s0+$0x18290] =	vst v3  }
0x174: {  	s18 =	sshrl.u32 s18, $0x3;
	[tilespmem:s0+$0x182A0] =	vst v4;
	s0 =	sadd.s32 s5, s23;
	s23 =	simm.s32 $0x0  }
0x175: {  	[hbm4b:s0+s23] =	stream.linear.scatter [tilespmem:s24], [sflag:$0x7], $0x1900, $0x38;
	[tilespmem:$0x19E80] =	vst v63  }
0x176: {  	s0 =	sadd.s32 s5, s18  }
0x177: {  	s18 =	sadd.s32 $0x380, s0  }
0x178: {  	[hbm4b:s18+s23] =	stream.linear.scatter [tilespmem:s25], [sflag:$0x7], $0x1900, $0x38;
	[tilespmem:$0x19E80] =	vst v63  }
0x179: {  	s18 =	sadd.s32 $0x700, s0  }
0x17a: {  	[hbm4b:s18+s23] =	stream.linear.scatter [tilespmem:s26], [sflag:$0x7], $0x1900, $0x38;
	[tilespmem:$0x19E80] =	vst v63  }
0x17b: {  	s0 =	sadd.s32 $0xA80, s0  }
0x17c: {  	[hbm4b:s0+s23] =	stream.linear.scatter [tilespmem:s28], [sflag:$0x7], $0x1900, $0x38;
	[tilespmem:$0x19E80] =	vst v63  }
0x17d: {  	s18 =	sadd.s32 s6, s10;
	_ =	swait.ge [sflag:s29], $0x6400  }
0x17e: {  	s0 =	sshrl.u32 s18, $0x3;
	[sflag:s29] =	ssyncset.done $0x0  }
0x17f: {  	s0 =	sadd.s32 s1, s0;
	[sflag:s29] =	ssyncadd.s32 $0xFFFF9C00  }
0x180: {  	[tilespmem:s15], [sflag:$0x2] =	stream.linear.gather [hbm4b:s0+s23], $0xC8, $0x38;
	[tilespmem:$0x19E80] =	vst v63  }
0x181: {  	_ =	swait.ge [sflag:s17], $0xC8  }
0x182: {  	[sflag:s17] =	ssyncset.done $0x0  }
0x183: {  	s18 =	simm.s32 $0x280;
	[sflag:s17] =	ssyncadd.s32 $0xFFFFFF38  }
0x184: {  	[tilespmem:s18], [sflag:$0x4] =	stream.indirect.gather [hbm4b:s4+s15], $0x80, s23, s15, $0xb8;
	[tilespmem:$0x19E80] =	vst v63  }
0x185: {  	_ =	swait.ge [sflag:s30], $0x1900  }
0x186: {  	[sflag:s30] =	ssyncset.done $0x0  }
0x187: {  	[sflag:s30] =	ssyncadd.s32 $0xFFFFE700  }
0x188: {  	_ =	swait.ge [sflag:s30], $0x1900  }
0x189: {  	[sflag:s30] =	ssyncset.done $0x0  }
0x18a: {  	[sflag:s30] =	ssyncadd.s32 $0xFFFFE700  }
0x18b: {  	_ =	swait.ge [sflag:s30], $0x1900  }
0x18c: {  	[sflag:s30] =	ssyncset.done $0x0  }
0x18d: {  	[sflag:s30] =	ssyncadd.s32 $0xFFFFE700  }
0x18e: {  	_ =	swait.ge [sflag:s30], $0x1900  }
0x18f: {  	[sflag:s30] =	ssyncset.done $0x0  }
0x190: {  	s0 =	simm.s32 $0x0;
	[sflag:s30] =	ssyncadd.s32 $0xFFFFE700  }
0x191: {  	v0 =	vld [tilespmem:s0+$0xB1B0]  }
0x192: {  	v1 =	vld [tilespmem:s0+$0x6680]  }
0x193: {  	v2 =	vld [tilespmem:s0+$0x6690]  }
0x194: {  	v3 =	vld [tilespmem:s0+$0x66A0]  }
0x195: {  	v4 =	vld [tilespmem:s0+$0x66B0]  }
0x196: {  	v5 =	vld [tilespmem:s0+$0x7F80];
	[tilespmem:s0+$0x182B0] =	vst v0  }
0x197: {  	[tilespmem:s0+$0x12E80] =	vst v1;
	v0 =	vld [tilespmem:s0+$0x7F90]  }
0x198: {  	[tilespmem:s0+$0x12E90] =	vst v2;
	v1 =	vld [tilespmem:s0+$0x7FA0]  }
0x199: {  	[tilespmem:s0+$0x12EA0] =	vst v3;
	v2 =	vld [tilespmem:s0+$0x7FB0]  }
0x19a: {  	[tilespmem:s0+$0x12EB0] =	vst v4;
	v3 =	vld [tilespmem:s0+$0x9880]  }
0x19b: {  	[tilespmem:s0+$0x14A80] =	vst v5;
	v4 =	vld [tilespmem:s0+$0x9890]  }
0x19c: {  	[tilespmem:s0+$0x14A90] =	vst v0;
	v0 =	vld [tilespmem:s0+$0x98A0]  }
0x19d: {  	[tilespmem:s0+$0x14AA0] =	vst v1;
	v1 =	vld [tilespmem:s0+$0x98B0]  }
0x19e: {  	[tilespmem:s0+$0x14AB0] =	vst v2;
	v2 =	vld [tilespmem:s0+$0xB180]  }
0x19f: {  	[tilespmem:s0+$0x16680] =	vst v3;
	v3 =	vld [tilespmem:s0+$0xB190]  }
0x1a0: {  	s23 =	simm.s32 $0x80;
	s18 =	simm.s32 $0x400;
	[tilespmem:s0+$0x16690] =	vst v4;
	v4 =	vld [tilespmem:s0+$0xB1A0]  }
.LBB2_11:
0x1a1: {  	p0 =	sne.s32 s18, $0x6200;
	v5 =	vld [tilespmem:s23+$0xB1B0];
	[tilespmem:s0+$0x166A0] =	vst v0  }
0x1a2: {  	v0 =	vld [tilespmem:s23+$0x6680];
	[tilespmem:s0+$0x166B0] =	vst v1  }
0x1a3: {  	v1 =	vld [tilespmem:s23+$0x6690];
	[tilespmem:s0+$0x18280] =	vst v2  }
0x1a4: {  	v2 =	vld [tilespmem:s23+$0x66A0];
	[tilespmem:s0+$0x18290] =	vst v3  }
0x1a5: {  	v3 =	vld [tilespmem:s23+$0x66B0];
	[tilespmem:s0+$0x182A0] =	vst v4;
	s0 =	smov.u32 s23  }
0x1a6: {  	v4 =	vld [tilespmem:s0+$0x7F80];
	[tilespmem:s0+$0x182B0] =	vst v5  }
0x1a7: {  	[tilespmem:s0+$0x12E80] =	vst v0;
	v0 =	vld [tilespmem:s0+$0x7F90]  }
0x1a8: {  	[tilespmem:s0+$0x12E90] =	vst v1;
	v1 =	vld [tilespmem:s0+$0x7FA0]  }
0x1a9: {  	[tilespmem:s0+$0x12EA0] =	vst v2;
	v2 =	vld [tilespmem:s0+$0x7FB0]  }
0x1aa: {  	[tilespmem:s0+$0x12EB0] =	vst v3;
	v3 =	vld [tilespmem:s0+$0x9880]  }
0x1ab: {  	[tilespmem:s0+$0x14A80] =	vst v4;
	v4 =	vld [tilespmem:s0+$0x9890]  }
.Ltmp4:
0x1ac: {  	[tilespmem:s0+$0x14A90] =	vst v0;
	v0 =	vld [tilespmem:s0+$0x98A0];
	(pc) =	sbr.rel @p0 .LBB2_11-.Ltmp4, $4  }
0x1ad: {  	[tilespmem:s0+$0x14AA0] =	vst v1;
	v1 =	vld [tilespmem:s0+$0x98B0]  }
0x1ae: {  	[tilespmem:s0+$0x14AB0] =	vst v2;
	v2 =	vld [tilespmem:s0+$0xB180]  }
0x1af: {  	[tilespmem:s0+$0x16680] =	vst v3;
	v3 =	vld [tilespmem:s0+$0xB190]  }
0x1b0: {  	s23 =	sshra.s32 s18, $0x2;
	s18 =	sadd.s32 $0x200, s18;
	[tilespmem:s0+$0x16690] =	vst v4;
	v4 =	vld [tilespmem:s0+$0xB1A0]  }
0x1b1: {  	v5 =	vld [tilespmem:s23+$0xB1B0];
	[tilespmem:s0+$0x166A0] =	vst v0  }
0x1b2: {  	v0 =	vld [tilespmem:s23+$0x6680];
	[tilespmem:s0+$0x166B0] =	vst v1  }
0x1b3: {  	v1 =	vld [tilespmem:s23+$0x6690];
	[tilespmem:s0+$0x18280] =	vst v2  }
0x1b4: {  	v2 =	vld [tilespmem:s23+$0x66A0];
	[tilespmem:s0+$0x18290] =	vst v3  }
0x1b5: {  	v3 =	vld [tilespmem:s23+$0x66B0];
	[tilespmem:s0+$0x182A0] =	vst v4  }
0x1b6: {  	v4 =	vld [tilespmem:s23+$0x7F80];
	[tilespmem:s23+$0x182B0] =	vst v5  }
0x1b7: {  	[tilespmem:s23+$0x12E80] =	vst v0;
	v0 =	vld [tilespmem:s23+$0x7F90]  }
0x1b8: {  	[tilespmem:s23+$0x12E90] =	vst v1;
	v1 =	vld [tilespmem:s23+$0x7FA0]  }
0x1b9: {  	[tilespmem:s23+$0x12EA0] =	vst v2;
	v2 =	vld [tilespmem:s23+$0x7FB0]  }
0x1ba: {  	[tilespmem:s23+$0x12EB0] =	vst v3;
	v3 =	vld [tilespmem:s23+$0x9880]  }
0x1bb: {  	[tilespmem:s23+$0x14A80] =	vst v4;
	v4 =	vld [tilespmem:s23+$0x9890]  }
0x1bc: {  	[tilespmem:s23+$0x14A90] =	vst v0;
	v0 =	vld [tilespmem:s23+$0x98A0]  }
0x1bd: {  	[tilespmem:s23+$0x14AA0] =	vst v1;
	v1 =	vld [tilespmem:s23+$0x98B0]  }
0x1be: {  	[tilespmem:s23+$0x14AB0] =	vst v2;
	v2 =	vld [tilespmem:s23+$0xB180]  }
0x1bf: {  	[tilespmem:s23+$0x16680] =	vst v3;
	v3 =	vld [tilespmem:s23+$0xB190]  }
0x1c0: {  	s0 =	sadd.s32 s7, s11;
	[tilespmem:s23+$0x16690] =	vst v4;
	v4 =	vld [tilespmem:s23+$0xB1A0]  }
0x1c1: {  	s18 =	smul.u32 $0x380, s0;
	[tilespmem:s23+$0x166A0] =	vst v0  }
0x1c2: {  	s0 =	smul.u32 $0x1C00, s0;
	[tilespmem:s23+$0x166B0] =	vst v1  }
0x1c3: {  	[tilespmem:s23+$0x18280] =	vst v2  }
0x1c4: {  	s0 =	sshrl.u32 s0, $0x3;
	[tilespmem:s23+$0x18290] =	vst v3  }
0x1c5: {  	s18 =	sadd.s32 s5, s18;
	s0 =	sadd.s32 s5, s0;
	[tilespmem:s23+$0x182A0] =	vst v4;
	s23 =	simm.s32 $0x0  }
0x1c6: {  	[hbm4b:s18+s23] =	stream.linear.scatter [tilespmem:s24], [sflag:$0x7], $0x1900, $0x38;
	[tilespmem:$0x19E80] =	vst v63  }
0x1c7: {  	s18 =	sadd.s32 $0x380, s0  }
0x1c8: {  	[hbm4b:s18+s23] =	stream.linear.scatter [tilespmem:s25], [sflag:$0x7], $0x1900, $0x38;
	[tilespmem:$0x19E80] =	vst v63  }
0x1c9: {  	s18 =	sadd.s32 $0x700, s0  }
0x1ca: {  	[hbm4b:s18+s23] =	stream.linear.scatter [tilespmem:s26], [sflag:$0x7], $0x1900, $0x38;
	[tilespmem:$0x19E80] =	vst v63  }
0x1cb: {  	s0 =	sadd.s32 $0xA80, s0  }
0x1cc: {  	[hbm4b:s0+s23] =	stream.linear.scatter [tilespmem:s28], [sflag:$0x7], $0x1900, $0x38;
	[tilespmem:$0x19E80] =	vst v63  }
0x1cd: {  	s18 =	sadd.s32 s6, s12;
	_ =	swait.ge [sflag:s31], $0x6400  }
0x1ce: {  	s0 =	sshrl.u32 s18, $0x3;
	[sflag:s31] =	ssyncset.done $0x0  }
0x1cf: {  	s0 =	sadd.s32 s1, s0;
	[sflag:s31] =	ssyncadd.s32 $0xFFFF9C00  }
0x1d0: {  	[tilespmem:s16], [sflag:$0x3] =	stream.linear.gather [hbm4b:s0+s23], $0xC8, $0x38;
	[tilespmem:$0x19E80] =	vst v63  }
0x1d1: {  	_ =	swait.ge [sflag:s19], $0xC8  }
0x1d2: {  	[sflag:s19] =	ssyncset.done $0x0  }
0x1d3: {  	[sflag:s19] =	ssyncadd.s32 $0xFFFFFF38  }
0x1d4: {  	[tilespmem:s20], [sflag:$0x5] =	stream.indirect.gather [hbm4b:s4+s15], $0x80, s15, s15, $0xb8;
	[tilespmem:$0x19E80] =	vst v63  }
0x1d5: {  	_ =	swait.ge [sflag:s30], $0x1900  }
0x1d6: {  	[sflag:s30] =	ssyncset.done $0x0  }
0x1d7: {  	[sflag:s30] =	ssyncadd.s32 $0xFFFFE700  }
0x1d8: {  	_ =	swait.ge [sflag:s30], $0x1900  }
0x1d9: {  	[sflag:s30] =	ssyncset.done $0x0  }
0x1da: {  	[sflag:s30] =	ssyncadd.s32 $0xFFFFE700  }
0x1db: {  	_ =	swait.ge [sflag:s30], $0x1900  }
0x1dc: {  	[sflag:s30] =	ssyncset.done $0x0  }
0x1dd: {  	[sflag:s30] =	ssyncadd.s32 $0xFFFFE700  }
0x1de: {  	_ =	swait.ge [sflag:s30], $0x1900  }
0x1df: {  	[sflag:s30] =	ssyncset.done $0x0  }
0x1e0: {  	s0 =	simm.s32 $0x0;
	[sflag:s30] =	ssyncadd.s32 $0xFFFFE700  }
0x1e1: {  	v0 =	vld [tilespmem:s0+$0x115B0]  }
0x1e2: {  	v1 =	vld [tilespmem:s0+$0xCA80]  }
0x1e3: {  	v2 =	vld [tilespmem:s0+$0xCA90]  }
0x1e4: {  	v3 =	vld [tilespmem:s0+$0xCAA0]  }
0x1e5: {  	v4 =	vld [tilespmem:s0+$0xCAB0]  }
0x1e6: {  	v5 =	vld [tilespmem:s0+$0xE380];
	[tilespmem:s0+$0x182B0] =	vst v0  }
0x1e7: {  	[tilespmem:s0+$0x12E80] =	vst v1;
	v0 =	vld [tilespmem:s0+$0xE390]  }
0x1e8: {  	[tilespmem:s0+$0x12E90] =	vst v2;
	v1 =	vld [tilespmem:s0+$0xE3A0]  }
0x1e9: {  	[tilespmem:s0+$0x12EA0] =	vst v3;
	v2 =	vld [tilespmem:s0+$0xE3B0]  }
0x1ea: {  	[tilespmem:s0+$0x12EB0] =	vst v4;
	v3 =	vld [tilespmem:s0+$0xFC80]  }
0x1eb: {  	[tilespmem:s0+$0x14A80] =	vst v5;
	v4 =	vld [tilespmem:s0+$0xFC90]  }
0x1ec: {  	[tilespmem:s0+$0x14A90] =	vst v0;
	v0 =	vld [tilespmem:s0+$0xFCA0]  }
0x1ed: {  	[tilespmem:s0+$0x14AA0] =	vst v1;
	v1 =	vld [tilespmem:s0+$0xFCB0]  }
0x1ee: {  	[tilespmem:s0+$0x14AB0] =	vst v2;
	v2 =	vld [tilespmem:s0+$0x11580]  }
0x1ef: {  	[tilespmem:s0+$0x16680] =	vst v3;
	v3 =	vld [tilespmem:s0+$0x11590]  }
0x1f0: {  	s6 =	simm.s32 $0x80;
	s18 =	simm.s32 $0x400;
	[tilespmem:s0+$0x16690] =	vst v4;
	v4 =	vld [tilespmem:s0+$0x115A0]  }
.LBB2_13:
0x1f1: {  	p0 =	sne.s32 s18, $0x6200;
	v5 =	vld [tilespmem:s6+$0x115B0];
	[tilespmem:s0+$0x166A0] =	vst v0  }
0x1f2: {  	v0 =	vld [tilespmem:s6+$0xCA80];
	[tilespmem:s0+$0x166B0] =	vst v1  }
0x1f3: {  	v1 =	vld [tilespmem:s6+$0xCA90];
	[tilespmem:s0+$0x18280] =	vst v2  }
0x1f4: {  	v2 =	vld [tilespmem:s6+$0xCAA0];
	[tilespmem:s0+$0x18290] =	vst v3  }
0x1f5: {  	v3 =	vld [tilespmem:s6+$0xCAB0];
	[tilespmem:s0+$0x182A0] =	vst v4;
	s0 =	smov.u32 s6  }
0x1f6: {  	v4 =	vld [tilespmem:s0+$0xE380];
	[tilespmem:s0+$0x182B0] =	vst v5  }
0x1f7: {  	[tilespmem:s0+$0x12E80] =	vst v0;
	v0 =	vld [tilespmem:s0+$0xE390]  }
0x1f8: {  	[tilespmem:s0+$0x12E90] =	vst v1;
	v1 =	vld [tilespmem:s0+$0xE3A0]  }
0x1f9: {  	[tilespmem:s0+$0x12EA0] =	vst v2;
	v2 =	vld [tilespmem:s0+$0xE3B0]  }
0x1fa: {  	[tilespmem:s0+$0x12EB0] =	vst v3;
	v3 =	vld [tilespmem:s0+$0xFC80]  }
0x1fb: {  	[tilespmem:s0+$0x14A80] =	vst v4;
	v4 =	vld [tilespmem:s0+$0xFC90]  }
.Ltmp5:
0x1fc: {  	[tilespmem:s0+$0x14A90] =	vst v0;
	v0 =	vld [tilespmem:s0+$0xFCA0];
	(pc) =	sbr.rel @p0 .LBB2_13-.Ltmp5, $4  }
0x1fd: {  	[tilespmem:s0+$0x14AA0] =	vst v1;
	v1 =	vld [tilespmem:s0+$0xFCB0]  }
0x1fe: {  	[tilespmem:s0+$0x14AB0] =	vst v2;
	v2 =	vld [tilespmem:s0+$0x11580]  }
0x1ff: {  	[tilespmem:s0+$0x16680] =	vst v3;
	v3 =	vld [tilespmem:s0+$0x11590]  }
0x200: {  	s6 =	sshra.s32 s18, $0x2;
	s18 =	sadd.s32 $0x200, s18;
	[tilespmem:s0+$0x16690] =	vst v4;
	v4 =	vld [tilespmem:s0+$0x115A0]  }
0x201: {  	v5 =	vld [tilespmem:s6+$0x115B0];
	[tilespmem:s0+$0x166A0] =	vst v0  }
0x202: {  	v0 =	vld [tilespmem:s6+$0xCA80];
	[tilespmem:s0+$0x166B0] =	vst v1  }
0x203: {  	v1 =	vld [tilespmem:s6+$0xCA90];
	[tilespmem:s0+$0x18280] =	vst v2  }
0x204: {  	v2 =	vld [tilespmem:s6+$0xCAA0];
	[tilespmem:s0+$0x18290] =	vst v3  }
0x205: {  	v3 =	vld [tilespmem:s6+$0xCAB0];
	[tilespmem:s0+$0x182A0] =	vst v4  }
0x206: {  	v4 =	vld [tilespmem:s6+$0xE380];
	[tilespmem:s6+$0x182B0] =	vst v5  }
0x207: {  	v54 =	vld [tilespmem:s6+$0xE390];
	[tilespmem:s6+$0x12E80] =	vst v0  }
0x208: {  	v55 =	vld [tilespmem:s6+$0xE3A0];
	[tilespmem:s6+$0x12E90] =	vst v1  }
0x209: {  	v56 =	vld [tilespmem:s6+$0xE3B0];
	[tilespmem:s6+$0x12EA0] =	vst v2  }
0x20a: {  	v57 =	vld [tilespmem:s6+$0xFC80];
	[tilespmem:s6+$0x12EB0] =	vst v3  }
0x20b: {  	v58 =	vld [tilespmem:s6+$0xFC90];
	[tilespmem:s6+$0x14A80] =	vst v4  }
0x20c: {  	v59 =	vld [tilespmem:s6+$0xFCA0];
	[tilespmem:s6+$0x14A90] =	vst v54  }
0x20d: {  	v60 =	vld [tilespmem:s6+$0xFCB0];
	[tilespmem:s6+$0x14AA0] =	vst v55  }
0x20e: {  	v61 =	vld [tilespmem:s6+$0x11580];
	[tilespmem:s6+$0x14AB0] =	vst v56  }
0x20f: {  	v62 =	vld [tilespmem:s6+$0x11590];
	[tilespmem:s6+$0x16680] =	vst v57  }
0x210: {  	v63 =	vld [tilespmem:s6+$0x115A0];
	[tilespmem:s6+$0x16690] =	vst v58  }
0x211: {  	s23 =	sadd.s32 s7, s13;
	[tilespmem:s6+$0x166A0] =	vst v59  }
0x212: {  	s0 =	smul.u32 $0x1C00, s23;
	[tilespmem:s6+$0x166B0] =	vst v60  }
0x213: {  	s7 =	smul.u32 $0x380, s23;
	[tilespmem:s6+$0x18280] =	vst v61  }
0x214: {  	s0 =	sshrl.u32 s0, $0x3;
	[tilespmem:s6+$0x18290] =	vst v62  }
0x215: {  	s14 =	sadd.s32 $0x1, s14;
	s7 =	sadd.s32 s5, s7;
	s0 =	sadd.s32 s5, s0;
	[tilespmem:s6+$0x182A0] =	vst v63  }
0x216: {  	[hbm4b:s7+s3] =	stream.linear.scatter [tilespmem:s24], [sflag:$0x7], $0x1900, $0x38;
	[tilespmem:$0x19E80] =	vst v63  }
0x217: {  	p0 =	sne.s32 s14, $0x28;
	s18 =	sadd.s32 $0x380, s0  }
0x218: {  	[hbm4b:s18+s3] =	stream.linear.scatter [tilespmem:s25], [sflag:$0x7], $0x1900, $0x38;
	[tilespmem:$0x19E80] =	vst v63  }
.Ltmp6:
0x219: {  	_ = 	snop;
	(pc) =	sbr.rel @p0 .LBB2_8-.Ltmp6, $4  }
0x21a: {  	s23 =	sadd.s32 $0x700, s0  }
0x21b: {  	[hbm4b:s23+s3] =	stream.linear.scatter [tilespmem:s26], [sflag:$0x7], $0x1900, $0x38;
	[tilespmem:$0x19E80] =	vst v63  }
0x21c: {  	s0 =	sadd.s32 $0xA80, s0  }
0x21d: {  	[hbm4b:s0+s3] =	stream.linear.scatter [tilespmem:s28], [sflag:$0x7], $0x1900, $0x38;
	[tilespmem:$0x19E80] =	vst v63  }
0x21e: {  	_ =	swait.ge [sflag:s21], $0x6400  }
0x21f: {  	s2 =	sld [smem:$0x7FD]  }
0x220: {  	[sflag:s21] =	ssyncset.done $0x0  }
0x221: {  	s0 =	simm.s32 $0x0;
	[sflag:s21] =	ssyncadd.s32 $0xFFFF9C00  }
0x222: {  	[tilespmem:s0], [sflag:$0x1] =	stream.linear.gather [hbm4b:s2+s0], $0xC8, $0x38;
	[tilespmem:$0x19E80] =	vst v63  }
0x223: {  	_ =	swait.ge [sflag:s22], $0xC8  }
0x224: {  	[sflag:s22] =	ssyncset.done $0x0  }
0x225: {  	s23 =	simm.s32 $0xCA80;
	[sflag:s22] =	ssyncadd.s32 $0xFFFFFF38  }
0x226: {  	[tilespmem:s23], [sflag:$0x6] =	stream.indirect.gather [hbm4b:s4+s15], $0x80, s16, s15, $0xb8;
	[tilespmem:$0x19E80] =	vst v63  }
0x227: {  	_ =	swait.ge [sflag:s30], $0x1900  }
0x228: {  	[sflag:s30] =	ssyncset.done $0x0  }
0x229: {  	[sflag:s30] =	ssyncadd.s32 $0xFFFFE700  }
0x22a: {  	_ =	swait.ge [sflag:s30], $0x1900  }
0x22b: {  	[sflag:s30] =	ssyncset.done $0x0  }
0x22c: {  	[sflag:s30] =	ssyncadd.s32 $0xFFFFE700  }
0x22d: {  	_ =	swait.ge [sflag:s30], $0x1900  }
0x22e: {  	[sflag:s30] =	ssyncset.done $0x0  }
0x22f: {  	[sflag:s30] =	ssyncadd.s32 $0xFFFFE700  }
0x230: {  	_ =	swait.ge [sflag:s30], $0x1900  }
0x231: {  	[sflag:s30] =	ssyncset.done $0x0  }
0x232: {  	s0 =	simm.s32 $0x0;
	[sflag:s30] =	ssyncadd.s32 $0xFFFFE700  }
0x233: {  	v0 =	vld [tilespmem:s0+$0x4DB0]  }
0x234: {  	v1 =	vld [tilespmem:s0+$0x280]  }
0x235: {  	v2 =	vld [tilespmem:s0+$0x290]  }
0x236: {  	v3 =	vld [tilespmem:s0+$0x2A0]  }
0x237: {  	v4 =	vld [tilespmem:s0+$0x2B0]  }
0x238: {  	v5 =	vld [tilespmem:s0+$0x1B80];
	[tilespmem:s0+$0x182B0] =	vst v0  }
0x239: {  	[tilespmem:s0+$0x12E80] =	vst v1;
	v0 =	vld [tilespmem:s0+$0x1B90]  }
0x23a: {  	[tilespmem:s0+$0x12E90] =	vst v2;
	v1 =	vld [tilespmem:s0+$0x1BA0]  }
0x23b: {  	[tilespmem:s0+$0x12EA0] =	vst v3;
	v2 =	vld [tilespmem:s0+$0x1BB0]  }
0x23c: {  	[tilespmem:s0+$0x12EB0] =	vst v4;
	v3 =	vld [tilespmem:s0+$0x3480]  }
0x23d: {  	[tilespmem:s0+$0x14A80] =	vst v5;
	v4 =	vld [tilespmem:s0+$0x3490]  }
0x23e: {  	[tilespmem:s0+$0x14A90] =	vst v0;
	v0 =	vld [tilespmem:s0+$0x34A0]  }
0x23f: {  	[tilespmem:s0+$0x14AA0] =	vst v1;
	v1 =	vld [tilespmem:s0+$0x34B0]  }
0x240: {  	[tilespmem:s0+$0x14AB0] =	vst v2;
	v2 =	vld [tilespmem:s0+$0x4D80]  }
0x241: {  	[tilespmem:s0+$0x16680] =	vst v3;
	v3 =	vld [tilespmem:s0+$0x4D90]  }
0x242: {  	s6 =	simm.s32 $0x400;
	s2 =	simm.s32 $0x80;
	[tilespmem:s0+$0x16690] =	vst v4;
	v4 =	vld [tilespmem:s0+$0x4DA0]  }
.LBB2_16:
0x243: {  	p0 =	sne.s32 s6, $0x6200;
	v5 =	vld [tilespmem:s2+$0x4DB0];
	[tilespmem:s0+$0x166A0] =	vst v0  }
0x244: {  	v0 =	vld [tilespmem:s2+$0x280];
	[tilespmem:s0+$0x166B0] =	vst v1  }
0x245: {  	v1 =	vld [tilespmem:s2+$0x290];
	[tilespmem:s0+$0x18280] =	vst v2  }
0x246: {  	v2 =	vld [tilespmem:s2+$0x2A0];
	[tilespmem:s0+$0x18290] =	vst v3  }
0x247: {  	v3 =	vld [tilespmem:s2+$0x2B0];
	[tilespmem:s0+$0x182A0] =	vst v4;
	s0 =	smov.u32 s2  }
0x248: {  	v4 =	vld [tilespmem:s0+$0x1B80];
	[tilespmem:s0+$0x182B0] =	vst v5  }
0x249: {  	[tilespmem:s0+$0x12E80] =	vst v0;
	v0 =	vld [tilespmem:s0+$0x1B90]  }
0x24a: {  	[tilespmem:s0+$0x12E90] =	vst v1;
	v1 =	vld [tilespmem:s0+$0x1BA0]  }
0x24b: {  	[tilespmem:s0+$0x12EA0] =	vst v2;
	v2 =	vld [tilespmem:s0+$0x1BB0]  }
0x24c: {  	[tilespmem:s0+$0x12EB0] =	vst v3;
	v3 =	vld [tilespmem:s0+$0x3480]  }
0x24d: {  	[tilespmem:s0+$0x14A80] =	vst v4;
	v4 =	vld [tilespmem:s0+$0x3490]  }
.Ltmp7:
0x24e: {  	[tilespmem:s0+$0x14A90] =	vst v0;
	v0 =	vld [tilespmem:s0+$0x34A0];
	(pc) =	sbr.rel @p0 .LBB2_16-.Ltmp7, $4  }
0x24f: {  	[tilespmem:s0+$0x14AA0] =	vst v1;
	v1 =	vld [tilespmem:s0+$0x34B0]  }
0x250: {  	[tilespmem:s0+$0x14AB0] =	vst v2;
	v2 =	vld [tilespmem:s0+$0x4D80]  }
0x251: {  	[tilespmem:s0+$0x16680] =	vst v3;
	v3 =	vld [tilespmem:s0+$0x4D90]  }
0x252: {  	s2 =	sshra.s32 s6, $0x2;
	s6 =	sadd.s32 $0x200, s6;
	[tilespmem:s0+$0x16690] =	vst v4;
	v4 =	vld [tilespmem:s0+$0x4DA0]  }
0x253: {  	v5 =	vld [tilespmem:s2+$0x4DB0];
	[tilespmem:s0+$0x166A0] =	vst v0  }
0x254: {  	v0 =	vld [tilespmem:s2+$0x280];
	[tilespmem:s0+$0x166B0] =	vst v1  }
0x255: {  	v1 =	vld [tilespmem:s2+$0x290];
	[tilespmem:s0+$0x18280] =	vst v2  }
0x256: {  	v2 =	vld [tilespmem:s2+$0x2A0];
	[tilespmem:s0+$0x18290] =	vst v3  }
0x257: {  	v3 =	vld [tilespmem:s2+$0x2B0];
	[tilespmem:s0+$0x182A0] =	vst v4  }
0x258: {  	v4 =	vld [tilespmem:s2+$0x1B80];
	[tilespmem:s2+$0x182B0] =	vst v5  }
0x259: {  	[tilespmem:s2+$0x12E80] =	vst v0;
	v0 =	vld [tilespmem:s2+$0x1B90]  }
0x25a: {  	[tilespmem:s2+$0x12E90] =	vst v1;
	v1 =	vld [tilespmem:s2+$0x1BA0]  }
0x25b: {  	[tilespmem:s2+$0x12EA0] =	vst v2;
	v2 =	vld [tilespmem:s2+$0x1BB0]  }
0x25c: {  	[tilespmem:s2+$0x12EB0] =	vst v3;
	v3 =	vld [tilespmem:s2+$0x3480]  }
0x25d: {  	[tilespmem:s2+$0x14A80] =	vst v4;
	v4 =	vld [tilespmem:s2+$0x3490]  }
0x25e: {  	[tilespmem:s2+$0x14A90] =	vst v0;
	v0 =	vld [tilespmem:s2+$0x34A0]  }
0x25f: {  	[tilespmem:s2+$0x14AA0] =	vst v1;
	v1 =	vld [tilespmem:s2+$0x34B0]  }
0x260: {  	[tilespmem:s2+$0x14AB0] =	vst v2;
	v2 =	vld [tilespmem:s2+$0x4D80]  }
0x261: {  	[tilespmem:s2+$0x16680] =	vst v3;
	v3 =	vld [tilespmem:s2+$0x4D90]  }
0x262: {  	[tilespmem:s2+$0x16690] =	vst v4;
	v4 =	vld [tilespmem:s2+$0x4DA0]  }
0x263: {  	[tilespmem:s2+$0x166A0] =	vst v0  }
0x264: {  	[tilespmem:s2+$0x166B0] =	vst v1  }
0x265: {  	[tilespmem:s2+$0x18280] =	vst v2  }
0x266: {  	[tilespmem:s2+$0x18290] =	vst v3  }
0x267: {  	s23 =	rddreg [dreg:$0x5];
	s0 =	simm.s32 $0x0;
	[tilespmem:s2+$0x182A0] =	vst v4  }
0x268: {  	[hbm4b:s23+s0] =	stream.linear.scatter [tilespmem:s24], [sflag:$0x7], $0x1900, $0x38;
	[tilespmem:$0x19E80] =	vst v63  }
0x269: {  	s6 =	rddreg [dreg:$0x6]  }
0x26a: {  	[hbm4b:s6+s0] =	stream.linear.scatter [tilespmem:s25], [sflag:$0x7], $0x1900, $0x38;
	[tilespmem:$0x19E80] =	vst v63  }
0x26b: {  	s7 =	rddreg [dreg:$0x7]  }
0x26c: {  	[hbm4b:s7+s0] =	stream.linear.scatter [tilespmem:s26], [sflag:$0x7], $0x1900, $0x38;
	[tilespmem:$0x19E80] =	vst v63  }
0x26d: {  	s14 =	rddreg [dreg:$0x8]  }
0x26e: {  	[hbm4b:s14+s0] =	stream.linear.scatter [tilespmem:s28], [sflag:$0x7], $0x1900, $0x38;
	[tilespmem:$0x19E80] =	vst v63  }
0x26f: {  	_ =	swait.ge [sflag:s29], $0x6400  }
0x270: {  	[sflag:s29] =	ssyncset.done $0x0  }
0x271: {  	s18 =	rddreg [dreg:$0x9];
	[sflag:s29] =	ssyncadd.s32 $0xFFFF9C00  }
0x272: {  	[tilespmem:s15], [sflag:$0x2] =	stream.linear.gather [hbm4b:s18+s0], $0xC8, $0x38;
	[tilespmem:$0x19E80] =	vst v63  }
0x273: {  	_ =	swait.ge [sflag:s17], $0xC8  }
0x274: {  	[sflag:s17] =	ssyncset.done $0x0  }
0x275: {  	s23 =	simm.s32 $0x280;
	[sflag:s17] =	ssyncadd.s32 $0xFFFFFF38  }
0x276: {  	[tilespmem:s23], [sflag:$0x4] =	stream.indirect.gather [hbm4b:s4+s15], $0x80, s0, s15, $0xb8;
	[tilespmem:$0x19E80] =	vst v63  }
0x277: {  	_ =	swait.ge [sflag:s30], $0x1900  }
0x278: {  	[sflag:s30] =	ssyncset.done $0x0  }
0x279: {  	[sflag:s30] =	ssyncadd.s32 $0xFFFFE700  }
0x27a: {  	_ =	swait.ge [sflag:s30], $0x1900  }
0x27b: {  	[sflag:s30] =	ssyncset.done $0x0  }
0x27c: {  	[sflag:s30] =	ssyncadd.s32 $0xFFFFE700  }
0x27d: {  	_ =	swait.ge [sflag:s30], $0x1900  }
0x27e: {  	[sflag:s30] =	ssyncset.done $0x0  }
0x27f: {  	[sflag:s30] =	ssyncadd.s32 $0xFFFFE700  }
0x280: {  	_ =	swait.ge [sflag:s30], $0x1900  }
0x281: {  	[sflag:s30] =	ssyncset.done $0x0  }
0x282: {  	s0 =	simm.s32 $0x0;
	[sflag:s30] =	ssyncadd.s32 $0xFFFFE700  }
0x283: {  	v0 =	vld [tilespmem:s0+$0xB1B0]  }
0x284: {  	v1 =	vld [tilespmem:s0+$0x6680]  }
0x285: {  	v2 =	vld [tilespmem:s0+$0x6690]  }
0x286: {  	v3 =	vld [tilespmem:s0+$0x66A0]  }
0x287: {  	v4 =	vld [tilespmem:s0+$0x66B0]  }
0x288: {  	v5 =	vld [tilespmem:s0+$0x7F80];
	[tilespmem:s0+$0x182B0] =	vst v0  }
0x289: {  	[tilespmem:s0+$0x12E80] =	vst v1;
	v0 =	vld [tilespmem:s0+$0x7F90]  }
0x28a: {  	[tilespmem:s0+$0x12E90] =	vst v2;
	v1 =	vld [tilespmem:s0+$0x7FA0]  }
0x28b: {  	[tilespmem:s0+$0x12EA0] =	vst v3;
	v2 =	vld [tilespmem:s0+$0x7FB0]  }
0x28c: {  	[tilespmem:s0+$0x12EB0] =	vst v4;
	v3 =	vld [tilespmem:s0+$0x9880]  }
0x28d: {  	[tilespmem:s0+$0x14A80] =	vst v5;
	v4 =	vld [tilespmem:s0+$0x9890]  }
0x28e: {  	[tilespmem:s0+$0x14A90] =	vst v0;
	v0 =	vld [tilespmem:s0+$0x98A0]  }
0x28f: {  	[tilespmem:s0+$0x14AA0] =	vst v1;
	v1 =	vld [tilespmem:s0+$0x98B0]  }
0x290: {  	[tilespmem:s0+$0x14AB0] =	vst v2;
	v2 =	vld [tilespmem:s0+$0xB180]  }
0x291: {  	[tilespmem:s0+$0x16680] =	vst v3;
	v3 =	vld [tilespmem:s0+$0xB190]  }
0x292: {  	s2 =	simm.s32 $0x80;
	s6 =	simm.s32 $0x400;
	[tilespmem:s0+$0x16690] =	vst v4;
	v4 =	vld [tilespmem:s0+$0xB1A0]  }
.LBB2_18:
0x293: {  	p0 =	sne.s32 s6, $0x6200;
	v5 =	vld [tilespmem:s2+$0xB1B0];
	[tilespmem:s0+$0x166A0] =	vst v0  }
0x294: {  	v0 =	vld [tilespmem:s2+$0x6680];
	[tilespmem:s0+$0x166B0] =	vst v1  }
0x295: {  	v1 =	vld [tilespmem:s2+$0x6690];
	[tilespmem:s0+$0x18280] =	vst v2  }
0x296: {  	v2 =	vld [tilespmem:s2+$0x66A0];
	[tilespmem:s0+$0x18290] =	vst v3  }
0x297: {  	v3 =	vld [tilespmem:s2+$0x66B0];
	[tilespmem:s0+$0x182A0] =	vst v4;
	s0 =	smov.u32 s2  }
0x298: {  	v4 =	vld [tilespmem:s0+$0x7F80];
	[tilespmem:s0+$0x182B0] =	vst v5  }
0x299: {  	[tilespmem:s0+$0x12E80] =	vst v0;
	v0 =	vld [tilespmem:s0+$0x7F90]  }
0x29a: {  	[tilespmem:s0+$0x12E90] =	vst v1;
	v1 =	vld [tilespmem:s0+$0x7FA0]  }
0x29b: {  	[tilespmem:s0+$0x12EA0] =	vst v2;
	v2 =	vld [tilespmem:s0+$0x7FB0]  }
0x29c: {  	[tilespmem:s0+$0x12EB0] =	vst v3;
	v3 =	vld [tilespmem:s0+$0x9880]  }
0x29d: {  	[tilespmem:s0+$0x14A80] =	vst v4;
	v4 =	vld [tilespmem:s0+$0x9890]  }
.Ltmp8:
0x29e: {  	[tilespmem:s0+$0x14A90] =	vst v0;
	v0 =	vld [tilespmem:s0+$0x98A0];
	(pc) =	sbr.rel @p0 .LBB2_18-.Ltmp8, $4  }
0x29f: {  	[tilespmem:s0+$0x14AA0] =	vst v1;
	v1 =	vld [tilespmem:s0+$0x98B0]  }
0x2a0: {  	[tilespmem:s0+$0x14AB0] =	vst v2;
	v2 =	vld [tilespmem:s0+$0xB180]  }
0x2a1: {  	[tilespmem:s0+$0x16680] =	vst v3;
	v3 =	vld [tilespmem:s0+$0xB190]  }
0x2a2: {  	s2 =	sshra.s32 s6, $0x2;
	s6 =	sadd.s32 $0x200, s6;
	[tilespmem:s0+$0x16690] =	vst v4;
	v4 =	vld [tilespmem:s0+$0xB1A0]  }
0x2a3: {  	v5 =	vld [tilespmem:s2+$0xB1B0];
	[tilespmem:s0+$0x166A0] =	vst v0  }
0x2a4: {  	v0 =	vld [tilespmem:s2+$0x6680];
	[tilespmem:s0+$0x166B0] =	vst v1  }
0x2a5: {  	v1 =	vld [tilespmem:s2+$0x6690];
	[tilespmem:s0+$0x18280] =	vst v2  }
0x2a6: {  	v2 =	vld [tilespmem:s2+$0x66A0];
	[tilespmem:s0+$0x18290] =	vst v3  }
0x2a7: {  	v3 =	vld [tilespmem:s2+$0x66B0];
	[tilespmem:s0+$0x182A0] =	vst v4  }
0x2a8: {  	v4 =	vld [tilespmem:s2+$0x7F80];
	[tilespmem:s2+$0x182B0] =	vst v5  }
0x2a9: {  	[tilespmem:s2+$0x12E80] =	vst v0;
	v0 =	vld [tilespmem:s2+$0x7F90]  }
0x2aa: {  	[tilespmem:s2+$0x12E90] =	vst v1;
	v1 =	vld [tilespmem:s2+$0x7FA0]  }
0x2ab: {  	[tilespmem:s2+$0x12EA0] =	vst v2;
	v2 =	vld [tilespmem:s2+$0x7FB0]  }
0x2ac: {  	[tilespmem:s2+$0x12EB0] =	vst v3;
	v3 =	vld [tilespmem:s2+$0x9880]  }
0x2ad: {  	[tilespmem:s2+$0x14A80] =	vst v4;
	v4 =	vld [tilespmem:s2+$0x9890]  }
0x2ae: {  	[tilespmem:s2+$0x14A90] =	vst v0;
	v0 =	vld [tilespmem:s2+$0x98A0]  }
0x2af: {  	[tilespmem:s2+$0x14AA0] =	vst v1;
	v1 =	vld [tilespmem:s2+$0x98B0]  }
0x2b0: {  	[tilespmem:s2+$0x14AB0] =	vst v2;
	v2 =	vld [tilespmem:s2+$0xB180]  }
0x2b1: {  	[tilespmem:s2+$0x16680] =	vst v3;
	v3 =	vld [tilespmem:s2+$0xB190]  }
0x2b2: {  	[tilespmem:s2+$0x16690] =	vst v4;
	v4 =	vld [tilespmem:s2+$0xB1A0]  }
0x2b3: {  	[tilespmem:s2+$0x166A0] =	vst v0  }
0x2b4: {  	[tilespmem:s2+$0x166B0] =	vst v1  }
0x2b5: {  	[tilespmem:s2+$0x18280] =	vst v2  }
0x2b6: {  	[tilespmem:s2+$0x18290] =	vst v3  }
0x2b7: {  	s6 =	simm.s32 $0x0;
	s7 =	rddreg [dreg:$0xa];
	[tilespmem:s2+$0x182A0] =	vst v4  }
0x2b8: {  	[hbm4b:s7+s6] =	stream.linear.scatter [tilespmem:s24], [sflag:$0x7], $0x1900, $0x38;
	[tilespmem:$0x19E80] =	vst v63  }
0x2b9: {  	s14 =	rddreg [dreg:$0xb]  }
0x2ba: {  	[hbm4b:s14+s6] =	stream.linear.scatter [tilespmem:s25], [sflag:$0x7], $0x1900, $0x38;
	[tilespmem:$0x19E80] =	vst v63  }
0x2bb: {  	s18 =	rddreg [dreg:$0xc]  }
0x2bc: {  	[hbm4b:s18+s6] =	stream.linear.scatter [tilespmem:s26], [sflag:$0x7], $0x1900, $0x38;
	[tilespmem:$0x19E80] =	vst v63  }
0x2bd: {  	s23 =	rddreg [dreg:$0xd]  }
0x2be: {  	[hbm4b:s23+s6] =	stream.linear.scatter [tilespmem:s28], [sflag:$0x7], $0x1900, $0x38;
	[tilespmem:$0x19E80] =	vst v63  }
0x2bf: {  	_ =	swait.ge [sflag:s31], $0x6400  }
0x2c0: {  	[sflag:s31] =	ssyncset.done $0x0  }
0x2c1: {  	[sflag:s31] =	ssyncadd.s32 $0xFFFF9C00  }
0x2c2: {  	_ =	swait.ge [sflag:s19], $0xC8  }
0x2c3: {  	[sflag:s19] =	ssyncset.done $0x0  }
0x2c4: {  	[sflag:s19] =	ssyncadd.s32 $0xFFFFFF38  }
0x2c5: {  	[tilespmem:s20], [sflag:$0x5] =	stream.indirect.gather [hbm4b:s4+s15], $0x80, s15, s15, $0xb8;
	[tilespmem:$0x19E80] =	vst v63  }
0x2c6: {  	_ =	swait.ge [sflag:s30], $0x1900  }
0x2c7: {  	[sflag:s30] =	ssyncset.done $0x0  }
0x2c8: {  	[sflag:s30] =	ssyncadd.s32 $0xFFFFE700  }
0x2c9: {  	_ =	swait.ge [sflag:s30], $0x1900  }
0x2ca: {  	[sflag:s30] =	ssyncset.done $0x0  }
0x2cb: {  	[sflag:s30] =	ssyncadd.s32 $0xFFFFE700  }
0x2cc: {  	_ =	swait.ge [sflag:s30], $0x1900  }
0x2cd: {  	[sflag:s30] =	ssyncset.done $0x0  }
0x2ce: {  	[sflag:s30] =	ssyncadd.s32 $0xFFFFE700  }
0x2cf: {  	_ =	swait.ge [sflag:s30], $0x1900  }
0x2d0: {  	[sflag:s30] =	ssyncset.done $0x0  }
0x2d1: {  	s0 =	simm.s32 $0x0;
	[sflag:s30] =	ssyncadd.s32 $0xFFFFE700  }
0x2d2: {  	v0 =	vld [tilespmem:s0+$0x115B0]  }
0x2d3: {  	v1 =	vld [tilespmem:s0+$0xCA80]  }
0x2d4: {  	v2 =	vld [tilespmem:s0+$0xCA90]  }
0x2d5: {  	v3 =	vld [tilespmem:s0+$0xCAA0]  }
0x2d6: {  	v4 =	vld [tilespmem:s0+$0xCAB0]  }
0x2d7: {  	v5 =	vld [tilespmem:s0+$0xE380];
	[tilespmem:s0+$0x182B0] =	vst v0  }
0x2d8: {  	[tilespmem:s0+$0x12E80] =	vst v1;
	v0 =	vld [tilespmem:s0+$0xE390]  }
0x2d9: {  	[tilespmem:s0+$0x12E90] =	vst v2;
	v1 =	vld [tilespmem:s0+$0xE3A0]  }
0x2da: {  	[tilespmem:s0+$0x12EA0] =	vst v3;
	v2 =	vld [tilespmem:s0+$0xE3B0]  }
0x2db: {  	[tilespmem:s0+$0x12EB0] =	vst v4;
	v3 =	vld [tilespmem:s0+$0xFC80]  }
0x2dc: {  	[tilespmem:s0+$0x14A80] =	vst v5;
	v4 =	vld [tilespmem:s0+$0xFC90]  }
0x2dd: {  	[tilespmem:s0+$0x14A90] =	vst v0;
	v0 =	vld [tilespmem:s0+$0xFCA0]  }
0x2de: {  	[tilespmem:s0+$0x14AA0] =	vst v1;
	v1 =	vld [tilespmem:s0+$0xFCB0]  }
0x2df: {  	[tilespmem:s0+$0x14AB0] =	vst v2;
	v2 =	vld [tilespmem:s0+$0x11580]  }
0x2e0: {  	[tilespmem:s0+$0x16680] =	vst v3;
	v3 =	vld [tilespmem:s0+$0x11590]  }
0x2e1: {  	s2 =	simm.s32 $0x80;
	s6 =	simm.s32 $0x400;
	[tilespmem:s0+$0x16690] =	vst v4;
	v4 =	vld [tilespmem:s0+$0x115A0]  }
.LBB2_20:
0x2e2: {  	p0 =	sne.s32 s6, $0x6200;
	v5 =	vld [tilespmem:s2+$0x115B0];
	[tilespmem:s0+$0x166A0] =	vst v0  }
0x2e3: {  	v0 =	vld [tilespmem:s2+$0xCA80];
	[tilespmem:s0+$0x166B0] =	vst v1  }
0x2e4: {  	v1 =	vld [tilespmem:s2+$0xCA90];
	[tilespmem:s0+$0x18280] =	vst v2  }
0x2e5: {  	v2 =	vld [tilespmem:s2+$0xCAA0];
	[tilespmem:s0+$0x18290] =	vst v3  }
0x2e6: {  	v3 =	vld [tilespmem:s2+$0xCAB0];
	[tilespmem:s0+$0x182A0] =	vst v4;
	s0 =	smov.u32 s2  }
0x2e7: {  	v4 =	vld [tilespmem:s0+$0xE380];
	[tilespmem:s0+$0x182B0] =	vst v5  }
0x2e8: {  	[tilespmem:s0+$0x12E80] =	vst v0;
	v0 =	vld [tilespmem:s0+$0xE390]  }
0x2e9: {  	[tilespmem:s0+$0x12E90] =	vst v1;
	v1 =	vld [tilespmem:s0+$0xE3A0]  }
0x2ea: {  	[tilespmem:s0+$0x12EA0] =	vst v2;
	v2 =	vld [tilespmem:s0+$0xE3B0]  }
0x2eb: {  	[tilespmem:s0+$0x12EB0] =	vst v3;
	v3 =	vld [tilespmem:s0+$0xFC80]  }
0x2ec: {  	[tilespmem:s0+$0x14A80] =	vst v4;
	v4 =	vld [tilespmem:s0+$0xFC90]  }
.Ltmp9:
0x2ed: {  	[tilespmem:s0+$0x14A90] =	vst v0;
	v0 =	vld [tilespmem:s0+$0xFCA0];
	(pc) =	sbr.rel @p0 .LBB2_20-.Ltmp9, $4  }
0x2ee: {  	[tilespmem:s0+$0x14AA0] =	vst v1;
	v1 =	vld [tilespmem:s0+$0xFCB0]  }
0x2ef: {  	[tilespmem:s0+$0x14AB0] =	vst v2;
	v2 =	vld [tilespmem:s0+$0x11580]  }
0x2f0: {  	[tilespmem:s0+$0x16680] =	vst v3;
	v3 =	vld [tilespmem:s0+$0x11590]  }
0x2f1: {  	s2 =	sshra.s32 s6, $0x2;
	s6 =	sadd.s32 $0x200, s6;
	[tilespmem:s0+$0x16690] =	vst v4;
	v4 =	vld [tilespmem:s0+$0x115A0]  }
0x2f2: {  	v5 =	vld [tilespmem:s2+$0x115B0];
	[tilespmem:s0+$0x166A0] =	vst v0  }
0x2f3: {  	v0 =	vld [tilespmem:s2+$0xCA80];
	[tilespmem:s0+$0x166B0] =	vst v1  }
0x2f4: {  	v1 =	vld [tilespmem:s2+$0xCA90];
	[tilespmem:s0+$0x18280] =	vst v2  }
0x2f5: {  	v2 =	vld [tilespmem:s2+$0xCAA0];
	[tilespmem:s0+$0x18290] =	vst v3  }
0x2f6: {  	v3 =	vld [tilespmem:s2+$0xCAB0];
	[tilespmem:s0+$0x182A0] =	vst v4  }
0x2f7: {  	v4 =	vld [tilespmem:s2+$0xE380];
	[tilespmem:s2+$0x182B0] =	vst v5  }
0x2f8: {  	[tilespmem:s2+$0x12E80] =	vst v0;
	v0 =	vld [tilespmem:s2+$0xE390]  }
0x2f9: {  	[tilespmem:s2+$0x12E90] =	vst v1;
	v1 =	vld [tilespmem:s2+$0xE3A0]  }
0x2fa: {  	[tilespmem:s2+$0x12EA0] =	vst v2;
	v2 =	vld [tilespmem:s2+$0xE3B0]  }
0x2fb: {  	[tilespmem:s2+$0x12EB0] =	vst v3;
	v3 =	vld [tilespmem:s2+$0xFC80]  }
0x2fc: {  	[tilespmem:s2+$0x14A80] =	vst v4;
	v4 =	vld [tilespmem:s2+$0xFC90]  }
0x2fd: {  	[tilespmem:s2+$0x14A90] =	vst v0;
	v0 =	vld [tilespmem:s2+$0xFCA0]  }
0x2fe: {  	[tilespmem:s2+$0x14AA0] =	vst v1;
	v1 =	vld [tilespmem:s2+$0xFCB0]  }
0x2ff: {  	[tilespmem:s2+$0x14AB0] =	vst v2;
	v2 =	vld [tilespmem:s2+$0x11580]  }
0x300: {  	[tilespmem:s2+$0x16680] =	vst v3;
	v3 =	vld [tilespmem:s2+$0x11590]  }
0x301: {  	[tilespmem:s2+$0x16690] =	vst v4;
	v4 =	vld [tilespmem:s2+$0x115A0]  }
0x302: {  	[tilespmem:s2+$0x166A0] =	vst v0  }
0x303: {  	[tilespmem:s2+$0x166B0] =	vst v1  }
0x304: {  	[tilespmem:s2+$0x18280] =	vst v2  }
0x305: {  	[tilespmem:s2+$0x18290] =	vst v3  }
0x306: {  	s6 =	simm.s32 $0x0;
	s7 =	rddreg [dreg:$0xe];
	[tilespmem:s2+$0x182A0] =	vst v4  }
0x307: {  	[hbm4b:s7+s6] =	stream.linear.scatter [tilespmem:s24], [sflag:$0x7], $0x1900, $0x38;
	[tilespmem:$0x19E80] =	vst v63  }
0x308: {  	s14 =	rddreg [dreg:$0xf]  }
0x309: {  	[hbm4b:s14+s6] =	stream.linear.scatter [tilespmem:s25], [sflag:$0x7], $0x1900, $0x38;
	[tilespmem:$0x19E80] =	vst v63  }
0x30a: {  	s18 =	rddreg [dreg:$0x10]  }
0x30b: {  	[hbm4b:s18+s6] =	stream.linear.scatter [tilespmem:s26], [sflag:$0x7], $0x1900, $0x38;
	[tilespmem:$0x19E80] =	vst v63  }
0x30c: {  	s23 =	rddreg [dreg:$0x11]  }
0x30d: {  	[hbm4b:s23+s6] =	stream.linear.scatter [tilespmem:s28], [sflag:$0x7], $0x1900, $0x38;
	[tilespmem:$0x19E80] =	vst v63  }
0x30e: {  	_ =	swait.ge [sflag:s21], $0x6400  }
0x30f: {  	[sflag:s21] =	ssyncset.done $0x0  }
0x310: {  	[sflag:s21] =	ssyncadd.s32 $0xFFFF9C00  }
0x311: {  	_ =	swait.ge [sflag:s30], $0x1900  }
0x312: {  	[sflag:s30] =	ssyncset.done $0x0  }
0x313: {  	[sflag:s30] =	ssyncadd.s32 $0xFFFFE700  }
0x314: {  	_ =	swait.ge [sflag:s30], $0x1900  }
0x315: {  	[sflag:s30] =	ssyncset.done $0x0  }
0x316: {  	[sflag:s30] =	ssyncadd.s32 $0xFFFFE700  }
0x317: {  	_ =	swait.ge [sflag:s30], $0x1900  }
0x318: {  	[sflag:s30] =	ssyncset.done $0x0  }
0x319: {  	[sflag:s30] =	ssyncadd.s32 $0xFFFFE700  }
0x31a: {  	_ =	swait.ge [sflag:s30], $0x1900  }
0x31b: {  	[sflag:s30] =	ssyncset.done $0x0  }
0x31c: {  	s0 =	simm.s32 $0x0;
	[sflag:s30] =	ssyncadd.s32 $0xFFFFE700  }
0x31d: {  	v0 =	vld [tilespmem:s0+$0x4DB0]  }
0x31e: {  	v1 =	vld [tilespmem:s0+$0x280]  }
0x31f: {  	v2 =	vld [tilespmem:s0+$0x290]  }
0x320: {  	v3 =	vld [tilespmem:s0+$0x2A0]  }
0x321: {  	v4 =	vld [tilespmem:s0+$0x2B0]  }
0x322: {  	v5 =	vld [tilespmem:s0+$0x1B80];
	[tilespmem:s0+$0x182B0] =	vst v0  }
0x323: {  	[tilespmem:s0+$0x12E80] =	vst v1;
	v0 =	vld [tilespmem:s0+$0x1B90]  }
0x324: {  	[tilespmem:s0+$0x12E90] =	vst v2;
	v1 =	vld [tilespmem:s0+$0x1BA0]  }
0x325: {  	[tilespmem:s0+$0x12EA0] =	vst v3;
	v2 =	vld [tilespmem:s0+$0x1BB0]  }
0x326: {  	[tilespmem:s0+$0x12EB0] =	vst v4;
	v3 =	vld [tilespmem:s0+$0x3480]  }
0x327: {  	[tilespmem:s0+$0x14A80] =	vst v5;
	v4 =	vld [tilespmem:s0+$0x3490]  }
0x328: {  	[tilespmem:s0+$0x14A90] =	vst v0;
	v0 =	vld [tilespmem:s0+$0x34A0]  }
0x329: {  	[tilespmem:s0+$0x14AA0] =	vst v1;
	v1 =	vld [tilespmem:s0+$0x34B0]  }
0x32a: {  	[tilespmem:s0+$0x14AB0] =	vst v2;
	v2 =	vld [tilespmem:s0+$0x4D80]  }
0x32b: {  	[tilespmem:s0+$0x16680] =	vst v3;
	v3 =	vld [tilespmem:s0+$0x4D90]  }
0x32c: {  	s2 =	simm.s32 $0x80;
	s6 =	simm.s32 $0x400;
	[tilespmem:s0+$0x16690] =	vst v4;
	v4 =	vld [tilespmem:s0+$0x4DA0]  }
.LBB2_22:
0x32d: {  	p0 =	sne.s32 s6, $0x6200;
	v5 =	vld [tilespmem:s2+$0x4DB0];
	[tilespmem:s0+$0x166A0] =	vst v0  }
0x32e: {  	v0 =	vld [tilespmem:s2+$0x280];
	[tilespmem:s0+$0x166B0] =	vst v1  }
0x32f: {  	v1 =	vld [tilespmem:s2+$0x290];
	[tilespmem:s0+$0x18280] =	vst v2  }
0x330: {  	v2 =	vld [tilespmem:s2+$0x2A0];
	[tilespmem:s0+$0x18290] =	vst v3  }
0x331: {  	v3 =	vld [tilespmem:s2+$0x2B0];
	[tilespmem:s0+$0x182A0] =	vst v4;
	s0 =	smov.u32 s2  }
0x332: {  	v4 =	vld [tilespmem:s0+$0x1B80];
	[tilespmem:s0+$0x182B0] =	vst v5  }
0x333: {  	[tilespmem:s0+$0x12E80] =	vst v0;
	v0 =	vld [tilespmem:s0+$0x1B90]  }
0x334: {  	[tilespmem:s0+$0x12E90] =	vst v1;
	v1 =	vld [tilespmem:s0+$0x1BA0]  }
0x335: {  	[tilespmem:s0+$0x12EA0] =	vst v2;
	v2 =	vld [tilespmem:s0+$0x1BB0]  }
0x336: {  	[tilespmem:s0+$0x12EB0] =	vst v3;
	v3 =	vld [tilespmem:s0+$0x3480]  }
0x337: {  	[tilespmem:s0+$0x14A80] =	vst v4;
	v4 =	vld [tilespmem:s0+$0x3490]  }
.Ltmp10:
0x338: {  	[tilespmem:s0+$0x14A90] =	vst v0;
	v0 =	vld [tilespmem:s0+$0x34A0];
	(pc) =	sbr.rel @p0 .LBB2_22-.Ltmp10, $4  }
0x339: {  	[tilespmem:s0+$0x14AA0] =	vst v1;
	v1 =	vld [tilespmem:s0+$0x34B0]  }
0x33a: {  	[tilespmem:s0+$0x14AB0] =	vst v2;
	v2 =	vld [tilespmem:s0+$0x4D80]  }
0x33b: {  	[tilespmem:s0+$0x16680] =	vst v3;
	v3 =	vld [tilespmem:s0+$0x4D90]  }
0x33c: {  	s2 =	sshra.s32 s6, $0x2;
	s6 =	sadd.s32 $0x200, s6;
	[tilespmem:s0+$0x16690] =	vst v4;
	v4 =	vld [tilespmem:s0+$0x4DA0]  }
0x33d: {  	v5 =	vld [tilespmem:s2+$0x4DB0];
	[tilespmem:s0+$0x166A0] =	vst v0  }
0x33e: {  	v0 =	vld [tilespmem:s2+$0x280];
	[tilespmem:s0+$0x166B0] =	vst v1  }
0x33f: {  	v1 =	vld [tilespmem:s2+$0x290];
	[tilespmem:s0+$0x18280] =	vst v2  }
0x340: {  	v2 =	vld [tilespmem:s2+$0x2A0];
	[tilespmem:s0+$0x18290] =	vst v3  }
0x341: {  	v3 =	vld [tilespmem:s2+$0x2B0];
	[tilespmem:s0+$0x182A0] =	vst v4  }
0x342: {  	v4 =	vld [tilespmem:s2+$0x1B80];
	[tilespmem:s2+$0x182B0] =	vst v5  }
0x343: {  	[tilespmem:s2+$0x12E80] =	vst v0;
	v0 =	vld [tilespmem:s2+$0x1B90]  }
0x344: {  	[tilespmem:s2+$0x12E90] =	vst v1;
	v1 =	vld [tilespmem:s2+$0x1BA0]  }
0x345: {  	[tilespmem:s2+$0x12EA0] =	vst v2;
	v2 =	vld [tilespmem:s2+$0x1BB0]  }
0x346: {  	[tilespmem:s2+$0x12EB0] =	vst v3;
	v3 =	vld [tilespmem:s2+$0x3480]  }
0x347: {  	[tilespmem:s2+$0x14A80] =	vst v4;
	v4 =	vld [tilespmem:s2+$0x3490]  }
0x348: {  	[tilespmem:s2+$0x14A90] =	vst v0;
	v0 =	vld [tilespmem:s2+$0x34A0]  }
0x349: {  	[tilespmem:s2+$0x14AA0] =	vst v1;
	v1 =	vld [tilespmem:s2+$0x34B0]  }
0x34a: {  	[tilespmem:s2+$0x14AB0] =	vst v2;
	v2 =	vld [tilespmem:s2+$0x4D80]  }
0x34b: {  	[tilespmem:s2+$0x16680] =	vst v3;
	v3 =	vld [tilespmem:s2+$0x4D90]  }
0x34c: {  	[tilespmem:s2+$0x16690] =	vst v4;
	v4 =	vld [tilespmem:s2+$0x4DA0]  }
0x34d: {  	[tilespmem:s2+$0x166A0] =	vst v0  }
0x34e: {  	[tilespmem:s2+$0x166B0] =	vst v1  }
0x34f: {  	[tilespmem:s2+$0x18280] =	vst v2  }
0x350: {  	[tilespmem:s2+$0x18290] =	vst v3  }
0x351: {  	s6 =	simm.s32 $0x0;
	s7 =	rddreg [dreg:$0x12];
	[tilespmem:s2+$0x182A0] =	vst v4  }
0x352: {  	[hbm4b:s7+s6] =	stream.linear.scatter [tilespmem:s24], [sflag:$0x7], $0x1900, $0x38;
	[tilespmem:$0x19E80] =	vst v63  }
0x353: {  	s14 =	rddreg [dreg:$0x13]  }
0x354: {  	[hbm4b:s14+s6] =	stream.linear.scatter [tilespmem:s25], [sflag:$0x7], $0x1900, $0x38;
	[tilespmem:$0x19E80] =	vst v63  }
0x355: {  	s18 =	rddreg [dreg:$0x14]  }
0x356: {  	[hbm4b:s18+s6] =	stream.linear.scatter [tilespmem:s26], [sflag:$0x7], $0x1900, $0x38;
	[tilespmem:$0x19E80] =	vst v63  }
0x357: {  	s23 =	rddreg [dreg:$0x15]  }
0x358: {  	[hbm4b:s23+s6] =	stream.linear.scatter [tilespmem:s28], [sflag:$0x7], $0x1900, $0x38;
	[tilespmem:$0x19E80] =	vst v63  }
0x359: {  	_ =	swait.ge [sflag:s29], $0x6400  }
0x35a: {  	[sflag:s29] =	ssyncset.done $0x0  }
0x35b: {  	[sflag:s29] =	ssyncadd.s32 $0xFFFF9C00  }
0x35c: {  	_ =	swait.ge [sflag:s30], $0x1900  }
0x35d: {  	[sflag:s30] =	ssyncset.done $0x0  }
0x35e: {  	[sflag:s30] =	ssyncadd.s32 $0xFFFFE700  }
0x35f: {  	_ =	swait.ge [sflag:s30], $0x1900  }
0x360: {  	[sflag:s30] =	ssyncset.done $0x0  }
0x361: {  	[sflag:s30] =	ssyncadd.s32 $0xFFFFE700  }
0x362: {  	_ =	swait.ge [sflag:s30], $0x1900  }
0x363: {  	[sflag:s30] =	ssyncset.done $0x0  }
0x364: {  	[sflag:s30] =	ssyncadd.s32 $0xFFFFE700  }
0x365: {  	_ =	swait.ge [sflag:s30], $0x1900  }
0x366: {  	[sflag:s30] =	ssyncset.done $0x0  }
0x367: {  	s0 =	simm.s32 $0x0;
	[sflag:s30] =	ssyncadd.s32 $0xFFFFE700  }
0x368: {  	v0 =	vld [tilespmem:s0+$0xB1B0]  }
0x369: {  	v1 =	vld [tilespmem:s0+$0x6680]  }
0x36a: {  	v2 =	vld [tilespmem:s0+$0x6690]  }
0x36b: {  	v3 =	vld [tilespmem:s0+$0x66A0]  }
0x36c: {  	v4 =	vld [tilespmem:s0+$0x66B0]  }
0x36d: {  	v5 =	vld [tilespmem:s0+$0x7F80];
	[tilespmem:s0+$0x182B0] =	vst v0  }
0x36e: {  	[tilespmem:s0+$0x12E80] =	vst v1;
	v0 =	vld [tilespmem:s0+$0x7F90]  }
0x36f: {  	[tilespmem:s0+$0x12E90] =	vst v2;
	v1 =	vld [tilespmem:s0+$0x7FA0]  }
0x370: {  	[tilespmem:s0+$0x12EA0] =	vst v3;
	v2 =	vld [tilespmem:s0+$0x7FB0]  }
0x371: {  	[tilespmem:s0+$0x12EB0] =	vst v4;
	v3 =	vld [tilespmem:s0+$0x9880]  }
0x372: {  	[tilespmem:s0+$0x14A80] =	vst v5;
	v4 =	vld [tilespmem:s0+$0x9890]  }
0x373: {  	[tilespmem:s0+$0x14A90] =	vst v0;
	v0 =	vld [tilespmem:s0+$0x98A0]  }
0x374: {  	[tilespmem:s0+$0x14AA0] =	vst v1;
	v1 =	vld [tilespmem:s0+$0x98B0]  }
0x375: {  	[tilespmem:s0+$0x14AB0] =	vst v2;
	v2 =	vld [tilespmem:s0+$0xB180]  }
0x376: {  	[tilespmem:s0+$0x16680] =	vst v3;
	v3 =	vld [tilespmem:s0+$0xB190]  }
0x377: {  	s2 =	simm.s32 $0x80;
	s6 =	simm.s32 $0x400;
	[tilespmem:s0+$0x16690] =	vst v4;
	v4 =	vld [tilespmem:s0+$0xB1A0]  }
.LBB2_24:
0x378: {  	p0 =	sne.s32 s6, $0x6200;
	v5 =	vld [tilespmem:s2+$0xB1B0];
	[tilespmem:s0+$0x166A0] =	vst v0  }
0x379: {  	v0 =	vld [tilespmem:s2+$0x6680];
	[tilespmem:s0+$0x166B0] =	vst v1  }
0x37a: {  	v1 =	vld [tilespmem:s2+$0x6690];
	[tilespmem:s0+$0x18280] =	vst v2  }
0x37b: {  	v2 =	vld [tilespmem:s2+$0x66A0];
	[tilespmem:s0+$0x18290] =	vst v3  }
0x37c: {  	v3 =	vld [tilespmem:s2+$0x66B0];
	[tilespmem:s0+$0x182A0] =	vst v4;
	s0 =	smov.u32 s2  }
0x37d: {  	v4 =	vld [tilespmem:s0+$0x7F80];
	[tilespmem:s0+$0x182B0] =	vst v5  }
0x37e: {  	[tilespmem:s0+$0x12E80] =	vst v0;
	v0 =	vld [tilespmem:s0+$0x7F90]  }
0x37f: {  	[tilespmem:s0+$0x12E90] =	vst v1;
	v1 =	vld [tilespmem:s0+$0x7FA0]  }
0x380: {  	[tilespmem:s0+$0x12EA0] =	vst v2;
	v2 =	vld [tilespmem:s0+$0x7FB0]  }
0x381: {  	[tilespmem:s0+$0x12EB0] =	vst v3;
	v3 =	vld [tilespmem:s0+$0x9880]  }
0x382: {  	[tilespmem:s0+$0x14A80] =	vst v4;
	v4 =	vld [tilespmem:s0+$0x9890]  }
.Ltmp11:
0x383: {  	[tilespmem:s0+$0x14A90] =	vst v0;
	v0 =	vld [tilespmem:s0+$0x98A0];
	(pc) =	sbr.rel @p0 .LBB2_24-.Ltmp11, $4  }
0x384: {  	[tilespmem:s0+$0x14AA0] =	vst v1;
	v1 =	vld [tilespmem:s0+$0x98B0]  }
0x385: {  	[tilespmem:s0+$0x14AB0] =	vst v2;
	v2 =	vld [tilespmem:s0+$0xB180]  }
0x386: {  	[tilespmem:s0+$0x16680] =	vst v3;
	v3 =	vld [tilespmem:s0+$0xB190]  }
0x387: {  	s2 =	sshra.s32 s6, $0x2;
	s6 =	sadd.s32 $0x200, s6;
	[tilespmem:s0+$0x16690] =	vst v4;
	v4 =	vld [tilespmem:s0+$0xB1A0]  }
0x388: {  	v5 =	vld [tilespmem:s2+$0xB1B0];
	[tilespmem:s0+$0x166A0] =	vst v0  }
0x389: {  	v0 =	vld [tilespmem:s2+$0x6680];
	[tilespmem:s0+$0x166B0] =	vst v1  }
0x38a: {  	v1 =	vld [tilespmem:s2+$0x6690];
	[tilespmem:s0+$0x18280] =	vst v2  }
0x38b: {  	v2 =	vld [tilespmem:s2+$0x66A0];
	[tilespmem:s0+$0x18290] =	vst v3  }
0x38c: {  	v3 =	vld [tilespmem:s2+$0x66B0];
	[tilespmem:s0+$0x182A0] =	vst v4  }
0x38d: {  	v4 =	vld [tilespmem:s2+$0x7F80];
	[tilespmem:s2+$0x182B0] =	vst v5  }
0x38e: {  	v54 =	vld [tilespmem:s2+$0x7F90];
	[tilespmem:s2+$0x12E80] =	vst v0  }
0x38f: {  	v55 =	vld [tilespmem:s2+$0x7FA0];
	[tilespmem:s2+$0x12E90] =	vst v1  }
0x390: {  	v56 =	vld [tilespmem:s2+$0x7FB0];
	[tilespmem:s2+$0x12EA0] =	vst v2  }
0x391: {  	v57 =	vld [tilespmem:s2+$0x9880];
	[tilespmem:s2+$0x12EB0] =	vst v3  }
0x392: {  	v58 =	vld [tilespmem:s2+$0x9890];
	[tilespmem:s2+$0x14A80] =	vst v4  }
0x393: {  	v59 =	vld [tilespmem:s2+$0x98A0];
	[tilespmem:s2+$0x14A90] =	vst v54  }
0x394: {  	v60 =	vld [tilespmem:s2+$0x98B0];
	[tilespmem:s2+$0x14AA0] =	vst v55  }
0x395: {  	v61 =	vld [tilespmem:s2+$0xB180];
	[tilespmem:s2+$0x14AB0] =	vst v56  }
0x396: {  	v62 =	vld [tilespmem:s2+$0xB190];
	[tilespmem:s2+$0x16680] =	vst v57  }
0x397: {  	v63 =	vld [tilespmem:s2+$0xB1A0];
	[tilespmem:s2+$0x16690] =	vst v58  }
0x398: {  	[tilespmem:s2+$0x166A0] =	vst v59  }
0x399: {  	[tilespmem:s2+$0x166B0] =	vst v60  }
0x39a: {  	[tilespmem:s2+$0x18280] =	vst v61  }
0x39b: {  	[tilespmem:s2+$0x18290] =	vst v62  }
0x39c: {  	[tilespmem:s2+$0x182A0] =	vst v63;
	s2 =	rddreg [dreg:$0x16]  }
0x39d: {  	[hbm4b:s2+s3] =	stream.linear.scatter [tilespmem:s24], [sflag:$0x7], $0x1900, $0x38;
	[tilespmem:$0x19E80] =	vst v63  }
0x39e: {  	s6 =	rddreg [dreg:$0x17]  }
0x39f: {  	[hbm4b:s6+s3] =	stream.linear.scatter [tilespmem:s25], [sflag:$0x7], $0x1900, $0x38;
	[tilespmem:$0x19E80] =	vst v63  }
0x3a0: {  	s7 =	rddreg [dreg:$0x18]  }
0x3a1: {  	[hbm4b:s7+s3] =	stream.linear.scatter [tilespmem:s26], [sflag:$0x7], $0x1900, $0x38;
	[tilespmem:$0x19E80] =	vst v63  }
0x3a2: {  	s14 =	rddreg [dreg:$0x19]  }
0x3a3: {  	[hbm4b:s14+s3] =	stream.linear.scatter [tilespmem:s28], [sflag:$0x7], $0x1900, $0x38;
	[tilespmem:$0x19E80] =	vst v63  }
0x3a4: {  	_ =	swait.ge [sflag:s30], $0x1900  }
0x3a5: {  	[sflag:s30] =	ssyncset.done $0x0  }
0x3a6: {  	[sflag:s30] =	ssyncadd.s32 $0xFFFFE700  }
0x3a7: {  	_ =	swait.ge [sflag:s30], $0x1900  }
0x3a8: {  	[sflag:s30] =	ssyncset.done $0x0  }
0x3a9: {  	[sflag:s30] =	ssyncadd.s32 $0xFFFFE700  }
0x3aa: {  	_ =	swait.ge [sflag:s30], $0x1900  }
0x3ab: {  	[sflag:s30] =	ssyncset.done $0x0  }
0x3ac: {  	[sflag:s30] =	ssyncadd.s32 $0xFFFFE700  }
0x3ad: {  	_ =	swait.ge [sflag:s30], $0x1900  }
0x3ae: {  	s18 =	sld [smem:$0x7F1];
	_ =	sdelay $0x2  }
0x3af: {  	s23 =	rddreg [dreg:$0x1a];
	s2 =	sadd.s32 $0x1, s18  }
0x3b0: {  	p0 =	sne.s32 s2, s23  }
.Ltmp12:
0x3b1: {  	_ = 	snop;
	(pc) =	sbr.rel @p0 .LBB2_1-.Ltmp12, $3  }
0x3b2: {  	_ =	sdelay $0x1  }
0x3b3: {  	[sflag:s30] =	ssyncset.done $0x0  }
0x3b4: {  	[sflag:s30] =	ssyncadd.s32 $0xFFFFE700  }
0x3b5: {  	_ =	sfence.sel $0x180000  }
0x3b6: {  	[bflag:$0x0] =	sbarrier.arrive $0xFFFF  }
0x3b7: {  	_ =	strace $0x90000047  }
0x3b8: {  	s0 =	stileid.u32;
	[bflag:$0x2] =	sbarrier.arrive $0xFFFF  }
0x3b9: {  	p0 =	sne.s32 s0, $0x0;
	s0 =	rddreg [dreg:$0x2]  }
0x3ba: {  	s0 =	sadd.s32 @!p0 $0x100000, s0  }
0x3bb: {  	[sflag:s0] =	ssyncadd.tile.s32 @!p0 $0x1;
	_ =	shalt  }
.Lfunc_end2:
_tile_overlayer_lowered:
.L_overlay_start_2:
0x3bc: {  	(tag) =	ssettag $0x2  }
0x3bd: {  	s0 =	rddreg [dreg:$0x0];
	s2 =	stileid.u32  }
0x3be: {  	s1 =	rddreg [dreg:$0x1];
	p0 =	sne.s32 s2, $0x0  }
0x3bf: {  	s3 =	rddreg [dreg:$0x2];
	[bflag:$0x3] =	sbarrier.arrive $0xFFFF;
	s2 =	simm.s32 @!p0 $0x1C08  }
0x3c0: {  	[timem:s3], [sflag:s2] =	dma.local @!p0 [hbm:s0], s1  }
0x3c1: {  	s0 =	simm.s32 @!p0 $0x8  }
0x3c2: {  	_ =	swait.ge @!p0 [sflag:s0], s1  }
0x3c3: {  	s1 =	ssub.s32 @!p0 $0x0, s1;
	[sflag:s0] =	ssyncset.done @!p0 $0x0  }
0x3c4: {  	[sflag:s0] =	ssyncadd.s32 @!p0 s1  }
0x3c5: {  	[bflag:$0x3] =	sbarrier.arrive $0xFFFF  }
0x3c6: {  	_ =	shalt  }

</sc_bundles>
